<compile_context>
chip_gen: v7x
topology: tpu7x:2x2x1
jax: 0.10.2.dev20260603
libtpu: 0.0.44.dev20260713+nightly
codegen_flags: <defaults>
</compile_context>

<pallas_src>
import functools

import jax
import jax.numpy as jnp
from jax import lax
from jax.experimental import pallas as pl
from jax.experimental.pallas import tpu as pltpu
from jax.experimental.pallas import tpu_sc as plsc

B = 16384
D = 32
L = 16
NSUB = 8
NGRP = D // NSUB
TW = 128

_info = plsc.get_sparse_core_info()
NC = _info.num_cores
NS = _info.num_subcores
NW = NC * NS
BPW = B // NW
WAVE = 4
NSLOT = 2 * WAVE

_mesh = plsc.VectorSubcoreMesh(core_axis_name="c", subcore_axis_name="s")

_IOTA = lambda: lax.iota(jnp.int32, L)


@functools.partial(
    pl.kernel,
    mesh=_mesh,
    out_type=jax.ShapeDtypeStruct((B,), jnp.float32),
    compiler_params=pltpu.CompilerParams(needs_layout_passes=False),
    scratch_types=[
        pltpu.VMEM((BPW,), jnp.int32),
        pltpu.VMEM((BPW,), jnp.int32),
        pltpu.VMEM((NSLOT, NGRP, NSUB, TW), jnp.float32),
        pltpu.VMEM((NSLOT, NGRP, NSUB, TW), jnp.float32),
        pltpu.VMEM((L, L), jnp.float32),
        pltpu.VMEM((BPW,), jnp.float32),
        pltpu.SemaphoreType.DMA,
    ],
)
def _svd_dot(uidx_hbm, iidx_hbm, ufac_hbm, ifac_hbm, out_hbm,
             uidx_v, iidx_v, ublk, iblk, pbuf, out_v, sem):
    wid = lax.axis_index("s") * NC + lax.axis_index("c")
    base = wid * BPW

    pltpu.sync_copy(uidx_hbm.at[pl.ds(base, BPW)], uidx_v)
    pltpu.sync_copy(iidx_hbm.at[pl.ds(base, BPW)], iidx_v)

    iota = _IOTA()
    a_lo = lax.shift_right_logical(iota, 3)
    a_hi = a_lo + 2
    s_all = iota & 7

    def fire_wave(u16, i16, k0, slot0):
        copies = []
        for k in range(WAVE):
            cu = pl.multiple_of(
                lax.shift_right_logical(u16[k0 + k], 7) * TW, TW)
            ci = pl.multiple_of(
                lax.shift_right_logical(i16[k0 + k], 7) * TW, TW)
            for h in range(2):
                ah = pl.ds(2 * h, 2)
                copies.append(pltpu.async_copy(
                    ufac_hbm.at[ah, :, pl.ds(cu, TW)],
                    ublk.at[slot0 + k].at[ah], sem))
                copies.append(pltpu.async_copy(
                    ifac_hbm.at[ah, :, pl.ds(ci, TW)],
                    iblk.at[slot0 + k].at[ah], sem))
        return copies

    def extract_wave(u16, i16, k0, slot0):
        for k in range(WAVE):
            lu = jnp.full((L,), u16[k0 + k] & (TW - 1), jnp.int32)
            li = jnp.full((L,), i16[k0 + k] & (TW - 1), jnp.int32)
            slot = jnp.full((L,), slot0 + k, jnp.int32)
            u_lo = plsc.load_gather(ublk, [slot, a_lo, s_all, lu])
            u_hi = plsc.load_gather(ublk, [slot, a_hi, s_all, lu])
            v_lo = plsc.load_gather(iblk, [slot, a_lo, s_all, li])
            v_hi = plsc.load_gather(iblk, [slot, a_hi, s_all, li])
            pbuf[k0 + k, :] = u_lo * v_lo + u_hi * v_hi

    def group_body(g, carry):
        sl = pl.ds(g * L, L)
        u16 = uidx_v[sl]
        i16 = iidx_v[sl]
        prev = fire_wave(u16, i16, 0, 0)
        for w in range(1, L // WAVE + 1):
            if w <= L // WAVE - 1:
                nxt = fire_wave(u16, i16, w * WAVE, (w % 2) * WAVE)
            else:
                nxt = None
            for cp in prev:
                cp.wait()
            extract_wave(u16, i16, (w - 1) * WAVE, ((w - 1) % 2) * WAVE)
            prev = nxt
        acc = jnp.zeros((L,), jnp.float32)
        for l in range(L):
            acc = acc + plsc.load_gather(pbuf, [iota, jnp.full((L,), l, jnp.int32)])
        out_v[sl] = acc
        return carry

    lax.fori_loop(0, BPW // L, group_body, jnp.int32(0))

    pltpu.sync_copy(out_v, out_hbm.at[pl.ds(base, BPW)])


def kernel(user_idx, item_idx, user_factors, item_factors):
    ufac = user_factors.T.reshape(NGRP, NSUB, -1)
    ifac = item_factors.T.reshape(NGRP, NSUB, -1)
    return _svd_dot(user_idx, item_idx, ufac, ifac)

# --- scband reference (transcript-rebuilt; emitter-appended) ---
"""Pipeline reference for scband-svdmodel-9079560864337 (READ-ONLY COPY).

The authoritative reference and input builder live on the scoring server;
editing this copy changes nothing except your own understanding.
"""

import jax, jax.numpy as jnp
import numpy as np

NUM_USERS = 1000000
NUM_ITEMS = 1000000
LATENT_DIM = 32
BATCH = 16384


def setup_inputs(seed: int = 0) -> dict:
    key = jax.random.key(seed)
    k1, k2, k3, k4 = jax.random.split(key, 4)
    user_idx = jax.random.randint(k1, (BATCH,), 0, NUM_USERS, dtype=jnp.int64) if jax.config.jax_enable_x64 else jax.random.randint(k1, (BATCH,), 0, NUM_USERS, dtype=jnp.int32)
    item_idx = jax.random.randint(k2, (BATCH,), 0, NUM_ITEMS, dtype=jnp.int32)
    user_idx = user_idx.astype(jnp.int32)
    # Embedding tables initialized uniform(0, 0.05) as in the torch module
    user_factors = jax.random.uniform(k3, (NUM_USERS, LATENT_DIM), dtype=jnp.float32) * 0.05
    item_factors = jax.random.uniform(k4, (NUM_ITEMS, LATENT_DIM), dtype=jnp.float32) * 0.05
    return {
        "user_idx": user_idx,
        "item_idx": item_idx,
        "user_factors": user_factors,
        "item_factors": item_factors,
    }


def reference(user_idx, item_idx, user_factors, item_factors):
    # Embedding lookups (gather) + elementwise product + row-sum (dot product)
    u = jnp.take(user_factors, user_idx, axis=0)
    v = jnp.take(item_factors, item_idx, axis=0)
    dot = (u * v).sum(axis=1)
    return dot

if __name__ == "__main__":
    import jax
    _d = setup_inputs()
    print(jax.jit(kernel)(*tuple(_d.values())))

</pallas_src>

<mosaic_0001>
#map = affine_map<(d0, d1) -> (0)>
#map1 = affine_map<(d0, d1) -> (0, 0, 0)>
module attributes {stable_mosaic.version = 14 : i64} {
  func.func @_svd_dot(%arg0: i32, %arg1: i32, %arg2: memref<16384xi32, #tpu.memory_space<hbm>>, %arg3: memref<16384xi32, #tpu.memory_space<hbm>>, %arg4: memref<4x8x1000000xf32, #tpu.memory_space<hbm>>, %arg5: memref<4x8x1000000xf32, #tpu.memory_space<hbm>>, %arg6: memref<16384xf32, #tpu.memory_space<hbm>>, %arg7: memref<512xi32, #tpu.memory_space<vmem>>, %arg8: memref<512xi32, #tpu.memory_space<vmem>>, %arg9: memref<8x4x8x128xf32, #tpu.memory_space<vmem>>, %arg10: memref<8x4x8x128xf32, #tpu.memory_space<vmem>>, %arg11: memref<16x16xf32, #tpu.memory_space<vmem>>, %arg12: memref<512xf32, #tpu.memory_space<vmem>>, %arg13: memref<!tpu.dma_semaphore, #tpu.memory_space<semaphore_mem>>) attributes {dimension_semantics = [#tpu.dimension_semantics<core_parallel>, #tpu.dimension_semantics<subcore_parallel>], iteration_bounds = array<i64: 2, 16>, scalar_prefetch = 0 : i64, scratch_operands = 7 : i64, tpu.core_type = #tpu.core_type<sc_vector_subcore>, window_params = [{transform_indices = #map}, {transform_indices = #map}, {transform_indices = #map1}, {transform_indices = #map1}, {transform_indices = #map}]} {
    %mul3A = arith.constant 2 : i32
    %mul3A_0 = arith.muli %arg1, %mul3A : i32
    %add3A = arith.addi %mul3A_0, %arg0 : i32
    %mul3A_1 = arith.constant 512 : i32
    %mul3A_2 = arith.muli %add3A, %mul3A_1 : i32
    "tpu.region"() ({
      %run_scoped3A = tpu.sem_alloc : memref<!tpu.dma_semaphore, #tpu.memory_space<semaphore_mem>>
      %dma_start3A = tpu.memref_slice %arg2[%mul3A_2] : memref<16384xi32, #tpu.memory_space<hbm>> -> memref<512xi32, #tpu.memory_space<hbm>>
      %dma_start3A_15 = tpu.memref_slice %arg2[%mul3A_2] : memref<16384xi32, #tpu.memory_space<hbm>> -> memref<512xi32, #tpu.memory_space<hbm>>
      tpu.enqueue_dma source(%dma_start3A_15 : memref<512xi32, #tpu.memory_space<hbm>>) target(%arg7 : memref<512xi32, #tpu.memory_space<vmem>>) target_semaphore(%run_scoped3A : memref<!tpu.dma_semaphore, #tpu.memory_space<semaphore_mem>>)
      %dma_wait3A = tpu.memref_slice %arg2[%mul3A_2] : memref<16384xi32, #tpu.memory_space<hbm>> -> memref<512xi32, #tpu.memory_space<hbm>>
      %dma_wait3A_16 = tpu.memref_slice %arg2[%mul3A_2] : memref<16384xi32, #tpu.memory_space<hbm>> -> memref<512xi32, #tpu.memory_space<hbm>>
      tpu.wait_dma2 semaphore(%run_scoped3A : memref<!tpu.dma_semaphore, #tpu.memory_space<semaphore_mem>>) src(%dma_wait3A_16 : memref<512xi32, #tpu.memory_space<hbm>>) dst(%arg7 : memref<512xi32, #tpu.memory_space<vmem>>)
      tpu.yield
    }) : () -> ()
    "tpu.region"() ({
      %run_scoped3A = tpu.sem_alloc : memref<!tpu.dma_semaphore, #tpu.memory_space<semaphore_mem>>
      %dma_start3A = tpu.memref_slice %arg3[%mul3A_2] : memref<16384xi32, #tpu.memory_space<hbm>> -> memref<512xi32, #tpu.memory_space<hbm>>
      %dma_start3A_15 = tpu.memref_slice %arg3[%mul3A_2] : memref<16384xi32, #tpu.memory_space<hbm>> -> memref<512xi32, #tpu.memory_space<hbm>>
      tpu.enqueue_dma source(%dma_start3A_15 : memref<512xi32, #tpu.memory_space<hbm>>) target(%arg8 : memref<512xi32, #tpu.memory_space<vmem>>) target_semaphore(%run_scoped3A : memref<!tpu.dma_semaphore, #tpu.memory_space<semaphore_mem>>)
      %dma_wait3A = tpu.memref_slice %arg3[%mul3A_2] : memref<16384xi32, #tpu.memory_space<hbm>> -> memref<512xi32, #tpu.memory_space<hbm>>
      %dma_wait3A_16 = tpu.memref_slice %arg3[%mul3A_2] : memref<16384xi32, #tpu.memory_space<hbm>> -> memref<512xi32, #tpu.memory_space<hbm>>
      tpu.wait_dma2 semaphore(%run_scoped3A : memref<!tpu.dma_semaphore, #tpu.memory_space<semaphore_mem>>) src(%dma_wait3A_16 : memref<512xi32, #tpu.memory_space<hbm>>) dst(%arg8 : memref<512xi32, #tpu.memory_space<vmem>>)
      tpu.yield
    }) : () -> ()
    %iota3A = tpu.iota {dimensions = array<i32: 0>} : vector<16xi32>
    %shift_right_logical3A = arith.constant 3 : i32
    %shift_right_logical3A_3 = vector.broadcast %shift_right_logical3A : i32 to vector<16xi32>
    %shift_right_logical3A_4 = arith.shrui %iota3A, %shift_right_logical3A_3 : vector<16xi32>
    %add3A_5 = arith.constant 2 : i32
    %add3A_6 = vector.broadcast %add3A_5 : i32 to vector<16xi32>
    %add3A_7 = arith.addi %shift_right_logical3A_4, %add3A_6 : vector<16xi32>
    %and3A = arith.constant 7 : i32
    %and3A_8 = vector.broadcast %and3A : i32 to vector<16xi32>
    %and3A_9 = arith.andi %iota3A, %and3A_8 : vector<16xi32>
    %scan3A = arith.constant 0 : i32
    %scan3A_10 = arith.constant 0 : i32
    %scan3A_11 = arith.constant 32 : i32
    %scan3A_12 = arith.addi %scan3A_10, %scan3A_11 : i32
    %scan3A_13 = arith.constant 1 : i32
    scf.for %scan3A_15 = %scan3A_10 to %scan3A_12 step %scan3A_13  : i32 {
      %mul3A_16 = arith.constant 16 : i32
      %mul3A_17 = arith.muli %scan3A_15, %mul3A_16 : i32
      %get3A = arith.index_cast %mul3A_17 : i32 to index
      %get3A_18 = tpu.vector_load %arg7[%get3A] {strides = array<i32>} : memref<512xi32, #tpu.memory_space<vmem>>, vector<16xi32>,
      %get3A_19 = arith.index_cast %mul3A_17 : i32 to index
      %get3A_20 = tpu.vector_load %arg8[%get3A_19] {strides = array<i32>} : memref<512xi32, #tpu.memory_space<vmem>>, vector<16xi32>,
      %slice3A = vector.extract_strided_slice %get3A_18 {offsets = [0], sizes = [1], strides = [1]} : vector<16xi32> to vector<1xi32>
      %squeeze3A = vector.extract %slice3A[0] : i32 from vector<1xi32>
      %shift_right_logical3A_21 = arith.constant 7 : i32
      %shift_right_logical3A_22 = arith.shrui %squeeze3A, %shift_right_logical3A_21 : i32
      %mul3A_23 = arith.constant 128 : i32
      %mul3A_24 = arith.muli %shift_right_logical3A_22, %mul3A_23 : i32
      %multiple_of3A = tpu.assume_multiple %mul3A_24, 128 : i32
      %slice3A_25 = vector.extract_strided_slice %get3A_20 {offsets = [0], sizes = [1], strides = [1]} : vector<16xi32> to vector<1xi32>
      %squeeze3A_26 = vector.extract %slice3A_25[0] : i32 from vector<1xi32>
      %shift_right_logical3A_27 = arith.constant 7 : i32
      %shift_right_logical3A_28 = arith.shrui %squeeze3A_26, %shift_right_logical3A_27 : i32
      %mul3A_29 = arith.constant 128 : i32
      %mul3A_30 = arith.muli %shift_right_logical3A_28, %mul3A_29 : i32
      %multiple_of3A_31 = tpu.assume_multiple %mul3A_30, 128 : i32
      %dma_start3A = arith.constant 0 : i32
      %dma_start3A_32 = arith.constant 0 : i32
      %dma_start3A_33 = arith.constant 0 : i32
      %dma_start3A_34 = arith.constant 0 : i32
      %dma_start3A_35 = tpu.memref_slice %arg9[%dma_start3A, %dma_start3A_32, %dma_start3A_33, %dma_start3A_34] : memref<8x4x8x128xf32, #tpu.memory_space<vmem>> -> memref<1x4x8x128xf32, #tpu.memory_space<vmem>>
      %dma_start3A_36 = tpu.memref_squeeze %dma_start3A_35 : memref<1x4x8x128xf32, #tpu.memory_space<vmem>> -> memref<4x8x128xf32, #tpu.memory_space<vmem>>
      %dma_start3A_37 = arith.constant 0 : i32
      %dma_start3A_38 = arith.constant 0 : i32
      %dma_start3A_39 = arith.constant 0 : i32
      %dma_start3A_40 = tpu.memref_slice %dma_start3A_36[%dma_start3A_37, %dma_start3A_38, %dma_start3A_39] : memref<4x8x128xf32, #tpu.memory_space<vmem>> -> memref<2x8x128xf32, #tpu.memory_space<vmem>>
      %dma_start3A_41 = arith.constant 0 : i32
      %dma_start3A_42 = arith.constant 0 : i32
      %dma_start3A_43 = tpu.memref_slice %arg4[%dma_start3A_41, %dma_start3A_42, %multiple_of3A] : memref<4x8x1000000xf32, #tpu.memory_space<hbm>> -> memref<2x8x128xf32, #tpu.memory_space<hbm>>
      %dma_start3A_44 = arith.constant 0 : i32
      %dma_start3A_45 = arith.constant 0 : i32
      %dma_start3A_46 = arith.constant 0 : i32
      %dma_start3A_47 = tpu.memref_slice %arg9[%dma_start3A, %dma_start3A_44, %dma_start3A_45, %dma_start3A_46] : memref<8x4x8x128xf32, #tpu.memory_space<vmem>> -> memref<1x4x8x128xf32, #tpu.memory_space<vmem>>
      %dma_start3A_48 = tpu.memref_squeeze %dma_start3A_47 : memref<1x4x8x128xf32, #tpu.memory_space<vmem>> -> memref<4x8x128xf32, #tpu.memory_space<vmem>>
      %dma_start3A_49 = arith.constant 0 : i32
      %dma_start3A_50 = arith.constant 0 : i32
      %dma_start3A_51 = arith.constant 0 : i32
      %dma_start3A_52 = tpu.memref_slice %dma_start3A_48[%dma_start3A_49, %dma_start3A_50, %dma_start3A_51] : memref<4x8x128xf32, #tpu.memory_space<vmem>> -> memref<2x8x128xf32, #tpu.memory_space<vmem>>
      %dma_start3A_53 = arith.constant 0 : i32
      %dma_start3A_54 = arith.constant 0 : i32
      %dma_start3A_55 = tpu.memref_slice %arg4[%dma_start3A_53, %dma_start3A_54, %multiple_of3A] : memref<4x8x1000000xf32, #tpu.memory_space<hbm>> -> memref<2x8x128xf32, #tpu.memory_space<hbm>>
      tpu.enqueue_dma source(%dma_start3A_55 : memref<2x8x128xf32, #tpu.memory_space<hbm>>) target(%dma_start3A_52 : memref<2x8x128xf32, #tpu.memory_space<vmem>>) target_semaphore(%arg13 : memref<!tpu.dma_semaphore, #tpu.memory_space<semaphore_mem>>)
      %dma_start3A_56 = arith.constant 0 : i32
      %dma_start3A_57 = arith.constant 0 : i32
      %dma_start3A_58 = arith.constant 0 : i32
      %dma_start3A_59 = arith.constant 0 : i32
      %dma_start3A_60 = tpu.memref_slice %arg10[%dma_start3A_56, %dma_start3A_57, %dma_start3A_58, %dma_start3A_59] : memref<8x4x8x128xf32, #tpu.memory_space<vmem>> -> memref<1x4x8x128xf32, #tpu.memory_space<vmem>>
      %dma_start3A_61 = tpu.memref_squeeze %dma_start3A_60 : memref<1x4x8x128xf32, #tpu.memory_space<vmem>> -> memref<4x8x128xf32, #tpu.memory_space<vmem>>
      %dma_start3A_62 = arith.constant 0 : i32
      %dma_start3A_63 = arith.constant 0 : i32
      %dma_start3A_64 = arith.constant 0 : i32
      %dma_start3A_65 = tpu.memref_slice %dma_start3A_61[%dma_start3A_62, %dma_start3A_63, %dma_start3A_64] : memref<4x8x128xf32, #tpu.memory_space<vmem>> -> memref<2x8x128xf32, #tpu.memory_space<vmem>>
      %dma_start3A_66 = arith.constant 0 : i32
      %dma_start3A_67 = arith.constant 0 : i32
      %dma_start3A_68 = tpu.memref_slice %arg5[%dma_start3A_66, %dma_start3A_67, %multiple_of3A_31] : memref<4x8x1000000xf32, #tpu.memory_space<hbm>> -> memref<2x8x128xf32, #tpu.memory_space<hbm>>
      %dma_start3A_69 = arith.constant 0 : i32
      %dma_start3A_70 = arith.constant 0 : i32
      %dma_start3A_71 = arith.constant 0 : i32
      %dma_start3A_72 = tpu.memref_slice %arg10[%dma_start3A_56, %dma_start3A_69, %dma_start3A_70, %dma_start3A_71] : memref<8x4x8x128xf32, #tpu.memory_space<vmem>> -> memref<1x4x8x128xf32, #tpu.memory_space<vmem>>
      %dma_start3A_73 = tpu.memref_squeeze %dma_start3A_72 : memref<1x4x8x128xf32, #tpu.memory_space<vmem>> -> memref<4x8x128xf32, #tpu.memory_space<vmem>>
      %dma_start3A_74 = arith.constant 0 : i32
      %dma_start3A_75 = arith.constant 0 : i32
      %dma_start3A_76 = arith.constant 0 : i32
      %dma_start3A_77 = tpu.memref_slice %dma_start3A_73[%dma_start3A_74, %dma_start3A_75, %dma_start3A_76] : memref<4x8x128xf32, #tpu.memory_space<vmem>> -> memref<2x8x128xf32, #tpu.memory_space<vmem>>
      %dma_start3A_78 = arith.constant 0 : i32
      %dma_start3A_79 = arith.constant 0 : i32
      %dma_start3A_80 = tpu.memref_slice %arg5[%dma_start3A_78, %dma_start3A_79, %multiple_of3A_31] : memref<4x8x1000000xf32, #tpu.memory_space<hbm>> -> memref<2x8x128xf32, #tpu.memory_space<hbm>>
      tpu.enqueue_dma source(%dma_start3A_80 : memref<2x8x128xf32, #tpu.memory_space<hbm>>) target(%dma_start3A_77 : memref<2x8x128xf32, #tpu.memory_space<vmem>>) target_semaphore(%arg13 : memref<!tpu.dma_semaphore, #tpu.memory_space<semaphore_mem>>)
      %dma_start3A_81 = arith.constant 0 : i32
      %dma_start3A_82 = arith.constant 0 : i32
      %dma_start3A_83 = arith.constant 0 : i32
      %dma_start3A_84 = arith.constant 0 : i32
      %dma_start3A_85 = tpu.memref_slice %arg9[%dma_start3A_81, %dma_start3A_82, %dma_start3A_83, %dma_start3A_84] : memref<8x4x8x128xf32, #tpu.memory_space<vmem>> -> memref<1x4x8x128xf32, #tpu.memory_space<vmem>>
      %dma_start3A_86 = tpu.memref_squeeze %dma_start3A_85 : memref<1x4x8x128xf32, #tpu.memory_space<vmem>> -> memref<4x8x128xf32, #tpu.memory_space<vmem>>
      %dma_start3A_87 = arith.constant 2 : i32
      %dma_start3A_88 = arith.constant 0 : i32
      %dma_start3A_89 = arith.constant 0 : i32
      %dma_start3A_90 = tpu.memref_slice %dma_start3A_86[%dma_start3A_87, %dma_start3A_88, %dma_start3A_89] : memref<4x8x128xf32, #tpu.memory_space<vmem>> -> memref<2x8x128xf32, #tpu.memory_space<vmem>>
      %dma_start3A_91 = arith.constant 2 : i32
      %dma_start3A_92 = arith.constant 0 : i32
      %dma_start3A_93 = tpu.memref_slice %arg4[%dma_start3A_91, %dma_start3A_92, %multiple_of3A] : memref<4x8x1000000xf32, #tpu.memory_space<hbm>> -> memref<2x8x128xf32, #tpu.memory_space<hbm>>
      %dma_start3A_94 = arith.constant 0 : i32
      %dma_start3A_95 = arith.constant 0 : i32
      %dma_start3A_96 = arith.constant 0 : i32
      %dma_start3A_97 = tpu.memref_slice %arg9[%dma_start3A_81, %dma_start3A_94, %dma_start3A_95, %dma_start3A_96] : memref<8x4x8x128xf32, #tpu.memory_space<vmem>> -> memref<1x4x8x128xf32, #tpu.memory_space<vmem>>
      %dma_start3A_98 = tpu.memref_squeeze %dma_start3A_97 : memref<1x4x8x128xf32, #tpu.memory_space<vmem>> -> memref<4x8x128xf32, #tpu.memory_space<vmem>>
      %dma_start3A_99 = arith.constant 2 : i32
      %dma_start3A_100 = arith.constant 0 : i32
      %dma_start3A_101 = arith.constant 0 : i32
      %dma_start3A_102 = tpu.memref_slice %dma_start3A_98[%dma_start3A_99, %dma_start3A_100, %dma_start3A_101] : memref<4x8x128xf32, #tpu.memory_space<vmem>> -> memref<2x8x128xf32, #tpu.memory_space<vmem>>
      %dma_start3A_103 = arith.constant 2 : i32
      %dma_start3A_104 = arith.constant 0 : i32
      %dma_start3A_105 = tpu.memref_slice %arg4[%dma_start3A_103, %dma_start3A_104, %multiple_of3A] : memref<4x8x1000000xf32, #tpu.memory_space<hbm>> -> memref<2x8x128xf32, #tpu.memory_space<hbm>>
      tpu.enqueue_dma source(%dma_start3A_105 : memref<2x8x128xf32, #tpu.memory_space<hbm>>) target(%dma_start3A_102 : memref<2x8x128xf32, #tpu.memory_space<vmem>>) target_semaphore(%arg13 : memref<!tpu.dma_semaphore, #tpu.memory_space<semaphore_mem>>)
      %dma_start3A_106 = arith.constant 0 : i32
      %dma_start3A_107 = arith.constant 0 : i32
      %dma_start3A_108 = arith.constant 0 : i32
      %dma_start3A_109 = arith.constant 0 : i32
      %dma_start3A_110 = tpu.memref_slice %arg10[%dma_start3A_106, %dma_start3A_107, %dma_start3A_108, %dma_start3A_109] : memref<8x4x8x128xf32, #tpu.memory_space<vmem>> -> memref<1x4x8x128xf32, #tpu.memory_space<vmem>>
      %dma_start3A_111 = tpu.memref_squeeze %dma_start3A_110 : memref<1x4x8x128xf32, #tpu.memory_space<vmem>> -> memref<4x8x128xf32, #tpu.memory_space<vmem>>
      %dma_start3A_112 = arith.constant 2 : i32
      %dma_start3A_113 = arith.constant 0 : i32
      %dma_start3A_114 = arith.constant 0 : i32
      %dma_start3A_115 = tpu.memref_slice %dma_start3A_111[%dma_start3A_112, %dma_start3A_113, %dma_start3A_114] : memref<4x8x128xf32, #tpu.memory_space<vmem>> -> memref<2x8x128xf32, #tpu.memory_space<vmem>>
      %dma_start3A_116 = arith.constant 2 : i32
      %dma_start3A_117 = arith.constant 0 : i32
      %dma_start3A_118 = tpu.memref_slice %arg5[%dma_start3A_116, %dma_start3A_117, %multiple_of3A_31] : memref<4x8x1000000xf32, #tpu.memory_space<hbm>> -> memref<2x8x128xf32, #tpu.memory_space<hbm>>
      %dma_start3A_119 = arith.constant 0 : i32
      %dma_start3A_120 = arith.constant 0 : i32
      %dma_start3A_121 = arith.constant 0 : i32
      %dma_start3A_122 = tpu.memref_slice %arg10[%dma_start3A_106, %dma_start3A_119, %dma_start3A_120, %dma_start3A_121] : memref<8x4x8x128xf32, #tpu.memory_space<vmem>> -> memref<1x4x8x128xf32, #tpu.memory_space<vmem>>
      %dma_start3A_123 = tpu.memref_squeeze %dma_start3A_122 : memref<1x4x8x128xf32, #tpu.memory_space<vmem>> -> memref<4x8x128xf32, #tpu.memory_space<vmem>>
      %dma_start3A_124 = arith.constant 2 : i32
      %dma_start3A_125 = arith.constant 0 : i32
      %dma_start3A_126 = arith.constant 0 : i32
      %dma_start3A_127 = tpu.memref_slice %dma_start3A_123[%dma_start3A_124, %dma_start3A_125, %dma_start3A_126] : memref<4x8x128xf32, #tpu.memory_space<vmem>> -> memref<2x8x128xf32, #tpu.memory_space<vmem>>
      %dma_start3A_128 = arith.constant 2 : i32
      %dma_start3A_129 = arith.constant 0 : i32
      %dma_start3A_130 = tpu.memref_slice %arg5[%dma_start3A_128, %dma_start3A_129, %multiple_of3A_31] : memref<4x8x1000000xf32, #tpu.memory_space<hbm>> -> memref<2x8x128xf32, #tpu.memory_space<hbm>>
      tpu.enqueue_dma source(%dma_start3A_130 : memref<2x8x128xf32, #tpu.memory_space<hbm>>) target(%dma_start3A_127 : memref<2x8x128xf32, #tpu.memory_space<vmem>>) target_semaphore(%arg13 : memref<!tpu.dma_semaphore, #tpu.memory_space<semaphore_mem>>)
      %slice3A_131 = vector.extract_strided_slice %get3A_18 {offsets = [1], sizes = [1], strides = [1]} : vector<16xi32> to vector<1xi32>
      %squeeze3A_132 = vector.extract %slice3A_131[0] : i32 from vector<1xi32>
      %shift_right_logical3A_133 = arith.constant 7 : i32
      %shift_right_logical3A_134 = arith.shrui %squeeze3A_132, %shift_right_logical3A_133 : i32
      %mul3A_135 = arith.constant 128 : i32
      %mul3A_136 = arith.muli %shift_right_logical3A_134, %mul3A_135 : i32
      %multiple_of3A_137 = tpu.assume_multiple %mul3A_136, 128 : i32
      %slice3A_138 = vector.extract_strided_slice %get3A_20 {offsets = [1], sizes = [1], strides = [1]} : vector<16xi32> to vector<1xi32>
      %squeeze3A_139 = vector.extract %slice3A_138[0] : i32 from vector<1xi32>
      %shift_right_logical3A_140 = arith.constant 7 : i32
      %shift_right_logical3A_141 = arith.shrui %squeeze3A_139, %shift_right_logical3A_140 : i32
      %mul3A_142 = arith.constant 128 : i32
      %mul3A_143 = arith.muli %shift_right_logical3A_141, %mul3A_142 : i32
      %multiple_of3A_144 = tpu.assume_multiple %mul3A_143, 128 : i32
      %dma_start3A_145 = arith.constant 1 : i32
      %dma_start3A_146 = arith.constant 0 : i32
      %dma_start3A_147 = arith.constant 0 : i32
      %dma_start3A_148 = arith.constant 0 : i32
      %dma_start3A_149 = tpu.memref_slice %arg9[%dma_start3A_145, %dma_start3A_146, %dma_start3A_147, %dma_start3A_148] : memref<8x4x8x128xf32, #tpu.memory_space<vmem>> -> memref<1x4x8x128xf32, #tpu.memory_space<vmem>>
      %dma_start3A_150 = tpu.memref_squeeze %dma_start3A_149 : memref<1x4x8x128xf32, #tpu.memory_space<vmem>> -> memref<4x8x128xf32, #tpu.memory_space<vmem>>
      %dma_start3A_151 = arith.constant 0 : i32
      %dma_start3A_152 = arith.constant 0 : i32
      %dma_start3A_153 = arith.constant 0 : i32
      %dma_start3A_154 = tpu.memref_slice %dma_start3A_150[%dma_start3A_151, %dma_start3A_152, %dma_start3A_153] : memref<4x8x128xf32, #tpu.memory_space<vmem>> -> memref<2x8x128xf32, #tpu.memory_space<vmem>>
      %dma_start3A_155 = arith.constant 0 : i32
      %dma_start3A_156 = arith.constant 0 : i32
      %dma_start3A_157 = tpu.memref_slice %arg4[%dma_start3A_155, %dma_start3A_156, %multiple_of3A_137] : memref<4x8x1000000xf32, #tpu.memory_space<hbm>> -> memref<2x8x128xf32, #tpu.memory_space<hbm>>
      %dma_start3A_158 = arith.constant 0 : i32
      %dma_start3A_159 = arith.constant 0 : i32
      %dma_start3A_160 = arith.constant 0 : i32
      %dma_start3A_161 = tpu.memref_slice %arg9[%dma_start3A_145, %dma_start3A_158, %dma_start3A_159, %dma_start3A_160] : memref<8x4x8x128xf32, #tpu.memory_space<vmem>> -> memref<1x4x8x128xf32, #tpu.memory_space<vmem>>
      %dma_start3A_162 = tpu.memref_squeeze %dma_start3A_161 : memref<1x4x8x128xf32, #tpu.memory_space<vmem>> -> memref<4x8x128xf32, #tpu.memory_space<vmem>>
      %dma_start3A_163 = arith.constant 0 : i32
      %dma_start3A_164 = arith.constant 0 : i32
      %dma_start3A_165 = arith.constant 0 : i32
      %dma_start3A_166 = tpu.memref_slice %dma_start3A_162[%dma_start3A_163, %dma_start3A_164, %dma_start3A_165] : memref<4x8x128xf32, #tpu.memory_space<vmem>> -> memref<2x8x128xf32, #tpu.memory_space<vmem>>
      %dma_start3A_167 = arith.constant 0 : i32
      %dma_start3A_168 = arith.constant 0 : i32
      %dma_start3A_169 = tpu.memref_slice %arg4[%dma_start3A_167, %dma_start3A_168, %multiple_of3A_137] : memref<4x8x1000000xf32, #tpu.memory_space<hbm>> -> memref<2x8x128xf32, #tpu.memory_space<hbm>>
      tpu.enqueue_dma source(%dma_start3A_169 : memref<2x8x128xf32, #tpu.memory_space<hbm>>) target(%dma_start3A_166 : memref<2x8x128xf32, #tpu.memory_space<vmem>>) target_semaphore(%arg13 : memref<!tpu.dma_semaphore, #tpu.memory_space<semaphore_mem>>)
      %dma_start3A_170 = arith.constant 1 : i32
      %dma_start3A_171 = arith.constant 0 : i32
      %dma_start3A_172 = arith.constant 0 : i32
      %dma_start3A_173 = arith.constant 0 : i32
      %dma_start3A_174 = tpu.memref_slice %arg10[%dma_start3A_170, %dma_start3A_171, %dma_start3A_172, %dma_start3A_173] : memref<8x4x8x128xf32, #tpu.memory_space<vmem>> -> memref<1x4x8x128xf32, #tpu.memory_space<vmem>>
      %dma_start3A_175 = tpu.memref_squeeze %dma_start3A_174 : memref<1x4x8x128xf32, #tpu.memory_space<vmem>> -> memref<4x8x128xf32, #tpu.memory_space<vmem>>
      %dma_start3A_176 = arith.constant 0 : i32
      %dma_start3A_177 = arith.constant 0 : i32
      %dma_start3A_178 = arith.constant 0 : i32
      %dma_start3A_179 = tpu.memref_slice %dma_start3A_175[%dma_start3A_176, %dma_start3A_177, %dma_start3A_178] : memref<4x8x128xf32, #tpu.memory_space<vmem>> -> memref<2x8x128xf32, #tpu.memory_space<vmem>>
      %dma_start3A_180 = arith.constant 0 : i32
      %dma_start3A_181 = arith.constant 0 : i32
      %dma_start3A_182 = tpu.memref_slice %arg5[%dma_start3A_180, %dma_start3A_181, %multiple_of3A_144] : memref<4x8x1000000xf32, #tpu.memory_space<hbm>> -> memref<2x8x128xf32, #tpu.memory_space<hbm>>
      %dma_start3A_183 = arith.constant 0 : i32
      %dma_start3A_184 = arith.constant 0 : i32
      %dma_start3A_185 = arith.constant 0 : i32
      %dma_start3A_186 = tpu.memref_slice %arg10[%dma_start3A_170, %dma_start3A_183, %dma_start3A_184, %dma_start3A_185] : memref<8x4x8x128xf32, #tpu.memory_space<vmem>> -> memref<1x4x8x128xf32, #tpu.memory_space<vmem>>
      %dma_start3A_187 = tpu.memref_squeeze %dma_start3A_186 : memref<1x4x8x128xf32, #tpu.memory_space<vmem>> -> memref<4x8x128xf32, #tpu.memory_space<vmem>>
      %dma_start3A_188 = arith.constant 0 : i32
      %dma_start3A_189 = arith.constant 0 : i32
      %dma_start3A_190 = arith.constant 0 : i32
      %dma_start3A_191 = tpu.memref_slice %dma_start3A_187[%dma_start3A_188, %dma_start3A_189, %dma_start3A_190] : memref<4x8x128xf32, #tpu.memory_space<vmem>> -> memref<2x8x128xf32, #tpu.memory_space<vmem>>
      %dma_start3A_192 = arith.constant 0 : i32
      %dma_start3A_193 = arith.constant 0 : i32
      %dma_start3A_194 = tpu.memref_slice %arg5[%dma_start3A_192, %dma_start3A_193, %multiple_of3A_144] : memref<4x8x1000000xf32, #tpu.memory_space<hbm>> -> memref<2x8x128xf32, #tpu.memory_space<hbm>>
      tpu.enqueue_dma source(%dma_start3A_194 : memref<2x8x128xf32, #tpu.memory_space<hbm>>) target(%dma_start3A_191 : memref<2x8x128xf32, #tpu.memory_space<vmem>>) target_semaphore(%arg13 : memref<!tpu.dma_semaphore, #tpu.memory_space<semaphore_mem>>)
      %dma_start3A_195 = arith.constant 1 : i32
      %dma_start3A_196 = arith.constant 0 : i32
      %dma_start3A_197 = arith.constant 0 : i32
      %dma_start3A_198 = arith.constant 0 : i32
      %dma_start3A_199 = tpu.memref_slice %arg9[%dma_start3A_195, %dma_start3A_196, %dma_start3A_197, %dma_start3A_198] : memref<8x4x8x128xf32, #tpu.memory_space<vmem>> -> memref<1x4x8x128xf32, #tpu.memory_space<vmem>>
      %dma_start3A_200 = tpu.memref_squeeze %dma_start3A_199 : memref<1x4x8x128xf32, #tpu.memory_space<vmem>> -> memref<4x8x128xf32, #tpu.memory_space<vmem>>
      %dma_start3A_201 = arith.constant 2 : i32
      %dma_start3A_202 = arith.constant 0 : i32
      %dma_start3A_203 = arith.constant 0 : i32
      %dma_start3A_204 = tpu.memref_slice %dma_start3A_200[%dma_start3A_201, %dma_start3A_202, %dma_start3A_203] : memref<4x8x128xf32, #tpu.memory_space<vmem>> -> memref<2x8x128xf32, #tpu.memory_space<vmem>>
      %dma_start3A_205 = arith.constant 2 : i32
      %dma_start3A_206 = arith.constant 0 : i32
      %dma_start3A_207 = tpu.memref_slice %arg4[%dma_start3A_205, %dma_start3A_206, %multiple_of3A_137] : memref<4x8x1000000xf32, #tpu.memory_space<hbm>> -> memref<2x8x128xf32, #tpu.memory_space<hbm>>
      %dma_start3A_208 = arith.constant 0 : i32
      %dma_start3A_209 = arith.constant 0 : i32
      %dma_start3A_210 = arith.constant 0 : i32
      %dma_start3A_211 = tpu.memref_slice %arg9[%dma_start3A_195, %dma_start3A_208, %dma_start3A_209, %dma_start3A_210] : memref<8x4x8x128xf32, #tpu.memory_space<vmem>> -> memref<1x4x8x128xf32, #tpu.memory_space<vmem>>
      %dma_start3A_212 = tpu.memref_squeeze %dma_start3A_211 : memref<1x4x8x128xf32, #tpu.memory_space<vmem>> -> memref<4x8x128xf32, #tpu.memory_space<vmem>>
      %dma_start3A_213 = arith.constant 2 : i32
      %dma_start3A_214 = arith.constant 0 : i32
      %dma_start3A_215 = arith.constant 0 : i32
      %dma_start3A_216 = tpu.memref_slice %dma_start3A_212[%dma_start3A_213, %dma_start3A_214, %dma_start3A_215] : memref<4x8x128xf32, #tpu.memory_space<vmem>> -> memref<2x8x128xf32, #tpu.memory_space<vmem>>
      %dma_start3A_217 = arith.constant 2 : i32
      %dma_start3A_218 = arith.constant 0 : i32
      %dma_start3A_219 = tpu.memref_slice %arg4[%dma_start3A_217, %dma_start3A_218, %multiple_of3A_137] : memref<4x8x1000000xf32, #tpu.memory_space<hbm>> -> memref<2x8x128xf32, #tpu.memory_space<hbm>>
      tpu.enqueue_dma source(%dma_start3A_219 : memref<2x8x128xf32, #tpu.memory_space<hbm>>) target(%dma_start3A_216 : memref<2x8x128xf32, #tpu.memory_space<vmem>>) target_semaphore(%arg13 : memref<!tpu.dma_semaphore, #tpu.memory_space<semaphore_mem>>)
      %dma_start3A_220 = arith.constant 1 : i32
      %dma_start3A_221 = arith.constant 0 : i32
      %dma_start3A_222 = arith.constant 0 : i32
      %dma_start3A_223 = arith.constant 0 : i32
      %dma_start3A_224 = tpu.memref_slice %arg10[%dma_start3A_220, %dma_start3A_221, %dma_start3A_222, %dma_start3A_223] : memref<8x4x8x128xf32, #tpu.memory_space<vmem>> -> memref<1x4x8x128xf32, #tpu.memory_space<vmem>>
      %dma_start3A_225 = tpu.memref_squeeze %dma_start3A_224 : memref<1x4x8x128xf32, #tpu.memory_space<vmem>> -> memref<4x8x128xf32, #tpu.memory_space<vmem>>
      %dma_start3A_226 = arith.constant 2 : i32
      %dma_start3A_227 = arith.constant 0 : i32
      %dma_start3A_228 = arith.constant 0 : i32
      %dma_start3A_229 = tpu.memref_slice %dma_start3A_225[%dma_start3A_226, %dma_start3A_227, %dma_start3A_228] : memref<4x8x128xf32, #tpu.memory_space<vmem>> -> memref<2x8x128xf32, #tpu.memory_space<vmem>>
      %dma_start3A_230 = arith.constant 2 : i32
      %dma_start3A_231 = arith.constant 0 : i32
      %dma_start3A_232 = tpu.memref_slice %arg5[%dma_start3A_230, %dma_start3A_231, %multiple_of3A_144] : memref<4x8x1000000xf32, #tpu.memory_space<hbm>> -> memref<2x8x128xf32, #tpu.memory_space<hbm>>
      %dma_start3A_233 = arith.constant 0 : i32
      %dma_start3A_234 = arith.constant 0 : i32
      %dma_start3A_235 = arith.constant 0 : i32
      %dma_start3A_236 = tpu.memref_slice %arg10[%dma_start3A_220, %dma_start3A_233, %dma_start3A_234, %dma_start3A_235] : memref<8x4x8x128xf32, #tpu.memory_space<vmem>> -> memref<1x4x8x128xf32, #tpu.memory_space<vmem>>
      %dma_start3A_237 = tpu.memref_squeeze %dma_start3A_236 : memref<1x4x8x128xf32, #tpu.memory_space<vmem>> -> memref<4x8x128xf32, #tpu.memory_space<vmem>>
      %dma_start3A_238 = arith.constant 2 : i32
      %dma_start3A_239 = arith.constant 0 : i32
      %dma_start3A_240 = arith.constant 0 : i32
      %dma_start3A_241 = tpu.memref_slice %dma_start3A_237[%dma_start3A_238, %dma_start3A_239, %dma_start3A_240] : memref<4x8x128xf32, #tpu.memory_space<vmem>> -> memref<2x8x128xf32, #tpu.memory_space<vmem>>
      %dma_start3A_242 = arith.constant 2 : i32
      %dma_start3A_243 = arith.constant 0 : i32
      %dma_start3A_244 = tpu.memref_slice %arg5[%dma_start3A_242, %dma_start3A_243, %multiple_of3A_144] : memref<4x8x1000000xf32, #tpu.memory_space<hbm>> -> memref<2x8x128xf32, #tpu.memory_space<hbm>>
      tpu.enqueue_dma source(%dma_start3A_244 : memref<2x8x128xf32, #tpu.memory_space<hbm>>) target(%dma_start3A_241 : memref<2x8x128xf32, #tpu.memory_space<vmem>>) target_semaphore(%arg13 : memref<!tpu.dma_semaphore, #tpu.memory_space<semaphore_mem>>)
      %slice3A_245 = vector.extract_strided_slice %get3A_18 {offsets = [2], sizes = [1], strides = [1]} : vector<16xi32> to vector<1xi32>
      %squeeze3A_246 = vector.extract %slice3A_245[0] : i32 from vector<1xi32>
      %shift_right_logical3A_247 = arith.constant 7 : i32
      %shift_right_logical3A_248 = arith.shrui %squeeze3A_246, %shift_right_logical3A_247 : i32
      %mul3A_249 = arith.constant 128 : i32
      %mul3A_250 = arith.muli %shift_right_logical3A_248, %mul3A_249 : i32
      %multiple_of3A_251 = tpu.assume_multiple %mul3A_250, 128 : i32
      %slice3A_252 = vector.extract_strided_slice %get3A_20 {offsets = [2], sizes = [1], strides = [1]} : vector<16xi32> to vector<1xi32>
      %squeeze3A_253 = vector.extract %slice3A_252[0] : i32 from vector<1xi32>
      %shift_right_logical3A_254 = arith.constant 7 : i32
      %shift_right_logical3A_255 = arith.shrui %squeeze3A_253, %shift_right_logical3A_254 : i32
      %mul3A_256 = arith.constant 128 : i32
      %mul3A_257 = arith.muli %shift_right_logical3A_255, %mul3A_256 : i32
      %multiple_of3A_258 = tpu.assume_multiple %mul3A_257, 128 : i32
      %dma_start3A_259 = arith.constant 2 : i32
      %dma_start3A_260 = arith.constant 0 : i32
      %dma_start3A_261 = arith.constant 0 : i32
      %dma_start3A_262 = arith.constant 0 : i32
      %dma_start3A_263 = tpu.memref_slice %arg9[%dma_start3A_259, %dma_start3A_260, %dma_start3A_261, %dma_start3A_262] : memref<8x4x8x128xf32, #tpu.memory_space<vmem>> -> memref<1x4x8x128xf32, #tpu.memory_space<vmem>>
      %dma_start3A_264 = tpu.memref_squeeze %dma_start3A_263 : memref<1x4x8x128xf32, #tpu.memory_space<vmem>> -> memref<4x8x128xf32, #tpu.memory_space<vmem>>
      %dma_start3A_265 = arith.constant 0 : i32
      %dma_start3A_266 = arith.constant 0 : i32
      %dma_start3A_267 = arith.constant 0 : i32
      %dma_start3A_268 = tpu.memref_slice %dma_start3A_264[%dma_start3A_265, %dma_start3A_266, %dma_start3A_267] : memref<4x8x128xf32, #tpu.memory_space<vmem>> -> memref<2x8x128xf32, #tpu.memory_space<vmem>>
      %dma_start3A_269 = arith.constant 0 : i32
      %dma_start3A_270 = arith.constant 0 : i32
      %dma_start3A_271 = tpu.memref_slice %arg4[%dma_start3A_269, %dma_start3A_270, %multiple_of3A_251] : memref<4x8x1000000xf32, #tpu.memory_space<hbm>> -> memref<2x8x128xf32, #tpu.memory_space<hbm>>
      %dma_start3A_272 = arith.constant 0 : i32
      %dma_start3A_273 = arith.constant 0 : i32
      %dma_start3A_274 = arith.constant 0 : i32
      %dma_start3A_275 = tpu.memref_slice %arg9[%dma_start3A_259, %dma_start3A_272, %dma_start3A_273, %dma_start3A_274] : memref<8x4x8x128xf32, #tpu.memory_space<vmem>> -> memref<1x4x8x128xf32, #tpu.memory_space<vmem>>
      %dma_start3A_276 = tpu.memref_squeeze %dma_start3A_275 : memref<1x4x8x128xf32, #tpu.memory_space<vmem>> -> memref<4x8x128xf32, #tpu.memory_space<vmem>>
      %dma_start3A_277 = arith.constant 0 : i32
      %dma_start3A_278 = arith.constant 0 : i32
      %dma_start3A_279 = arith.constant 0 : i32
      %dma_start3A_280 = tpu.memref_slice %dma_start3A_276[%dma_start3A_277, %dma_start3A_278, %dma_start3A_279] : memref<4x8x128xf32, #tpu.memory_space<vmem>> -> memref<2x8x128xf32, #tpu.memory_space<vmem>>
      %dma_start3A_281 = arith.constant 0 : i32
      %dma_start3A_282 = arith.constant 0 : i32
      %dma_start3A_283 = tpu.memref_slice %arg4[%dma_start3A_281, %dma_start3A_282, %multiple_of3A_251] : memref<4x8x1000000xf32, #tpu.memory_space<hbm>> -> memref<2x8x128xf32, #tpu.memory_space<hbm>>
      tpu.enqueue_dma source(%dma_start3A_283 : memref<2x8x128xf32, #tpu.memory_space<hbm>>) target(%dma_start3A_280 : memref<2x8x128xf32, #tpu.memory_space<vmem>>) target_semaphore(%arg13 : memref<!tpu.dma_semaphore, #tpu.memory_space<semaphore_mem>>)
      %dma_start3A_284 = arith.constant 2 : i32
      %dma_start3A_285 = arith.constant 0 : i32
      %dma_start3A_286 = arith.constant 0 : i32
      %dma_start3A_287 = arith.constant 0 : i32
      %dma_start3A_288 = tpu.memref_slice %arg10[%dma_start3A_284, %dma_start3A_285, %dma_start3A_286, %dma_start3A_287] : memref<8x4x8x128xf32, #tpu.memory_space<vmem>> -> memref<1x4x8x128xf32, #tpu.memory_space<vmem>>
      %dma_start3A_289 = tpu.memref_squeeze %dma_start3A_288 : memref<1x4x8x128xf32, #tpu.memory_space<vmem>> -> memref<4x8x128xf32, #tpu.memory_space<vmem>>
      %dma_start3A_290 = arith.constant 0 : i32
      %dma_start3A_291 = arith.constant 0 : i32
      %dma_start3A_292 = arith.constant 0 : i32
      %dma_start3A_293 = tpu.memref_slice %dma_start3A_289[%dma_start3A_290, %dma_start3A_291, %dma_start3A_292] : memref<4x8x128xf32, #tpu.memory_space<vmem>> -> memref<2x8x128xf32, #tpu.memory_space<vmem>>
      %dma_start3A_294 = arith.constant 0 : i32
      %dma_start3A_295 = arith.constant 0 : i32
      %dma_start3A_296 = tpu.memref_slice %arg5[%dma_start3A_294, %dma_start3A_295, %multiple_of3A_258] : memref<4x8x1000000xf32, #tpu.memory_space<hbm>> -> memref<2x8x128xf32, #tpu.memory_space<hbm>>
      %dma_start3A_297 = arith.constant 0 : i32
      %dma_start3A_298 = arith.constant 0 : i32
      %dma_start3A_299 = arith.constant 0 : i32
      %dma_start3A_300 = tpu.memref_slice %arg10[%dma_start3A_284, %dma_start3A_297, %dma_start3A_298, %dma_start3A_299] : memref<8x4x8x128xf32, #tpu.memory_space<vmem>> -> memref<1x4x8x128xf32, #tpu.memory_space<vmem>>
      %dma_start3A_301 = tpu.memref_squeeze %dma_start3A_300 : memref<1x4x8x128xf32, #tpu.memory_space<vmem>> -> memref<4x8x128xf32, #tpu.memory_space<vmem>>
      %dma_start3A_302 = arith.constant 0 : i32
      %dma_start3A_303 = arith.constant 0 : i32
      %dma_start3A_304 = arith.constant 0 : i32
      %dma_start3A_305 = tpu.memref_slice %dma_start3A_301[%dma_start3A_302, %dma_start3A_303, %dma_start3A_304] : memref<4x8x128xf32, #tpu.memory_space<vmem>> -> memref<2x8x128xf32, #tpu.memory_space<vmem>>
      %dma_start3A_306 = arith.constant 0 : i32
      %dma_start3A_307 = arith.constant 0 : i32
      %dma_start3A_308 = tpu.memref_slice %arg5[%dma_start3A_306, %dma_start3A_307, %multiple_of3A_258] : memref<4x8x1000000xf32, #tpu.memory_space<hbm>> -> memref<2x8x128xf32, #tpu.memory_space<hbm>>
      tpu.enqueue_dma source(%dma_start3A_308 : memref<2x8x128xf32, #tpu.memory_space<hbm>>) target(%dma_start3A_305 : memref<2x8x128xf32, #tpu.memory_space<vmem>>) target_semaphore(%arg13 : memref<!tpu.dma_semaphore, #tpu.memory_space<semaphore_mem>>)
      %dma_start3A_309 = arith.constant 2 : i32
      %dma_start3A_310 = arith.constant 0 : i32
      %dma_start3A_311 = arith.constant 0 : i32
      %dma_start3A_312 = arith.constant 0 : i32
      %dma_start3A_313 = tpu.memref_slice %arg9[%dma_start3A_309, %dma_start3A_310, %dma_start3A_311, %dma_start3A_312] : memref<8x4x8x128xf32, #tpu.memory_space<vmem>> -> memref<1x4x8x128xf32, #tpu.memory_space<vmem>>
      %dma_start3A_314 = tpu.memref_squeeze %dma_start3A_313 : memref<1x4x8x128xf32, #tpu.memory_space<vmem>> -> memref<4x8x128xf32, #tpu.memory_space<vmem>>
      %dma_start3A_315 = arith.constant 2 : i32
      %dma_start3A_316 = arith.constant 0 : i32
      %dma_start3A_317 = arith.constant 0 : i32
      %dma_start3A_318 = tpu.memref_slice %dma_start3A_314[%dma_start3A_315, %dma_start3A_316, %dma_start3A_317] : memref<4x8x128xf32, #tpu.memory_space<vmem>> -> memref<2x8x128xf32, #tpu.memory_space<vmem>>
      %dma_start3A_319 = arith.constant 2 : i32
      %dma_start3A_320 = arith.constant 0 : i32
      %dma_start3A_321 = tpu.memref_slice %arg4[%dma_start3A_319, %dma_start3A_320, %multiple_of3A_251] : memref<4x8x1000000xf32, #tpu.memory_space<hbm>> -> memref<2x8x128xf32, #tpu.memory_space<hbm>>
      %dma_start3A_322 = arith.constant 0 : i32
      %dma_start3A_323 = arith.constant 0 : i32
      %dma_start3A_324 = arith.constant 0 : i32
      %dma_start3A_325 = tpu.memref_slice %arg9[%dma_start3A_309, %dma_start3A_322, %dma_start3A_323, %dma_start3A_324] : memref<8x4x8x128xf32, #tpu.memory_space<vmem>> -> memref<1x4x8x128xf32, #tpu.memory_space<vmem>>
      %dma_start3A_326 = tpu.memref_squeeze %dma_start3A_325 : memref<1x4x8x128xf32, #tpu.memory_space<vmem>> -> memref<4x8x128xf32, #tpu.memory_space<vmem>>
      %dma_start3A_327 = arith.constant 2 : i32
      %dma_start3A_328 = arith.constant 0 : i32
      %dma_start3A_329 = arith.constant 0 : i32
      %dma_start3A_330 = tpu.memref_slice %dma_start3A_326[%dma_start3A_327, %dma_start3A_328, %dma_start3A_329] : memref<4x8x128xf32, #tpu.memory_space<vmem>> -> memref<2x8x128xf32, #tpu.memory_space<vmem>>
      %dma_start3A_331 = arith.constant 2 : i32
      %dma_start3A_332 = arith.constant 0 : i32
      %dma_start3A_333 = tpu.memref_slice %arg4[%dma_start3A_331, %dma_start3A_332, %multiple_of3A_251] : memref<4x8x1000000xf32, #tpu.memory_space<hbm>> -> memref<2x8x128xf32, #tpu.memory_space<hbm>>
      tpu.enqueue_dma source(%dma_start3A_333 : memref<2x8x128xf32, #tpu.memory_space<hbm>>) target(%dma_start3A_330 : memref<2x8x128xf32, #tpu.memory_space<vmem>>) target_semaphore(%arg13 : memref<!tpu.dma_semaphore, #tpu.memory_space<semaphore_mem>>)
      %dma_start3A_334 = arith.constant 2 : i32
      %dma_start3A_335 = arith.constant 0 : i32
      %dma_start3A_336 = arith.constant 0 : i32
      %dma_start3A_337 = arith.constant 0 : i32
      %dma_start3A_338 = tpu.memref_slice %arg10[%dma_start3A_334, %dma_start3A_335, %dma_start3A_336, %dma_start3A_337] : memref<8x4x8x128xf32, #tpu.memory_space<vmem>> -> memref<1x4x8x128xf32, #tpu.memory_space<vmem>>
      %dma_start3A_339 = tpu.memref_squeeze %dma_start3A_338 : memref<1x4x8x128xf32, #tpu.memory_space<vmem>> -> memref<4x8x128xf32, #tpu.memory_space<vmem>>
      %dma_start3A_340 = arith.constant 2 : i32
      %dma_start3A_341 = arith.constant 0 : i32
      %dma_start3A_342 = arith.constant 0 : i32
      %dma_start3A_343 = tpu.memref_slice %dma_start3A_339[%dma_start3A_340, %dma_start3A_341, %dma_start3A_342] : memref<4x8x128xf32, #tpu.memory_space<vmem>> -> memref<2x8x128xf32, #tpu.memory_space<vmem>>
      %dma_start3A_344 = arith.constant 2 : i32
      %dma_start3A_345 = arith.constant 0 : i32
      %dma_start3A_346 = tpu.memref_slice %arg5[%dma_start3A_344, %dma_start3A_345, %multiple_of3A_258] : memref<4x8x1000000xf32, #tpu.memory_space<hbm>> -> memref<2x8x128xf32, #tpu.memory_space<hbm>>
      %dma_start3A_347 = arith.constant 0 : i32
      %dma_start3A_348 = arith.constant 0 : i32
      %dma_start3A_349 = arith.constant 0 : i32
      %dma_start3A_350 = tpu.memref_slice %arg10[%dma_start3A_334, %dma_start3A_347, %dma_start3A_348, %dma_start3A_349] : memref<8x4x8x128xf32, #tpu.memory_space<vmem>> -> memref<1x4x8x128xf32, #tpu.memory_space<vmem>>
      %dma_start3A_351 = tpu.memref_squeeze %dma_start3A_350 : memref<1x4x8x128xf32, #tpu.memory_space<vmem>> -> memref<4x8x128xf32, #tpu.memory_space<vmem>>
      %dma_start3A_352 = arith.constant 2 : i32
      %dma_start3A_353 = arith.constant 0 : i32
      %dma_start3A_354 = arith.constant 0 : i32
      %dma_start3A_355 = tpu.memref_slice %dma_start3A_351[%dma_start3A_352, %dma_start3A_353, %dma_start3A_354] : memref<4x8x128xf32, #tpu.memory_space<vmem>> -> memref<2x8x128xf32, #tpu.memory_space<vmem>>
      %dma_start3A_356 = arith.constant 2 : i32
      %dma_start3A_357 = arith.constant 0 : i32
      %dma_start3A_358 = tpu.memref_slice %arg5[%dma_start3A_356, %dma_start3A_357, %multiple_of3A_258] : memref<4x8x1000000xf32, #tpu.memory_space<hbm>> -> memref<2x8x128xf32, #tpu.memory_space<hbm>>
      tpu.enqueue_dma source(%dma_start3A_358 : memref<2x8x128xf32, #tpu.memory_space<hbm>>) target(%dma_start3A_355 : memref<2x8x128xf32, #tpu.memory_space<vmem>>) target_semaphore(%arg13 : memref<!tpu.dma_semaphore, #tpu.memory_space<semaphore_mem>>)
      %slice3A_359 = vector.extract_strided_slice %get3A_18 {offsets = [3], sizes = [1], strides = [1]} : vector<16xi32> to vector<1xi32>
      %squeeze3A_360 = vector.extract %slice3A_359[0] : i32 from vector<1xi32>
      %shift_right_logical3A_361 = arith.constant 7 : i32
      %shift_right_logical3A_362 = arith.shrui %squeeze3A_360, %shift_right_logical3A_361 : i32
      %mul3A_363 = arith.constant 128 : i32
      %mul3A_364 = arith.muli %shift_right_logical3A_362, %mul3A_363 : i32
      %multiple_of3A_365 = tpu.assume_multiple %mul3A_364, 128 : i32
      %slice3A_366 = vector.extract_strided_slice %get3A_20 {offsets = [3], sizes = [1], strides = [1]} : vector<16xi32> to vector<1xi32>
      %squeeze3A_367 = vector.extract %slice3A_366[0] : i32 from vector<1xi32>
      %shift_right_logical3A_368 = arith.constant 7 : i32
      %shift_right_logical3A_369 = arith.shrui %squeeze3A_367, %shift_right_logical3A_368 : i32
      %mul3A_370 = arith.constant 128 : i32
      %mul3A_371 = arith.muli %shift_right_logical3A_369, %mul3A_370 : i32
      %multiple_of3A_372 = tpu.assume_multiple %mul3A_371, 128 : i32
      %dma_start3A_373 = arith.constant 3 : i32
      %dma_start3A_374 = arith.constant 0 : i32
      %dma_start3A_375 = arith.constant 0 : i32
      %dma_start3A_376 = arith.constant 0 : i32
      %dma_start3A_377 = tpu.memref_slice %arg9[%dma_start3A_373, %dma_start3A_374, %dma_start3A_375, %dma_start3A_376] : memref<8x4x8x128xf32, #tpu.memory_space<vmem>> -> memref<1x4x8x128xf32, #tpu.memory_space<vmem>>
      %dma_start3A_378 = tpu.memref_squeeze %dma_start3A_377 : memref<1x4x8x128xf32, #tpu.memory_space<vmem>> -> memref<4x8x128xf32, #tpu.memory_space<vmem>>
      %dma_start3A_379 = arith.constant 0 : i32
      %dma_start3A_380 = arith.constant 0 : i32
      %dma_start3A_381 = arith.constant 0 : i32
      %dma_start3A_382 = tpu.memref_slice %dma_start3A_378[%dma_start3A_379, %dma_start3A_380, %dma_start3A_381] : memref<4x8x128xf32, #tpu.memory_space<vmem>> -> memref<2x8x128xf32, #tpu.memory_space<vmem>>
      %dma_start3A_383 = arith.constant 0 : i32
      %dma_start3A_384 = arith.constant 0 : i32
      %dma_start3A_385 = tpu.memref_slice %arg4[%dma_start3A_383, %dma_start3A_384, %multiple_of3A_365] : memref<4x8x1000000xf32, #tpu.memory_space<hbm>> -> memref<2x8x128xf32, #tpu.memory_space<hbm>>
      %dma_start3A_386 = arith.constant 0 : i32
      %dma_start3A_387 = arith.constant 0 : i32
      %dma_start3A_388 = arith.constant 0 : i32
      %dma_start3A_389 = tpu.memref_slice %arg9[%dma_start3A_373, %dma_start3A_386, %dma_start3A_387, %dma_start3A_388] : memref<8x4x8x128xf32, #tpu.memory_space<vmem>> -> memref<1x4x8x128xf32, #tpu.memory_space<vmem>>
      %dma_start3A_390 = tpu.memref_squeeze %dma_start3A_389 : memref<1x4x8x128xf32, #tpu.memory_space<vmem>> -> memref<4x8x128xf32, #tpu.memory_space<vmem>>
      %dma_start3A_391 = arith.constant 0 : i32
      %dma_start3A_392 = arith.constant 0 : i32
      %dma_start3A_393 = arith.constant 0 : i32
      %dma_start3A_394 = tpu.memref_slice %dma_start3A_390[%dma_start3A_391, %dma_start3A_392, %dma_start3A_393] : memref<4x8x128xf32, #tpu.memory_space<vmem>> -> memref<2x8x128xf32, #tpu.memory_space<vmem>>
      %dma_start3A_395 = arith.constant 0 : i32
      %dma_start3A_396 = arith.constant 0 : i32
      %dma_start3A_397 = tpu.memref_slice %arg4[%dma_start3A_395, %dma_start3A_396, %multiple_of3A_365] : memref<4x8x1000000xf32, #tpu.memory_space<hbm>> -> memref<2x8x128xf32, #tpu.memory_space<hbm>>
      tpu.enqueue_dma source(%dma_start3A_397 : memref<2x8x128xf32, #tpu.memory_space<hbm>>) target(%dma_start3A_394 : memref<2x8x128xf32, #tpu.memory_space<vmem>>) target_semaphore(%arg13 : memref<!tpu.dma_semaphore, #tpu.memory_space<semaphore_mem>>)
      %dma_start3A_398 = arith.constant 3 : i32
      %dma_start3A_399 = arith.constant 0 : i32
      %dma_start3A_400 = arith.constant 0 : i32
      %dma_start3A_401 = arith.constant 0 : i32
      %dma_start3A_402 = tpu.memref_slice %arg10[%dma_start3A_398, %dma_start3A_399, %dma_start3A_400, %dma_start3A_401] : memref<8x4x8x128xf32, #tpu.memory_space<vmem>> -> memref<1x4x8x128xf32, #tpu.memory_space<vmem>>
      %dma_start3A_403 = tpu.memref_squeeze %dma_start3A_402 : memref<1x4x8x128xf32, #tpu.memory_space<vmem>> -> memref<4x8x128xf32, #tpu.memory_space<vmem>>
      %dma_start3A_404 = arith.constant 0 : i32
      %dma_start3A_405 = arith.constant 0 : i32
      %dma_start3A_406 = arith.constant 0 : i32
      %dma_start3A_407 = tpu.memref_slice %dma_start3A_403[%dma_start3A_404, %dma_start3A_405, %dma_start3A_406] : memref<4x8x128xf32, #tpu.memory_space<vmem>> -> memref<2x8x128xf32, #tpu.memory_space<vmem>>
      %dma_start3A_408 = arith.constant 0 : i32
      %dma_start3A_409 = arith.constant 0 : i32
      %dma_start3A_410 = tpu.memref_slice %arg5[%dma_start3A_408, %dma_start3A_409, %multiple_of3A_372] : memref<4x8x1000000xf32, #tpu.memory_space<hbm>> -> memref<2x8x128xf32, #tpu.memory_space<hbm>>
      %dma_start3A_411 = arith.constant 0 : i32
      %dma_start3A_412 = arith.constant 0 : i32
      %dma_start3A_413 = arith.constant 0 : i32
      %dma_start3A_414 = tpu.memref_slice %arg10[%dma_start3A_398, %dma_start3A_411, %dma_start3A_412, %dma_start3A_413] : memref<8x4x8x128xf32, #tpu.memory_space<vmem>> -> memref<1x4x8x128xf32, #tpu.memory_space<vmem>>
      %dma_start3A_415 = tpu.memref_squeeze %dma_start3A_414 : memref<1x4x8x128xf32, #tpu.memory_space<vmem>> -> memref<4x8x128xf32, #tpu.memory_space<vmem>>
      %dma_start3A_416 = arith.constant 0 : i32
      %dma_start3A_417 = arith.constant 0 : i32
      %dma_start3A_418 = arith.constant 0 : i32
      %dma_start3A_419 = tpu.memref_slice %dma_start3A_415[%dma_start3A_416, %dma_start3A_417, %dma_start3A_418] : memref<4x8x128xf32, #tpu.memory_space<vmem>> -> memref<2x8x128xf32, #tpu.memory_space<vmem>>
      %dma_start3A_420 = arith.constant 0 : i32
      %dma_start3A_421 = arith.constant 0 : i32
      %dma_start3A_422 = tpu.memref_slice %arg5[%dma_start3A_420, %dma_start3A_421, %multiple_of3A_372] : memref<4x8x1000000xf32, #tpu.memory_space<hbm>> -> memref<2x8x128xf32, #tpu.memory_space<hbm>>
      tpu.enqueue_dma source(%dma_start3A_422 : memref<2x8x128xf32, #tpu.memory_space<hbm>>) target(%dma_start3A_419 : memref<2x8x128xf32, #tpu.memory_space<vmem>>) target_semaphore(%arg13 : memref<!tpu.dma_semaphore, #tpu.memory_space<semaphore_mem>>)
      %dma_start3A_423 = arith.constant 3 : i32
      %dma_start3A_424 = arith.constant 0 : i32
      %dma_start3A_425 = arith.constant 0 : i32
      %dma_start3A_426 = arith.constant 0 : i32
      %dma_start3A_427 = tpu.memref_slice %arg9[%dma_start3A_423, %dma_start3A_424, %dma_start3A_425, %dma_start3A_426] : memref<8x4x8x128xf32, #tpu.memory_space<vmem>> -> memref<1x4x8x128xf32, #tpu.memory_space<vmem>>
      %dma_start3A_428 = tpu.memref_squeeze %dma_start3A_427 : memref<1x4x8x128xf32, #tpu.memory_space<vmem>> -> memref<4x8x128xf32, #tpu.memory_space<vmem>>
      %dma_start3A_429 = arith.constant 2 : i32
      %dma_start3A_430 = arith.constant 0 : i32
      %dma_start3A_431 = arith.constant 0 : i32
      %dma_start3A_432 = tpu.memref_slice %dma_start3A_428[%dma_start3A_429, %dma_start3A_430, %dma_start3A_431] : memref<4x8x128xf32, #tpu.memory_space<vmem>> -> memref<2x8x128xf32, #tpu.memory_space<vmem>>
      %dma_start3A_433 = arith.constant 2 : i32
      %dma_start3A_434 = arith.constant 0 : i32
      %dma_start3A_435 = tpu.memref_slice %arg4[%dma_start3A_433, %dma_start3A_434, %multiple_of3A_365] : memref<4x8x1000000xf32, #tpu.memory_space<hbm>> -> memref<2x8x128xf32, #tpu.memory_space<hbm>>
      %dma_start3A_436 = arith.constant 0 : i32
      %dma_start3A_437 = arith.constant 0 : i32
      %dma_start3A_438 = arith.constant 0 : i32
      %dma_start3A_439 = tpu.memref_slice %arg9[%dma_start3A_423, %dma_start3A_436, %dma_start3A_437, %dma_start3A_438] : memref<8x4x8x128xf32, #tpu.memory_space<vmem>> -> memref<1x4x8x128xf32, #tpu.memory_space<vmem>>
      %dma_start3A_440 = tpu.memref_squeeze %dma_start3A_439 : memref<1x4x8x128xf32, #tpu.memory_space<vmem>> -> memref<4x8x128xf32, #tpu.memory_space<vmem>>
      %dma_start3A_441 = arith.constant 2 : i32
      %dma_start3A_442 = arith.constant 0 : i32
      %dma_start3A_443 = arith.constant 0 : i32
      %dma_start3A_444 = tpu.memref_slice %dma_start3A_440[%dma_start3A_441, %dma_start3A_442, %dma_start3A_443] : memref<4x8x128xf32, #tpu.memory_space<vmem>> -> memref<2x8x128xf32, #tpu.memory_space<vmem>>
      %dma_start3A_445 = arith.constant 2 : i32
      %dma_start3A_446 = arith.constant 0 : i32
      %dma_start3A_447 = tpu.memref_slice %arg4[%dma_start3A_445, %dma_start3A_446, %multiple_of3A_365] : memref<4x8x1000000xf32, #tpu.memory_space<hbm>> -> memref<2x8x128xf32, #tpu.memory_space<hbm>>
      tpu.enqueue_dma source(%dma_start3A_447 : memref<2x8x128xf32, #tpu.memory_space<hbm>>) target(%dma_start3A_444 : memref<2x8x128xf32, #tpu.memory_space<vmem>>) target_semaphore(%arg13 : memref<!tpu.dma_semaphore, #tpu.memory_space<semaphore_mem>>)
      %dma_start3A_448 = arith.constant 3 : i32
      %dma_start3A_449 = arith.constant 0 : i32
      %dma_start3A_450 = arith.constant 0 : i32
      %dma_start3A_451 = arith.constant 0 : i32
      %dma_start3A_452 = tpu.memref_slice %arg10[%dma_start3A_448, %dma_start3A_449, %dma_start3A_450, %dma_start3A_451] : memref<8x4x8x128xf32, #tpu.memory_space<vmem>> -> memref<1x4x8x128xf32, #tpu.memory_space<vmem>>
      %dma_start3A_453 = tpu.memref_squeeze %dma_start3A_452 : memref<1x4x8x128xf32, #tpu.memory_space<vmem>> -> memref<4x8x128xf32, #tpu.memory_space<vmem>>
      %dma_start3A_454 = arith.constant 2 : i32
      %dma_start3A_455 = arith.constant 0 : i32
      %dma_start3A_456 = arith.constant 0 : i32
      %dma_start3A_457 = tpu.memref_slice %dma_start3A_453[%dma_start3A_454, %dma_start3A_455, %dma_start3A_456] : memref<4x8x128xf32, #tpu.memory_space<vmem>> -> memref<2x8x128xf32, #tpu.memory_space<vmem>>
      %dma_start3A_458 = arith.constant 2 : i32
      %dma_start3A_459 = arith.constant 0 : i32
      %dma_start3A_460 = tpu.memref_slice %arg5[%dma_start3A_458, %dma_start3A_459, %multiple_of3A_372] : memref<4x8x1000000xf32, #tpu.memory_space<hbm>> -> memref<2x8x128xf32, #tpu.memory_space<hbm>>
      %dma_start3A_461 = arith.constant 0 : i32
      %dma_start3A_462 = arith.constant 0 : i32
      %dma_start3A_463 = arith.constant 0 : i32
      %dma_start3A_464 = tpu.memref_slice %arg10[%dma_start3A_448, %dma_start3A_461, %dma_start3A_462, %dma_start3A_463] : memref<8x4x8x128xf32, #tpu.memory_space<vmem>> -> memref<1x4x8x128xf32, #tpu.memory_space<vmem>>
      %dma_start3A_465 = tpu.memref_squeeze %dma_start3A_464 : memref<1x4x8x128xf32, #tpu.memory_space<vmem>> -> memref<4x8x128xf32, #tpu.memory_space<vmem>>
      %dma_start3A_466 = arith.constant 2 : i32
      %dma_start3A_467 = arith.constant 0 : i32
      %dma_start3A_468 = arith.constant 0 : i32
      %dma_start3A_469 = tpu.memref_slice %dma_start3A_465[%dma_start3A_466, %dma_start3A_467, %dma_start3A_468] : memref<4x8x128xf32, #tpu.memory_space<vmem>> -> memref<2x8x128xf32, #tpu.memory_space<vmem>>
      %dma_start3A_470 = arith.constant 2 : i32
      %dma_start3A_471 = arith.constant 0 : i32
      %dma_start3A_472 = tpu.memref_slice %arg5[%dma_start3A_470, %dma_start3A_471, %multiple_of3A_372] : memref<4x8x1000000xf32, #tpu.memory_space<hbm>> -> memref<2x8x128xf32, #tpu.memory_space<hbm>>
      tpu.enqueue_dma source(%dma_start3A_472 : memref<2x8x128xf32, #tpu.memory_space<hbm>>) target(%dma_start3A_469 : memref<2x8x128xf32, #tpu.memory_space<vmem>>) target_semaphore(%arg13 : memref<!tpu.dma_semaphore, #tpu.memory_space<semaphore_mem>>)
      %slice3A_473 = vector.extract_strided_slice %get3A_18 {offsets = [4], sizes = [1], strides = [1]} : vector<16xi32> to vector<1xi32>
      %squeeze3A_474 = vector.extract %slice3A_473[0] : i32 from vector<1xi32>
      %shift_right_logical3A_475 = arith.constant 7 : i32
      %shift_right_logical3A_476 = arith.shrui %squeeze3A_474, %shift_right_logical3A_475 : i32
      %mul3A_477 = arith.constant 128 : i32
      %mul3A_478 = arith.muli %shift_right_logical3A_476, %mul3A_477 : i32
      %multiple_of3A_479 = tpu.assume_multiple %mul3A_478, 128 : i32
      %slice3A_480 = vector.extract_strided_slice %get3A_20 {offsets = [4], sizes = [1], strides = [1]} : vector<16xi32> to vector<1xi32>
      %squeeze3A_481 = vector.extract %slice3A_480[0] : i32 from vector<1xi32>
      %shift_right_logical3A_482 = arith.constant 7 : i32
      %shift_right_logical3A_483 = arith.shrui %squeeze3A_481, %shift_right_logical3A_482 : i32
      %mul3A_484 = arith.constant 128 : i32
      %mul3A_485 = arith.muli %shift_right_logical3A_483, %mul3A_484 : i32
      %multiple_of3A_486 = tpu.assume_multiple %mul3A_485, 128 : i32
      %dma_start3A_487 = arith.constant 4 : i32
      %dma_start3A_488 = arith.constant 0 : i32
      %dma_start3A_489 = arith.constant 0 : i32
      %dma_start3A_490 = arith.constant 0 : i32
      %dma_start3A_491 = tpu.memref_slice %arg9[%dma_start3A_487, %dma_start3A_488, %dma_start3A_489, %dma_start3A_490] : memref<8x4x8x128xf32, #tpu.memory_space<vmem>> -> memref<1x4x8x128xf32, #tpu.memory_space<vmem>>
      %dma_start3A_492 = tpu.memref_squeeze %dma_start3A_491 : memref<1x4x8x128xf32, #tpu.memory_space<vmem>> -> memref<4x8x128xf32, #tpu.memory_space<vmem>>
      %dma_start3A_493 = arith.constant 0 : i32
      %dma_start3A_494 = arith.constant 0 : i32
      %dma_start3A_495 = arith.constant 0 : i32
      %dma_start3A_496 = tpu.memref_slice %dma_start3A_492[%dma_start3A_493, %dma_start3A_494, %dma_start3A_495] : memref<4x8x128xf32, #tpu.memory_space<vmem>> -> memref<2x8x128xf32, #tpu.memory_space<vmem>>
      %dma_start3A_497 = arith.constant 0 : i32
      %dma_start3A_498 = arith.constant 0 : i32
      %dma_start3A_499 = tpu.memref_slice %arg4[%dma_start3A_497, %dma_start3A_498, %multiple_of3A_479] : memref<4x8x1000000xf32, #tpu.memory_space<hbm>> -> memref<2x8x128xf32, #tpu.memory_space<hbm>>
      %dma_start3A_500 = arith.constant 0 : i32
      %dma_start3A_501 = arith.constant 0 : i32
      %dma_start3A_502 = arith.constant 0 : i32
      %dma_start3A_503 = tpu.memref_slice %arg9[%dma_start3A_487, %dma_start3A_500, %dma_start3A_501, %dma_start3A_502] : memref<8x4x8x128xf32, #tpu.memory_space<vmem>> -> memref<1x4x8x128xf32, #tpu.memory_space<vmem>>
      %dma_start3A_504 = tpu.memref_squeeze %dma_start3A_503 : memref<1x4x8x128xf32, #tpu.memory_space<vmem>> -> memref<4x8x128xf32, #tpu.memory_space<vmem>>
      %dma_start3A_505 = arith.constant 0 : i32
      %dma_start3A_506 = arith.constant 0 : i32
      %dma_start3A_507 = arith.constant 0 : i32
      %dma_start3A_508 = tpu.memref_slice %dma_start3A_504[%dma_start3A_505, %dma_start3A_506, %dma_start3A_507] : memref<4x8x128xf32, #tpu.memory_space<vmem>> -> memref<2x8x128xf32, #tpu.memory_space<vmem>>
      %dma_start3A_509 = arith.constant 0 : i32
      %dma_start3A_510 = arith.constant 0 : i32
      %dma_start3A_511 = tpu.memref_slice %arg4[%dma_start3A_509, %dma_start3A_510, %multiple_of3A_479] : memref<4x8x1000000xf32, #tpu.memory_space<hbm>> -> memref<2x8x128xf32, #tpu.memory_space<hbm>>
      tpu.enqueue_dma source(%dma_start3A_511 : memref<2x8x128xf32, #tpu.memory_space<hbm>>) target(%dma_start3A_508 : memref<2x8x128xf32, #tpu.memory_space<vmem>>) target_semaphore(%arg13 : memref<!tpu.dma_semaphore, #tpu.memory_space<semaphore_mem>>)
      %dma_start3A_512 = arith.constant 4 : i32
      %dma_start3A_513 = arith.constant 0 : i32
      %dma_start3A_514 = arith.constant 0 : i32
      %dma_start3A_515 = arith.constant 0 : i32
      %dma_start3A_516 = tpu.memref_slice %arg10[%dma_start3A_512, %dma_start3A_513, %dma_start3A_514, %dma_start3A_515] : memref<8x4x8x128xf32, #tpu.memory_space<vmem>> -> memref<1x4x8x128xf32, #tpu.memory_space<vmem>>
      %dma_start3A_517 = tpu.memref_squeeze %dma_start3A_516 : memref<1x4x8x128xf32, #tpu.memory_space<vmem>> -> memref<4x8x128xf32, #tpu.memory_space<vmem>>
      %dma_start3A_518 = arith.constant 0 : i32
      %dma_start3A_519 = arith.constant 0 : i32
      %dma_start3A_520 = arith.constant 0 : i32
      %dma_start3A_521 = tpu.memref_slice %dma_start3A_517[%dma_start3A_518, %dma_start3A_519, %dma_start3A_520] : memref<4x8x128xf32, #tpu.memory_space<vmem>> -> memref<2x8x128xf32, #tpu.memory_space<vmem>>
      %dma_start3A_522 = arith.constant 0 : i32
      %dma_start3A_523 = arith.constant 0 : i32
      %dma_start3A_524 = tpu.memref_slice %arg5[%dma_start3A_522, %dma_start3A_523, %multiple_of3A_486] : memref<4x8x1000000xf32, #tpu.memory_space<hbm>> -> memref<2x8x128xf32, #tpu.memory_space<hbm>>
      %dma_start3A_525 = arith.constant 0 : i32
      %dma_start3A_526 = arith.constant 0 : i32
      %dma_start3A_527 = arith.constant 0 : i32
      %dma_start3A_528 = tpu.memref_slice %arg10[%dma_start3A_512, %dma_start3A_525, %dma_start3A_526, %dma_start3A_527] : memref<8x4x8x128xf32, #tpu.memory_space<vmem>> -> memref<1x4x8x128xf32, #tpu.memory_space<vmem>>
      %dma_start3A_529 = tpu.memref_squeeze %dma_start3A_528 : memref<1x4x8x128xf32, #tpu.memory_space<vmem>> -> memref<4x8x128xf32, #tpu.memory_space<vmem>>
      %dma_start3A_530 = arith.constant 0 : i32
      %dma_start3A_531 = arith.constant 0 : i32
      %dma_start3A_532 = arith.constant 0 : i32
      %dma_start3A_533 = tpu.memref_slice %dma_start3A_529[%dma_start3A_530, %dma_start3A_531, %dma_start3A_532] : memref<4x8x128xf32, #tpu.memory_space<vmem>> -> memref<2x8x128xf32, #tpu.memory_space<vmem>>
      %dma_start3A_534 = arith.constant 0 : i32
      %dma_start3A_535 = arith.constant 0 : i32
      %dma_start3A_536 = tpu.memref_slice %arg5[%dma_start3A_534, %dma_start3A_535, %multiple_of3A_486] : memref<4x8x1000000xf32, #tpu.memory_space<hbm>> -> memref<2x8x128xf32, #tpu.memory_space<hbm>>
      tpu.enqueue_dma source(%dma_start3A_536 : memref<2x8x128xf32, #tpu.memory_space<hbm>>) target(%dma_start3A_533 : memref<2x8x128xf32, #tpu.memory_space<vmem>>) target_semaphore(%arg13 : memref<!tpu.dma_semaphore, #tpu.memory_space<semaphore_mem>>)
      %dma_start3A_537 = arith.constant 4 : i32
      %dma_start3A_538 = arith.constant 0 : i32
      %dma_start3A_539 = arith.constant 0 : i32
      %dma_start3A_540 = arith.constant 0 : i32
      %dma_start3A_541 = tpu.memref_slice %arg9[%dma_start3A_537, %dma_start3A_538, %dma_start3A_539, %dma_start3A_540] : memref<8x4x8x128xf32, #tpu.memory_space<vmem>> -> memref<1x4x8x128xf32, #tpu.memory_space<vmem>>
      %dma_start3A_542 = tpu.memref_squeeze %dma_start3A_541 : memref<1x4x8x128xf32, #tpu.memory_space<vmem>> -> memref<4x8x128xf32, #tpu.memory_space<vmem>>
      %dma_start3A_543 = arith.constant 2 : i32
      %dma_start3A_544 = arith.constant 0 : i32
      %dma_start3A_545 = arith.constant 0 : i32
      %dma_start3A_546 = tpu.memref_slice %dma_start3A_542[%dma_start3A_543, %dma_start3A_544, %dma_start3A_545] : memref<4x8x128xf32, #tpu.memory_space<vmem>> -> memref<2x8x128xf32, #tpu.memory_space<vmem>>
      %dma_start3A_547 = arith.constant 2 : i32
      %dma_start3A_548 = arith.constant 0 : i32
      %dma_start3A_549 = tpu.memref_slice %arg4[%dma_start3A_547, %dma_start3A_548, %multiple_of3A_479] : memref<4x8x1000000xf32, #tpu.memory_space<hbm>> -> memref<2x8x128xf32, #tpu.memory_space<hbm>>
      %dma_start3A_550 = arith.constant 0 : i32
      %dma_start3A_551 = arith.constant 0 : i32
      %dma_start3A_552 = arith.constant 0 : i32
      %dma_start3A_553 = tpu.memref_slice %arg9[%dma_start3A_537, %dma_start3A_550, %dma_start3A_551, %dma_start3A_552] : memref<8x4x8x128xf32, #tpu.memory_space<vmem>> -> memref<1x4x8x128xf32, #tpu.memory_space<vmem>>
      %dma_start3A_554 = tpu.memref_squeeze %dma_start3A_553 : memref<1x4x8x128xf32, #tpu.memory_space<vmem>> -> memref<4x8x128xf32, #tpu.memory_space<vmem>>
      %dma_start3A_555 = arith.constant 2 : i32
      %dma_start3A_556 = arith.constant 0 : i32
      %dma_start3A_557 = arith.constant 0 : i32
      %dma_start3A_558 = tpu.memref_slice %dma_start3A_554[%dma_start3A_555, %dma_start3A_556, %dma_start3A_557] : memref<4x8x128xf32, #tpu.memory_space<vmem>> -> memref<2x8x128xf32, #tpu.memory_space<vmem>>
      %dma_start3A_559 = arith.constant 2 : i32
      %dma_start3A_560 = arith.constant 0 : i32
      %dma_start3A_561 = tpu.memref_slice %arg4[%dma_start3A_559, %dma_start3A_560, %multiple_of3A_479] : memref<4x8x1000000xf32, #tpu.memory_space<hbm>> -> memref<2x8x128xf32, #tpu.memory_space<hbm>>
      tpu.enqueue_dma source(%dma_start3A_561 : memref<2x8x128xf32, #tpu.memory_space<hbm>>) target(%dma_start3A_558 : memref<2x8x128xf32, #tpu.memory_space<vmem>>) target_semaphore(%arg13 : memref<!tpu.dma_semaphore, #tpu.memory_space<semaphore_mem>>)
      %dma_start3A_562 = arith.constant 4 : i32
      %dma_start3A_563 = arith.constant 0 : i32
      %dma_start3A_564 = arith.constant 0 : i32
      %dma_start3A_565 = arith.constant 0 : i32
      %dma_start3A_566 = tpu.memref_slice %arg10[%dma_start3A_562, %dma_start3A_563, %dma_start3A_564, %dma_start3A_565] : memref<8x4x8x128xf32, #tpu.memory_space<vmem>> -> memref<1x4x8x128xf32, #tpu.memory_space<vmem>>
      %dma_start3A_567 = tpu.memref_squeeze %dma_start3A_566 : memref<1x4x8x128xf32, #tpu.memory_space<vmem>> -> memref<4x8x128xf32, #tpu.memory_space<vmem>>
      %dma_start3A_568 = arith.constant 2 : i32
      %dma_start3A_569 = arith.constant 0 : i32
      %dma_start3A_570 = arith.constant 0 : i32
      %dma_start3A_571 = tpu.memref_slice %dma_start3A_567[%dma_start3A_568, %dma_start3A_569, %dma_start3A_570] : memref<4x8x128xf32, #tpu.memory_space<vmem>> -> memref<2x8x128xf32, #tpu.memory_space<vmem>>
      %dma_start3A_572 = arith.constant 2 : i32
      %dma_start3A_573 = arith.constant 0 : i32
      %dma_start3A_574 = tpu.memref_slice %arg5[%dma_start3A_572, %dma_start3A_573, %multiple_of3A_486] : memref<4x8x1000000xf32, #tpu.memory_space<hbm>> -> memref<2x8x128xf32, #tpu.memory_space<hbm>>
      %dma_start3A_575 = arith.constant 0 : i32
      %dma_start3A_576 = arith.constant 0 : i32
      %dma_start3A_577 = arith.constant 0 : i32
      %dma_start3A_578 = tpu.memref_slice %arg10[%dma_start3A_562, %dma_start3A_575, %dma_start3A_576, %dma_start3A_577] : memref<8x4x8x128xf32, #tpu.memory_space<vmem>> -> memref<1x4x8x128xf32, #tpu.memory_space<vmem>>
      %dma_start3A_579 = tpu.memref_squeeze %dma_start3A_578 : memref<1x4x8x128xf32, #tpu.memory_space<vmem>> -> memref<4x8x128xf32, #tpu.memory_space<vmem>>
      %dma_start3A_580 = arith.constant 2 : i32
      %dma_start3A_581 = arith.constant 0 : i32
      %dma_start3A_582 = arith.constant 0 : i32
      %dma_start3A_583 = tpu.memref_slice %dma_start3A_579[%dma_start3A_580, %dma_start3A_581, %dma_start3A_582] : memref<4x8x128xf32, #tpu.memory_space<vmem>> -> memref<2x8x128xf32, #tpu.memory_space<vmem>>
      %dma_start3A_584 = arith.constant 2 : i32
      %dma_start3A_585 = arith.constant 0 : i32
      %dma_start3A_586 = tpu.memref_slice %arg5[%dma_start3A_584, %dma_start3A_585, %multiple_of3A_486] : memref<4x8x1000000xf32, #tpu.memory_space<hbm>> -> memref<2x8x128xf32, #tpu.memory_space<hbm>>
      tpu.enqueue_dma source(%dma_start3A_586 : memref<2x8x128xf32, #tpu.memory_space<hbm>>) target(%dma_start3A_583 : memref<2x8x128xf32, #tpu.memory_space<vmem>>) target_semaphore(%arg13 : memref<!tpu.dma_semaphore, #tpu.memory_space<semaphore_mem>>)
      %slice3A_587 = vector.extract_strided_slice %get3A_18 {offsets = [5], sizes = [1], strides = [1]} : vector<16xi32> to vector<1xi32>
      %squeeze3A_588 = vector.extract %slice3A_587[0] : i32 from vector<1xi32>
      %shift_right_logical3A_589 = arith.constant 7 : i32
      %shift_right_logical3A_590 = arith.shrui %squeeze3A_588, %shift_right_logical3A_589 : i32
      %mul3A_591 = arith.constant 128 : i32
      %mul3A_592 = arith.muli %shift_right_logical3A_590, %mul3A_591 : i32
      %multiple_of3A_593 = tpu.assume_multiple %mul3A_592, 128 : i32
      %slice3A_594 = vector.extract_strided_slice %get3A_20 {offsets = [5], sizes = [1], strides = [1]} : vector<16xi32> to vector<1xi32>
      %squeeze3A_595 = vector.extract %slice3A_594[0] : i32 from vector<1xi32>
      %shift_right_logical3A_596 = arith.constant 7 : i32
      %shift_right_logical3A_597 = arith.shrui %squeeze3A_595, %shift_right_logical3A_596 : i32
      %mul3A_598 = arith.constant 128 : i32
      %mul3A_599 = arith.muli %shift_right_logical3A_597, %mul3A_598 : i32
      %multiple_of3A_600 = tpu.assume_multiple %mul3A_599, 128 : i32
      %dma_start3A_601 = arith.constant 5 : i32
      %dma_start3A_602 = arith.constant 0 : i32
      %dma_start3A_603 = arith.constant 0 : i32
      %dma_start3A_604 = arith.constant 0 : i32
      %dma_start3A_605 = tpu.memref_slice %arg9[%dma_start3A_601, %dma_start3A_602, %dma_start3A_603, %dma_start3A_604] : memref<8x4x8x128xf32, #tpu.memory_space<vmem>> -> memref<1x4x8x128xf32, #tpu.memory_space<vmem>>
      %dma_start3A_606 = tpu.memref_squeeze %dma_start3A_605 : memref<1x4x8x128xf32, #tpu.memory_space<vmem>> -> memref<4x8x128xf32, #tpu.memory_space<vmem>>
      %dma_start3A_607 = arith.constant 0 : i32
      %dma_start3A_608 = arith.constant 0 : i32
      %dma_start3A_609 = arith.constant 0 : i32
      %dma_start3A_610 = tpu.memref_slice %dma_start3A_606[%dma_start3A_607, %dma_start3A_608, %dma_start3A_609] : memref<4x8x128xf32, #tpu.memory_space<vmem>> -> memref<2x8x128xf32, #tpu.memory_space<vmem>>
      %dma_start3A_611 = arith.constant 0 : i32
      %dma_start3A_612 = arith.constant 0 : i32
      %dma_start3A_613 = tpu.memref_slice %arg4[%dma_start3A_611, %dma_start3A_612, %multiple_of3A_593] : memref<4x8x1000000xf32, #tpu.memory_space<hbm>> -> memref<2x8x128xf32, #tpu.memory_space<hbm>>
      %dma_start3A_614 = arith.constant 0 : i32
      %dma_start3A_615 = arith.constant 0 : i32
      %dma_start3A_616 = arith.constant 0 : i32
      %dma_start3A_617 = tpu.memref_slice %arg9[%dma_start3A_601, %dma_start3A_614, %dma_start3A_615, %dma_start3A_616] : memref<8x4x8x128xf32, #tpu.memory_space<vmem>> -> memref<1x4x8x128xf32, #tpu.memory_space<vmem>>
      %dma_start3A_618 = tpu.memref_squeeze %dma_start3A_617 : memref<1x4x8x128xf32, #tpu.memory_space<vmem>> -> memref<4x8x128xf32, #tpu.memory_space<vmem>>
      %dma_start3A_619 = arith.constant 0 : i32
      %dma_start3A_620 = arith.constant 0 : i32
      %dma_start3A_621 = arith.constant 0 : i32
      %dma_start3A_622 = tpu.memref_slice %dma_start3A_618[%dma_start3A_619, %dma_start3A_620, %dma_start3A_621] : memref<4x8x128xf32, #tpu.memory_space<vmem>> -> memref<2x8x128xf32, #tpu.memory_space<vmem>>
      %dma_start3A_623 = arith.constant 0 : i32
      %dma_start3A_624 = arith.constant 0 : i32
      %dma_start3A_625 = tpu.memref_slice %arg4[%dma_start3A_623, %dma_start3A_624, %multiple_of3A_593] : memref<4x8x1000000xf32, #tpu.memory_space<hbm>> -> memref<2x8x128xf32, #tpu.memory_space<hbm>>
      tpu.enqueue_dma source(%dma_start3A_625 : memref<2x8x128xf32, #tpu.memory_space<hbm>>) target(%dma_start3A_622 : memref<2x8x128xf32, #tpu.memory_space<vmem>>) target_semaphore(%arg13 : memref<!tpu.dma_semaphore, #tpu.memory_space<semaphore_mem>>)
      %dma_start3A_626 = arith.constant 5 : i32
      %dma_start3A_627 = arith.constant 0 : i32
      %dma_start3A_628 = arith.constant 0 : i32
      %dma_start3A_629 = arith.constant 0 : i32
      %dma_start3A_630 = tpu.memref_slice %arg10[%dma_start3A_626, %dma_start3A_627, %dma_start3A_628, %dma_start3A_629] : memref<8x4x8x128xf32, #tpu.memory_space<vmem>> -> memref<1x4x8x128xf32, #tpu.memory_space<vmem>>
      %dma_start3A_631 = tpu.memref_squeeze %dma_start3A_630 : memref<1x4x8x128xf32, #tpu.memory_space<vmem>> -> memref<4x8x128xf32, #tpu.memory_space<vmem>>
      %dma_start3A_632 = arith.constant 0 : i32
      %dma_start3A_633 = arith.constant 0 : i32
      %dma_start3A_634 = arith.constant 0 : i32
      %dma_start3A_635 = tpu.memref_slice %dma_start3A_631[%dma_start3A_632, %dma_start3A_633, %dma_start3A_634] : memref<4x8x128xf32, #tpu.memory_space<vmem>> -> memref<2x8x128xf32, #tpu.memory_space<vmem>>
      %dma_start3A_636 = arith.constant 0 : i32
      %dma_start3A_637 = arith.constant 0 : i32
      %dma_start3A_638 = tpu.memref_slice %arg5[%dma_start3A_636, %dma_start3A_637, %multiple_of3A_600] : memref<4x8x1000000xf32, #tpu.memory_space<hbm>> -> memref<2x8x128xf32, #tpu.memory_space<hbm>>
      %dma_start3A_639 = arith.constant 0 : i32
      %dma_start3A_640 = arith.constant 0 : i32
      %dma_start3A_641 = arith.constant 0 : i32
      %dma_start3A_642 = tpu.memref_slice %arg10[%dma_start3A_626, %dma_start3A_639, %dma_start3A_640, %dma_start3A_641] : memref<8x4x8x128xf32, #tpu.memory_space<vmem>> -> memref<1x4x8x128xf32, #tpu.memory_space<vmem>>
      %dma_start3A_643 = tpu.memref_squeeze %dma_start3A_642 : memref<1x4x8x128xf32, #tpu.memory_space<vmem>> -> memref<4x8x128xf32, #tpu.memory_space<vmem>>
      %dma_start3A_644 = arith.constant 0 : i32
      %dma_start3A_645 = arith.constant 0 : i32
      %dma_start3A_646 = arith.constant 0 : i32
      %dma_start3A_647 = tpu.memref_slice %dma_start3A_643[%dma_start3A_644, %dma_start3A_645, %dma_start3A_646] : memref<4x8x128xf32, #tpu.memory_space<vmem>> -> memref<2x8x128xf32, #tpu.memory_space<vmem>>
      %dma_start3A_648 = arith.constant 0 : i32
      %dma_start3A_649 = arith.constant 0 : i32
      %dma_start3A_650 = tpu.memref_slice %arg5[%dma_start3A_648, %dma_start3A_649, %multiple_of3A_600] : memref<4x8x1000000xf32, #tpu.memory_space<hbm>> -> memref<2x8x128xf32, #tpu.memory_space<hbm>>
      tpu.enqueue_dma source(%dma_start3A_650 : memref<2x8x128xf32, #tpu.memory_space<hbm>>) target(%dma_start3A_647 : memref<2x8x128xf32, #tpu.memory_space<vmem>>) target_semaphore(%arg13 : memref<!tpu.dma_semaphore, #tpu.memory_space<semaphore_mem>>)
      %dma_start3A_651 = arith.constant 5 : i32
      %dma_start3A_652 = arith.constant 0 : i32
      %dma_start3A_653 = arith.constant 0 : i32
      %dma_start3A_654 = arith.constant 0 : i32
      %dma_start3A_655 = tpu.memref_slice %arg9[%dma_start3A_651, %dma_start3A_652, %dma_start3A_653, %dma_start3A_654] : memref<8x4x8x128xf32, #tpu.memory_space<vmem>> -> memref<1x4x8x128xf32, #tpu.memory_space<vmem>>
      %dma_start3A_656 = tpu.memref_squeeze %dma_start3A_655 : memref<1x4x8x128xf32, #tpu.memory_space<vmem>> -> memref<4x8x128xf32, #tpu.memory_space<vmem>>
      %dma_start3A_657 = arith.constant 2 : i32
      %dma_start3A_658 = arith.constant 0 : i32
      %dma_start3A_659 = arith.constant 0 : i32
      %dma_start3A_660 = tpu.memref_slice %dma_start3A_656[%dma_start3A_657, %dma_start3A_658, %dma_start3A_659] : memref<4x8x128xf32, #tpu.memory_space<vmem>> -> memref<2x8x128xf32, #tpu.memory_space<vmem>>
      %dma_start3A_661 = arith.constant 2 : i32
      %dma_start3A_662 = arith.constant 0 : i32
      %dma_start3A_663 = tpu.memref_slice %arg4[%dma_start3A_661, %dma_start3A_662, %multiple_of3A_593] : memref<4x8x1000000xf32, #tpu.memory_space<hbm>> -> memref<2x8x128xf32, #tpu.memory_space<hbm>>
      %dma_start3A_664 = arith.constant 0 : i32
      %dma_start3A_665 = arith.constant 0 : i32
      %dma_start3A_666 = arith.constant 0 : i32
      %dma_start3A_667 = tpu.memref_slice %arg9[%dma_start3A_651, %dma_start3A_664, %dma_start3A_665, %dma_start3A_666] : memref<8x4x8x128xf32, #tpu.memory_space<vmem>> -> memref<1x4x8x128xf32, #tpu.memory_space<vmem>>
      %dma_start3A_668 = tpu.memref_squeeze %dma_start3A_667 : memref<1x4x8x128xf32, #tpu.memory_space<vmem>> -> memref<4x8x128xf32, #tpu.memory_space<vmem>>
      %dma_start3A_669 = arith.constant 2 : i32
      %dma_start3A_670 = arith.constant 0 : i32
      %dma_start3A_671 = arith.constant 0 : i32
      %dma_start3A_672 = tpu.memref_slice %dma_start3A_668[%dma_start3A_669, %dma_start3A_670, %dma_start3A_671] : memref<4x8x128xf32, #tpu.memory_space<vmem>> -> memref<2x8x128xf32, #tpu.memory_space<vmem>>
      %dma_start3A_673 = arith.constant 2 : i32
      %dma_start3A_674 = arith.constant 0 : i32
      %dma_start3A_675 = tpu.memref_slice %arg4[%dma_start3A_673, %dma_start3A_674, %multiple_of3A_593] : memref<4x8x1000000xf32, #tpu.memory_space<hbm>> -> memref<2x8x128xf32, #tpu.memory_space<hbm>>
      tpu.enqueue_dma source(%dma_start3A_675 : memref<2x8x128xf32, #tpu.memory_space<hbm>>) target(%dma_start3A_672 : memref<2x8x128xf32, #tpu.memory_space<vmem>>) target_semaphore(%arg13 : memref<!tpu.dma_semaphore, #tpu.memory_space<semaphore_mem>>)
      %dma_start3A_676 = arith.constant 5 : i32
      %dma_start3A_677 = arith.constant 0 : i32
      %dma_start3A_678 = arith.constant 0 : i32
      %dma_start3A_679 = arith.constant 0 : i32
      %dma_start3A_680 = tpu.memref_slice %arg10[%dma_start3A_676, %dma_start3A_677, %dma_start3A_678, %dma_start3A_679] : memref<8x4x8x128xf32, #tpu.memory_space<vmem>> -> memref<1x4x8x128xf32, #tpu.memory_space<vmem>>
      %dma_start3A_681 = tpu.memref_squeeze %dma_start3A_680 : memref<1x4x8x128xf32, #tpu.memory_space<vmem>> -> memref<4x8x128xf32, #tpu.memory_space<vmem>>
      %dma_start3A_682 = arith.constant 2 : i32
      %dma_start3A_683 = arith.constant 0 : i32
      %dma_start3A_684 = arith.constant 0 : i32
      %dma_start3A_685 = tpu.memref_slice %dma_start3A_681[%dma_start3A_682, %dma_start3A_683, %dma_start3A_684] : memref<4x8x128xf32, #tpu.memory_space<vmem>> -> memref<2x8x128xf32, #tpu.memory_space<vmem>>
      %dma_start3A_686 = arith.constant 2 : i32
      %dma_start3A_687 = arith.constant 0 : i32
      %dma_start3A_688 = tpu.memref_slice %arg5[%dma_start3A_686, %dma_start3A_687, %multiple_of3A_600] : memref<4x8x1000000xf32, #tpu.memory_space<hbm>> -> memref<2x8x128xf32, #tpu.memory_space<hbm>>
      %dma_start3A_689 = arith.constant 0 : i32
      %dma_start3A_690 = arith.constant 0 : i32
      %dma_start3A_691 = arith.constant 0 : i32
      %dma_start3A_692 = tpu.memref_slice %arg10[%dma_start3A_676, %dma_start3A_689, %dma_start3A_690, %dma_start3A_691] : memref<8x4x8x128xf32, #tpu.memory_space<vmem>> -> memref<1x4x8x128xf32, #tpu.memory_space<vmem>>
      %dma_start3A_693 = tpu.memref_squeeze %dma_start3A_692 : memref<1x4x8x128xf32, #tpu.memory_space<vmem>> -> memref<4x8x128xf32, #tpu.memory_space<vmem>>
      %dma_start3A_694 = arith.constant 2 : i32
      %dma_start3A_695 = arith.constant 0 : i32
      %dma_start3A_696 = arith.constant 0 : i32
      %dma_start3A_697 = tpu.memref_slice %dma_start3A_693[%dma_start3A_694, %dma_start3A_695, %dma_start3A_696] : memref<4x8x128xf32, #tpu.memory_space<vmem>> -> memref<2x8x128xf32, #tpu.memory_space<vmem>>
      %dma_start3A_698 = arith.constant 2 : i32
      %dma_start3A_699 = arith.constant 0 : i32
      %dma_start3A_700 = tpu.memref_slice %arg5[%dma_start3A_698, %dma_start3A_699, %multiple_of3A_600] : memref<4x8x1000000xf32, #tpu.memory_space<hbm>> -> memref<2x8x128xf32, #tpu.memory_space<hbm>>
      tpu.enqueue_dma source(%dma_start3A_700 : memref<2x8x128xf32, #tpu.memory_space<hbm>>) target(%dma_start3A_697 : memref<2x8x128xf32, #tpu.memory_space<vmem>>) target_semaphore(%arg13 : memref<!tpu.dma_semaphore, #tpu.memory_space<semaphore_mem>>)
      %slice3A_701 = vector.extract_strided_slice %get3A_18 {offsets = [6], sizes = [1], strides = [1]} : vector<16xi32> to vector<1xi32>
      %squeeze3A_702 = vector.extract %slice3A_701[0] : i32 from vector<1xi32>
      %shift_right_logical3A_703 = arith.constant 7 : i32
      %shift_right_logical3A_704 = arith.shrui %squeeze3A_702, %shift_right_logical3A_703 : i32
      %mul3A_705 = arith.constant 128 : i32
      %mul3A_706 = arith.muli %shift_right_logical3A_704, %mul3A_705 : i32
      %multiple_of3A_707 = tpu.assume_multiple %mul3A_706, 128 : i32
      %slice3A_708 = vector.extract_strided_slice %get3A_20 {offsets = [6], sizes = [1], strides = [1]} : vector<16xi32> to vector<1xi32>
      %squeeze3A_709 = vector.extract %slice3A_708[0] : i32 from vector<1xi32>
      %shift_right_logical3A_710 = arith.constant 7 : i32
      %shift_right_logical3A_711 = arith.shrui %squeeze3A_709, %shift_right_logical3A_710 : i32
      %mul3A_712 = arith.constant 128 : i32
      %mul3A_713 = arith.muli %shift_right_logical3A_711, %mul3A_712 : i32
      %multiple_of3A_714 = tpu.assume_multiple %mul3A_713, 128 : i32
      %dma_start3A_715 = arith.constant 6 : i32
      %dma_start3A_716 = arith.constant 0 : i32
      %dma_start3A_717 = arith.constant 0 : i32
      %dma_start3A_718 = arith.constant 0 : i32
      %dma_start3A_719 = tpu.memref_slice %arg9[%dma_start3A_715, %dma_start3A_716, %dma_start3A_717, %dma_start3A_718] : memref<8x4x8x128xf32, #tpu.memory_space<vmem>> -> memref<1x4x8x128xf32, #tpu.memory_space<vmem>>
      %dma_start3A_720 = tpu.memref_squeeze %dma_start3A_719 : memref<1x4x8x128xf32, #tpu.memory_space<vmem>> -> memref<4x8x128xf32, #tpu.memory_space<vmem>>
      %dma_start3A_721 = arith.constant 0 : i32
      %dma_start3A_722 = arith.constant 0 : i32
      %dma_start3A_723 = arith.constant 0 : i32
      %dma_start3A_724 = tpu.memref_slice %dma_start3A_720[%dma_start3A_721, %dma_start3A_722, %dma_start3A_723] : memref<4x8x128xf32, #tpu.memory_space<vmem>> -> memref<2x8x128xf32, #tpu.memory_space<vmem>>
      %dma_start3A_725 = arith.constant 0 : i32
      %dma_start3A_726 = arith.constant 0 : i32
      %dma_start3A_727 = tpu.memref_slice %arg4[%dma_start3A_725, %dma_start3A_726, %multiple_of3A_707] : memref<4x8x1000000xf32, #tpu.memory_space<hbm>> -> memref<2x8x128xf32, #tpu.memory_space<hbm>>
      %dma_start3A_728 = arith.constant 0 : i32
      %dma_start3A_729 = arith.constant 0 : i32
      %dma_start3A_730 = arith.constant 0 : i32
      %dma_start3A_731 = tpu.memref_slice %arg9[%dma_start3A_715, %dma_start3A_728, %dma_start3A_729, %dma_start3A_730] : memref<8x4x8x128xf32, #tpu.memory_space<vmem>> -> memref<1x4x8x128xf32, #tpu.memory_space<vmem>>
      %dma_start3A_732 = tpu.memref_squeeze %dma_start3A_731 : memref<1x4x8x128xf32, #tpu.memory_space<vmem>> -> memref<4x8x128xf32, #tpu.memory_space<vmem>>
      %dma_start3A_733 = arith.constant 0 : i32
      %dma_start3A_734 = arith.constant 0 : i32
      %dma_start3A_735 = arith.constant 0 : i32
      %dma_start3A_736 = tpu.memref_slice %dma_start3A_732[%dma_start3A_733, %dma_start3A_734, %dma_start3A_735] : memref<4x8x128xf32, #tpu.memory_space<vmem>> -> memref<2x8x128xf32, #tpu.memory_space<vmem>>
      %dma_start3A_737 = arith.constant 0 : i32
      %dma_start3A_738 = arith.constant 0 : i32
      %dma_start3A_739 = tpu.memref_slice %arg4[%dma_start3A_737, %dma_start3A_738, %multiple_of3A_707] : memref<4x8x1000000xf32, #tpu.memory_space<hbm>> -> memref<2x8x128xf32, #tpu.memory_space<hbm>>
      tpu.enqueue_dma source(%dma_start3A_739 : memref<2x8x128xf32, #tpu.memory_space<hbm>>) target(%dma_start3A_736 : memref<2x8x128xf32, #tpu.memory_space<vmem>>) target_semaphore(%arg13 : memref<!tpu.dma_semaphore, #tpu.memory_space<semaphore_mem>>)
      %dma_start3A_740 = arith.constant 6 : i32
      %dma_start3A_741 = arith.constant 0 : i32
      %dma_start3A_742 = arith.constant 0 : i32
      %dma_start3A_743 = arith.constant 0 : i32
      %dma_start3A_744 = tpu.memref_slice %arg10[%dma_start3A_740, %dma_start3A_741, %dma_start3A_742, %dma_start3A_743] : memref<8x4x8x128xf32, #tpu.memory_space<vmem>> -> memref<1x4x8x128xf32, #tpu.memory_space<vmem>>
      %dma_start3A_745 = tpu.memref_squeeze %dma_start3A_744 : memref<1x4x8x128xf32, #tpu.memory_space<vmem>> -> memref<4x8x128xf32, #tpu.memory_space<vmem>>
      %dma_start3A_746 = arith.constant 0 : i32
      %dma_start3A_747 = arith.constant 0 : i32
      %dma_start3A_748 = arith.constant 0 : i32
      %dma_start3A_749 = tpu.memref_slice %dma_start3A_745[%dma_start3A_746, %dma_start3A_747, %dma_start3A_748] : memref<4x8x128xf32, #tpu.memory_space<vmem>> -> memref<2x8x128xf32, #tpu.memory_space<vmem>>
      %dma_start3A_750 = arith.constant 0 : i32
      %dma_start3A_751 = arith.constant 0 : i32
      %dma_start3A_752 = tpu.memref_slice %arg5[%dma_start3A_750, %dma_start3A_751, %multiple_of3A_714] : memref<4x8x1000000xf32, #tpu.memory_space<hbm>> -> memref<2x8x128xf32, #tpu.memory_space<hbm>>
      %dma_start3A_753 = arith.constant 0 : i32
      %dma_start3A_754 = arith.constant 0 : i32
      %dma_start3A_755 = arith.constant 0 : i32
      %dma_start3A_756 = tpu.memref_slice %arg10[%dma_start3A_740, %dma_start3A_753, %dma_start3A_754, %dma_start3A_755] : memref<8x4x8x128xf32, #tpu.memory_space<vmem>> -> memref<1x4x8x128xf32, #tpu.memory_space<vmem>>
      %dma_start3A_757 = tpu.memref_squeeze %dma_start3A_756 : memref<1x4x8x128xf32, #tpu.memory_space<vmem>> -> memref<4x8x128xf32, #tpu.memory_space<vmem>>
      %dma_start3A_758 = arith.constant 0 : i32
      %dma_start3A_759 = arith.constant 0 : i32
      %dma_start3A_760 = arith.constant 0 : i32
      %dma_start3A_761 = tpu.memref_slice %dma_start3A_757[%dma_start3A_758, %dma_start3A_759, %dma_start3A_760] : memref<4x8x128xf32, #tpu.memory_space<vmem>> -> memref<2x8x128xf32, #tpu.memory_space<vmem>>
      %dma_start3A_762 = arith.constant 0 : i32
      %dma_start3A_763 = arith.constant 0 : i32
      %dma_start3A_764 = tpu.memref_slice %arg5[%dma_start3A_762, %dma_start3A_763, %multiple_of3A_714] : memref<4x8x1000000xf32, #tpu.memory_space<hbm>> -> memref<2x8x128xf32, #tpu.memory_space<hbm>>
      tpu.enqueue_dma source(%dma_start3A_764 : memref<2x8x128xf32, #tpu.memory_space<hbm>>) target(%dma_start3A_761 : memref<2x8x128xf32, #tpu.memory_space<vmem>>) target_semaphore(%arg13 : memref<!tpu.dma_semaphore, #tpu.memory_space<semaphore_mem>>)
      %dma_start3A_765 = arith.constant 6 : i32
      %dma_start3A_766 = arith.constant 0 : i32
      %dma_start3A_767 = arith.constant 0 : i32
      %dma_start3A_768 = arith.constant 0 : i32
      %dma_start3A_769 = tpu.memref_slice %arg9[%dma_start3A_765, %dma_start3A_766, %dma_start3A_767, %dma_start3A_768] : memref<8x4x8x128xf32, #tpu.memory_space<vmem>> -> memref<1x4x8x128xf32, #tpu.memory_space<vmem>>
      %dma_start3A_770 = tpu.memref_squeeze %dma_start3A_769 : memref<1x4x8x128xf32, #tpu.memory_space<vmem>> -> memref<4x8x128xf32, #tpu.memory_space<vmem>>
      %dma_start3A_771 = arith.constant 2 : i32
      %dma_start3A_772 = arith.constant 0 : i32
      %dma_start3A_773 = arith.constant 0 : i32
      %dma_start3A_774 = tpu.memref_slice %dma_start3A_770[%dma_start3A_771, %dma_start3A_772, %dma_start3A_773] : memref<4x8x128xf32, #tpu.memory_space<vmem>> -> memref<2x8x128xf32, #tpu.memory_space<vmem>>
      %dma_start3A_775 = arith.constant 2 : i32
      %dma_start3A_776 = arith.constant 0 : i32
      %dma_start3A_777 = tpu.memref_slice %arg4[%dma_start3A_775, %dma_start3A_776, %multiple_of3A_707] : memref<4x8x1000000xf32, #tpu.memory_space<hbm>> -> memref<2x8x128xf32, #tpu.memory_space<hbm>>
      %dma_start3A_778 = arith.constant 0 : i32
      %dma_start3A_779 = arith.constant 0 : i32
      %dma_start3A_780 = arith.constant 0 : i32
      %dma_start3A_781 = tpu.memref_slice %arg9[%dma_start3A_765, %dma_start3A_778, %dma_start3A_779, %dma_start3A_780] : memref<8x4x8x128xf32, #tpu.memory_space<vmem>> -> memref<1x4x8x128xf32, #tpu.memory_space<vmem>>
      %dma_start3A_782 = tpu.memref_squeeze %dma_start3A_781 : memref<1x4x8x128xf32, #tpu.memory_space<vmem>> -> memref<4x8x128xf32, #tpu.memory_space<vmem>>
      %dma_start3A_783 = arith.constant 2 : i32
      %dma_start3A_784 = arith.constant 0 : i32
      %dma_start3A_785 = arith.constant 0 : i32
      %dma_start3A_786 = tpu.memref_slice %dma_start3A_782[%dma_start3A_783, %dma_start3A_784, %dma_start3A_785] : memref<4x8x128xf32, #tpu.memory_space<vmem>> -> memref<2x8x128xf32, #tpu.memory_space<vmem>>
      %dma_start3A_787 = arith.constant 2 : i32
      %dma_start3A_788 = arith.constant 0 : i32
      %dma_start3A_789 = tpu.memref_slice %arg4[%dma_start3A_787, %dma_start3A_788, %multiple_of3A_707] : memref<4x8x1000000xf32, #tpu.memory_space<hbm>> -> memref<2x8x128xf32, #tpu.memory_space<hbm>>
      tpu.enqueue_dma source(%dma_start3A_789 : memref<2x8x128xf32, #tpu.memory_space<hbm>>) target(%dma_start3A_786 : memref<2x8x128xf32, #tpu.memory_space<vmem>>) target_semaphore(%arg13 : memref<!tpu.dma_semaphore, #tpu.memory_space<semaphore_mem>>)
      %dma_start3A_790 = arith.constant 6 : i32
      %dma_start3A_791 = arith.constant 0 : i32
      %dma_start3A_792 = arith.constant 0 : i32
      %dma_start3A_793 = arith.constant 0 : i32
      %dma_start3A_794 = tpu.memref_slice %arg10[%dma_start3A_790, %dma_start3A_791, %dma_start3A_792, %dma_start3A_793] : memref<8x4x8x128xf32, #tpu.memory_space<vmem>> -> memref<1x4x8x128xf32, #tpu.memory_space<vmem>>
      %dma_start3A_795 = tpu.memref_squeeze %dma_start3A_794 : memref<1x4x8x128xf32, #tpu.memory_space<vmem>> -> memref<4x8x128xf32, #tpu.memory_space<vmem>>
      %dma_start3A_796 = arith.constant 2 : i32
      %dma_start3A_797 = arith.constant 0 : i32
      %dma_start3A_798 = arith.constant 0 : i32
      %dma_start3A_799 = tpu.memref_slice %dma_start3A_795[%dma_start3A_796, %dma_start3A_797, %dma_start3A_798] : memref<4x8x128xf32, #tpu.memory_space<vmem>> -> memref<2x8x128xf32, #tpu.memory_space<vmem>>
      %dma_start3A_800 = arith.constant 2 : i32
      %dma_start3A_801 = arith.constant 0 : i32
      %dma_start3A_802 = tpu.memref_slice %arg5[%dma_start3A_800, %dma_start3A_801, %multiple_of3A_714] : memref<4x8x1000000xf32, #tpu.memory_space<hbm>> -> memref<2x8x128xf32, #tpu.memory_space<hbm>>
      %dma_start3A_803 = arith.constant 0 : i32
      %dma_start3A_804 = arith.constant 0 : i32
      %dma_start3A_805 = arith.constant 0 : i32
      %dma_start3A_806 = tpu.memref_slice %arg10[%dma_start3A_790, %dma_start3A_803, %dma_start3A_804, %dma_start3A_805] : memref<8x4x8x128xf32, #tpu.memory_space<vmem>> -> memref<1x4x8x128xf32, #tpu.memory_space<vmem>>
      %dma_start3A_807 = tpu.memref_squeeze %dma_start3A_806 : memref<1x4x8x128xf32, #tpu.memory_space<vmem>> -> memref<4x8x128xf32, #tpu.memory_space<vmem>>
      %dma_start3A_808 = arith.constant 2 : i32
      %dma_start3A_809 = arith.constant 0 : i32
      %dma_start3A_810 = arith.constant 0 : i32
      %dma_start3A_811 = tpu.memref_slice %dma_start3A_807[%dma_start3A_808, %dma_start3A_809, %dma_start3A_810] : memref<4x8x128xf32, #tpu.memory_space<vmem>> -> memref<2x8x128xf32, #tpu.memory_space<vmem>>
      %dma_start3A_812 = arith.constant 2 : i32
      %dma_start3A_813 = arith.constant 0 : i32
      %dma_start3A_814 = tpu.memref_slice %arg5[%dma_start3A_812, %dma_start3A_813, %multiple_of3A_714] : memref<4x8x1000000xf32, #tpu.memory_space<hbm>> -> memref<2x8x128xf32, #tpu.memory_space<hbm>>
      tpu.enqueue_dma source(%dma_start3A_814 : memref<2x8x128xf32, #tpu.memory_space<hbm>>) target(%dma_start3A_811 : memref<2x8x128xf32, #tpu.memory_space<vmem>>) target_semaphore(%arg13 : memref<!tpu.dma_semaphore, #tpu.memory_space<semaphore_mem>>)
      %slice3A_815 = vector.extract_strided_slice %get3A_18 {offsets = [7], sizes = [1], strides = [1]} : vector<16xi32> to vector<1xi32>
      %squeeze3A_816 = vector.extract %slice3A_815[0] : i32 from vector<1xi32>
      %shift_right_logical3A_817 = arith.constant 7 : i32
      %shift_right_logical3A_818 = arith.shrui %squeeze3A_816, %shift_right_logical3A_817 : i32
      %mul3A_819 = arith.constant 128 : i32
      %mul3A_820 = arith.muli %shift_right_logical3A_818, %mul3A_819 : i32
      %multiple_of3A_821 = tpu.assume_multiple %mul3A_820, 128 : i32
      %slice3A_822 = vector.extract_strided_slice %get3A_20 {offsets = [7], sizes = [1], strides = [1]} : vector<16xi32> to vector<1xi32>
      %squeeze3A_823 = vector.extract %slice3A_822[0] : i32 from vector<1xi32>
      %shift_right_logical3A_824 = arith.constant 7 : i32
      %shift_right_logical3A_825 = arith.shrui %squeeze3A_823, %shift_right_logical3A_824 : i32
      %mul3A_826 = arith.constant 128 : i32
      %mul3A_827 = arith.muli %shift_right_logical3A_825, %mul3A_826 : i32
      %multiple_of3A_828 = tpu.assume_multiple %mul3A_827, 128 : i32
      %dma_start3A_829 = arith.constant 7 : i32
      %dma_start3A_830 = arith.constant 0 : i32
      %dma_start3A_831 = arith.constant 0 : i32
      %dma_start3A_832 = arith.constant 0 : i32
      %dma_start3A_833 = tpu.memref_slice %arg9[%dma_start3A_829, %dma_start3A_830, %dma_start3A_831, %dma_start3A_832] : memref<8x4x8x128xf32, #tpu.memory_space<vmem>> -> memref<1x4x8x128xf32, #tpu.memory_space<vmem>>
      %dma_start3A_834 = tpu.memref_squeeze %dma_start3A_833 : memref<1x4x8x128xf32, #tpu.memory_space<vmem>> -> memref<4x8x128xf32, #tpu.memory_space<vmem>>
      %dma_start3A_835 = arith.constant 0 : i32
      %dma_start3A_836 = arith.constant 0 : i32
      %dma_start3A_837 = arith.constant 0 : i32
      %dma_start3A_838 = tpu.memref_slice %dma_start3A_834[%dma_start3A_835, %dma_start3A_836, %dma_start3A_837] : memref<4x8x128xf32, #tpu.memory_space<vmem>> -> memref<2x8x128xf32, #tpu.memory_space<vmem>>
      %dma_start3A_839 = arith.constant 0 : i32
      %dma_start3A_840 = arith.constant 0 : i32
      %dma_start3A_841 = tpu.memref_slice %arg4[%dma_start3A_839, %dma_start3A_840, %multiple_of3A_821] : memref<4x8x1000000xf32, #tpu.memory_space<hbm>> -> memref<2x8x128xf32, #tpu.memory_space<hbm>>
      %dma_start3A_842 = arith.constant 0 : i32
      %dma_start3A_843 = arith.constant 0 : i32
      %dma_start3A_844 = arith.constant 0 : i32
      %dma_start3A_845 = tpu.memref_slice %arg9[%dma_start3A_829, %dma_start3A_842, %dma_start3A_843, %dma_start3A_844] : memref<8x4x8x128xf32, #tpu.memory_space<vmem>> -> memref<1x4x8x128xf32, #tpu.memory_space<vmem>>
      %dma_start3A_846 = tpu.memref_squeeze %dma_start3A_845 : memref<1x4x8x128xf32, #tpu.memory_space<vmem>> -> memref<4x8x128xf32, #tpu.memory_space<vmem>>
      %dma_start3A_847 = arith.constant 0 : i32
      %dma_start3A_848 = arith.constant 0 : i32
      %dma_start3A_849 = arith.constant 0 : i32
      %dma_start3A_850 = tpu.memref_slice %dma_start3A_846[%dma_start3A_847, %dma_start3A_848, %dma_start3A_849] : memref<4x8x128xf32, #tpu.memory_space<vmem>> -> memref<2x8x128xf32, #tpu.memory_space<vmem>>
      %dma_start3A_851 = arith.constant 0 : i32
      %dma_start3A_852 = arith.constant 0 : i32
      %dma_start3A_853 = tpu.memref_slice %arg4[%dma_start3A_851, %dma_start3A_852, %multiple_of3A_821] : memref<4x8x1000000xf32, #tpu.memory_space<hbm>> -> memref<2x8x128xf32, #tpu.memory_space<hbm>>
      tpu.enqueue_dma source(%dma_start3A_853 : memref<2x8x128xf32, #tpu.memory_space<hbm>>) target(%dma_start3A_850 : memref<2x8x128xf32, #tpu.memory_space<vmem>>) target_semaphore(%arg13 : memref<!tpu.dma_semaphore, #tpu.memory_space<semaphore_mem>>)
      %dma_start3A_854 = arith.constant 7 : i32
      %dma_start3A_855 = arith.constant 0 : i32
      %dma_start3A_856 = arith.constant 0 : i32
      %dma_start3A_857 = arith.constant 0 : i32
      %dma_start3A_858 = tpu.memref_slice %arg10[%dma_start3A_854, %dma_start3A_855, %dma_start3A_856, %dma_start3A_857] : memref<8x4x8x128xf32, #tpu.memory_space<vmem>> -> memref<1x4x8x128xf32, #tpu.memory_space<vmem>>
      %dma_start3A_859 = tpu.memref_squeeze %dma_start3A_858 : memref<1x4x8x128xf32, #tpu.memory_space<vmem>> -> memref<4x8x128xf32, #tpu.memory_space<vmem>>
      %dma_start3A_860 = arith.constant 0 : i32
      %dma_start3A_861 = arith.constant 0 : i32
      %dma_start3A_862 = arith.constant 0 : i32
      %dma_start3A_863 = tpu.memref_slice %dma_start3A_859[%dma_start3A_860, %dma_start3A_861, %dma_start3A_862] : memref<4x8x128xf32, #tpu.memory_space<vmem>> -> memref<2x8x128xf32, #tpu.memory_space<vmem>>
      %dma_start3A_864 = arith.constant 0 : i32
      %dma_start3A_865 = arith.constant 0 : i32
      %dma_start3A_866 = tpu.memref_slice %arg5[%dma_start3A_864, %dma_start3A_865, %multiple_of3A_828] : memref<4x8x1000000xf32, #tpu.memory_space<hbm>> -> memref<2x8x128xf32, #tpu.memory_space<hbm>>
      %dma_start3A_867 = arith.constant 0 : i32
      %dma_start3A_868 = arith.constant 0 : i32
      %dma_start3A_869 = arith.constant 0 : i32
      %dma_start3A_870 = tpu.memref_slice %arg10[%dma_start3A_854, %dma_start3A_867, %dma_start3A_868, %dma_start3A_869] : memref<8x4x8x128xf32, #tpu.memory_space<vmem>> -> memref<1x4x8x128xf32, #tpu.memory_space<vmem>>
      %dma_start3A_871 = tpu.memref_squeeze %dma_start3A_870 : memref<1x4x8x128xf32, #tpu.memory_space<vmem>> -> memref<4x8x128xf32, #tpu.memory_space<vmem>>
      %dma_start3A_872 = arith.constant 0 : i32
      %dma_start3A_873 = arith.constant 0 : i32
      %dma_start3A_874 = arith.constant 0 : i32
      %dma_start3A_875 = tpu.memref_slice %dma_start3A_871[%dma_start3A_872, %dma_start3A_873, %dma_start3A_874] : memref<4x8x128xf32, #tpu.memory_space<vmem>> -> memref<2x8x128xf32, #tpu.memory_space<vmem>>
      %dma_start3A_876 = arith.constant 0 : i32
      %dma_start3A_877 = arith.constant 0 : i32
      %dma_start3A_878 = tpu.memref_slice %arg5[%dma_start3A_876, %dma_start3A_877, %multiple_of3A_828] : memref<4x8x1000000xf32, #tpu.memory_space<hbm>> -> memref<2x8x128xf32, #tpu.memory_space<hbm>>
      tpu.enqueue_dma source(%dma_start3A_878 : memref<2x8x128xf32, #tpu.memory_space<hbm>>) target(%dma_start3A_875 : memref<2x8x128xf32, #tpu.memory_space<vmem>>) target_semaphore(%arg13 : memref<!tpu.dma_semaphore, #tpu.memory_space<semaphore_mem>>)
      %dma_start3A_879 = arith.constant 7 : i32
      %dma_start3A_880 = arith.constant 0 : i32
      %dma_start3A_881 = arith.constant 0 : i32
      %dma_start3A_882 = arith.constant 0 : i32
      %dma_start3A_883 = tpu.memref_slice %arg9[%dma_start3A_879, %dma_start3A_880, %dma_start3A_881, %dma_start3A_882] : memref<8x4x8x128xf32, #tpu.memory_space<vmem>> -> memref<1x4x8x128xf32, #tpu.memory_space<vmem>>
      %dma_start3A_884 = tpu.memref_squeeze %dma_start3A_883 : memref<1x4x8x128xf32, #tpu.memory_space<vmem>> -> memref<4x8x128xf32, #tpu.memory_space<vmem>>
      %dma_start3A_885 = arith.constant 2 : i32
      %dma_start3A_886 = arith.constant 0 : i32
      %dma_start3A_887 = arith.constant 0 : i32
      %dma_start3A_888 = tpu.memref_slice %dma_start3A_884[%dma_start3A_885, %dma_start3A_886, %dma_start3A_887] : memref<4x8x128xf32, #tpu.memory_space<vmem>> -> memref<2x8x128xf32, #tpu.memory_space<vmem>>
      %dma_start3A_889 = arith.constant 2 : i32
      %dma_start3A_890 = arith.constant 0 : i32
      %dma_start3A_891 = tpu.memref_slice %arg4[%dma_start3A_889, %dma_start3A_890, %multiple_of3A_821] : memref<4x8x1000000xf32, #tpu.memory_space<hbm>> -> memref<2x8x128xf32, #tpu.memory_space<hbm>>
      %dma_start3A_892 = arith.constant 0 : i32
      %dma_start3A_893 = arith.constant 0 : i32
      %dma_start3A_894 = arith.constant 0 : i32
      %dma_start3A_895 = tpu.memref_slice %arg9[%dma_start3A_879, %dma_start3A_892, %dma_start3A_893, %dma_start3A_894] : memref<8x4x8x128xf32, #tpu.memory_space<vmem>> -> memref<1x4x8x128xf32, #tpu.memory_space<vmem>>
      %dma_start3A_896 = tpu.memref_squeeze %dma_start3A_895 : memref<1x4x8x128xf32, #tpu.memory_space<vmem>> -> memref<4x8x128xf32, #tpu.memory_space<vmem>>
      %dma_start3A_897 = arith.constant 2 : i32
      %dma_start3A_898 = arith.constant 0 : i32
      %dma_start3A_899 = arith.constant 0 : i32
      %dma_start3A_900 = tpu.memref_slice %dma_start3A_896[%dma_start3A_897, %dma_start3A_898, %dma_start3A_899] : memref<4x8x128xf32, #tpu.memory_space<vmem>> -> memref<2x8x128xf32, #tpu.memory_space<vmem>>
      %dma_start3A_901 = arith.constant 2 : i32
      %dma_start3A_902 = arith.constant 0 : i32
      %dma_start3A_903 = tpu.memref_slice %arg4[%dma_start3A_901, %dma_start3A_902, %multiple_of3A_821] : memref<4x8x1000000xf32, #tpu.memory_space<hbm>> -> memref<2x8x128xf32, #tpu.memory_space<hbm>>
      tpu.enqueue_dma source(%dma_start3A_903 : memref<2x8x128xf32, #tpu.memory_space<hbm>>) target(%dma_start3A_900 : memref<2x8x128xf32, #tpu.memory_space<vmem>>) target_semaphore(%arg13 : memref<!tpu.dma_semaphore, #tpu.memory_space<semaphore_mem>>)
      %dma_start3A_904 = arith.constant 7 : i32
      %dma_start3A_905 = arith.constant 0 : i32
      %dma_start3A_906 = arith.constant 0 : i32
      %dma_start3A_907 = arith.constant 0 : i32
      %dma_start3A_908 = tpu.memref_slice %arg10[%dma_start3A_904, %dma_start3A_905, %dma_start3A_906, %dma_start3A_907] : memref<8x4x8x128xf32, #tpu.memory_space<vmem>> -> memref<1x4x8x128xf32, #tpu.memory_space<vmem>>
      %dma_start3A_909 = tpu.memref_squeeze %dma_start3A_908 : memref<1x4x8x128xf32, #tpu.memory_space<vmem>> -> memref<4x8x128xf32, #tpu.memory_space<vmem>>
      %dma_start3A_910 = arith.constant 2 : i32
      %dma_start3A_911 = arith.constant 0 : i32
      %dma_start3A_912 = arith.constant 0 : i32
      %dma_start3A_913 = tpu.memref_slice %dma_start3A_909[%dma_start3A_910, %dma_start3A_911, %dma_start3A_912] : memref<4x8x128xf32, #tpu.memory_space<vmem>> -> memref<2x8x128xf32, #tpu.memory_space<vmem>>
      %dma_start3A_914 = arith.constant 2 : i32
      %dma_start3A_915 = arith.constant 0 : i32
      %dma_start3A_916 = tpu.memref_slice %arg5[%dma_start3A_914, %dma_start3A_915, %multiple_of3A_828] : memref<4x8x1000000xf32, #tpu.memory_space<hbm>> -> memref<2x8x128xf32, #tpu.memory_space<hbm>>
      %dma_start3A_917 = arith.constant 0 : i32
      %dma_start3A_918 = arith.constant 0 : i32
      %dma_start3A_919 = arith.constant 0 : i32
      %dma_start3A_920 = tpu.memref_slice %arg10[%dma_start3A_904, %dma_start3A_917, %dma_start3A_918, %dma_start3A_919] : memref<8x4x8x128xf32, #tpu.memory_space<vmem>> -> memref<1x4x8x128xf32, #tpu.memory_space<vmem>>
      %dma_start3A_921 = tpu.memref_squeeze %dma_start3A_920 : memref<1x4x8x128xf32, #tpu.memory_space<vmem>> -> memref<4x8x128xf32, #tpu.memory_space<vmem>>
      %dma_start3A_922 = arith.constant 2 : i32
      %dma_start3A_923 = arith.constant 0 : i32
      %dma_start3A_924 = arith.constant 0 : i32
      %dma_start3A_925 = tpu.memref_slice %dma_start3A_921[%dma_start3A_922, %dma_start3A_923, %dma_start3A_924] : memref<4x8x128xf32, #tpu.memory_space<vmem>> -> memref<2x8x128xf32, #tpu.memory_space<vmem>>
      %dma_start3A_926 = arith.constant 2 : i32
      %dma_start3A_927 = arith.constant 0 : i32
      %dma_start3A_928 = tpu.memref_slice %arg5[%dma_start3A_926, %dma_start3A_927, %multiple_of3A_828] : memref<4x8x1000000xf32, #tpu.memory_space<hbm>> -> memref<2x8x128xf32, #tpu.memory_space<hbm>>
      tpu.enqueue_dma source(%dma_start3A_928 : memref<2x8x128xf32, #tpu.memory_space<hbm>>) target(%dma_start3A_925 : memref<2x8x128xf32, #tpu.memory_space<vmem>>) target_semaphore(%arg13 : memref<!tpu.dma_semaphore, #tpu.memory_space<semaphore_mem>>)
      %dma_wait3A = arith.constant 0 : i32
      %dma_wait3A_929 = arith.constant 0 : i32
      %dma_wait3A_930 = arith.constant 0 : i32
      %dma_wait3A_931 = arith.constant 0 : i32
      %dma_wait3A_932 = tpu.memref_slice %arg9[%dma_wait3A, %dma_wait3A_929, %dma_wait3A_930, %dma_wait3A_931] : memref<8x4x8x128xf32, #tpu.memory_space<vmem>> -> memref<1x4x8x128xf32, #tpu.memory_space<vmem>>
      %dma_wait3A_933 = tpu.memref_squeeze %dma_wait3A_932 : memref<1x4x8x128xf32, #tpu.memory_space<vmem>> -> memref<4x8x128xf32, #tpu.memory_space<vmem>>
      %dma_wait3A_934 = arith.constant 0 : i32
      %dma_wait3A_935 = arith.constant 0 : i32
      %dma_wait3A_936 = arith.constant 0 : i32
      %dma_wait3A_937 = tpu.memref_slice %dma_wait3A_933[%dma_wait3A_934, %dma_wait3A_935, %dma_wait3A_936] : memref<4x8x128xf32, #tpu.memory_space<vmem>> -> memref<2x8x128xf32, #tpu.memory_space<vmem>>
      %dma_wait3A_938 = arith.constant 0 : i32
      %dma_wait3A_939 = arith.constant 0 : i32
      %dma_wait3A_940 = tpu.memref_slice %arg4[%dma_wait3A_938, %dma_wait3A_939, %multiple_of3A] : memref<4x8x1000000xf32, #tpu.memory_space<hbm>> -> memref<2x8x128xf32, #tpu.memory_space<hbm>>
      %dma_wait3A_941 = arith.constant 0 : i32
      %dma_wait3A_942 = arith.constant 0 : i32
      %dma_wait3A_943 = arith.constant 0 : i32
      %dma_wait3A_944 = tpu.memref_slice %arg9[%dma_wait3A, %dma_wait3A_941, %dma_wait3A_942, %dma_wait3A_943] : memref<8x4x8x128xf32, #tpu.memory_space<vmem>> -> memref<1x4x8x128xf32, #tpu.memory_space<vmem>>
      %dma_wait3A_945 = tpu.memref_squeeze %dma_wait3A_944 : memref<1x4x8x128xf32, #tpu.memory_space<vmem>> -> memref<4x8x128xf32, #tpu.memory_space<vmem>>
      %dma_wait3A_946 = arith.constant 0 : i32
      %dma_wait3A_947 = arith.constant 0 : i32
      %dma_wait3A_948 = arith.constant 0 : i32
      %dma_wait3A_949 = tpu.memref_slice %dma_wait3A_945[%dma_wait3A_946, %dma_wait3A_947, %dma_wait3A_948] : memref<4x8x128xf32, #tpu.memory_space<vmem>> -> memref<2x8x128xf32, #tpu.memory_space<vmem>>
      %dma_wait3A_950 = arith.constant 0 : i32
      %dma_wait3A_951 = arith.constant 0 : i32
      %dma_wait3A_952 = tpu.memref_slice %arg4[%dma_wait3A_950, %dma_wait3A_951, %multiple_of3A] : memref<4x8x1000000xf32, #tpu.memory_space<hbm>> -> memref<2x8x128xf32, #tpu.memory_space<hbm>>
      tpu.wait_dma2 semaphore(%arg13 : memref<!tpu.dma_semaphore, #tpu.memory_space<semaphore_mem>>) src(%dma_wait3A_952 : memref<2x8x128xf32, #tpu.memory_space<hbm>>) dst(%dma_wait3A_949 : memref<2x8x128xf32, #tpu.memory_space<vmem>>)
      %dma_wait3A_953 = arith.constant 0 : i32
      %dma_wait3A_954 = arith.constant 0 : i32
      %dma_wait3A_955 = arith.constant 0 : i32
      %dma_wait3A_956 = arith.constant 0 : i32
      %dma_wait3A_957 = tpu.memref_slice %arg10[%dma_wait3A_953, %dma_wait3A_954, %dma_wait3A_955, %dma_wait3A_956] : memref<8x4x8x128xf32, #tpu.memory_space<vmem>> -> memref<1x4x8x128xf32, #tpu.memory_space<vmem>>
      %dma_wait3A_958 = tpu.memref_squeeze %dma_wait3A_957 : memref<1x4x8x128xf32, #tpu.memory_space<vmem>> -> memref<4x8x128xf32, #tpu.memory_space<vmem>>
      %dma_wait3A_959 = arith.constant 0 : i32
      %dma_wait3A_960 = arith.constant 0 : i32
      %dma_wait3A_961 = arith.constant 0 : i32
      %dma_wait3A_962 = tpu.memref_slice %dma_wait3A_958[%dma_wait3A_959, %dma_wait3A_960, %dma_wait3A_961] : memref<4x8x128xf32, #tpu.memory_space<vmem>> -> memref<2x8x128xf32, #tpu.memory_space<vmem>>
      %dma_wait3A_963 = arith.constant 0 : i32
      %dma_wait3A_964 = arith.constant 0 : i32
      %dma_wait3A_965 = tpu.memref_slice %arg5[%dma_wait3A_963, %dma_wait3A_964, %multiple_of3A_31] : memref<4x8x1000000xf32, #tpu.memory_space<hbm>> -> memref<2x8x128xf32, #tpu.memory_space<hbm>>
      %dma_wait3A_966 = arith.constant 0 : i32
      %dma_wait3A_967 = arith.constant 0 : i32
      %dma_wait3A_968 = arith.constant 0 : i32
      %dma_wait3A_969 = tpu.memref_slice %arg10[%dma_wait3A_953, %dma_wait3A_966, %dma_wait3A_967, %dma_wait3A_968] : memref<8x4x8x128xf32, #tpu.memory_space<vmem>> -> memref<1x4x8x128xf32, #tpu.memory_space<vmem>>
      %dma_wait3A_970 = tpu.memref_squeeze %dma_wait3A_969 : memref<1x4x8x128xf32, #tpu.memory_space<vmem>> -> memref<4x8x128xf32, #tpu.memory_space<vmem>>
      %dma_wait3A_971 = arith.constant 0 : i32
      %dma_wait3A_972 = arith.constant 0 : i32
      %dma_wait3A_973 = arith.constant 0 : i32
      %dma_wait3A_974 = tpu.memref_slice %dma_wait3A_970[%dma_wait3A_971, %dma_wait3A_972, %dma_wait3A_973] : memref<4x8x128xf32, #tpu.memory_space<vmem>> -> memref<2x8x128xf32, #tpu.memory_space<vmem>>
      %dma_wait3A_975 = arith.constant 0 : i32
      %dma_wait3A_976 = arith.constant 0 : i32
      %dma_wait3A_977 = tpu.memref_slice %arg5[%dma_wait3A_975, %dma_wait3A_976, %multiple_of3A_31] : memref<4x8x1000000xf32, #tpu.memory_space<hbm>> -> memref<2x8x128xf32, #tpu.memory_space<hbm>>
      tpu.wait_dma2 semaphore(%arg13 : memref<!tpu.dma_semaphore, #tpu.memory_space<semaphore_mem>>) src(%dma_wait3A_977 : memref<2x8x128xf32, #tpu.memory_space<hbm>>) dst(%dma_wait3A_974 : memref<2x8x128xf32, #tpu.memory_space<vmem>>)
      %dma_wait3A_978 = arith.constant 0 : i32
      %dma_wait3A_979 = arith.constant 0 : i32
      %dma_wait3A_980 = arith.constant 0 : i32
      %dma_wait3A_981 = arith.constant 0 : i32
      %dma_wait3A_982 = tpu.memref_slice %arg9[%dma_wait3A_978, %dma_wait3A_979, %dma_wait3A_980, %dma_wait3A_981] : memref<8x4x8x128xf32, #tpu.memory_space<vmem>> -> memref<1x4x8x128xf32, #tpu.memory_space<vmem>>
      %dma_wait3A_983 = tpu.memref_squeeze %dma_wait3A_982 : memref<1x4x8x128xf32, #tpu.memory_space<vmem>> -> memref<4x8x128xf32, #tpu.memory_space<vmem>>
      %dma_wait3A_984 = arith.constant 2 : i32
      %dma_wait3A_985 = arith.constant 0 : i32
      %dma_wait3A_986 = arith.constant 0 : i32
      %dma_wait3A_987 = tpu.memref_slice %dma_wait3A_983[%dma_wait3A_984, %dma_wait3A_985, %dma_wait3A_986] : memref<4x8x128xf32, #tpu.memory_space<vmem>> -> memref<2x8x128xf32, #tpu.memory_space<vmem>>
      %dma_wait3A_988 = arith.constant 2 : i32
      %dma_wait3A_989 = arith.constant 0 : i32
      %dma_wait3A_990 = tpu.memref_slice %arg4[%dma_wait3A_988, %dma_wait3A_989, %multiple_of3A] : memref<4x8x1000000xf32, #tpu.memory_space<hbm>> -> memref<2x8x128xf32, #tpu.memory_space<hbm>>
      %dma_wait3A_991 = arith.constant 0 : i32
      %dma_wait3A_992 = arith.constant 0 : i32
      %dma_wait3A_993 = arith.constant 0 : i32
      %dma_wait3A_994 = tpu.memref_slice %arg9[%dma_wait3A_978, %dma_wait3A_991, %dma_wait3A_992, %dma_wait3A_993] : memref<8x4x8x128xf32, #tpu.memory_space<vmem>> -> memref<1x4x8x128xf32, #tpu.memory_space<vmem>>
      %dma_wait3A_995 = tpu.memref_squeeze %dma_wait3A_994 : memref<1x4x8x128xf32, #tpu.memory_space<vmem>> -> memref<4x8x128xf32, #tpu.memory_space<vmem>>
      %dma_wait3A_996 = arith.constant 2 : i32
      %dma_wait3A_997 = arith.constant 0 : i32
      %dma_wait3A_998 = arith.constant 0 : i32
      %dma_wait3A_999 = tpu.memref_slice %dma_wait3A_995[%dma_wait3A_996, %dma_wait3A_997, %dma_wait3A_998] : memref<4x8x128xf32, #tpu.memory_space<vmem>> -> memref<2x8x128xf32, #tpu.memory_space<vmem>>
      %dma_wait3A_1000 = arith.constant 2 : i32
      %dma_wait3A_1001 = arith.constant 0 : i32
      %dma_wait3A_1002 = tpu.memref_slice %arg4[%dma_wait3A_1000, %dma_wait3A_1001, %multiple_of3A] : memref<4x8x1000000xf32, #tpu.memory_space<hbm>> -> memref<2x8x128xf32, #tpu.memory_space<hbm>>
      tpu.wait_dma2 semaphore(%arg13 : memref<!tpu.dma_semaphore, #tpu.memory_space<semaphore_mem>>) src(%dma_wait3A_1002 : memref<2x8x128xf32, #tpu.memory_space<hbm>>) dst(%dma_wait3A_999 : memref<2x8x128xf32, #tpu.memory_space<vmem>>)
      %dma_wait3A_1003 = arith.constant 0 : i32
      %dma_wait3A_1004 = arith.constant 0 : i32
      %dma_wait3A_1005 = arith.constant 0 : i32
      %dma_wait3A_1006 = arith.constant 0 : i32
      %dma_wait3A_1007 = tpu.memref_slice %arg10[%dma_wait3A_1003, %dma_wait3A_1004, %dma_wait3A_1005, %dma_wait3A_1006] : memref<8x4x8x128xf32, #tpu.memory_space<vmem>> -> memref<1x4x8x128xf32, #tpu.memory_space<vmem>>
      %dma_wait3A_1008 = tpu.memref_squeeze %dma_wait3A_1007 : memref<1x4x8x128xf32, #tpu.memory_space<vmem>> -> memref<4x8x128xf32, #tpu.memory_space<vmem>>
      %dma_wait3A_1009 = arith.constant 2 : i32
      %dma_wait3A_1010 = arith.constant 0 : i32
      %dma_wait3A_1011 = arith.constant 0 : i32
      %dma_wait3A_1012 = tpu.memref_slice %dma_wait3A_1008[%dma_wait3A_1009, %dma_wait3A_1010, %dma_wait3A_1011] : memref<4x8x128xf32, #tpu.memory_space<vmem>> -> memref<2x8x128xf32, #tpu.memory_space<vmem>>
      %dma_wait3A_1013 = arith.constant 2 : i32
      %dma_wait3A_1014 = arith.constant 0 : i32
      %dma_wait3A_1015 = tpu.memref_slice %arg5[%dma_wait3A_1013, %dma_wait3A_1014, %multiple_of3A_31] : memref<4x8x1000000xf32, #tpu.memory_space<hbm>> -> memref<2x8x128xf32, #tpu.memory_space<hbm>>
      %dma_wait3A_1016 = arith.constant 0 : i32
      %dma_wait3A_1017 = arith.constant 0 : i32
      %dma_wait3A_1018 = arith.constant 0 : i32
      %dma_wait3A_1019 = tpu.memref_slice %arg10[%dma_wait3A_1003, %dma_wait3A_1016, %dma_wait3A_1017, %dma_wait3A_1018] : memref<8x4x8x128xf32, #tpu.memory_space<vmem>> -> memref<1x4x8x128xf32, #tpu.memory_space<vmem>>
      %dma_wait3A_1020 = tpu.memref_squeeze %dma_wait3A_1019 : memref<1x4x8x128xf32, #tpu.memory_space<vmem>> -> memref<4x8x128xf32, #tpu.memory_space<vmem>>
      %dma_wait3A_1021 = arith.constant 2 : i32
      %dma_wait3A_1022 = arith.constant 0 : i32
      %dma_wait3A_1023 = arith.constant 0 : i32
      %dma_wait3A_1024 = tpu.memref_slice %dma_wait3A_1020[%dma_wait3A_1021, %dma_wait3A_1022, %dma_wait3A_1023] : memref<4x8x128xf32, #tpu.memory_space<vmem>> -> memref<2x8x128xf32, #tpu.memory_space<vmem>>
      %dma_wait3A_1025 = arith.constant 2 : i32
      %dma_wait3A_1026 = arith.constant 0 : i32
      %dma_wait3A_1027 = tpu.memref_slice %arg5[%dma_wait3A_1025, %dma_wait3A_1026, %multiple_of3A_31] : memref<4x8x1000000xf32, #tpu.memory_space<hbm>> -> memref<2x8x128xf32, #tpu.memory_space<hbm>>
      tpu.wait_dma2 semaphore(%arg13 : memref<!tpu.dma_semaphore, #tpu.memory_space<semaphore_mem>>) src(%dma_wait3A_1027 : memref<2x8x128xf32, #tpu.memory_space<hbm>>) dst(%dma_wait3A_1024 : memref<2x8x128xf32, #tpu.memory_space<vmem>>)
      %dma_wait3A_1028 = arith.constant 1 : i32
      %dma_wait3A_1029 = arith.constant 0 : i32
      %dma_wait3A_1030 = arith.constant 0 : i32
      %dma_wait3A_1031 = arith.constant 0 : i32
      %dma_wait3A_1032 = tpu.memref_slice %arg9[%dma_wait3A_1028, %dma_wait3A_1029, %dma_wait3A_1030, %dma_wait3A_1031] : memref<8x4x8x128xf32, #tpu.memory_space<vmem>> -> memref<1x4x8x128xf32, #tpu.memory_space<vmem>>
      %dma_wait3A_1033 = tpu.memref_squeeze %dma_wait3A_1032 : memref<1x4x8x128xf32, #tpu.memory_space<vmem>> -> memref<4x8x128xf32, #tpu.memory_space<vmem>>
      %dma_wait3A_1034 = arith.constant 0 : i32
      %dma_wait3A_1035 = arith.constant 0 : i32
      %dma_wait3A_1036 = arith.constant 0 : i32
      %dma_wait3A_1037 = tpu.memref_slice %dma_wait3A_1033[%dma_wait3A_1034, %dma_wait3A_1035, %dma_wait3A_1036] : memref<4x8x128xf32, #tpu.memory_space<vmem>> -> memref<2x8x128xf32, #tpu.memory_space<vmem>>
      %dma_wait3A_1038 = arith.constant 0 : i32
      %dma_wait3A_1039 = arith.constant 0 : i32
      %dma_wait3A_1040 = tpu.memref_slice %arg4[%dma_wait3A_1038, %dma_wait3A_1039, %multiple_of3A_137] : memref<4x8x1000000xf32, #tpu.memory_space<hbm>> -> memref<2x8x128xf32, #tpu.memory_space<hbm>>
      %dma_wait3A_1041 = arith.constant 0 : i32
      %dma_wait3A_1042 = arith.constant 0 : i32
      %dma_wait3A_1043 = arith.constant 0 : i32
      %dma_wait3A_1044 = tpu.memref_slice %arg9[%dma_wait3A_1028, %dma_wait3A_1041, %dma_wait3A_1042, %dma_wait3A_1043] : memref<8x4x8x128xf32, #tpu.memory_space<vmem>> -> memref<1x4x8x128xf32, #tpu.memory_space<vmem>>
      %dma_wait3A_1045 = tpu.memref_squeeze %dma_wait3A_1044 : memref<1x4x8x128xf32, #tpu.memory_space<vmem>> -> memref<4x8x128xf32, #tpu.memory_space<vmem>>
      %dma_wait3A_1046 = arith.constant 0 : i32
      %dma_wait3A_1047 = arith.constant 0 : i32
      %dma_wait3A_1048 = arith.constant 0 : i32
      %dma_wait3A_1049 = tpu.memref_slice %dma_wait3A_1045[%dma_wait3A_1046, %dma_wait3A_1047, %dma_wait3A_1048] : memref<4x8x128xf32, #tpu.memory_space<vmem>> -> memref<2x8x128xf32, #tpu.memory_space<vmem>>
      %dma_wait3A_1050 = arith.constant 0 : i32
      %dma_wait3A_1051 = arith.constant 0 : i32
      %dma_wait3A_1052 = tpu.memref_slice %arg4[%dma_wait3A_1050, %dma_wait3A_1051, %multiple_of3A_137] : memref<4x8x1000000xf32, #tpu.memory_space<hbm>> -> memref<2x8x128xf32, #tpu.memory_space<hbm>>
      tpu.wait_dma2 semaphore(%arg13 : memref<!tpu.dma_semaphore, #tpu.memory_space<semaphore_mem>>) src(%dma_wait3A_1052 : memref<2x8x128xf32, #tpu.memory_space<hbm>>) dst(%dma_wait3A_1049 : memref<2x8x128xf32, #tpu.memory_space<vmem>>)
      %dma_wait3A_1053 = arith.constant 1 : i32
      %dma_wait3A_1054 = arith.constant 0 : i32
      %dma_wait3A_1055 = arith.constant 0 : i32
      %dma_wait3A_1056 = arith.constant 0 : i32
      %dma_wait3A_1057 = tpu.memref_slice %arg10[%dma_wait3A_1053, %dma_wait3A_1054, %dma_wait3A_1055, %dma_wait3A_1056] : memref<8x4x8x128xf32, #tpu.memory_space<vmem>> -> memref<1x4x8x128xf32, #tpu.memory_space<vmem>>
      %dma_wait3A_1058 = tpu.memref_squeeze %dma_wait3A_1057 : memref<1x4x8x128xf32, #tpu.memory_space<vmem>> -> memref<4x8x128xf32, #tpu.memory_space<vmem>>
      %dma_wait3A_1059 = arith.constant 0 : i32
      %dma_wait3A_1060 = arith.constant 0 : i32
      %dma_wait3A_1061 = arith.constant 0 : i32
      %dma_wait3A_1062 = tpu.memref_slice %dma_wait3A_1058[%dma_wait3A_1059, %dma_wait3A_1060, %dma_wait3A_1061] : memref<4x8x128xf32, #tpu.memory_space<vmem>> -> memref<2x8x128xf32, #tpu.memory_space<vmem>>
      %dma_wait3A_1063 = arith.constant 0 : i32
      %dma_wait3A_1064 = arith.constant 0 : i32
      %dma_wait3A_1065 = tpu.memref_slice %arg5[%dma_wait3A_1063, %dma_wait3A_1064, %multiple_of3A_144] : memref<4x8x1000000xf32, #tpu.memory_space<hbm>> -> memref<2x8x128xf32, #tpu.memory_space<hbm>>
      %dma_wait3A_1066 = arith.constant 0 : i32
      %dma_wait3A_1067 = arith.constant 0 : i32
      %dma_wait3A_1068 = arith.constant 0 : i32
      %dma_wait3A_1069 = tpu.memref_slice %arg10[%dma_wait3A_1053, %dma_wait3A_1066, %dma_wait3A_1067, %dma_wait3A_1068] : memref<8x4x8x128xf32, #tpu.memory_space<vmem>> -> memref<1x4x8x128xf32, #tpu.memory_space<vmem>>
      %dma_wait3A_1070 = tpu.memref_squeeze %dma_wait3A_1069 : memref<1x4x8x128xf32, #tpu.memory_space<vmem>> -> memref<4x8x128xf32, #tpu.memory_space<vmem>>
      %dma_wait3A_1071 = arith.constant 0 : i32
      %dma_wait3A_1072 = arith.constant 0 : i32
      %dma_wait3A_1073 = arith.constant 0 : i32
      %dma_wait3A_1074 = tpu.memref_slice %dma_wait3A_1070[%dma_wait3A_1071, %dma_wait3A_1072, %dma_wait3A_1073] : memref<4x8x128xf32, #tpu.memory_space<vmem>> -> memref<2x8x128xf32, #tpu.memory_space<vmem>>
      %dma_wait3A_1075 = arith.constant 0 : i32
      %dma_wait3A_1076 = arith.constant 0 : i32
      %dma_wait3A_1077 = tpu.memref_slice %arg5[%dma_wait3A_1075, %dma_wait3A_1076, %multiple_of3A_144] : memref<4x8x1000000xf32, #tpu.memory_space<hbm>> -> memref<2x8x128xf32, #tpu.memory_space<hbm>>
      tpu.wait_dma2 semaphore(%arg13 : memref<!tpu.dma_semaphore, #tpu.memory_space<semaphore_mem>>) src(%dma_wait3A_1077 : memref<2x8x128xf32, #tpu.memory_space<hbm>>) dst(%dma_wait3A_1074 : memref<2x8x128xf32, #tpu.memory_space<vmem>>)
      %dma_wait3A_1078 = arith.constant 1 : i32
      %dma_wait3A_1079 = arith.constant 0 : i32
      %dma_wait3A_1080 = arith.constant 0 : i32
      %dma_wait3A_1081 = arith.constant 0 : i32
      %dma_wait3A_1082 = tpu.memref_slice %arg9[%dma_wait3A_1078, %dma_wait3A_1079, %dma_wait3A_1080, %dma_wait3A_1081] : memref<8x4x8x128xf32, #tpu.memory_space<vmem>> -> memref<1x4x8x128xf32, #tpu.memory_space<vmem>>
      %dma_wait3A_1083 = tpu.memref_squeeze %dma_wait3A_1082 : memref<1x4x8x128xf32, #tpu.memory_space<vmem>> -> memref<4x8x128xf32, #tpu.memory_space<vmem>>
      %dma_wait3A_1084 = arith.constant 2 : i32
      %dma_wait3A_1085 = arith.constant 0 : i32
      %dma_wait3A_1086 = arith.constant 0 : i32
      %dma_wait3A_1087 = tpu.memref_slice %dma_wait3A_1083[%dma_wait3A_1084, %dma_wait3A_1085, %dma_wait3A_1086] : memref<4x8x128xf32, #tpu.memory_space<vmem>> -> memref<2x8x128xf32, #tpu.memory_space<vmem>>
      %dma_wait3A_1088 = arith.constant 2 : i32
      %dma_wait3A_1089 = arith.constant 0 : i32
      %dma_wait3A_1090 = tpu.memref_slice %arg4[%dma_wait3A_1088, %dma_wait3A_1089, %multiple_of3A_137] : memref<4x8x1000000xf32, #tpu.memory_space<hbm>> -> memref<2x8x128xf32, #tpu.memory_space<hbm>>
      %dma_wait3A_1091 = arith.constant 0 : i32
      %dma_wait3A_1092 = arith.constant 0 : i32
      %dma_wait3A_1093 = arith.constant 0 : i32
      %dma_wait3A_1094 = tpu.memref_slice %arg9[%dma_wait3A_1078, %dma_wait3A_1091, %dma_wait3A_1092, %dma_wait3A_1093] : memref<8x4x8x128xf32, #tpu.memory_space<vmem>> -> memref<1x4x8x128xf32, #tpu.memory_space<vmem>>
      %dma_wait3A_1095 = tpu.memref_squeeze %dma_wait3A_1094 : memref<1x4x8x128xf32, #tpu.memory_space<vmem>> -> memref<4x8x128xf32, #tpu.memory_space<vmem>>
      %dma_wait3A_1096 = arith.constant 2 : i32
      %dma_wait3A_1097 = arith.constant 0 : i32
      %dma_wait3A_1098 = arith.constant 0 : i32
      %dma_wait3A_1099 = tpu.memref_slice %dma_wait3A_1095[%dma_wait3A_1096, %dma_wait3A_1097, %dma_wait3A_1098] : memref<4x8x128xf32, #tpu.memory_space<vmem>> -> memref<2x8x128xf32, #tpu.memory_space<vmem>>
      %dma_wait3A_1100 = arith.constant 2 : i32
      %dma_wait3A_1101 = arith.constant 0 : i32
      %dma_wait3A_1102 = tpu.memref_slice %arg4[%dma_wait3A_1100, %dma_wait3A_1101, %multiple_of3A_137] : memref<4x8x1000000xf32, #tpu.memory_space<hbm>> -> memref<2x8x128xf32, #tpu.memory_space<hbm>>
      tpu.wait_dma2 semaphore(%arg13 : memref<!tpu.dma_semaphore, #tpu.memory_space<semaphore_mem>>) src(%dma_wait3A_1102 : memref<2x8x128xf32, #tpu.memory_space<hbm>>) dst(%dma_wait3A_1099 : memref<2x8x128xf32, #tpu.memory_space<vmem>>)
      %dma_wait3A_1103 = arith.constant 1 : i32
      %dma_wait3A_1104 = arith.constant 0 : i32
      %dma_wait3A_1105 = arith.constant 0 : i32
      %dma_wait3A_1106 = arith.constant 0 : i32
      %dma_wait3A_1107 = tpu.memref_slice %arg10[%dma_wait3A_1103, %dma_wait3A_1104, %dma_wait3A_1105, %dma_wait3A_1106] : memref<8x4x8x128xf32, #tpu.memory_space<vmem>> -> memref<1x4x8x128xf32, #tpu.memory_space<vmem>>
      %dma_wait3A_1108 = tpu.memref_squeeze %dma_wait3A_1107 : memref<1x4x8x128xf32, #tpu.memory_space<vmem>> -> memref<4x8x128xf32, #tpu.memory_space<vmem>>
      %dma_wait3A_1109 = arith.constant 2 : i32
      %dma_wait3A_1110 = arith.constant 0 : i32
      %dma_wait3A_1111 = arith.constant 0 : i32
      %dma_wait3A_1112 = tpu.memref_slice %dma_wait3A_1108[%dma_wait3A_1109, %dma_wait3A_1110, %dma_wait3A_1111] : memref<4x8x128xf32, #tpu.memory_space<vmem>> -> memref<2x8x128xf32, #tpu.memory_space<vmem>>
      %dma_wait3A_1113 = arith.constant 2 : i32
      %dma_wait3A_1114 = arith.constant 0 : i32
      %dma_wait3A_1115 = tpu.memref_slice %arg5[%dma_wait3A_1113, %dma_wait3A_1114, %multiple_of3A_144] : memref<4x8x1000000xf32, #tpu.memory_space<hbm>> -> memref<2x8x128xf32, #tpu.memory_space<hbm>>
      %dma_wait3A_1116 = arith.constant 0 : i32
      %dma_wait3A_1117 = arith.constant 0 : i32
      %dma_wait3A_1118 = arith.constant 0 : i32
      %dma_wait3A_1119 = tpu.memref_slice %arg10[%dma_wait3A_1103, %dma_wait3A_1116, %dma_wait3A_1117, %dma_wait3A_1118] : memref<8x4x8x128xf32, #tpu.memory_space<vmem>> -> memref<1x4x8x128xf32, #tpu.memory_space<vmem>>
      %dma_wait3A_1120 = tpu.memref_squeeze %dma_wait3A_1119 : memref<1x4x8x128xf32, #tpu.memory_space<vmem>> -> memref<4x8x128xf32, #tpu.memory_space<vmem>>
      %dma_wait3A_1121 = arith.constant 2 : i32
      %dma_wait3A_1122 = arith.constant 0 : i32
      %dma_wait3A_1123 = arith.constant 0 : i32
      %dma_wait3A_1124 = tpu.memref_slice %dma_wait3A_1120[%dma_wait3A_1121, %dma_wait3A_1122, %dma_wait3A_1123] : memref<4x8x128xf32, #tpu.memory_space<vmem>> -> memref<2x8x128xf32, #tpu.memory_space<vmem>>
      %dma_wait3A_1125 = arith.constant 2 : i32
      %dma_wait3A_1126 = arith.constant 0 : i32
      %dma_wait3A_1127 = tpu.memref_slice %arg5[%dma_wait3A_1125, %dma_wait3A_1126, %multiple_of3A_144] : memref<4x8x1000000xf32, #tpu.memory_space<hbm>> -> memref<2x8x128xf32, #tpu.memory_space<hbm>>
      tpu.wait_dma2 semaphore(%arg13 : memref<!tpu.dma_semaphore, #tpu.memory_space<semaphore_mem>>) src(%dma_wait3A_1127 : memref<2x8x128xf32, #tpu.memory_space<hbm>>) dst(%dma_wait3A_1124 : memref<2x8x128xf32, #tpu.memory_space<vmem>>)
      %dma_wait3A_1128 = arith.constant 2 : i32
      %dma_wait3A_1129 = arith.constant 0 : i32
      %dma_wait3A_1130 = arith.constant 0 : i32
      %dma_wait3A_1131 = arith.constant 0 : i32
      %dma_wait3A_1132 = tpu.memref_slice %arg9[%dma_wait3A_1128, %dma_wait3A_1129, %dma_wait3A_1130, %dma_wait3A_1131] : memref<8x4x8x128xf32, #tpu.memory_space<vmem>> -> memref<1x4x8x128xf32, #tpu.memory_space<vmem>>
      %dma_wait3A_1133 = tpu.memref_squeeze %dma_wait3A_1132 : memref<1x4x8x128xf32, #tpu.memory_space<vmem>> -> memref<4x8x128xf32, #tpu.memory_space<vmem>>
      %dma_wait3A_1134 = arith.constant 0 : i32
      %dma_wait3A_1135 = arith.constant 0 : i32
      %dma_wait3A_1136 = arith.constant 0 : i32
      %dma_wait3A_1137 = tpu.memref_slice %dma_wait3A_1133[%dma_wait3A_1134, %dma_wait3A_1135, %dma_wait3A_1136] : memref<4x8x128xf32, #tpu.memory_space<vmem>> -> memref<2x8x128xf32, #tpu.memory_space<vmem>>
      %dma_wait3A_1138 = arith.constant 0 : i32
      %dma_wait3A_1139 = arith.constant 0 : i32
      %dma_wait3A_1140 = tpu.memref_slice %arg4[%dma_wait3A_1138, %dma_wait3A_1139, %multiple_of3A_251] : memref<4x8x1000000xf32, #tpu.memory_space<hbm>> -> memref<2x8x128xf32, #tpu.memory_space<hbm>>
      %dma_wait3A_1141 = arith.constant 0 : i32
      %dma_wait3A_1142 = arith.constant 0 : i32
      %dma_wait3A_1143 = arith.constant 0 : i32
      %dma_wait3A_1144 = tpu.memref_slice %arg9[%dma_wait3A_1128, %dma_wait3A_1141, %dma_wait3A_1142, %dma_wait3A_1143] : memref<8x4x8x128xf32, #tpu.memory_space<vmem>> -> memref<1x4x8x128xf32, #tpu.memory_space<vmem>>
      %dma_wait3A_1145 = tpu.memref_squeeze %dma_wait3A_1144 : memref<1x4x8x128xf32, #tpu.memory_space<vmem>> -> memref<4x8x128xf32, #tpu.memory_space<vmem>>
      %dma_wait3A_1146 = arith.constant 0 : i32
      %dma_wait3A_1147 = arith.constant 0 : i32
      %dma_wait3A_1148 = arith.constant 0 : i32
      %dma_wait3A_1149 = tpu.memref_slice %dma_wait3A_1145[%dma_wait3A_1146, %dma_wait3A_1147, %dma_wait3A_1148] : memref<4x8x128xf32, #tpu.memory_space<vmem>> -> memref<2x8x128xf32, #tpu.memory_space<vmem>>
      %dma_wait3A_1150 = arith.constant 0 : i32
      %dma_wait3A_1151 = arith.constant 0 : i32
      %dma_wait3A_1152 = tpu.memref_slice %arg4[%dma_wait3A_1150, %dma_wait3A_1151, %multiple_of3A_251] : memref<4x8x1000000xf32, #tpu.memory_space<hbm>> -> memref<2x8x128xf32, #tpu.memory_space<hbm>>
      tpu.wait_dma2 semaphore(%arg13 : memref<!tpu.dma_semaphore, #tpu.memory_space<semaphore_mem>>) src(%dma_wait3A_1152 : memref<2x8x128xf32, #tpu.memory_space<hbm>>) dst(%dma_wait3A_1149 : memref<2x8x128xf32, #tpu.memory_space<vmem>>)
      %dma_wait3A_1153 = arith.constant 2 : i32
      %dma_wait3A_1154 = arith.constant 0 : i32
      %dma_wait3A_1155 = arith.constant 0 : i32
      %dma_wait3A_1156 = arith.constant 0 : i32
      %dma_wait3A_1157 = tpu.memref_slice %arg10[%dma_wait3A_1153, %dma_wait3A_1154, %dma_wait3A_1155, %dma_wait3A_1156] : memref<8x4x8x128xf32, #tpu.memory_space<vmem>> -> memref<1x4x8x128xf32, #tpu.memory_space<vmem>>
      %dma_wait3A_1158 = tpu.memref_squeeze %dma_wait3A_1157 : memref<1x4x8x128xf32, #tpu.memory_space<vmem>> -> memref<4x8x128xf32, #tpu.memory_space<vmem>>
      %dma_wait3A_1159 = arith.constant 0 : i32
      %dma_wait3A_1160 = arith.constant 0 : i32
      %dma_wait3A_1161 = arith.constant 0 : i32
      %dma_wait3A_1162 = tpu.memref_slice %dma_wait3A_1158[%dma_wait3A_1159, %dma_wait3A_1160, %dma_wait3A_1161] : memref<4x8x128xf32, #tpu.memory_space<vmem>> -> memref<2x8x128xf32, #tpu.memory_space<vmem>>
      %dma_wait3A_1163 = arith.constant 0 : i32
      %dma_wait3A_1164 = arith.constant 0 : i32
      %dma_wait3A_1165 = tpu.memref_slice %arg5[%dma_wait3A_1163, %dma_wait3A_1164, %multiple_of3A_258] : memref<4x8x1000000xf32, #tpu.memory_space<hbm>> -> memref<2x8x128xf32, #tpu.memory_space<hbm>>
      %dma_wait3A_1166 = arith.constant 0 : i32
      %dma_wait3A_1167 = arith.constant 0 : i32
      %dma_wait3A_1168 = arith.constant 0 : i32
      %dma_wait3A_1169 = tpu.memref_slice %arg10[%dma_wait3A_1153, %dma_wait3A_1166, %dma_wait3A_1167, %dma_wait3A_1168] : memref<8x4x8x128xf32, #tpu.memory_space<vmem>> -> memref<1x4x8x128xf32, #tpu.memory_space<vmem>>
      %dma_wait3A_1170 = tpu.memref_squeeze %dma_wait3A_1169 : memref<1x4x8x128xf32, #tpu.memory_space<vmem>> -> memref<4x8x128xf32, #tpu.memory_space<vmem>>
      %dma_wait3A_1171 = arith.constant 0 : i32
      %dma_wait3A_1172 = arith.constant 0 : i32
      %dma_wait3A_1173 = arith.constant 0 : i32
      %dma_wait3A_1174 = tpu.memref_slice %dma_wait3A_1170[%dma_wait3A_1171, %dma_wait3A_1172, %dma_wait3A_1173] : memref<4x8x128xf32, #tpu.memory_space<vmem>> -> memref<2x8x128xf32, #tpu.memory_space<vmem>>
      %dma_wait3A_1175 = arith.constant 0 : i32
      %dma_wait3A_1176 = arith.constant 0 : i32
      %dma_wait3A_1177 = tpu.memref_slice %arg5[%dma_wait3A_1175, %dma_wait3A_1176, %multiple_of3A_258] : memref<4x8x1000000xf32, #tpu.memory_space<hbm>> -> memref<2x8x128xf32, #tpu.memory_space<hbm>>
      tpu.wait_dma2 semaphore(%arg13 : memref<!tpu.dma_semaphore, #tpu.memory_space<semaphore_mem>>) src(%dma_wait3A_1177 : memref<2x8x128xf32, #tpu.memory_space<hbm>>) dst(%dma_wait3A_1174 : memref<2x8x128xf32, #tpu.memory_space<vmem>>)
      %dma_wait3A_1178 = arith.constant 2 : i32
      %dma_wait3A_1179 = arith.constant 0 : i32
      %dma_wait3A_1180 = arith.constant 0 : i32
      %dma_wait3A_1181 = arith.constant 0 : i32
      %dma_wait3A_1182 = tpu.memref_slice %arg9[%dma_wait3A_1178, %dma_wait3A_1179, %dma_wait3A_1180, %dma_wait3A_1181] : memref<8x4x8x128xf32, #tpu.memory_space<vmem>> -> memref<1x4x8x128xf32, #tpu.memory_space<vmem>>
      %dma_wait3A_1183 = tpu.memref_squeeze %dma_wait3A_1182 : memref<1x4x8x128xf32, #tpu.memory_space<vmem>> -> memref<4x8x128xf32, #tpu.memory_space<vmem>>
      %dma_wait3A_1184 = arith.constant 2 : i32
      %dma_wait3A_1185 = arith.constant 0 : i32
      %dma_wait3A_1186 = arith.constant 0 : i32
      %dma_wait3A_1187 = tpu.memref_slice %dma_wait3A_1183[%dma_wait3A_1184, %dma_wait3A_1185, %dma_wait3A_1186] : memref<4x8x128xf32, #tpu.memory_space<vmem>> -> memref<2x8x128xf32, #tpu.memory_space<vmem>>
      %dma_wait3A_1188 = arith.constant 2 : i32
      %dma_wait3A_1189 = arith.constant 0 : i32
      %dma_wait3A_1190 = tpu.memref_slice %arg4[%dma_wait3A_1188, %dma_wait3A_1189, %multiple_of3A_251] : memref<4x8x1000000xf32, #tpu.memory_space<hbm>> -> memref<2x8x128xf32, #tpu.memory_space<hbm>>
      %dma_wait3A_1191 = arith.constant 0 : i32
      %dma_wait3A_1192 = arith.constant 0 : i32
      %dma_wait3A_1193 = arith.constant 0 : i32
      %dma_wait3A_1194 = tpu.memref_slice %arg9[%dma_wait3A_1178, %dma_wait3A_1191, %dma_wait3A_1192, %dma_wait3A_1193] : memref<8x4x8x128xf32, #tpu.memory_space<vmem>> -> memref<1x4x8x128xf32, #tpu.memory_space<vmem>>
      %dma_wait3A_1195 = tpu.memref_squeeze %dma_wait3A_1194 : memref<1x4x8x128xf32, #tpu.memory_space<vmem>> -> memref<4x8x128xf32, #tpu.memory_space<vmem>>
      %dma_wait3A_1196 = arith.constant 2 : i32
      %dma_wait3A_1197 = arith.constant 0 : i32
      %dma_wait3A_1198 = arith.constant 0 : i32
      %dma_wait3A_1199 = tpu.memref_slice %dma_wait3A_1195[%dma_wait3A_1196, %dma_wait3A_1197, %dma_wait3A_1198] : memref<4x8x128xf32, #tpu.memory_space<vmem>> -> memref<2x8x128xf32, #tpu.memory_space<vmem>>
      %dma_wait3A_1200 = arith.constant 2 : i32
      %dma_wait3A_1201 = arith.constant 0 : i32
      %dma_wait3A_1202 = tpu.memref_slice %arg4[%dma_wait3A_1200, %dma_wait3A_1201, %multiple_of3A_251] : memref<4x8x1000000xf32, #tpu.memory_space<hbm>> -> memref<2x8x128xf32, #tpu.memory_space<hbm>>
      tpu.wait_dma2 semaphore(%arg13 : memref<!tpu.dma_semaphore, #tpu.memory_space<semaphore_mem>>) src(%dma_wait3A_1202 : memref<2x8x128xf32, #tpu.memory_space<hbm>>) dst(%dma_wait3A_1199 : memref<2x8x128xf32, #tpu.memory_space<vmem>>)
      %dma_wait3A_1203 = arith.constant 2 : i32
      %dma_wait3A_1204 = arith.constant 0 : i32
      %dma_wait3A_1205 = arith.constant 0 : i32
      %dma_wait3A_1206 = arith.constant 0 : i32
      %dma_wait3A_1207 = tpu.memref_slice %arg10[%dma_wait3A_1203, %dma_wait3A_1204, %dma_wait3A_1205, %dma_wait3A_1206] : memref<8x4x8x128xf32, #tpu.memory_space<vmem>> -> memref<1x4x8x128xf32, #tpu.memory_space<vmem>>
      %dma_wait3A_1208 = tpu.memref_squeeze %dma_wait3A_1207 : memref<1x4x8x128xf32, #tpu.memory_space<vmem>> -> memref<4x8x128xf32, #tpu.memory_space<vmem>>
      %dma_wait3A_1209 = arith.constant 2 : i32
      %dma_wait3A_1210 = arith.constant 0 : i32
      %dma_wait3A_1211 = arith.constant 0 : i32
      %dma_wait3A_1212 = tpu.memref_slice %dma_wait3A_1208[%dma_wait3A_1209, %dma_wait3A_1210, %dma_wait3A_1211] : memref<4x8x128xf32, #tpu.memory_space<vmem>> -> memref<2x8x128xf32, #tpu.memory_space<vmem>>
      %dma_wait3A_1213 = arith.constant 2 : i32
      %dma_wait3A_1214 = arith.constant 0 : i32
      %dma_wait3A_1215 = tpu.memref_slice %arg5[%dma_wait3A_1213, %dma_wait3A_1214, %multiple_of3A_258] : memref<4x8x1000000xf32, #tpu.memory_space<hbm>> -> memref<2x8x128xf32, #tpu.memory_space<hbm>>
      %dma_wait3A_1216 = arith.constant 0 : i32
      %dma_wait3A_1217 = arith.constant 0 : i32
      %dma_wait3A_1218 = arith.constant 0 : i32
      %dma_wait3A_1219 = tpu.memref_slice %arg10[%dma_wait3A_1203, %dma_wait3A_1216, %dma_wait3A_1217, %dma_wait3A_1218] : memref<8x4x8x128xf32, #tpu.memory_space<vmem>> -> memref<1x4x8x128xf32, #tpu.memory_space<vmem>>
      %dma_wait3A_1220 = tpu.memref_squeeze %dma_wait3A_1219 : memref<1x4x8x128xf32, #tpu.memory_space<vmem>> -> memref<4x8x128xf32, #tpu.memory_space<vmem>>
      %dma_wait3A_1221 = arith.constant 2 : i32
      %dma_wait3A_1222 = arith.constant 0 : i32
      %dma_wait3A_1223 = arith.constant 0 : i32
      %dma_wait3A_1224 = tpu.memref_slice %dma_wait3A_1220[%dma_wait3A_1221, %dma_wait3A_1222, %dma_wait3A_1223] : memref<4x8x128xf32, #tpu.memory_space<vmem>> -> memref<2x8x128xf32, #tpu.memory_space<vmem>>
      %dma_wait3A_1225 = arith.constant 2 : i32
      %dma_wait3A_1226 = arith.constant 0 : i32
      %dma_wait3A_1227 = tpu.memref_slice %arg5[%dma_wait3A_1225, %dma_wait3A_1226, %multiple_of3A_258] : memref<4x8x1000000xf32, #tpu.memory_space<hbm>> -> memref<2x8x128xf32, #tpu.memory_space<hbm>>
      tpu.wait_dma2 semaphore(%arg13 : memref<!tpu.dma_semaphore, #tpu.memory_space<semaphore_mem>>) src(%dma_wait3A_1227 : memref<2x8x128xf32, #tpu.memory_space<hbm>>) dst(%dma_wait3A_1224 : memref<2x8x128xf32, #tpu.memory_space<vmem>>)
      %dma_wait3A_1228 = arith.constant 3 : i32
      %dma_wait3A_1229 = arith.constant 0 : i32
      %dma_wait3A_1230 = arith.constant 0 : i32
      %dma_wait3A_1231 = arith.constant 0 : i32
      %dma_wait3A_1232 = tpu.memref_slice %arg9[%dma_wait3A_1228, %dma_wait3A_1229, %dma_wait3A_1230, %dma_wait3A_1231] : memref<8x4x8x128xf32, #tpu.memory_space<vmem>> -> memref<1x4x8x128xf32, #tpu.memory_space<vmem>>
      %dma_wait3A_1233 = tpu.memref_squeeze %dma_wait3A_1232 : memref<1x4x8x128xf32, #tpu.memory_space<vmem>> -> memref<4x8x128xf32, #tpu.memory_space<vmem>>
      %dma_wait3A_1234 = arith.constant 0 : i32
      %dma_wait3A_1235 = arith.constant 0 : i32
      %dma_wait3A_1236 = arith.constant 0 : i32
      %dma_wait3A_1237 = tpu.memref_slice %dma_wait3A_1233[%dma_wait3A_1234, %dma_wait3A_1235, %dma_wait3A_1236] : memref<4x8x128xf32, #tpu.memory_space<vmem>> -> memref<2x8x128xf32, #tpu.memory_space<vmem>>
      %dma_wait3A_1238 = arith.constant 0 : i32
      %dma_wait3A_1239 = arith.constant 0 : i32
      %dma_wait3A_1240 = tpu.memref_slice %arg4[%dma_wait3A_1238, %dma_wait3A_1239, %multiple_of3A_365] : memref<4x8x1000000xf32, #tpu.memory_space<hbm>> -> memref<2x8x128xf32, #tpu.memory_space<hbm>>
      %dma_wait3A_1241 = arith.constant 0 : i32
      %dma_wait3A_1242 = arith.constant 0 : i32
      %dma_wait3A_1243 = arith.constant 0 : i32
      %dma_wait3A_1244 = tpu.memref_slice %arg9[%dma_wait3A_1228, %dma_wait3A_1241, %dma_wait3A_1242, %dma_wait3A_1243] : memref<8x4x8x128xf32, #tpu.memory_space<vmem>> -> memref<1x4x8x128xf32, #tpu.memory_space<vmem>>
      %dma_wait3A_1245 = tpu.memref_squeeze %dma_wait3A_1244 : memref<1x4x8x128xf32, #tpu.memory_space<vmem>> -> memref<4x8x128xf32, #tpu.memory_space<vmem>>
      %dma_wait3A_1246 = arith.constant 0 : i32
      %dma_wait3A_1247 = arith.constant 0 : i32
      %dma_wait3A_1248 = arith.constant 0 : i32
      %dma_wait3A_1249 = tpu.memref_slice %dma_wait3A_1245[%dma_wait3A_1246, %dma_wait3A_1247, %dma_wait3A_1248] : memref<4x8x128xf32, #tpu.memory_space<vmem>> -> memref<2x8x128xf32, #tpu.memory_space<vmem>>
      %dma_wait3A_1250 = arith.constant 0 : i32
      %dma_wait3A_1251 = arith.constant 0 : i32
      %dma_wait3A_1252 = tpu.memref_slice %arg4[%dma_wait3A_1250, %dma_wait3A_1251, %multiple_of3A_365] : memref<4x8x1000000xf32, #tpu.memory_space<hbm>> -> memref<2x8x128xf32, #tpu.memory_space<hbm>>
      tpu.wait_dma2 semaphore(%arg13 : memref<!tpu.dma_semaphore, #tpu.memory_space<semaphore_mem>>) src(%dma_wait3A_1252 : memref<2x8x128xf32, #tpu.memory_space<hbm>>) dst(%dma_wait3A_1249 : memref<2x8x128xf32, #tpu.memory_space<vmem>>)
      %dma_wait3A_1253 = arith.constant 3 : i32
      %dma_wait3A_1254 = arith.constant 0 : i32
      %dma_wait3A_1255 = arith.constant 0 : i32
      %dma_wait3A_1256 = arith.constant 0 : i32
      %dma_wait3A_1257 = tpu.memref_slice %arg10[%dma_wait3A_1253, %dma_wait3A_1254, %dma_wait3A_1255, %dma_wait3A_1256] : memref<8x4x8x128xf32, #tpu.memory_space<vmem>> -> memref<1x4x8x128xf32, #tpu.memory_space<vmem>>
      %dma_wait3A_1258 = tpu.memref_squeeze %dma_wait3A_1257 : memref<1x4x8x128xf32, #tpu.memory_space<vmem>> -> memref<4x8x128xf32, #tpu.memory_space<vmem>>
      %dma_wait3A_1259 = arith.constant 0 : i32
      %dma_wait3A_1260 = arith.constant 0 : i32
      %dma_wait3A_1261 = arith.constant 0 : i32
      %dma_wait3A_1262 = tpu.memref_slice %dma_wait3A_1258[%dma_wait3A_1259, %dma_wait3A_1260, %dma_wait3A_1261] : memref<4x8x128xf32, #tpu.memory_space<vmem>> -> memref<2x8x128xf32, #tpu.memory_space<vmem>>
      %dma_wait3A_1263 = arith.constant 0 : i32
      %dma_wait3A_1264 = arith.constant 0 : i32
      %dma_wait3A_1265 = tpu.memref_slice %arg5[%dma_wait3A_1263, %dma_wait3A_1264, %multiple_of3A_372] : memref<4x8x1000000xf32, #tpu.memory_space<hbm>> -> memref<2x8x128xf32, #tpu.memory_space<hbm>>
      %dma_wait3A_1266 = arith.constant 0 : i32
      %dma_wait3A_1267 = arith.constant 0 : i32
      %dma_wait3A_1268 = arith.constant 0 : i32
      %dma_wait3A_1269 = tpu.memref_slice %arg10[%dma_wait3A_1253, %dma_wait3A_1266, %dma_wait3A_1267, %dma_wait3A_1268] : memref<8x4x8x128xf32, #tpu.memory_space<vmem>> -> memref<1x4x8x128xf32, #tpu.memory_space<vmem>>
      %dma_wait3A_1270 = tpu.memref_squeeze %dma_wait3A_1269 : memref<1x4x8x128xf32, #tpu.memory_space<vmem>> -> memref<4x8x128xf32, #tpu.memory_space<vmem>>
      %dma_wait3A_1271 = arith.constant 0 : i32
      %dma_wait3A_1272 = arith.constant 0 : i32
      %dma_wait3A_1273 = arith.constant 0 : i32
      %dma_wait3A_1274 = tpu.memref_slice %dma_wait3A_1270[%dma_wait3A_1271, %dma_wait3A_1272, %dma_wait3A_1273] : memref<4x8x128xf32, #tpu.memory_space<vmem>> -> memref<2x8x128xf32, #tpu.memory_space<vmem>>
      %dma_wait3A_1275 = arith.constant 0 : i32
      %dma_wait3A_1276 = arith.constant 0 : i32
      %dma_wait3A_1277 = tpu.memref_slice %arg5[%dma_wait3A_1275, %dma_wait3A_1276, %multiple_of3A_372] : memref<4x8x1000000xf32, #tpu.memory_space<hbm>> -> memref<2x8x128xf32, #tpu.memory_space<hbm>>
      tpu.wait_dma2 semaphore(%arg13 : memref<!tpu.dma_semaphore, #tpu.memory_space<semaphore_mem>>) src(%dma_wait3A_1277 : memref<2x8x128xf32, #tpu.memory_space<hbm>>) dst(%dma_wait3A_1274 : memref<2x8x128xf32, #tpu.memory_space<vmem>>)
      %dma_wait3A_1278 = arith.constant 3 : i32
      %dma_wait3A_1279 = arith.constant 0 : i32
      %dma_wait3A_1280 = arith.constant 0 : i32
      %dma_wait3A_1281 = arith.constant 0 : i32
      %dma_wait3A_1282 = tpu.memref_slice %arg9[%dma_wait3A_1278, %dma_wait3A_1279, %dma_wait3A_1280, %dma_wait3A_1281] : memref<8x4x8x128xf32, #tpu.memory_space<vmem>> -> memref<1x4x8x128xf32, #tpu.memory_space<vmem>>
      %dma_wait3A_1283 = tpu.memref_squeeze %dma_wait3A_1282 : memref<1x4x8x128xf32, #tpu.memory_space<vmem>> -> memref<4x8x128xf32, #tpu.memory_space<vmem>>
      %dma_wait3A_1284 = arith.constant 2 : i32
      %dma_wait3A_1285 = arith.constant 0 : i32
      %dma_wait3A_1286 = arith.constant 0 : i32
      %dma_wait3A_1287 = tpu.memref_slice %dma_wait3A_1283[%dma_wait3A_1284, %dma_wait3A_1285, %dma_wait3A_1286] : memref<4x8x128xf32, #tpu.memory_space<vmem>> -> memref<2x8x128xf32, #tpu.memory_space<vmem>>
      %dma_wait3A_1288 = arith.constant 2 : i32
      %dma_wait3A_1289 = arith.constant 0 : i32
      %dma_wait3A_1290 = tpu.memref_slice %arg4[%dma_wait3A_1288, %dma_wait3A_1289, %multiple_of3A_365] : memref<4x8x1000000xf32, #tpu.memory_space<hbm>> -> memref<2x8x128xf32, #tpu.memory_space<hbm>>
      %dma_wait3A_1291 = arith.constant 0 : i32
      %dma_wait3A_1292 = arith.constant 0 : i32
      %dma_wait3A_1293 = arith.constant 0 : i32
      %dma_wait3A_1294 = tpu.memref_slice %arg9[%dma_wait3A_1278, %dma_wait3A_1291, %dma_wait3A_1292, %dma_wait3A_1293] : memref<8x4x8x128xf32, #tpu.memory_space<vmem>> -> memref<1x4x8x128xf32, #tpu.memory_space<vmem>>
      %dma_wait3A_1295 = tpu.memref_squeeze %dma_wait3A_1294 : memref<1x4x8x128xf32, #tpu.memory_space<vmem>> -> memref<4x8x128xf32, #tpu.memory_space<vmem>>
      %dma_wait3A_1296 = arith.constant 2 : i32
      %dma_wait3A_1297 = arith.constant 0 : i32
      %dma_wait3A_1298 = arith.constant 0 : i32
      %dma_wait3A_1299 = tpu.memref_slice %dma_wait3A_1295[%dma_wait3A_1296, %dma_wait3A_1297, %dma_wait3A_1298] : memref<4x8x128xf32, #tpu.memory_space<vmem>> -> memref<2x8x128xf32, #tpu.memory_space<vmem>>
      %dma_wait3A_1300 = arith.constant 2 : i32
      %dma_wait3A_1301 = arith.constant 0 : i32
      %dma_wait3A_1302 = tpu.memref_slice %arg4[%dma_wait3A_1300, %dma_wait3A_1301, %multiple_of3A_365] : memref<4x8x1000000xf32, #tpu.memory_space<hbm>> -> memref<2x8x128xf32, #tpu.memory_space<hbm>>
      tpu.wait_dma2 semaphore(%arg13 : memref<!tpu.dma_semaphore, #tpu.memory_space<semaphore_mem>>) src(%dma_wait3A_1302 : memref<2x8x128xf32, #tpu.memory_space<hbm>>) dst(%dma_wait3A_1299 : memref<2x8x128xf32, #tpu.memory_space<vmem>>)
      %dma_wait3A_1303 = arith.constant 3 : i32
      %dma_wait3A_1304 = arith.constant 0 : i32
      %dma_wait3A_1305 = arith.constant 0 : i32
      %dma_wait3A_1306 = arith.constant 0 : i32
      %dma_wait3A_1307 = tpu.memref_slice %arg10[%dma_wait3A_1303, %dma_wait3A_1304, %dma_wait3A_1305, %dma_wait3A_1306] : memref<8x4x8x128xf32, #tpu.memory_space<vmem>> -> memref<1x4x8x128xf32, #tpu.memory_space<vmem>>
      %dma_wait3A_1308 = tpu.memref_squeeze %dma_wait3A_1307 : memref<1x4x8x128xf32, #tpu.memory_space<vmem>> -> memref<4x8x128xf32, #tpu.memory_space<vmem>>
      %dma_wait3A_1309 = arith.constant 2 : i32
      %dma_wait3A_1310 = arith.constant 0 : i32
      %dma_wait3A_1311 = arith.constant 0 : i32
      %dma_wait3A_1312 = tpu.memref_slice %dma_wait3A_1308[%dma_wait3A_1309, %dma_wait3A_1310, %dma_wait3A_1311] : memref<4x8x128xf32, #tpu.memory_space<vmem>> -> memref<2x8x128xf32, #tpu.memory_space<vmem>>
      %dma_wait3A_1313 = arith.constant 2 : i32
      %dma_wait3A_1314 = arith.constant 0 : i32
      %dma_wait3A_1315 = tpu.memref_slice %arg5[%dma_wait3A_1313, %dma_wait3A_1314, %multiple_of3A_372] : memref<4x8x1000000xf32, #tpu.memory_space<hbm>> -> memref<2x8x128xf32, #tpu.memory_space<hbm>>
      %dma_wait3A_1316 = arith.constant 0 : i32
      %dma_wait3A_1317 = arith.constant 0 : i32
      %dma_wait3A_1318 = arith.constant 0 : i32
      %dma_wait3A_1319 = tpu.memref_slice %arg10[%dma_wait3A_1303, %dma_wait3A_1316, %dma_wait3A_1317, %dma_wait3A_1318] : memref<8x4x8x128xf32, #tpu.memory_space<vmem>> -> memref<1x4x8x128xf32, #tpu.memory_space<vmem>>
      %dma_wait3A_1320 = tpu.memref_squeeze %dma_wait3A_1319 : memref<1x4x8x128xf32, #tpu.memory_space<vmem>> -> memref<4x8x128xf32, #tpu.memory_space<vmem>>
      %dma_wait3A_1321 = arith.constant 2 : i32
      %dma_wait3A_1322 = arith.constant 0 : i32
      %dma_wait3A_1323 = arith.constant 0 : i32
      %dma_wait3A_1324 = tpu.memref_slice %dma_wait3A_1320[%dma_wait3A_1321, %dma_wait3A_1322, %dma_wait3A_1323] : memref<4x8x128xf32, #tpu.memory_space<vmem>> -> memref<2x8x128xf32, #tpu.memory_space<vmem>>
      %dma_wait3A_1325 = arith.constant 2 : i32
      %dma_wait3A_1326 = arith.constant 0 : i32
      %dma_wait3A_1327 = tpu.memref_slice %arg5[%dma_wait3A_1325, %dma_wait3A_1326, %multiple_of3A_372] : memref<4x8x1000000xf32, #tpu.memory_space<hbm>> -> memref<2x8x128xf32, #tpu.memory_space<hbm>>
      tpu.wait_dma2 semaphore(%arg13 : memref<!tpu.dma_semaphore, #tpu.memory_space<semaphore_mem>>) src(%dma_wait3A_1327 : memref<2x8x128xf32, #tpu.memory_space<hbm>>) dst(%dma_wait3A_1324 : memref<2x8x128xf32, #tpu.memory_space<vmem>>)
      %slice3A_1328 = vector.extract_strided_slice %get3A_18 {offsets = [0], sizes = [1], strides = [1]} : vector<16xi32> to vector<1xi32>
      %squeeze3A_1329 = vector.extract %slice3A_1328[0] : i32 from vector<1xi32>
      %and3A_1330 = arith.constant 127 : i32
      %and3A_1331 = arith.andi %squeeze3A_1329, %and3A_1330 : i32
      %broadcast_in_dim3A = vector.broadcast %and3A_1331 : i32 to vector<16xi32>
      %slice3A_1332 = vector.extract_strided_slice %get3A_20 {offsets = [0], sizes = [1], strides = [1]} : vector<16xi32> to vector<1xi32>
      %squeeze3A_1333 = vector.extract %slice3A_1332[0] : i32 from vector<1xi32>
      %and3A_1334 = arith.constant 127 : i32
      %and3A_1335 = arith.andi %squeeze3A_1333, %and3A_1334 : i32
      %broadcast_in_dim3A_1336 = vector.broadcast %and3A_1335 : i32 to vector<16xi32>
      %broadcast_in_dim3A_1337 = arith.constant 0 : i32
      %broadcast_in_dim3A_1338 = vector.broadcast %broadcast_in_dim3A_1337 : i32 to vector<16xi32>
      %gather3A = tpu.vector_load_idx %arg9[%broadcast_in_dim3A_1338, %shift_right_logical3A_4, %and3A_9, %broadcast_in_dim3A] : memref<8x4x8x128xf32, #tpu.memory_space<vmem>>[vector<16xi32>, vector<16xi32>, vector<16xi32>, vector<16xi32>], vector<16xf32>,
      %gather3A_1339 = tpu.vector_load_idx %arg9[%broadcast_in_dim3A_1338, %add3A_7, %and3A_9, %broadcast_in_dim3A] : memref<8x4x8x128xf32, #tpu.memory_space<vmem>>[vector<16xi32>, vector<16xi32>, vector<16xi32>, vector<16xi32>], vector<16xf32>,
      %gather3A_1340 = tpu.vector_load_idx %arg10[%broadcast_in_dim3A_1338, %shift_right_logical3A_4, %and3A_9, %broadcast_in_dim3A_1336] : memref<8x4x8x128xf32, #tpu.memory_space<vmem>>[vector<16xi32>, vector<16xi32>, vector<16xi32>, vector<16xi32>], vector<16xf32>,
      %gather3A_1341 = tpu.vector_load_idx %arg10[%broadcast_in_dim3A_1338, %add3A_7, %and3A_9, %broadcast_in_dim3A_1336] : memref<8x4x8x128xf32, #tpu.memory_space<vmem>>[vector<16xi32>, vector<16xi32>, vector<16xi32>, vector<16xi32>], vector<16xf32>,
      %mul3A_1342 = arith.mulf %gather3A, %gather3A_1340 : vector<16xf32>
      %mul3A_1343 = arith.mulf %gather3A_1339, %gather3A_1341 : vector<16xf32>
      %add3A_1344 = arith.addf %mul3A_1342, %mul3A_1343 : vector<16xf32>
      %swap3A = arith.constant 0 : i32
      %swap3A_1345 = arith.index_cast %swap3A : i32 to index
      %swap3A_1346 = arith.constant 0 : index
      %swap3A_1347 = tpu.vector_load %arg11[%swap3A_1345, %swap3A_1346] {strides = array<i32>} : memref<16x16xf32, #tpu.memory_space<vmem>>, vector<16xf32>,
      tpu.vector_store %arg11[%swap3A_1345, %swap3A_1346], %add3A_1344 {strides = array<i32>} : memref<16x16xf32, #tpu.memory_space<vmem>>, vector<16xf32>,
      %slice3A_1348 = vector.extract_strided_slice %get3A_18 {offsets = [1], sizes = [1], strides = [1]} : vector<16xi32> to vector<1xi32>
      %squeeze3A_1349 = vector.extract %slice3A_1348[0] : i32 from vector<1xi32>
      %and3A_1350 = arith.constant 127 : i32
      %and3A_1351 = arith.andi %squeeze3A_1349, %and3A_1350 : i32
      %broadcast_in_dim3A_1352 = vector.broadcast %and3A_1351 : i32 to vector<16xi32>
      %slice3A_1353 = vector.extract_strided_slice %get3A_20 {offsets = [1], sizes = [1], strides = [1]} : vector<16xi32> to vector<1xi32>
      %squeeze3A_1354 = vector.extract %slice3A_1353[0] : i32 from vector<1xi32>
      %and3A_1355 = arith.constant 127 : i32
      %and3A_1356 = arith.andi %squeeze3A_1354, %and3A_1355 : i32
      %broadcast_in_dim3A_1357 = vector.broadcast %and3A_1356 : i32 to vector<16xi32>
      %broadcast_in_dim3A_1358 = arith.constant 1 : i32
      %broadcast_in_dim3A_1359 = vector.broadcast %broadcast_in_dim3A_1358 : i32 to vector<16xi32>
      %gather3A_1360 = tpu.vector_load_idx %arg9[%broadcast_in_dim3A_1359, %shift_right_logical3A_4, %and3A_9, %broadcast_in_dim3A_1352] : memref<8x4x8x128xf32, #tpu.memory_space<vmem>>[vector<16xi32>, vector<16xi32>, vector<16xi32>, vector<16xi32>], vector<16xf32>,
      %gather3A_1361 = tpu.vector_load_idx %arg9[%broadcast_in_dim3A_1359, %add3A_7, %and3A_9, %broadcast_in_dim3A_1352] : memref<8x4x8x128xf32, #tpu.memory_space<vmem>>[vector<16xi32>, vector<16xi32>, vector<16xi32>, vector<16xi32>], vector<16xf32>,
      %gather3A_1362 = tpu.vector_load_idx %arg10[%broadcast_in_dim3A_1359, %shift_right_logical3A_4, %and3A_9, %broadcast_in_dim3A_1357] : memref<8x4x8x128xf32, #tpu.memory_space<vmem>>[vector<16xi32>, vector<16xi32>, vector<16xi32>, vector<16xi32>], vector<16xf32>,
      %gather3A_1363 = tpu.vector_load_idx %arg10[%broadcast_in_dim3A_1359, %add3A_7, %and3A_9, %broadcast_in_dim3A_1357] : memref<8x4x8x128xf32, #tpu.memory_space<vmem>>[vector<16xi32>, vector<16xi32>, vector<16xi32>, vector<16xi32>], vector<16xf32>,
      %mul3A_1364 = arith.mulf %gather3A_1360, %gather3A_1362 : vector<16xf32>
      %mul3A_1365 = arith.mulf %gather3A_1361, %gather3A_1363 : vector<16xf32>
      %add3A_1366 = arith.addf %mul3A_1364, %mul3A_1365 : vector<16xf32>
      %swap3A_1367 = arith.constant 1 : i32
      %swap3A_1368 = arith.index_cast %swap3A_1367 : i32 to index
      %swap3A_1369 = arith.constant 0 : index
      %swap3A_1370 = tpu.vector_load %arg11[%swap3A_1368, %swap3A_1369] {strides = array<i32>} : memref<16x16xf32, #tpu.memory_space<vmem>>, vector<16xf32>,
      tpu.vector_store %arg11[%swap3A_1368, %swap3A_1369], %add3A_1366 {strides = array<i32>} : memref<16x16xf32, #tpu.memory_space<vmem>>, vector<16xf32>,
      %slice3A_1371 = vector.extract_strided_slice %get3A_18 {offsets = [2], sizes = [1], strides = [1]} : vector<16xi32> to vector<1xi32>
      %squeeze3A_1372 = vector.extract %slice3A_1371[0] : i32 from vector<1xi32>
      %and3A_1373 = arith.constant 127 : i32
      %and3A_1374 = arith.andi %squeeze3A_1372, %and3A_1373 : i32
      %broadcast_in_dim3A_1375 = vector.broadcast %and3A_1374 : i32 to vector<16xi32>
      %slice3A_1376 = vector.extract_strided_slice %get3A_20 {offsets = [2], sizes = [1], strides = [1]} : vector<16xi32> to vector<1xi32>
      %squeeze3A_1377 = vector.extract %slice3A_1376[0] : i32 from vector<1xi32>
      %and3A_1378 = arith.constant 127 : i32
      %and3A_1379 = arith.andi %squeeze3A_1377, %and3A_1378 : i32
      %broadcast_in_dim3A_1380 = vector.broadcast %and3A_1379 : i32 to vector<16xi32>
      %broadcast_in_dim3A_1381 = arith.constant 2 : i32
      %broadcast_in_dim3A_1382 = vector.broadcast %broadcast_in_dim3A_1381 : i32 to vector<16xi32>
      %gather3A_1383 = tpu.vector_load_idx %arg9[%broadcast_in_dim3A_1382, %shift_right_logical3A_4, %and3A_9, %broadcast_in_dim3A_1375] : memref<8x4x8x128xf32, #tpu.memory_space<vmem>>[vector<16xi32>, vector<16xi32>, vector<16xi32>, vector<16xi32>], vector<16xf32>,
      %gather3A_1384 = tpu.vector_load_idx %arg9[%broadcast_in_dim3A_1382, %add3A_7, %and3A_9, %broadcast_in_dim3A_1375] : memref<8x4x8x128xf32, #tpu.memory_space<vmem>>[vector<16xi32>, vector<16xi32>, vector<16xi32>, vector<16xi32>], vector<16xf32>,
      %gather3A_1385 = tpu.vector_load_idx %arg10[%broadcast_in_dim3A_1382, %shift_right_logical3A_4, %and3A_9, %broadcast_in_dim3A_1380] : memref<8x4x8x128xf32, #tpu.memory_space<vmem>>[vector<16xi32>, vector<16xi32>, vector<16xi32>, vector<16xi32>], vector<16xf32>,
      %gather3A_1386 = tpu.vector_load_idx %arg10[%broadcast_in_dim3A_1382, %add3A_7, %and3A_9, %broadcast_in_dim3A_1380] : memref<8x4x8x128xf32, #tpu.memory_space<vmem>>[vector<16xi32>, vector<16xi32>, vector<16xi32>, vector<16xi32>], vector<16xf32>,
      %mul3A_1387 = arith.mulf %gather3A_1383, %gather3A_1385 : vector<16xf32>
      %mul3A_1388 = arith.mulf %gather3A_1384, %gather3A_1386 : vector<16xf32>
      %add3A_1389 = arith.addf %mul3A_1387, %mul3A_1388 : vector<16xf32>
      %swap3A_1390 = arith.constant 2 : i32
      %swap3A_1391 = arith.index_cast %swap3A_1390 : i32 to index
      %swap3A_1392 = arith.constant 0 : index
      %swap3A_1393 = tpu.vector_load %arg11[%swap3A_1391, %swap3A_1392] {strides = array<i32>} : memref<16x16xf32, #tpu.memory_space<vmem>>, vector<16xf32>,
      tpu.vector_store %arg11[%swap3A_1391, %swap3A_1392], %add3A_1389 {strides = array<i32>} : memref<16x16xf32, #tpu.memory_space<vmem>>, vector<16xf32>,
      %slice3A_1394 = vector.extract_strided_slice %get3A_18 {offsets = [3], sizes = [1], strides = [1]} : vector<16xi32> to vector<1xi32>
      %squeeze3A_1395 = vector.extract %slice3A_1394[0] : i32 from vector<1xi32>
      %and3A_1396 = arith.constant 127 : i32
      %and3A_1397 = arith.andi %squeeze3A_1395, %and3A_1396 : i32
      %broadcast_in_dim3A_1398 = vector.broadcast %and3A_1397 : i32 to vector<16xi32>
      %slice3A_1399 = vector.extract_strided_slice %get3A_20 {offsets = [3], sizes = [1], strides = [1]} : vector<16xi32> to vector<1xi32>
      %squeeze3A_1400 = vector.extract %slice3A_1399[0] : i32 from vector<1xi32>
      %and3A_1401 = arith.constant 127 : i32
      %and3A_1402 = arith.andi %squeeze3A_1400, %and3A_1401 : i32
      %broadcast_in_dim3A_1403 = vector.broadcast %and3A_1402 : i32 to vector<16xi32>
      %broadcast_in_dim3A_1404 = arith.constant 3 : i32
      %broadcast_in_dim3A_1405 = vector.broadcast %broadcast_in_dim3A_1404 : i32 to vector<16xi32>
      %gather3A_1406 = tpu.vector_load_idx %arg9[%broadcast_in_dim3A_1405, %shift_right_logical3A_4, %and3A_9, %broadcast_in_dim3A_1398] : memref<8x4x8x128xf32, #tpu.memory_space<vmem>>[vector<16xi32>, vector<16xi32>, vector<16xi32>, vector<16xi32>], vector<16xf32>,
      %gather3A_1407 = tpu.vector_load_idx %arg9[%broadcast_in_dim3A_1405, %add3A_7, %and3A_9, %broadcast_in_dim3A_1398] : memref<8x4x8x128xf32, #tpu.memory_space<vmem>>[vector<16xi32>, vector<16xi32>, vector<16xi32>, vector<16xi32>], vector<16xf32>,
      %gather3A_1408 = tpu.vector_load_idx %arg10[%broadcast_in_dim3A_1405, %shift_right_logical3A_4, %and3A_9, %broadcast_in_dim3A_1403] : memref<8x4x8x128xf32, #tpu.memory_space<vmem>>[vector<16xi32>, vector<16xi32>, vector<16xi32>, vector<16xi32>], vector<16xf32>,
      %gather3A_1409 = tpu.vector_load_idx %arg10[%broadcast_in_dim3A_1405, %add3A_7, %and3A_9, %broadcast_in_dim3A_1403] : memref<8x4x8x128xf32, #tpu.memory_space<vmem>>[vector<16xi32>, vector<16xi32>, vector<16xi32>, vector<16xi32>], vector<16xf32>,
      %mul3A_1410 = arith.mulf %gather3A_1406, %gather3A_1408 : vector<16xf32>
      %mul3A_1411 = arith.mulf %gather3A_1407, %gather3A_1409 : vector<16xf32>
      %add3A_1412 = arith.addf %mul3A_1410, %mul3A_1411 : vector<16xf32>
      %swap3A_1413 = arith.constant 3 : i32
      %swap3A_1414 = arith.index_cast %swap3A_1413 : i32 to index
      %swap3A_1415 = arith.constant 0 : index
      %swap3A_1416 = tpu.vector_load %arg11[%swap3A_1414, %swap3A_1415] {strides = array<i32>} : memref<16x16xf32, #tpu.memory_space<vmem>>, vector<16xf32>,
      tpu.vector_store %arg11[%swap3A_1414, %swap3A_1415], %add3A_1412 {strides = array<i32>} : memref<16x16xf32, #tpu.memory_space<vmem>>, vector<16xf32>,
      %slice3A_1417 = vector.extract_strided_slice %get3A_18 {offsets = [8], sizes = [1], strides = [1]} : vector<16xi32> to vector<1xi32>
      %squeeze3A_1418 = vector.extract %slice3A_1417[0] : i32 from vector<1xi32>
      %shift_right_logical3A_1419 = arith.constant 7 : i32
      %shift_right_logical3A_1420 = arith.shrui %squeeze3A_1418, %shift_right_logical3A_1419 : i32
      %mul3A_1421 = arith.constant 128 : i32
      %mul3A_1422 = arith.muli %shift_right_logical3A_1420, %mul3A_1421 : i32
      %multiple_of3A_1423 = tpu.assume_multiple %mul3A_1422, 128 : i32
      %slice3A_1424 = vector.extract_strided_slice %get3A_20 {offsets = [8], sizes = [1], strides = [1]} : vector<16xi32> to vector<1xi32>
      %squeeze3A_1425 = vector.extract %slice3A_1424[0] : i32 from vector<1xi32>
      %shift_right_logical3A_1426 = arith.constant 7 : i32
      %shift_right_logical3A_1427 = arith.shrui %squeeze3A_1425, %shift_right_logical3A_1426 : i32
      %mul3A_1428 = arith.constant 128 : i32
      %mul3A_1429 = arith.muli %shift_right_logical3A_1427, %mul3A_1428 : i32
      %multiple_of3A_1430 = tpu.assume_multiple %mul3A_1429, 128 : i32
      %dma_start3A_1431 = arith.constant 0 : i32
      %dma_start3A_1432 = arith.constant 0 : i32
      %dma_start3A_1433 = arith.constant 0 : i32
      %dma_start3A_1434 = arith.constant 0 : i32
      %dma_start3A_1435 = tpu.memref_slice %arg9[%dma_start3A_1431, %dma_start3A_1432, %dma_start3A_1433, %dma_start3A_1434] : memref<8x4x8x128xf32, #tpu.memory_space<vmem>> -> memref<1x4x8x128xf32, #tpu.memory_space<vmem>>
      %dma_start3A_1436 = tpu.memref_squeeze %dma_start3A_1435 : memref<1x4x8x128xf32, #tpu.memory_space<vmem>> -> memref<4x8x128xf32, #tpu.memory_space<vmem>>
      %dma_start3A_1437 = arith.constant 0 : i32
      %dma_start3A_1438 = arith.constant 0 : i32
      %dma_start3A_1439 = arith.constant 0 : i32
      %dma_start3A_1440 = tpu.memref_slice %dma_start3A_1436[%dma_start3A_1437, %dma_start3A_1438, %dma_start3A_1439] : memref<4x8x128xf32, #tpu.memory_space<vmem>> -> memref<2x8x128xf32, #tpu.memory_space<vmem>>
      %dma_start3A_1441 = arith.constant 0 : i32
      %dma_start3A_1442 = arith.constant 0 : i32
      %dma_start3A_1443 = tpu.memref_slice %arg4[%dma_start3A_1441, %dma_start3A_1442, %multiple_of3A_1423] : memref<4x8x1000000xf32, #tpu.memory_space<hbm>> -> memref<2x8x128xf32, #tpu.memory_space<hbm>>
      %dma_start3A_1444 = arith.constant 0 : i32
      %dma_start3A_1445 = arith.constant 0 : i32
      %dma_start3A_1446 = arith.constant 0 : i32
      %dma_start3A_1447 = tpu.memref_slice %arg9[%dma_start3A_1431, %dma_start3A_1444, %dma_start3A_1445, %dma_start3A_1446] : memref<8x4x8x128xf32, #tpu.memory_space<vmem>> -> memref<1x4x8x128xf32, #tpu.memory_space<vmem>>
      %dma_start3A_1448 = tpu.memref_squeeze %dma_start3A_1447 : memref<1x4x8x128xf32, #tpu.memory_space<vmem>> -> memref<4x8x128xf32, #tpu.memory_space<vmem>>
      %dma_start3A_1449 = arith.constant 0 : i32
      %dma_start3A_1450 = arith.constant 0 : i32
      %dma_start3A_1451 = arith.constant 0 : i32
      %dma_start3A_1452 = tpu.memref_slice %dma_start3A_1448[%dma_start3A_1449, %dma_start3A_1450, %dma_start3A_1451] : memref<4x8x128xf32, #tpu.memory_space<vmem>> -> memref<2x8x128xf32, #tpu.memory_space<vmem>>
      %dma_start3A_1453 = arith.constant 0 : i32
      %dma_start3A_1454 = arith.constant 0 : i32
      %dma_start3A_1455 = tpu.memref_slice %arg4[%dma_start3A_1453, %dma_start3A_1454, %multiple_of3A_1423] : memref<4x8x1000000xf32, #tpu.memory_space<hbm>> -> memref<2x8x128xf32, #tpu.memory_space<hbm>>
      tpu.enqueue_dma source(%dma_start3A_1455 : memref<2x8x128xf32, #tpu.memory_space<hbm>>) target(%dma_start3A_1452 : memref<2x8x128xf32, #tpu.memory_space<vmem>>) target_semaphore(%arg13 : memref<!tpu.dma_semaphore, #tpu.memory_space<semaphore_mem>>)
      %dma_start3A_1456 = arith.constant 0 : i32
      %dma_start3A_1457 = arith.constant 0 : i32
      %dma_start3A_1458 = arith.constant 0 : i32
      %dma_start3A_1459 = arith.constant 0 : i32
      %dma_start3A_1460 = tpu.memref_slice %arg10[%dma_start3A_1456, %dma_start3A_1457, %dma_start3A_1458, %dma_start3A_1459] : memref<8x4x8x128xf32, #tpu.memory_space<vmem>> -> memref<1x4x8x128xf32, #tpu.memory_space<vmem>>
      %dma_start3A_1461 = tpu.memref_squeeze %dma_start3A_1460 : memref<1x4x8x128xf32, #tpu.memory_space<vmem>> -> memref<4x8x128xf32, #tpu.memory_space<vmem>>
      %dma_start3A_1462 = arith.constant 0 : i32
      %dma_start3A_1463 = arith.constant 0 : i32
      %dma_start3A_1464 = arith.constant 0 : i32
      %dma_start3A_1465 = tpu.memref_slice %dma_start3A_1461[%dma_start3A_1462, %dma_start3A_1463, %dma_start3A_1464] : memref<4x8x128xf32, #tpu.memory_space<vmem>> -> memref<2x8x128xf32, #tpu.memory_space<vmem>>
      %dma_start3A_1466 = arith.constant 0 : i32
      %dma_start3A_1467 = arith.constant 0 : i32
      %dma_start3A_1468 = tpu.memref_slice %arg5[%dma_start3A_1466, %dma_start3A_1467, %multiple_of3A_1430] : memref<4x8x1000000xf32, #tpu.memory_space<hbm>> -> memref<2x8x128xf32, #tpu.memory_space<hbm>>
      %dma_start3A_1469 = arith.constant 0 : i32
      %dma_start3A_1470 = arith.constant 0 : i32
      %dma_start3A_1471 = arith.constant 0 : i32
      %dma_start3A_1472 = tpu.memref_slice %arg10[%dma_start3A_1456, %dma_start3A_1469, %dma_start3A_1470, %dma_start3A_1471] : memref<8x4x8x128xf32, #tpu.memory_space<vmem>> -> memref<1x4x8x128xf32, #tpu.memory_space<vmem>>
      %dma_start3A_1473 = tpu.memref_squeeze %dma_start3A_1472 : memref<1x4x8x128xf32, #tpu.memory_space<vmem>> -> memref<4x8x128xf32, #tpu.memory_space<vmem>>
      %dma_start3A_1474 = arith.constant 0 : i32
      %dma_start3A_1475 = arith.constant 0 : i32
      %dma_start3A_1476 = arith.constant 0 : i32
      %dma_start3A_1477 = tpu.memref_slice %dma_start3A_1473[%dma_start3A_1474, %dma_start3A_1475, %dma_start3A_1476] : memref<4x8x128xf32, #tpu.memory_space<vmem>> -> memref<2x8x128xf32, #tpu.memory_space<vmem>>
      %dma_start3A_1478 = arith.constant 0 : i32
      %dma_start3A_1479 = arith.constant 0 : i32
      %dma_start3A_1480 = tpu.memref_slice %arg5[%dma_start3A_1478, %dma_start3A_1479, %multiple_of3A_1430] : memref<4x8x1000000xf32, #tpu.memory_space<hbm>> -> memref<2x8x128xf32, #tpu.memory_space<hbm>>
      tpu.enqueue_dma source(%dma_start3A_1480 : memref<2x8x128xf32, #tpu.memory_space<hbm>>) target(%dma_start3A_1477 : memref<2x8x128xf32, #tpu.memory_space<vmem>>) target_semaphore(%arg13 : memref<!tpu.dma_semaphore, #tpu.memory_space<semaphore_mem>>)
      %dma_start3A_1481 = arith.constant 0 : i32
      %dma_start3A_1482 = arith.constant 0 : i32
      %dma_start3A_1483 = arith.constant 0 : i32
      %dma_start3A_1484 = arith.constant 0 : i32
      %dma_start3A_1485 = tpu.memref_slice %arg9[%dma_start3A_1481, %dma_start3A_1482, %dma_start3A_1483, %dma_start3A_1484] : memref<8x4x8x128xf32, #tpu.memory_space<vmem>> -> memref<1x4x8x128xf32, #tpu.memory_space<vmem>>
      %dma_start3A_1486 = tpu.memref_squeeze %dma_start3A_1485 : memref<1x4x8x128xf32, #tpu.memory_space<vmem>> -> memref<4x8x128xf32, #tpu.memory_space<vmem>>
      %dma_start3A_1487 = arith.constant 2 : i32
      %dma_start3A_1488 = arith.constant 0 : i32
      %dma_start3A_1489 = arith.constant 0 : i32
      %dma_start3A_1490 = tpu.memref_slice %dma_start3A_1486[%dma_start3A_1487, %dma_start3A_1488, %dma_start3A_1489] : memref<4x8x128xf32, #tpu.memory_space<vmem>> -> memref<2x8x128xf32, #tpu.memory_space<vmem>>
      %dma_start3A_1491 = arith.constant 2 : i32
      %dma_start3A_1492 = arith.constant 0 : i32
      %dma_start3A_1493 = tpu.memref_slice %arg4[%dma_start3A_1491, %dma_start3A_1492, %multiple_of3A_1423] : memref<4x8x1000000xf32, #tpu.memory_space<hbm>> -> memref<2x8x128xf32, #tpu.memory_space<hbm>>
      %dma_start3A_1494 = arith.constant 0 : i32
      %dma_start3A_1495 = arith.constant 0 : i32
      %dma_start3A_1496 = arith.constant 0 : i32
      %dma_start3A_1497 = tpu.memref_slice %arg9[%dma_start3A_1481, %dma_start3A_1494, %dma_start3A_1495, %dma_start3A_1496] : memref<8x4x8x128xf32, #tpu.memory_space<vmem>> -> memref<1x4x8x128xf32, #tpu.memory_space<vmem>>
      %dma_start3A_1498 = tpu.memref_squeeze %dma_start3A_1497 : memref<1x4x8x128xf32, #tpu.memory_space<vmem>> -> memref<4x8x128xf32, #tpu.memory_space<vmem>>
      %dma_start3A_1499 = arith.constant 2 : i32
      %dma_start3A_1500 = arith.constant 0 : i32
      %dma_start3A_1501 = arith.constant 0 : i32
      %dma_start3A_1502 = tpu.memref_slice %dma_start3A_1498[%dma_start3A_1499, %dma_start3A_1500, %dma_start3A_1501] : memref<4x8x128xf32, #tpu.memory_space<vmem>> -> memref<2x8x128xf32, #tpu.memory_space<vmem>>
      %dma_start3A_1503 = arith.constant 2 : i32
      %dma_start3A_1504 = arith.constant 0 : i32
      %dma_start3A_1505 = tpu.memref_slice %arg4[%dma_start3A_1503, %dma_start3A_1504, %multiple_of3A_1423] : memref<4x8x1000000xf32, #tpu.memory_space<hbm>> -> memref<2x8x128xf32, #tpu.memory_space<hbm>>
      tpu.enqueue_dma source(%dma_start3A_1505 : memref<2x8x128xf32, #tpu.memory_space<hbm>>) target(%dma_start3A_1502 : memref<2x8x128xf32, #tpu.memory_space<vmem>>) target_semaphore(%arg13 : memref<!tpu.dma_semaphore, #tpu.memory_space<semaphore_mem>>)
      %dma_start3A_1506 = arith.constant 0 : i32
      %dma_start3A_1507 = arith.constant 0 : i32
      %dma_start3A_1508 = arith.constant 0 : i32
      %dma_start3A_1509 = arith.constant 0 : i32
      %dma_start3A_1510 = tpu.memref_slice %arg10[%dma_start3A_1506, %dma_start3A_1507, %dma_start3A_1508, %dma_start3A_1509] : memref<8x4x8x128xf32, #tpu.memory_space<vmem>> -> memref<1x4x8x128xf32, #tpu.memory_space<vmem>>
      %dma_start3A_1511 = tpu.memref_squeeze %dma_start3A_1510 : memref<1x4x8x128xf32, #tpu.memory_space<vmem>> -> memref<4x8x128xf32, #tpu.memory_space<vmem>>
      %dma_start3A_1512 = arith.constant 2 : i32
      %dma_start3A_1513 = arith.constant 0 : i32
      %dma_start3A_1514 = arith.constant 0 : i32
      %dma_start3A_1515 = tpu.memref_slice %dma_start3A_1511[%dma_start3A_1512, %dma_start3A_1513, %dma_start3A_1514] : memref<4x8x128xf32, #tpu.memory_space<vmem>> -> memref<2x8x128xf32, #tpu.memory_space<vmem>>
      %dma_start3A_1516 = arith.constant 2 : i32
      %dma_start3A_1517 = arith.constant 0 : i32
      %dma_start3A_1518 = tpu.memref_slice %arg5[%dma_start3A_1516, %dma_start3A_1517, %multiple_of3A_1430] : memref<4x8x1000000xf32, #tpu.memory_space<hbm>> -> memref<2x8x128xf32, #tpu.memory_space<hbm>>
      %dma_start3A_1519 = arith.constant 0 : i32
      %dma_start3A_1520 = arith.constant 0 : i32
      %dma_start3A_1521 = arith.constant 0 : i32
      %dma_start3A_1522 = tpu.memref_slice %arg10[%dma_start3A_1506, %dma_start3A_1519, %dma_start3A_1520, %dma_start3A_1521] : memref<8x4x8x128xf32, #tpu.memory_space<vmem>> -> memref<1x4x8x128xf32, #tpu.memory_space<vmem>>
      %dma_start3A_1523 = tpu.memref_squeeze %dma_start3A_1522 : memref<1x4x8x128xf32, #tpu.memory_space<vmem>> -> memref<4x8x128xf32, #tpu.memory_space<vmem>>
      %dma_start3A_1524 = arith.constant 2 : i32
      %dma_start3A_1525 = arith.constant 0 : i32
      %dma_start3A_1526 = arith.constant 0 : i32
      %dma_start3A_1527 = tpu.memref_slice %dma_start3A_1523[%dma_start3A_1524, %dma_start3A_1525, %dma_start3A_1526] : memref<4x8x128xf32, #tpu.memory_space<vmem>> -> memref<2x8x128xf32, #tpu.memory_space<vmem>>
      %dma_start3A_1528 = arith.constant 2 : i32
      %dma_start3A_1529 = arith.constant 0 : i32
      %dma_start3A_1530 = tpu.memref_slice %arg5[%dma_start3A_1528, %dma_start3A_1529, %multiple_of3A_1430] : memref<4x8x1000000xf32, #tpu.memory_space<hbm>> -> memref<2x8x128xf32, #tpu.memory_space<hbm>>
      tpu.enqueue_dma source(%dma_start3A_1530 : memref<2x8x128xf32, #tpu.memory_space<hbm>>) target(%dma_start3A_1527 : memref<2x8x128xf32, #tpu.memory_space<vmem>>) target_semaphore(%arg13 : memref<!tpu.dma_semaphore, #tpu.memory_space<semaphore_mem>>)
      %slice3A_1531 = vector.extract_strided_slice %get3A_18 {offsets = [9], sizes = [1], strides = [1]} : vector<16xi32> to vector<1xi32>
      %squeeze3A_1532 = vector.extract %slice3A_1531[0] : i32 from vector<1xi32>
      %shift_right_logical3A_1533 = arith.constant 7 : i32
      %shift_right_logical3A_1534 = arith.shrui %squeeze3A_1532, %shift_right_logical3A_1533 : i32
      %mul3A_1535 = arith.constant 128 : i32
      %mul3A_1536 = arith.muli %shift_right_logical3A_1534, %mul3A_1535 : i32
      %multiple_of3A_1537 = tpu.assume_multiple %mul3A_1536, 128 : i32
      %slice3A_1538 = vector.extract_strided_slice %get3A_20 {offsets = [9], sizes = [1], strides = [1]} : vector<16xi32> to vector<1xi32>
      %squeeze3A_1539 = vector.extract %slice3A_1538[0] : i32 from vector<1xi32>
      %shift_right_logical3A_1540 = arith.constant 7 : i32
      %shift_right_logical3A_1541 = arith.shrui %squeeze3A_1539, %shift_right_logical3A_1540 : i32
      %mul3A_1542 = arith.constant 128 : i32
      %mul3A_1543 = arith.muli %shift_right_logical3A_1541, %mul3A_1542 : i32
      %multiple_of3A_1544 = tpu.assume_multiple %mul3A_1543, 128 : i32
      %dma_start3A_1545 = arith.constant 1 : i32
      %dma_start3A_1546 = arith.constant 0 : i32
      %dma_start3A_1547 = arith.constant 0 : i32
      %dma_start3A_1548 = arith.constant 0 : i32
      %dma_start3A_1549 = tpu.memref_slice %arg9[%dma_start3A_1545, %dma_start3A_1546, %dma_start3A_1547, %dma_start3A_1548] : memref<8x4x8x128xf32, #tpu.memory_space<vmem>> -> memref<1x4x8x128xf32, #tpu.memory_space<vmem>>
      %dma_start3A_1550 = tpu.memref_squeeze %dma_start3A_1549 : memref<1x4x8x128xf32, #tpu.memory_space<vmem>> -> memref<4x8x128xf32, #tpu.memory_space<vmem>>
      %dma_start3A_1551 = arith.constant 0 : i32
      %dma_start3A_1552 = arith.constant 0 : i32
      %dma_start3A_1553 = arith.constant 0 : i32
      %dma_start3A_1554 = tpu.memref_slice %dma_start3A_1550[%dma_start3A_1551, %dma_start3A_1552, %dma_start3A_1553] : memref<4x8x128xf32, #tpu.memory_space<vmem>> -> memref<2x8x128xf32, #tpu.memory_space<vmem>>
      %dma_start3A_1555 = arith.constant 0 : i32
      %dma_start3A_1556 = arith.constant 0 : i32
      %dma_start3A_1557 = tpu.memref_slice %arg4[%dma_start3A_1555, %dma_start3A_1556, %multiple_of3A_1537] : memref<4x8x1000000xf32, #tpu.memory_space<hbm>> -> memref<2x8x128xf32, #tpu.memory_space<hbm>>
      %dma_start3A_1558 = arith.constant 0 : i32
      %dma_start3A_1559 = arith.constant 0 : i32
      %dma_start3A_1560 = arith.constant 0 : i32
      %dma_start3A_1561 = tpu.memref_slice %arg9[%dma_start3A_1545, %dma_start3A_1558, %dma_start3A_1559, %dma_start3A_1560] : memref<8x4x8x128xf32, #tpu.memory_space<vmem>> -> memref<1x4x8x128xf32, #tpu.memory_space<vmem>>
      %dma_start3A_1562 = tpu.memref_squeeze %dma_start3A_1561 : memref<1x4x8x128xf32, #tpu.memory_space<vmem>> -> memref<4x8x128xf32, #tpu.memory_space<vmem>>
      %dma_start3A_1563 = arith.constant 0 : i32
      %dma_start3A_1564 = arith.constant 0 : i32
      %dma_start3A_1565 = arith.constant 0 : i32
      %dma_start3A_1566 = tpu.memref_slice %dma_start3A_1562[%dma_start3A_1563, %dma_start3A_1564, %dma_start3A_1565] : memref<4x8x128xf32, #tpu.memory_space<vmem>> -> memref<2x8x128xf32, #tpu.memory_space<vmem>>
      %dma_start3A_1567 = arith.constant 0 : i32
      %dma_start3A_1568 = arith.constant 0 : i32
      %dma_start3A_1569 = tpu.memref_slice %arg4[%dma_start3A_1567, %dma_start3A_1568, %multiple_of3A_1537] : memref<4x8x1000000xf32, #tpu.memory_space<hbm>> -> memref<2x8x128xf32, #tpu.memory_space<hbm>>
      tpu.enqueue_dma source(%dma_start3A_1569 : memref<2x8x128xf32, #tpu.memory_space<hbm>>) target(%dma_start3A_1566 : memref<2x8x128xf32, #tpu.memory_space<vmem>>) target_semaphore(%arg13 : memref<!tpu.dma_semaphore, #tpu.memory_space<semaphore_mem>>)
      %dma_start3A_1570 = arith.constant 1 : i32
      %dma_start3A_1571 = arith.constant 0 : i32
      %dma_start3A_1572 = arith.constant 0 : i32
      %dma_start3A_1573 = arith.constant 0 : i32
      %dma_start3A_1574 = tpu.memref_slice %arg10[%dma_start3A_1570, %dma_start3A_1571, %dma_start3A_1572, %dma_start3A_1573] : memref<8x4x8x128xf32, #tpu.memory_space<vmem>> -> memref<1x4x8x128xf32, #tpu.memory_space<vmem>>
      %dma_start3A_1575 = tpu.memref_squeeze %dma_start3A_1574 : memref<1x4x8x128xf32, #tpu.memory_space<vmem>> -> memref<4x8x128xf32, #tpu.memory_space<vmem>>
      %dma_start3A_1576 = arith.constant 0 : i32
      %dma_start3A_1577 = arith.constant 0 : i32
      %dma_start3A_1578 = arith.constant 0 : i32
      %dma_start3A_1579 = tpu.memref_slice %dma_start3A_1575[%dma_start3A_1576, %dma_start3A_1577, %dma_start3A_1578] : memref<4x8x128xf32, #tpu.memory_space<vmem>> -> memref<2x8x128xf32, #tpu.memory_space<vmem>>
      %dma_start3A_1580 = arith.constant 0 : i32
      %dma_start3A_1581 = arith.constant 0 : i32
      %dma_start3A_1582 = tpu.memref_slice %arg5[%dma_start3A_1580, %dma_start3A_1581, %multiple_of3A_1544] : memref<4x8x1000000xf32, #tpu.memory_space<hbm>> -> memref<2x8x128xf32, #tpu.memory_space<hbm>>
      %dma_start3A_1583 = arith.constant 0 : i32
      %dma_start3A_1584 = arith.constant 0 : i32
      %dma_start3A_1585 = arith.constant 0 : i32
      %dma_start3A_1586 = tpu.memref_slice %arg10[%dma_start3A_1570, %dma_start3A_1583, %dma_start3A_1584, %dma_start3A_1585] : memref<8x4x8x128xf32, #tpu.memory_space<vmem>> -> memref<1x4x8x128xf32, #tpu.memory_space<vmem>>
      %dma_start3A_1587 = tpu.memref_squeeze %dma_start3A_1586 : memref<1x4x8x128xf32, #tpu.memory_space<vmem>> -> memref<4x8x128xf32, #tpu.memory_space<vmem>>
      %dma_start3A_1588 = arith.constant 0 : i32
      %dma_start3A_1589 = arith.constant 0 : i32
      %dma_start3A_1590 = arith.constant 0 : i32
      %dma_start3A_1591 = tpu.memref_slice %dma_start3A_1587[%dma_start3A_1588, %dma_start3A_1589, %dma_start3A_1590] : memref<4x8x128xf32, #tpu.memory_space<vmem>> -> memref<2x8x128xf32, #tpu.memory_space<vmem>>
      %dma_start3A_1592 = arith.constant 0 : i32
      %dma_start3A_1593 = arith.constant 0 : i32
      %dma_start3A_1594 = tpu.memref_slice %arg5[%dma_start3A_1592, %dma_start3A_1593, %multiple_of3A_1544] : memref<4x8x1000000xf32, #tpu.memory_space<hbm>> -> memref<2x8x128xf32, #tpu.memory_space<hbm>>
      tpu.enqueue_dma source(%dma_start3A_1594 : memref<2x8x128xf32, #tpu.memory_space<hbm>>) target(%dma_start3A_1591 : memref<2x8x128xf32, #tpu.memory_space<vmem>>) target_semaphore(%arg13 : memref<!tpu.dma_semaphore, #tpu.memory_space<semaphore_mem>>)
      %dma_start3A_1595 = arith.constant 1 : i32
      %dma_start3A_1596 = arith.constant 0 : i32
      %dma_start3A_1597 = arith.constant 0 : i32
      %dma_start3A_1598 = arith.constant 0 : i32
      %dma_start3A_1599 = tpu.memref_slice %arg9[%dma_start3A_1595, %dma_start3A_1596, %dma_start3A_1597, %dma_start3A_1598] : memref<8x4x8x128xf32, #tpu.memory_space<vmem>> -> memref<1x4x8x128xf32, #tpu.memory_space<vmem>>
      %dma_start3A_1600 = tpu.memref_squeeze %dma_start3A_1599 : memref<1x4x8x128xf32, #tpu.memory_space<vmem>> -> memref<4x8x128xf32, #tpu.memory_space<vmem>>
      %dma_start3A_1601 = arith.constant 2 : i32
      %dma_start3A_1602 = arith.constant 0 : i32
      %dma_start3A_1603 = arith.constant 0 : i32
      %dma_start3A_1604 = tpu.memref_slice %dma_start3A_1600[%dma_start3A_1601, %dma_start3A_1602, %dma_start3A_1603] : memref<4x8x128xf32, #tpu.memory_space<vmem>> -> memref<2x8x128xf32, #tpu.memory_space<vmem>>
      %dma_start3A_1605 = arith.constant 2 : i32
      %dma_start3A_1606 = arith.constant 0 : i32
      %dma_start3A_1607 = tpu.memref_slice %arg4[%dma_start3A_1605, %dma_start3A_1606, %multiple_of3A_1537] : memref<4x8x1000000xf32, #tpu.memory_space<hbm>> -> memref<2x8x128xf32, #tpu.memory_space<hbm>>
      %dma_start3A_1608 = arith.constant 0 : i32
      %dma_start3A_1609 = arith.constant 0 : i32
      %dma_start3A_1610 = arith.constant 0 : i32
      %dma_start3A_1611 = tpu.memref_slice %arg9[%dma_start3A_1595, %dma_start3A_1608, %dma_start3A_1609, %dma_start3A_1610] : memref<8x4x8x128xf32, #tpu.memory_space<vmem>> -> memref<1x4x8x128xf32, #tpu.memory_space<vmem>>
      %dma_start3A_1612 = tpu.memref_squeeze %dma_start3A_1611 : memref<1x4x8x128xf32, #tpu.memory_space<vmem>> -> memref<4x8x128xf32, #tpu.memory_space<vmem>>
      %dma_start3A_1613 = arith.constant 2 : i32
      %dma_start3A_1614 = arith.constant 0 : i32
      %dma_start3A_1615 = arith.constant 0 : i32
      %dma_start3A_1616 = tpu.memref_slice %dma_start3A_1612[%dma_start3A_1613, %dma_start3A_1614, %dma_start3A_1615] : memref<4x8x128xf32, #tpu.memory_space<vmem>> -> memref<2x8x128xf32, #tpu.memory_space<vmem>>
      %dma_start3A_1617 = arith.constant 2 : i32
      %dma_start3A_1618 = arith.constant 0 : i32
      %dma_start3A_1619 = tpu.memref_slice %arg4[%dma_start3A_1617, %dma_start3A_1618, %multiple_of3A_1537] : memref<4x8x1000000xf32, #tpu.memory_space<hbm>> -> memref<2x8x128xf32, #tpu.memory_space<hbm>>
      tpu.enqueue_dma source(%dma_start3A_1619 : memref<2x8x128xf32, #tpu.memory_space<hbm>>) target(%dma_start3A_1616 : memref<2x8x128xf32, #tpu.memory_space<vmem>>) target_semaphore(%arg13 : memref<!tpu.dma_semaphore, #tpu.memory_space<semaphore_mem>>)
      %dma_start3A_1620 = arith.constant 1 : i32
      %dma_start3A_1621 = arith.constant 0 : i32
      %dma_start3A_1622 = arith.constant 0 : i32
      %dma_start3A_1623 = arith.constant 0 : i32
      %dma_start3A_1624 = tpu.memref_slice %arg10[%dma_start3A_1620, %dma_start3A_1621, %dma_start3A_1622, %dma_start3A_1623] : memref<8x4x8x128xf32, #tpu.memory_space<vmem>> -> memref<1x4x8x128xf32, #tpu.memory_space<vmem>>
      %dma_start3A_1625 = tpu.memref_squeeze %dma_start3A_1624 : memref<1x4x8x128xf32, #tpu.memory_space<vmem>> -> memref<4x8x128xf32, #tpu.memory_space<vmem>>
      %dma_start3A_1626 = arith.constant 2 : i32
      %dma_start3A_1627 = arith.constant 0 : i32
      %dma_start3A_1628 = arith.constant 0 : i32
      %dma_start3A_1629 = tpu.memref_slice %dma_start3A_1625[%dma_start3A_1626, %dma_start3A_1627, %dma_start3A_1628] : memref<4x8x128xf32, #tpu.memory_space<vmem>> -> memref<2x8x128xf32, #tpu.memory_space<vmem>>
      %dma_start3A_1630 = arith.constant 2 : i32
      %dma_start3A_1631 = arith.constant 0 : i32
      %dma_start3A_1632 = tpu.memref_slice %arg5[%dma_start3A_1630, %dma_start3A_1631, %multiple_of3A_1544] : memref<4x8x1000000xf32, #tpu.memory_space<hbm>> -> memref<2x8x128xf32, #tpu.memory_space<hbm>>
      %dma_start3A_1633 = arith.constant 0 : i32
      %dma_start3A_1634 = arith.constant 0 : i32
      %dma_start3A_1635 = arith.constant 0 : i32
      %dma_start3A_1636 = tpu.memref_slice %arg10[%dma_start3A_1620, %dma_start3A_1633, %dma_start3A_1634, %dma_start3A_1635] : memref<8x4x8x128xf32, #tpu.memory_space<vmem>> -> memref<1x4x8x128xf32, #tpu.memory_space<vmem>>
      %dma_start3A_1637 = tpu.memref_squeeze %dma_start3A_1636 : memref<1x4x8x128xf32, #tpu.memory_space<vmem>> -> memref<4x8x128xf32, #tpu.memory_space<vmem>>
      %dma_start3A_1638 = arith.constant 2 : i32
      %dma_start3A_1639 = arith.constant 0 : i32
      %dma_start3A_1640 = arith.constant 0 : i32
      %dma_start3A_1641 = tpu.memref_slice %dma_start3A_1637[%dma_start3A_1638, %dma_start3A_1639, %dma_start3A_1640] : memref<4x8x128xf32, #tpu.memory_space<vmem>> -> memref<2x8x128xf32, #tpu.memory_space<vmem>>
      %dma_start3A_1642 = arith.constant 2 : i32
      %dma_start3A_1643 = arith.constant 0 : i32
      %dma_start3A_1644 = tpu.memref_slice %arg5[%dma_start3A_1642, %dma_start3A_1643, %multiple_of3A_1544] : memref<4x8x1000000xf32, #tpu.memory_space<hbm>> -> memref<2x8x128xf32, #tpu.memory_space<hbm>>
      tpu.enqueue_dma source(%dma_start3A_1644 : memref<2x8x128xf32, #tpu.memory_space<hbm>>) target(%dma_start3A_1641 : memref<2x8x128xf32, #tpu.memory_space<vmem>>) target_semaphore(%arg13 : memref<!tpu.dma_semaphore, #tpu.memory_space<semaphore_mem>>)
      %slice3A_1645 = vector.extract_strided_slice %get3A_18 {offsets = [10], sizes = [1], strides = [1]} : vector<16xi32> to vector<1xi32>
      %squeeze3A_1646 = vector.extract %slice3A_1645[0] : i32 from vector<1xi32>
      %shift_right_logical3A_1647 = arith.constant 7 : i32
      %shift_right_logical3A_1648 = arith.shrui %squeeze3A_1646, %shift_right_logical3A_1647 : i32
      %mul3A_1649 = arith.constant 128 : i32
      %mul3A_1650 = arith.muli %shift_right_logical3A_1648, %mul3A_1649 : i32
      %multiple_of3A_1651 = tpu.assume_multiple %mul3A_1650, 128 : i32
      %slice3A_1652 = vector.extract_strided_slice %get3A_20 {offsets = [10], sizes = [1], strides = [1]} : vector<16xi32> to vector<1xi32>
      %squeeze3A_1653 = vector.extract %slice3A_1652[0] : i32 from vector<1xi32>
      %shift_right_logical3A_1654 = arith.constant 7 : i32
      %shift_right_logical3A_1655 = arith.shrui %squeeze3A_1653, %shift_right_logical3A_1654 : i32
      %mul3A_1656 = arith.constant 128 : i32
      %mul3A_1657 = arith.muli %shift_right_logical3A_1655, %mul3A_1656 : i32
      %multiple_of3A_1658 = tpu.assume_multiple %mul3A_1657, 128 : i32
      %dma_start3A_1659 = arith.constant 2 : i32
      %dma_start3A_1660 = arith.constant 0 : i32
      %dma_start3A_1661 = arith.constant 0 : i32
      %dma_start3A_1662 = arith.constant 0 : i32
      %dma_start3A_1663 = tpu.memref_slice %arg9[%dma_start3A_1659, %dma_start3A_1660, %dma_start3A_1661, %dma_start3A_1662] : memref<8x4x8x128xf32, #tpu.memory_space<vmem>> -> memref<1x4x8x128xf32, #tpu.memory_space<vmem>>
      %dma_start3A_1664 = tpu.memref_squeeze %dma_start3A_1663 : memref<1x4x8x128xf32, #tpu.memory_space<vmem>> -> memref<4x8x128xf32, #tpu.memory_space<vmem>>
      %dma_start3A_1665 = arith.constant 0 : i32
      %dma_start3A_1666 = arith.constant 0 : i32
      %dma_start3A_1667 = arith.constant 0 : i32
      %dma_start3A_1668 = tpu.memref_slice %dma_start3A_1664[%dma_start3A_1665, %dma_start3A_1666, %dma_start3A_1667] : memref<4x8x128xf32, #tpu.memory_space<vmem>> -> memref<2x8x128xf32, #tpu.memory_space<vmem>>
      %dma_start3A_1669 = arith.constant 0 : i32
      %dma_start3A_1670 = arith.constant 0 : i32
      %dma_start3A_1671 = tpu.memref_slice %arg4[%dma_start3A_1669, %dma_start3A_1670, %multiple_of3A_1651] : memref<4x8x1000000xf32, #tpu.memory_space<hbm>> -> memref<2x8x128xf32, #tpu.memory_space<hbm>>
      %dma_start3A_1672 = arith.constant 0 : i32
      %dma_start3A_1673 = arith.constant 0 : i32
      %dma_start3A_1674 = arith.constant 0 : i32
      %dma_start3A_1675 = tpu.memref_slice %arg9[%dma_start3A_1659, %dma_start3A_1672, %dma_start3A_1673, %dma_start3A_1674] : memref<8x4x8x128xf32, #tpu.memory_space<vmem>> -> memref<1x4x8x128xf32, #tpu.memory_space<vmem>>
      %dma_start3A_1676 = tpu.memref_squeeze %dma_start3A_1675 : memref<1x4x8x128xf32, #tpu.memory_space<vmem>> -> memref<4x8x128xf32, #tpu.memory_space<vmem>>
      %dma_start3A_1677 = arith.constant 0 : i32
      %dma_start3A_1678 = arith.constant 0 : i32
      %dma_start3A_1679 = arith.constant 0 : i32
      %dma_start3A_1680 = tpu.memref_slice %dma_start3A_1676[%dma_start3A_1677, %dma_start3A_1678, %dma_start3A_1679] : memref<4x8x128xf32, #tpu.memory_space<vmem>> -> memref<2x8x128xf32, #tpu.memory_space<vmem>>
      %dma_start3A_1681 = arith.constant 0 : i32
      %dma_start3A_1682 = arith.constant 0 : i32
      %dma_start3A_1683 = tpu.memref_slice %arg4[%dma_start3A_1681, %dma_start3A_1682, %multiple_of3A_1651] : memref<4x8x1000000xf32, #tpu.memory_space<hbm>> -> memref<2x8x128xf32, #tpu.memory_space<hbm>>
      tpu.enqueue_dma source(%dma_start3A_1683 : memref<2x8x128xf32, #tpu.memory_space<hbm>>) target(%dma_start3A_1680 : memref<2x8x128xf32, #tpu.memory_space<vmem>>) target_semaphore(%arg13 : memref<!tpu.dma_semaphore, #tpu.memory_space<semaphore_mem>>)
      %dma_start3A_1684 = arith.constant 2 : i32
      %dma_start3A_1685 = arith.constant 0 : i32
      %dma_start3A_1686 = arith.constant 0 : i32
      %dma_start3A_1687 = arith.constant 0 : i32
      %dma_start3A_1688 = tpu.memref_slice %arg10[%dma_start3A_1684, %dma_start3A_1685, %dma_start3A_1686, %dma_start3A_1687] : memref<8x4x8x128xf32, #tpu.memory_space<vmem>> -> memref<1x4x8x128xf32, #tpu.memory_space<vmem>>
      %dma_start3A_1689 = tpu.memref_squeeze %dma_start3A_1688 : memref<1x4x8x128xf32, #tpu.memory_space<vmem>> -> memref<4x8x128xf32, #tpu.memory_space<vmem>>
      %dma_start3A_1690 = arith.constant 0 : i32
      %dma_start3A_1691 = arith.constant 0 : i32
      %dma_start3A_1692 = arith.constant 0 : i32
      %dma_start3A_1693 = tpu.memref_slice %dma_start3A_1689[%dma_start3A_1690, %dma_start3A_1691, %dma_start3A_1692] : memref<4x8x128xf32, #tpu.memory_space<vmem>> -> memref<2x8x128xf32, #tpu.memory_space<vmem>>
      %dma_start3A_1694 = arith.constant 0 : i32
      %dma_start3A_1695 = arith.constant 0 : i32
      %dma_start3A_1696 = tpu.memref_slice %arg5[%dma_start3A_1694, %dma_start3A_1695, %multiple_of3A_1658] : memref<4x8x1000000xf32, #tpu.memory_space<hbm>> -> memref<2x8x128xf32, #tpu.memory_space<hbm>>
      %dma_start3A_1697 = arith.constant 0 : i32
      %dma_start3A_1698 = arith.constant 0 : i32
      %dma_start3A_1699 = arith.constant 0 : i32
      %dma_start3A_1700 = tpu.memref_slice %arg10[%dma_start3A_1684, %dma_start3A_1697, %dma_start3A_1698, %dma_start3A_1699] : memref<8x4x8x128xf32, #tpu.memory_space<vmem>> -> memref<1x4x8x128xf32, #tpu.memory_space<vmem>>
      %dma_start3A_1701 = tpu.memref_squeeze %dma_start3A_1700 : memref<1x4x8x128xf32, #tpu.memory_space<vmem>> -> memref<4x8x128xf32, #tpu.memory_space<vmem>>
      %dma_start3A_1702 = arith.constant 0 : i32
      %dma_start3A_1703 = arith.constant 0 : i32
      %dma_start3A_1704 = arith.constant 0 : i32
      %dma_start3A_1705 = tpu.memref_slice %dma_start3A_1701[%dma_start3A_1702, %dma_start3A_1703, %dma_start3A_1704] : memref<4x8x128xf32, #tpu.memory_space<vmem>> -> memref<2x8x128xf32, #tpu.memory_space<vmem>>
      %dma_start3A_1706 = arith.constant 0 : i32
      %dma_start3A_1707 = arith.constant 0 : i32
      %dma_start3A_1708 = tpu.memref_slice %arg5[%dma_start3A_1706, %dma_start3A_1707, %multiple_of3A_1658] : memref<4x8x1000000xf32, #tpu.memory_space<hbm>> -> memref<2x8x128xf32, #tpu.memory_space<hbm>>
      tpu.enqueue_dma source(%dma_start3A_1708 : memref<2x8x128xf32, #tpu.memory_space<hbm>>) target(%dma_start3A_1705 : memref<2x8x128xf32, #tpu.memory_space<vmem>>) target_semaphore(%arg13 : memref<!tpu.dma_semaphore, #tpu.memory_space<semaphore_mem>>)
      %dma_start3A_1709 = arith.constant 2 : i32
      %dma_start3A_1710 = arith.constant 0 : i32
      %dma_start3A_1711 = arith.constant 0 : i32
      %dma_start3A_1712 = arith.constant 0 : i32
      %dma_start3A_1713 = tpu.memref_slice %arg9[%dma_start3A_1709, %dma_start3A_1710, %dma_start3A_1711, %dma_start3A_1712] : memref<8x4x8x128xf32, #tpu.memory_space<vmem>> -> memref<1x4x8x128xf32, #tpu.memory_space<vmem>>
      %dma_start3A_1714 = tpu.memref_squeeze %dma_start3A_1713 : memref<1x4x8x128xf32, #tpu.memory_space<vmem>> -> memref<4x8x128xf32, #tpu.memory_space<vmem>>
      %dma_start3A_1715 = arith.constant 2 : i32
      %dma_start3A_1716 = arith.constant 0 : i32
      %dma_start3A_1717 = arith.constant 0 : i32
      %dma_start3A_1718 = tpu.memref_slice %dma_start3A_1714[%dma_start3A_1715, %dma_start3A_1716, %dma_start3A_1717] : memref<4x8x128xf32, #tpu.memory_space<vmem>> -> memref<2x8x128xf32, #tpu.memory_space<vmem>>
      %dma_start3A_1719 = arith.constant 2 : i32
      %dma_start3A_1720 = arith.constant 0 : i32
      %dma_start3A_1721 = tpu.memref_slice %arg4[%dma_start3A_1719, %dma_start3A_1720, %multiple_of3A_1651] : memref<4x8x1000000xf32, #tpu.memory_space<hbm>> -> memref<2x8x128xf32, #tpu.memory_space<hbm>>
      %dma_start3A_1722 = arith.constant 0 : i32
      %dma_start3A_1723 = arith.constant 0 : i32
      %dma_start3A_1724 = arith.constant 0 : i32
      %dma_start3A_1725 = tpu.memref_slice %arg9[%dma_start3A_1709, %dma_start3A_1722, %dma_start3A_1723, %dma_start3A_1724] : memref<8x4x8x128xf32, #tpu.memory_space<vmem>> -> memref<1x4x8x128xf32, #tpu.memory_space<vmem>>
      %dma_start3A_1726 = tpu.memref_squeeze %dma_start3A_1725 : memref<1x4x8x128xf32, #tpu.memory_space<vmem>> -> memref<4x8x128xf32, #tpu.memory_space<vmem>>
      %dma_start3A_1727 = arith.constant 2 : i32
      %dma_start3A_1728 = arith.constant 0 : i32
      %dma_start3A_1729 = arith.constant 0 : i32
      %dma_start3A_1730 = tpu.memref_slice %dma_start3A_1726[%dma_start3A_1727, %dma_start3A_1728, %dma_start3A_1729] : memref<4x8x128xf32, #tpu.memory_space<vmem>> -> memref<2x8x128xf32, #tpu.memory_space<vmem>>
      %dma_start3A_1731 = arith.constant 2 : i32
      %dma_start3A_1732 = arith.constant 0 : i32
      %dma_start3A_1733 = tpu.memref_slice %arg4[%dma_start3A_1731, %dma_start3A_1732, %multiple_of3A_1651] : memref<4x8x1000000xf32, #tpu.memory_space<hbm>> -> memref<2x8x128xf32, #tpu.memory_space<hbm>>
      tpu.enqueue_dma source(%dma_start3A_1733 : memref<2x8x128xf32, #tpu.memory_space<hbm>>) target(%dma_start3A_1730 : memref<2x8x128xf32, #tpu.memory_space<vmem>>) target_semaphore(%arg13 : memref<!tpu.dma_semaphore, #tpu.memory_space<semaphore_mem>>)
      %dma_start3A_1734 = arith.constant 2 : i32
      %dma_start3A_1735 = arith.constant 0 : i32
      %dma_start3A_1736 = arith.constant 0 : i32
      %dma_start3A_1737 = arith.constant 0 : i32
      %dma_start3A_1738 = tpu.memref_slice %arg10[%dma_start3A_1734, %dma_start3A_1735, %dma_start3A_1736, %dma_start3A_1737] : memref<8x4x8x128xf32, #tpu.memory_space<vmem>> -> memref<1x4x8x128xf32, #tpu.memory_space<vmem>>
      %dma_start3A_1739 = tpu.memref_squeeze %dma_start3A_1738 : memref<1x4x8x128xf32, #tpu.memory_space<vmem>> -> memref<4x8x128xf32, #tpu.memory_space<vmem>>
      %dma_start3A_1740 = arith.constant 2 : i32
      %dma_start3A_1741 = arith.constant 0 : i32
      %dma_start3A_1742 = arith.constant 0 : i32
      %dma_start3A_1743 = tpu.memref_slice %dma_start3A_1739[%dma_start3A_1740, %dma_start3A_1741, %dma_start3A_1742] : memref<4x8x128xf32, #tpu.memory_space<vmem>> -> memref<2x8x128xf32, #tpu.memory_space<vmem>>
      %dma_start3A_1744 = arith.constant 2 : i32
      %dma_start3A_1745 = arith.constant 0 : i32
      %dma_start3A_1746 = tpu.memref_slice %arg5[%dma_start3A_1744, %dma_start3A_1745, %multiple_of3A_1658] : memref<4x8x1000000xf32, #tpu.memory_space<hbm>> -> memref<2x8x128xf32, #tpu.memory_space<hbm>>
      %dma_start3A_1747 = arith.constant 0 : i32
      %dma_start3A_1748 = arith.constant 0 : i32
      %dma_start3A_1749 = arith.constant 0 : i32
      %dma_start3A_1750 = tpu.memref_slice %arg10[%dma_start3A_1734, %dma_start3A_1747, %dma_start3A_1748, %dma_start3A_1749] : memref<8x4x8x128xf32, #tpu.memory_space<vmem>> -> memref<1x4x8x128xf32, #tpu.memory_space<vmem>>
      %dma_start3A_1751 = tpu.memref_squeeze %dma_start3A_1750 : memref<1x4x8x128xf32, #tpu.memory_space<vmem>> -> memref<4x8x128xf32, #tpu.memory_space<vmem>>
      %dma_start3A_1752 = arith.constant 2 : i32
      %dma_start3A_1753 = arith.constant 0 : i32
      %dma_start3A_1754 = arith.constant 0 : i32
      %dma_start3A_1755 = tpu.memref_slice %dma_start3A_1751[%dma_start3A_1752, %dma_start3A_1753, %dma_start3A_1754] : memref<4x8x128xf32, #tpu.memory_space<vmem>> -> memref<2x8x128xf32, #tpu.memory_space<vmem>>
      %dma_start3A_1756 = arith.constant 2 : i32
      %dma_start3A_1757 = arith.constant 0 : i32
      %dma_start3A_1758 = tpu.memref_slice %arg5[%dma_start3A_1756, %dma_start3A_1757, %multiple_of3A_1658] : memref<4x8x1000000xf32, #tpu.memory_space<hbm>> -> memref<2x8x128xf32, #tpu.memory_space<hbm>>
      tpu.enqueue_dma source(%dma_start3A_1758 : memref<2x8x128xf32, #tpu.memory_space<hbm>>) target(%dma_start3A_1755 : memref<2x8x128xf32, #tpu.memory_space<vmem>>) target_semaphore(%arg13 : memref<!tpu.dma_semaphore, #tpu.memory_space<semaphore_mem>>)
      %slice3A_1759 = vector.extract_strided_slice %get3A_18 {offsets = [11], sizes = [1], strides = [1]} : vector<16xi32> to vector<1xi32>
      %squeeze3A_1760 = vector.extract %slice3A_1759[0] : i32 from vector<1xi32>
      %shift_right_logical3A_1761 = arith.constant 7 : i32
      %shift_right_logical3A_1762 = arith.shrui %squeeze3A_1760, %shift_right_logical3A_1761 : i32
      %mul3A_1763 = arith.constant 128 : i32
      %mul3A_1764 = arith.muli %shift_right_logical3A_1762, %mul3A_1763 : i32
      %multiple_of3A_1765 = tpu.assume_multiple %mul3A_1764, 128 : i32
      %slice3A_1766 = vector.extract_strided_slice %get3A_20 {offsets = [11], sizes = [1], strides = [1]} : vector<16xi32> to vector<1xi32>
      %squeeze3A_1767 = vector.extract %slice3A_1766[0] : i32 from vector<1xi32>
      %shift_right_logical3A_1768 = arith.constant 7 : i32
      %shift_right_logical3A_1769 = arith.shrui %squeeze3A_1767, %shift_right_logical3A_1768 : i32
      %mul3A_1770 = arith.constant 128 : i32
      %mul3A_1771 = arith.muli %shift_right_logical3A_1769, %mul3A_1770 : i32
      %multiple_of3A_1772 = tpu.assume_multiple %mul3A_1771, 128 : i32
      %dma_start3A_1773 = arith.constant 3 : i32
      %dma_start3A_1774 = arith.constant 0 : i32
      %dma_start3A_1775 = arith.constant 0 : i32
      %dma_start3A_1776 = arith.constant 0 : i32
      %dma_start3A_1777 = tpu.memref_slice %arg9[%dma_start3A_1773, %dma_start3A_1774, %dma_start3A_1775, %dma_start3A_1776] : memref<8x4x8x128xf32, #tpu.memory_space<vmem>> -> memref<1x4x8x128xf32, #tpu.memory_space<vmem>>
      %dma_start3A_1778 = tpu.memref_squeeze %dma_start3A_1777 : memref<1x4x8x128xf32, #tpu.memory_space<vmem>> -> memref<4x8x128xf32, #tpu.memory_space<vmem>>
      %dma_start3A_1779 = arith.constant 0 : i32
      %dma_start3A_1780 = arith.constant 0 : i32
      %dma_start3A_1781 = arith.constant 0 : i32
      %dma_start3A_1782 = tpu.memref_slice %dma_start3A_1778[%dma_start3A_1779, %dma_start3A_1780, %dma_start3A_1781] : memref<4x8x128xf32, #tpu.memory_space<vmem>> -> memref<2x8x128xf32, #tpu.memory_space<vmem>>
      %dma_start3A_1783 = arith.constant 0 : i32
      %dma_start3A_1784 = arith.constant 0 : i32
      %dma_start3A_1785 = tpu.memref_slice %arg4[%dma_start3A_1783, %dma_start3A_1784, %multiple_of3A_1765] : memref<4x8x1000000xf32, #tpu.memory_space<hbm>> -> memref<2x8x128xf32, #tpu.memory_space<hbm>>
      %dma_start3A_1786 = arith.constant 0 : i32
      %dma_start3A_1787 = arith.constant 0 : i32
      %dma_start3A_1788 = arith.constant 0 : i32
      %dma_start3A_1789 = tpu.memref_slice %arg9[%dma_start3A_1773, %dma_start3A_1786, %dma_start3A_1787, %dma_start3A_1788] : memref<8x4x8x128xf32, #tpu.memory_space<vmem>> -> memref<1x4x8x128xf32, #tpu.memory_space<vmem>>
      %dma_start3A_1790 = tpu.memref_squeeze %dma_start3A_1789 : memref<1x4x8x128xf32, #tpu.memory_space<vmem>> -> memref<4x8x128xf32, #tpu.memory_space<vmem>>
      %dma_start3A_1791 = arith.constant 0 : i32
      %dma_start3A_1792 = arith.constant 0 : i32
      %dma_start3A_1793 = arith.constant 0 : i32
      %dma_start3A_1794 = tpu.memref_slice %dma_start3A_1790[%dma_start3A_1791, %dma_start3A_1792, %dma_start3A_1793] : memref<4x8x128xf32, #tpu.memory_space<vmem>> -> memref<2x8x128xf32, #tpu.memory_space<vmem>>
      %dma_start3A_1795 = arith.constant 0 : i32
      %dma_start3A_1796 = arith.constant 0 : i32
      %dma_start3A_1797 = tpu.memref_slice %arg4[%dma_start3A_1795, %dma_start3A_1796, %multiple_of3A_1765] : memref<4x8x1000000xf32, #tpu.memory_space<hbm>> -> memref<2x8x128xf32, #tpu.memory_space<hbm>>
      tpu.enqueue_dma source(%dma_start3A_1797 : memref<2x8x128xf32, #tpu.memory_space<hbm>>) target(%dma_start3A_1794 : memref<2x8x128xf32, #tpu.memory_space<vmem>>) target_semaphore(%arg13 : memref<!tpu.dma_semaphore, #tpu.memory_space<semaphore_mem>>)
      %dma_start3A_1798 = arith.constant 3 : i32
      %dma_start3A_1799 = arith.constant 0 : i32
      %dma_start3A_1800 = arith.constant 0 : i32
      %dma_start3A_1801 = arith.constant 0 : i32
      %dma_start3A_1802 = tpu.memref_slice %arg10[%dma_start3A_1798, %dma_start3A_1799, %dma_start3A_1800, %dma_start3A_1801] : memref<8x4x8x128xf32, #tpu.memory_space<vmem>> -> memref<1x4x8x128xf32, #tpu.memory_space<vmem>>
      %dma_start3A_1803 = tpu.memref_squeeze %dma_start3A_1802 : memref<1x4x8x128xf32, #tpu.memory_space<vmem>> -> memref<4x8x128xf32, #tpu.memory_space<vmem>>
      %dma_start3A_1804 = arith.constant 0 : i32
      %dma_start3A_1805 = arith.constant 0 : i32
      %dma_start3A_1806 = arith.constant 0 : i32
      %dma_start3A_1807 = tpu.memref_slice %dma_start3A_1803[%dma_start3A_1804, %dma_start3A_1805, %dma_start3A_1806] : memref<4x8x128xf32, #tpu.memory_space<vmem>> -> memref<2x8x128xf32, #tpu.memory_space<vmem>>
      %dma_start3A_1808 = arith.constant 0 : i32
      %dma_start3A_1809 = arith.constant 0 : i32
      %dma_start3A_1810 = tpu.memref_slice %arg5[%dma_start3A_1808, %dma_start3A_1809, %multiple_of3A_1772] : memref<4x8x1000000xf32, #tpu.memory_space<hbm>> -> memref<2x8x128xf32, #tpu.memory_space<hbm>>
      %dma_start3A_1811 = arith.constant 0 : i32
      %dma_start3A_1812 = arith.constant 0 : i32
      %dma_start3A_1813 = arith.constant 0 : i32
      %dma_start3A_1814 = tpu.memref_slice %arg10[%dma_start3A_1798, %dma_start3A_1811, %dma_start3A_1812, %dma_start3A_1813] : memref<8x4x8x128xf32, #tpu.memory_space<vmem>> -> memref<1x4x8x128xf32, #tpu.memory_space<vmem>>
      %dma_start3A_1815 = tpu.memref_squeeze %dma_start3A_1814 : memref<1x4x8x128xf32, #tpu.memory_space<vmem>> -> memref<4x8x128xf32, #tpu.memory_space<vmem>>
      %dma_start3A_1816 = arith.constant 0 : i32
      %dma_start3A_1817 = arith.constant 0 : i32
      %dma_start3A_1818 = arith.constant 0 : i32
      %dma_start3A_1819 = tpu.memref_slice %dma_start3A_1815[%dma_start3A_1816, %dma_start3A_1817, %dma_start3A_1818] : memref<4x8x128xf32, #tpu.memory_space<vmem>> -> memref<2x8x128xf32, #tpu.memory_space<vmem>>
      %dma_start3A_1820 = arith.constant 0 : i32
      %dma_start3A_1821 = arith.constant 0 : i32
      %dma_start3A_1822 = tpu.memref_slice %arg5[%dma_start3A_1820, %dma_start3A_1821, %multiple_of3A_1772] : memref<4x8x1000000xf32, #tpu.memory_space<hbm>> -> memref<2x8x128xf32, #tpu.memory_space<hbm>>
      tpu.enqueue_dma source(%dma_start3A_1822 : memref<2x8x128xf32, #tpu.memory_space<hbm>>) target(%dma_start3A_1819 : memref<2x8x128xf32, #tpu.memory_space<vmem>>) target_semaphore(%arg13 : memref<!tpu.dma_semaphore, #tpu.memory_space<semaphore_mem>>)
      %dma_start3A_1823 = arith.constant 3 : i32
      %dma_start3A_1824 = arith.constant 0 : i32
      %dma_start3A_1825 = arith.constant 0 : i32
      %dma_start3A_1826 = arith.constant 0 : i32
      %dma_start3A_1827 = tpu.memref_slice %arg9[%dma_start3A_1823, %dma_start3A_1824, %dma_start3A_1825, %dma_start3A_1826] : memref<8x4x8x128xf32, #tpu.memory_space<vmem>> -> memref<1x4x8x128xf32, #tpu.memory_space<vmem>>
      %dma_start3A_1828 = tpu.memref_squeeze %dma_start3A_1827 : memref<1x4x8x128xf32, #tpu.memory_space<vmem>> -> memref<4x8x128xf32, #tpu.memory_space<vmem>>
      %dma_start3A_1829 = arith.constant 2 : i32
      %dma_start3A_1830 = arith.constant 0 : i32
      %dma_start3A_1831 = arith.constant 0 : i32
      %dma_start3A_1832 = tpu.memref_slice %dma_start3A_1828[%dma_start3A_1829, %dma_start3A_1830, %dma_start3A_1831] : memref<4x8x128xf32, #tpu.memory_space<vmem>> -> memref<2x8x128xf32, #tpu.memory_space<vmem>>
      %dma_start3A_1833 = arith.constant 2 : i32
      %dma_start3A_1834 = arith.constant 0 : i32
      %dma_start3A_1835 = tpu.memref_slice %arg4[%dma_start3A_1833, %dma_start3A_1834, %multiple_of3A_1765] : memref<4x8x1000000xf32, #tpu.memory_space<hbm>> -> memref<2x8x128xf32, #tpu.memory_space<hbm>>
      %dma_start3A_1836 = arith.constant 0 : i32
      %dma_start3A_1837 = arith.constant 0 : i32
      %dma_start3A_1838 = arith.constant 0 : i32
      %dma_start3A_1839 = tpu.memref_slice %arg9[%dma_start3A_1823, %dma_start3A_1836, %dma_start3A_1837, %dma_start3A_1838] : memref<8x4x8x128xf32, #tpu.memory_space<vmem>> -> memref<1x4x8x128xf32, #tpu.memory_space<vmem>>
      %dma_start3A_1840 = tpu.memref_squeeze %dma_start3A_1839 : memref<1x4x8x128xf32, #tpu.memory_space<vmem>> -> memref<4x8x128xf32, #tpu.memory_space<vmem>>
      %dma_start3A_1841 = arith.constant 2 : i32
      %dma_start3A_1842 = arith.constant 0 : i32
      %dma_start3A_1843 = arith.constant 0 : i32
      %dma_start3A_1844 = tpu.memref_slice %dma_start3A_1840[%dma_start3A_1841, %dma_start3A_1842, %dma_start3A_1843] : memref<4x8x128xf32, #tpu.memory_space<vmem>> -> memref<2x8x128xf32, #tpu.memory_space<vmem>>
      %dma_start3A_1845 = arith.constant 2 : i32
      %dma_start3A_1846 = arith.constant 0 : i32
      %dma_start3A_1847 = tpu.memref_slice %arg4[%dma_start3A_1845, %dma_start3A_1846, %multiple_of3A_1765] : memref<4x8x1000000xf32, #tpu.memory_space<hbm>> -> memref<2x8x128xf32, #tpu.memory_space<hbm>>
      tpu.enqueue_dma source(%dma_start3A_1847 : memref<2x8x128xf32, #tpu.memory_space<hbm>>) target(%dma_start3A_1844 : memref<2x8x128xf32, #tpu.memory_space<vmem>>) target_semaphore(%arg13 : memref<!tpu.dma_semaphore, #tpu.memory_space<semaphore_mem>>)
      %dma_start3A_1848 = arith.constant 3 : i32
      %dma_start3A_1849 = arith.constant 0 : i32
      %dma_start3A_1850 = arith.constant 0 : i32
      %dma_start3A_1851 = arith.constant 0 : i32
      %dma_start3A_1852 = tpu.memref_slice %arg10[%dma_start3A_1848, %dma_start3A_1849, %dma_start3A_1850, %dma_start3A_1851] : memref<8x4x8x128xf32, #tpu.memory_space<vmem>> -> memref<1x4x8x128xf32, #tpu.memory_space<vmem>>
      %dma_start3A_1853 = tpu.memref_squeeze %dma_start3A_1852 : memref<1x4x8x128xf32, #tpu.memory_space<vmem>> -> memref<4x8x128xf32, #tpu.memory_space<vmem>>
      %dma_start3A_1854 = arith.constant 2 : i32
      %dma_start3A_1855 = arith.constant 0 : i32
      %dma_start3A_1856 = arith.constant 0 : i32
      %dma_start3A_1857 = tpu.memref_slice %dma_start3A_1853[%dma_start3A_1854, %dma_start3A_1855, %dma_start3A_1856] : memref<4x8x128xf32, #tpu.memory_space<vmem>> -> memref<2x8x128xf32, #tpu.memory_space<vmem>>
      %dma_start3A_1858 = arith.constant 2 : i32
      %dma_start3A_1859 = arith.constant 0 : i32
      %dma_start3A_1860 = tpu.memref_slice %arg5[%dma_start3A_1858, %dma_start3A_1859, %multiple_of3A_1772] : memref<4x8x1000000xf32, #tpu.memory_space<hbm>> -> memref<2x8x128xf32, #tpu.memory_space<hbm>>
      %dma_start3A_1861 = arith.constant 0 : i32
      %dma_start3A_1862 = arith.constant 0 : i32
      %dma_start3A_1863 = arith.constant 0 : i32
      %dma_start3A_1864 = tpu.memref_slice %arg10[%dma_start3A_1848, %dma_start3A_1861, %dma_start3A_1862, %dma_start3A_1863] : memref<8x4x8x128xf32, #tpu.memory_space<vmem>> -> memref<1x4x8x128xf32, #tpu.memory_space<vmem>>
      %dma_start3A_1865 = tpu.memref_squeeze %dma_start3A_1864 : memref<1x4x8x128xf32, #tpu.memory_space<vmem>> -> memref<4x8x128xf32, #tpu.memory_space<vmem>>
      %dma_start3A_1866 = arith.constant 2 : i32
      %dma_start3A_1867 = arith.constant 0 : i32
      %dma_start3A_1868 = arith.constant 0 : i32
      %dma_start3A_1869 = tpu.memref_slice %dma_start3A_1865[%dma_start3A_1866, %dma_start3A_1867, %dma_start3A_1868] : memref<4x8x128xf32, #tpu.memory_space<vmem>> -> memref<2x8x128xf32, #tpu.memory_space<vmem>>
      %dma_start3A_1870 = arith.constant 2 : i32
      %dma_start3A_1871 = arith.constant 0 : i32
      %dma_start3A_1872 = tpu.memref_slice %arg5[%dma_start3A_1870, %dma_start3A_1871, %multiple_of3A_1772] : memref<4x8x1000000xf32, #tpu.memory_space<hbm>> -> memref<2x8x128xf32, #tpu.memory_space<hbm>>
      tpu.enqueue_dma source(%dma_start3A_1872 : memref<2x8x128xf32, #tpu.memory_space<hbm>>) target(%dma_start3A_1869 : memref<2x8x128xf32, #tpu.memory_space<vmem>>) target_semaphore(%arg13 : memref<!tpu.dma_semaphore, #tpu.memory_space<semaphore_mem>>)
      %dma_wait3A_1873 = arith.constant 4 : i32
      %dma_wait3A_1874 = arith.constant 0 : i32
      %dma_wait3A_1875 = arith.constant 0 : i32
      %dma_wait3A_1876 = arith.constant 0 : i32
      %dma_wait3A_1877 = tpu.memref_slice %arg9[%dma_wait3A_1873, %dma_wait3A_1874, %dma_wait3A_1875, %dma_wait3A_1876] : memref<8x4x8x128xf32, #tpu.memory_space<vmem>> -> memref<1x4x8x128xf32, #tpu.memory_space<vmem>>
      %dma_wait3A_1878 = tpu.memref_squeeze %dma_wait3A_1877 : memref<1x4x8x128xf32, #tpu.memory_space<vmem>> -> memref<4x8x128xf32, #tpu.memory_space<vmem>>
      %dma_wait3A_1879 = arith.constant 0 : i32
      %dma_wait3A_1880 = arith.constant 0 : i32
      %dma_wait3A_1881 = arith.constant 0 : i32
      %dma_wait3A_1882 = tpu.memref_slice %dma_wait3A_1878[%dma_wait3A_1879, %dma_wait3A_1880, %dma_wait3A_1881] : memref<4x8x128xf32, #tpu.memory_space<vmem>> -> memref<2x8x128xf32, #tpu.memory_space<vmem>>
      %dma_wait3A_1883 = arith.constant 0 : i32
      %dma_wait3A_1884 = arith.constant 0 : i32
      %dma_wait3A_1885 = tpu.memref_slice %arg4[%dma_wait3A_1883, %dma_wait3A_1884, %multiple_of3A_479] : memref<4x8x1000000xf32, #tpu.memory_space<hbm>> -> memref<2x8x128xf32, #tpu.memory_space<hbm>>
      %dma_wait3A_1886 = arith.constant 0 : i32
      %dma_wait3A_1887 = arith.constant 0 : i32
      %dma_wait3A_1888 = arith.constant 0 : i32
      %dma_wait3A_1889 = tpu.memref_slice %arg9[%dma_wait3A_1873, %dma_wait3A_1886, %dma_wait3A_1887, %dma_wait3A_1888] : memref<8x4x8x128xf32, #tpu.memory_space<vmem>> -> memref<1x4x8x128xf32, #tpu.memory_space<vmem>>
      %dma_wait3A_1890 = tpu.memref_squeeze %dma_wait3A_1889 : memref<1x4x8x128xf32, #tpu.memory_space<vmem>> -> memref<4x8x128xf32, #tpu.memory_space<vmem>>
      %dma_wait3A_1891 = arith.constant 0 : i32
      %dma_wait3A_1892 = arith.constant 0 : i32
      %dma_wait3A_1893 = arith.constant 0 : i32
      %dma_wait3A_1894 = tpu.memref_slice %dma_wait3A_1890[%dma_wait3A_1891, %dma_wait3A_1892, %dma_wait3A_1893] : memref<4x8x128xf32, #tpu.memory_space<vmem>> -> memref<2x8x128xf32, #tpu.memory_space<vmem>>
      %dma_wait3A_1895 = arith.constant 0 : i32
      %dma_wait3A_1896 = arith.constant 0 : i32
      %dma_wait3A_1897 = tpu.memref_slice %arg4[%dma_wait3A_1895, %dma_wait3A_1896, %multiple_of3A_479] : memref<4x8x1000000xf32, #tpu.memory_space<hbm>> -> memref<2x8x128xf32, #tpu.memory_space<hbm>>
      tpu.wait_dma2 semaphore(%arg13 : memref<!tpu.dma_semaphore, #tpu.memory_space<semaphore_mem>>) src(%dma_wait3A_1897 : memref<2x8x128xf32, #tpu.memory_space<hbm>>) dst(%dma_wait3A_1894 : memref<2x8x128xf32, #tpu.memory_space<vmem>>)
      %dma_wait3A_1898 = arith.constant 4 : i32
      %dma_wait3A_1899 = arith.constant 0 : i32
      %dma_wait3A_1900 = arith.constant 0 : i32
      %dma_wait3A_1901 = arith.constant 0 : i32
      %dma_wait3A_1902 = tpu.memref_slice %arg10[%dma_wait3A_1898, %dma_wait3A_1899, %dma_wait3A_1900, %dma_wait3A_1901] : memref<8x4x8x128xf32, #tpu.memory_space<vmem>> -> memref<1x4x8x128xf32, #tpu.memory_space<vmem>>
      %dma_wait3A_1903 = tpu.memref_squeeze %dma_wait3A_1902 : memref<1x4x8x128xf32, #tpu.memory_space<vmem>> -> memref<4x8x128xf32, #tpu.memory_space<vmem>>
      %dma_wait3A_1904 = arith.constant 0 : i32
      %dma_wait3A_1905 = arith.constant 0 : i32
      %dma_wait3A_1906 = arith.constant 0 : i32
      %dma_wait3A_1907 = tpu.memref_slice %dma_wait3A_1903[%dma_wait3A_1904, %dma_wait3A_1905, %dma_wait3A_1906] : memref<4x8x128xf32, #tpu.memory_space<vmem>> -> memref<2x8x128xf32, #tpu.memory_space<vmem>>
      %dma_wait3A_1908 = arith.constant 0 : i32
      %dma_wait3A_1909 = arith.constant 0 : i32
      %dma_wait3A_1910 = tpu.memref_slice %arg5[%dma_wait3A_1908, %dma_wait3A_1909, %multiple_of3A_486] : memref<4x8x1000000xf32, #tpu.memory_space<hbm>> -> memref<2x8x128xf32, #tpu.memory_space<hbm>>
      %dma_wait3A_1911 = arith.constant 0 : i32
      %dma_wait3A_1912 = arith.constant 0 : i32
      %dma_wait3A_1913 = arith.constant 0 : i32
      %dma_wait3A_1914 = tpu.memref_slice %arg10[%dma_wait3A_1898, %dma_wait3A_1911, %dma_wait3A_1912, %dma_wait3A_1913] : memref<8x4x8x128xf32, #tpu.memory_space<vmem>> -> memref<1x4x8x128xf32, #tpu.memory_space<vmem>>
      %dma_wait3A_1915 = tpu.memref_squeeze %dma_wait3A_1914 : memref<1x4x8x128xf32, #tpu.memory_space<vmem>> -> memref<4x8x128xf32, #tpu.memory_space<vmem>>
      %dma_wait3A_1916 = arith.constant 0 : i32
      %dma_wait3A_1917 = arith.constant 0 : i32
      %dma_wait3A_1918 = arith.constant 0 : i32
      %dma_wait3A_1919 = tpu.memref_slice %dma_wait3A_1915[%dma_wait3A_1916, %dma_wait3A_1917, %dma_wait3A_1918] : memref<4x8x128xf32, #tpu.memory_space<vmem>> -> memref<2x8x128xf32, #tpu.memory_space<vmem>>
      %dma_wait3A_1920 = arith.constant 0 : i32
      %dma_wait3A_1921 = arith.constant 0 : i32
      %dma_wait3A_1922 = tpu.memref_slice %arg5[%dma_wait3A_1920, %dma_wait3A_1921, %multiple_of3A_486] : memref<4x8x1000000xf32, #tpu.memory_space<hbm>> -> memref<2x8x128xf32, #tpu.memory_space<hbm>>
      tpu.wait_dma2 semaphore(%arg13 : memref<!tpu.dma_semaphore, #tpu.memory_space<semaphore_mem>>) src(%dma_wait3A_1922 : memref<2x8x128xf32, #tpu.memory_space<hbm>>) dst(%dma_wait3A_1919 : memref<2x8x128xf32, #tpu.memory_space<vmem>>)
      %dma_wait3A_1923 = arith.constant 4 : i32
      %dma_wait3A_1924 = arith.constant 0 : i32
      %dma_wait3A_1925 = arith.constant 0 : i32
      %dma_wait3A_1926 = arith.constant 0 : i32
      %dma_wait3A_1927 = tpu.memref_slice %arg9[%dma_wait3A_1923, %dma_wait3A_1924, %dma_wait3A_1925, %dma_wait3A_1926] : memref<8x4x8x128xf32, #tpu.memory_space<vmem>> -> memref<1x4x8x128xf32, #tpu.memory_space<vmem>>
      %dma_wait3A_1928 = tpu.memref_squeeze %dma_wait3A_1927 : memref<1x4x8x128xf32, #tpu.memory_space<vmem>> -> memref<4x8x128xf32, #tpu.memory_space<vmem>>
      %dma_wait3A_1929 = arith.constant 2 : i32
      %dma_wait3A_1930 = arith.constant 0 : i32
      %dma_wait3A_1931 = arith.constant 0 : i32
      %dma_wait3A_1932 = tpu.memref_slice %dma_wait3A_1928[%dma_wait3A_1929, %dma_wait3A_1930, %dma_wait3A_1931] : memref<4x8x128xf32, #tpu.memory_space<vmem>> -> memref<2x8x128xf32, #tpu.memory_space<vmem>>
      %dma_wait3A_1933 = arith.constant 2 : i32
      %dma_wait3A_1934 = arith.constant 0 : i32
      %dma_wait3A_1935 = tpu.memref_slice %arg4[%dma_wait3A_1933, %dma_wait3A_1934, %multiple_of3A_479] : memref<4x8x1000000xf32, #tpu.memory_space<hbm>> -> memref<2x8x128xf32, #tpu.memory_space<hbm>>
      %dma_wait3A_1936 = arith.constant 0 : i32
      %dma_wait3A_1937 = arith.constant 0 : i32
      %dma_wait3A_1938 = arith.constant 0 : i32
      %dma_wait3A_1939 = tpu.memref_slice %arg9[%dma_wait3A_1923, %dma_wait3A_1936, %dma_wait3A_1937, %dma_wait3A_1938] : memref<8x4x8x128xf32, #tpu.memory_space<vmem>> -> memref<1x4x8x128xf32, #tpu.memory_space<vmem>>
      %dma_wait3A_1940 = tpu.memref_squeeze %dma_wait3A_1939 : memref<1x4x8x128xf32, #tpu.memory_space<vmem>> -> memref<4x8x128xf32, #tpu.memory_space<vmem>>
      %dma_wait3A_1941 = arith.constant 2 : i32
      %dma_wait3A_1942 = arith.constant 0 : i32
      %dma_wait3A_1943 = arith.constant 0 : i32
      %dma_wait3A_1944 = tpu.memref_slice %dma_wait3A_1940[%dma_wait3A_1941, %dma_wait3A_1942, %dma_wait3A_1943] : memref<4x8x128xf32, #tpu.memory_space<vmem>> -> memref<2x8x128xf32, #tpu.memory_space<vmem>>
      %dma_wait3A_1945 = arith.constant 2 : i32
      %dma_wait3A_1946 = arith.constant 0 : i32
      %dma_wait3A_1947 = tpu.memref_slice %arg4[%dma_wait3A_1945, %dma_wait3A_1946, %multiple_of3A_479] : memref<4x8x1000000xf32, #tpu.memory_space<hbm>> -> memref<2x8x128xf32, #tpu.memory_space<hbm>>
      tpu.wait_dma2 semaphore(%arg13 : memref<!tpu.dma_semaphore, #tpu.memory_space<semaphore_mem>>) src(%dma_wait3A_1947 : memref<2x8x128xf32, #tpu.memory_space<hbm>>) dst(%dma_wait3A_1944 : memref<2x8x128xf32, #tpu.memory_space<vmem>>)
      %dma_wait3A_1948 = arith.constant 4 : i32
      %dma_wait3A_1949 = arith.constant 0 : i32
      %dma_wait3A_1950 = arith.constant 0 : i32
      %dma_wait3A_1951 = arith.constant 0 : i32
      %dma_wait3A_1952 = tpu.memref_slice %arg10[%dma_wait3A_1948, %dma_wait3A_1949, %dma_wait3A_1950, %dma_wait3A_1951] : memref<8x4x8x128xf32, #tpu.memory_space<vmem>> -> memref<1x4x8x128xf32, #tpu.memory_space<vmem>>
      %dma_wait3A_1953 = tpu.memref_squeeze %dma_wait3A_1952 : memref<1x4x8x128xf32, #tpu.memory_space<vmem>> -> memref<4x8x128xf32, #tpu.memory_space<vmem>>
      %dma_wait3A_1954 = arith.constant 2 : i32
      %dma_wait3A_1955 = arith.constant 0 : i32
      %dma_wait3A_1956 = arith.constant 0 : i32
      %dma_wait3A_1957 = tpu.memref_slice %dma_wait3A_1953[%dma_wait3A_1954, %dma_wait3A_1955, %dma_wait3A_1956] : memref<4x8x128xf32, #tpu.memory_space<vmem>> -> memref<2x8x128xf32, #tpu.memory_space<vmem>>
      %dma_wait3A_1958 = arith.constant 2 : i32
      %dma_wait3A_1959 = arith.constant 0 : i32
      %dma_wait3A_1960 = tpu.memref_slice %arg5[%dma_wait3A_1958, %dma_wait3A_1959, %multiple_of3A_486] : memref<4x8x1000000xf32, #tpu.memory_space<hbm>> -> memref<2x8x128xf32, #tpu.memory_space<hbm>>
      %dma_wait3A_1961 = arith.constant 0 : i32
      %dma_wait3A_1962 = arith.constant 0 : i32
      %dma_wait3A_1963 = arith.constant 0 : i32
      %dma_wait3A_1964 = tpu.memref_slice %arg10[%dma_wait3A_1948, %dma_wait3A_1961, %dma_wait3A_1962, %dma_wait3A_1963] : memref<8x4x8x128xf32, #tpu.memory_space<vmem>> -> memref<1x4x8x128xf32, #tpu.memory_space<vmem>>
      %dma_wait3A_1965 = tpu.memref_squeeze %dma_wait3A_1964 : memref<1x4x8x128xf32, #tpu.memory_space<vmem>> -> memref<4x8x128xf32, #tpu.memory_space<vmem>>
      %dma_wait3A_1966 = arith.constant 2 : i32
      %dma_wait3A_1967 = arith.constant 0 : i32
      %dma_wait3A_1968 = arith.constant 0 : i32
      %dma_wait3A_1969 = tpu.memref_slice %dma_wait3A_1965[%dma_wait3A_1966, %dma_wait3A_1967, %dma_wait3A_1968] : memref<4x8x128xf32, #tpu.memory_space<vmem>> -> memref<2x8x128xf32, #tpu.memory_space<vmem>>
      %dma_wait3A_1970 = arith.constant 2 : i32
      %dma_wait3A_1971 = arith.constant 0 : i32
      %dma_wait3A_1972 = tpu.memref_slice %arg5[%dma_wait3A_1970, %dma_wait3A_1971, %multiple_of3A_486] : memref<4x8x1000000xf32, #tpu.memory_space<hbm>> -> memref<2x8x128xf32, #tpu.memory_space<hbm>>
      tpu.wait_dma2 semaphore(%arg13 : memref<!tpu.dma_semaphore, #tpu.memory_space<semaphore_mem>>) src(%dma_wait3A_1972 : memref<2x8x128xf32, #tpu.memory_space<hbm>>) dst(%dma_wait3A_1969 : memref<2x8x128xf32, #tpu.memory_space<vmem>>)
      %dma_wait3A_1973 = arith.constant 5 : i32
      %dma_wait3A_1974 = arith.constant 0 : i32
      %dma_wait3A_1975 = arith.constant 0 : i32
      %dma_wait3A_1976 = arith.constant 0 : i32
      %dma_wait3A_1977 = tpu.memref_slice %arg9[%dma_wait3A_1973, %dma_wait3A_1974, %dma_wait3A_1975, %dma_wait3A_1976] : memref<8x4x8x128xf32, #tpu.memory_space<vmem>> -> memref<1x4x8x128xf32, #tpu.memory_space<vmem>>
      %dma_wait3A_1978 = tpu.memref_squeeze %dma_wait3A_1977 : memref<1x4x8x128xf32, #tpu.memory_space<vmem>> -> memref<4x8x128xf32, #tpu.memory_space<vmem>>
      %dma_wait3A_1979 = arith.constant 0 : i32
      %dma_wait3A_1980 = arith.constant 0 : i32
      %dma_wait3A_1981 = arith.constant 0 : i32
      %dma_wait3A_1982 = tpu.memref_slice %dma_wait3A_1978[%dma_wait3A_1979, %dma_wait3A_1980, %dma_wait3A_1981] : memref<4x8x128xf32, #tpu.memory_space<vmem>> -> memref<2x8x128xf32, #tpu.memory_space<vmem>>
      %dma_wait3A_1983 = arith.constant 0 : i32
      %dma_wait3A_1984 = arith.constant 0 : i32
      %dma_wait3A_1985 = tpu.memref_slice %arg4[%dma_wait3A_1983, %dma_wait3A_1984, %multiple_of3A_593] : memref<4x8x1000000xf32, #tpu.memory_space<hbm>> -> memref<2x8x128xf32, #tpu.memory_space<hbm>>
      %dma_wait3A_1986 = arith.constant 0 : i32
      %dma_wait3A_1987 = arith.constant 0 : i32
      %dma_wait3A_1988 = arith.constant 0 : i32
      %dma_wait3A_1989 = tpu.memref_slice %arg9[%dma_wait3A_1973, %dma_wait3A_1986, %dma_wait3A_1987, %dma_wait3A_1988] : memref<8x4x8x128xf32, #tpu.memory_space<vmem>> -> memref<1x4x8x128xf32, #tpu.memory_space<vmem>>
      %dma_wait3A_1990 = tpu.memref_squeeze %dma_wait3A_1989 : memref<1x4x8x128xf32, #tpu.memory_space<vmem>> -> memref<4x8x128xf32, #tpu.memory_space<vmem>>
      %dma_wait3A_1991 = arith.constant 0 : i32
      %dma_wait3A_1992 = arith.constant 0 : i32
      %dma_wait3A_1993 = arith.constant 0 : i32
      %dma_wait3A_1994 = tpu.memref_slice %dma_wait3A_1990[%dma_wait3A_1991, %dma_wait3A_1992, %dma_wait3A_1993] : memref<4x8x128xf32, #tpu.memory_space<vmem>> -> memref<2x8x128xf32, #tpu.memory_space<vmem>>
      %dma_wait3A_1995 = arith.constant 0 : i32
      %dma_wait3A_1996 = arith.constant 0 : i32
      %dma_wait3A_1997 = tpu.memref_slice %arg4[%dma_wait3A_1995, %dma_wait3A_1996, %multiple_of3A_593] : memref<4x8x1000000xf32, #tpu.memory_space<hbm>> -> memref<2x8x128xf32, #tpu.memory_space<hbm>>
      tpu.wait_dma2 semaphore(%arg13 : memref<!tpu.dma_semaphore, #tpu.memory_space<semaphore_mem>>) src(%dma_wait3A_1997 : memref<2x8x128xf32, #tpu.memory_space<hbm>>) dst(%dma_wait3A_1994 : memref<2x8x128xf32, #tpu.memory_space<vmem>>)
      %dma_wait3A_1998 = arith.constant 5 : i32
      %dma_wait3A_1999 = arith.constant 0 : i32
      %dma_wait3A_2000 = arith.constant 0 : i32
      %dma_wait3A_2001 = arith.constant 0 : i32
      %dma_wait3A_2002 = tpu.memref_slice %arg10[%dma_wait3A_1998, %dma_wait3A_1999, %dma_wait3A_2000, %dma_wait3A_2001] : memref<8x4x8x128xf32, #tpu.memory_space<vmem>> -> memref<1x4x8x128xf32, #tpu.memory_space<vmem>>
      %dma_wait3A_2003 = tpu.memref_squeeze %dma_wait3A_2002 : memref<1x4x8x128xf32, #tpu.memory_space<vmem>> -> memref<4x8x128xf32, #tpu.memory_space<vmem>>
      %dma_wait3A_2004 = arith.constant 0 : i32
      %dma_wait3A_2005 = arith.constant 0 : i32
      %dma_wait3A_2006 = arith.constant 0 : i32
      %dma_wait3A_2007 = tpu.memref_slice %dma_wait3A_2003[%dma_wait3A_2004, %dma_wait3A_2005, %dma_wait3A_2006] : memref<4x8x128xf32, #tpu.memory_space<vmem>> -> memref<2x8x128xf32, #tpu.memory_space<vmem>>
      %dma_wait3A_2008 = arith.constant 0 : i32
      %dma_wait3A_2009 = arith.constant 0 : i32
      %dma_wait3A_2010 = tpu.memref_slice %arg5[%dma_wait3A_2008, %dma_wait3A_2009, %multiple_of3A_600] : memref<4x8x1000000xf32, #tpu.memory_space<hbm>> -> memref<2x8x128xf32, #tpu.memory_space<hbm>>
      %dma_wait3A_2011 = arith.constant 0 : i32
      %dma_wait3A_2012 = arith.constant 0 : i32
      %dma_wait3A_2013 = arith.constant 0 : i32
      %dma_wait3A_2014 = tpu.memref_slice %arg10[%dma_wait3A_1998, %dma_wait3A_2011, %dma_wait3A_2012, %dma_wait3A_2013] : memref<8x4x8x128xf32, #tpu.memory_space<vmem>> -> memref<1x4x8x128xf32, #tpu.memory_space<vmem>>
      %dma_wait3A_2015 = tpu.memref_squeeze %dma_wait3A_2014 : memref<1x4x8x128xf32, #tpu.memory_space<vmem>> -> memref<4x8x128xf32, #tpu.memory_space<vmem>>
      %dma_wait3A_2016 = arith.constant 0 : i32
      %dma_wait3A_2017 = arith.constant 0 : i32
      %dma_wait3A_2018 = arith.constant 0 : i32
      %dma_wait3A_2019 = tpu.memref_slice %dma_wait3A_2015[%dma_wait3A_2016, %dma_wait3A_2017, %dma_wait3A_2018] : memref<4x8x128xf32, #tpu.memory_space<vmem>> -> memref<2x8x128xf32, #tpu.memory_space<vmem>>
      %dma_wait3A_2020 = arith.constant 0 : i32
      %dma_wait3A_2021 = arith.constant 0 : i32
      %dma_wait3A_2022 = tpu.memref_slice %arg5[%dma_wait3A_2020, %dma_wait3A_2021, %multiple_of3A_600] : memref<4x8x1000000xf32, #tpu.memory_space<hbm>> -> memref<2x8x128xf32, #tpu.memory_space<hbm>>
      tpu.wait_dma2 semaphore(%arg13 : memref<!tpu.dma_semaphore, #tpu.memory_space<semaphore_mem>>) src(%dma_wait3A_2022 : memref<2x8x128xf32, #tpu.memory_space<hbm>>) dst(%dma_wait3A_2019 : memref<2x8x128xf32, #tpu.memory_space<vmem>>)
      %dma_wait3A_2023 = arith.constant 5 : i32
      %dma_wait3A_2024 = arith.constant 0 : i32
      %dma_wait3A_2025 = arith.constant 0 : i32
      %dma_wait3A_2026 = arith.constant 0 : i32
      %dma_wait3A_2027 = tpu.memref_slice %arg9[%dma_wait3A_2023, %dma_wait3A_2024, %dma_wait3A_2025, %dma_wait3A_2026] : memref<8x4x8x128xf32, #tpu.memory_space<vmem>> -> memref<1x4x8x128xf32, #tpu.memory_space<vmem>>
      %dma_wait3A_2028 = tpu.memref_squeeze %dma_wait3A_2027 : memref<1x4x8x128xf32, #tpu.memory_space<vmem>> -> memref<4x8x128xf32, #tpu.memory_space<vmem>>
      %dma_wait3A_2029 = arith.constant 2 : i32
      %dma_wait3A_2030 = arith.constant 0 : i32
      %dma_wait3A_2031 = arith.constant 0 : i32
      %dma_wait3A_2032 = tpu.memref_slice %dma_wait3A_2028[%dma_wait3A_2029, %dma_wait3A_2030, %dma_wait3A_2031] : memref<4x8x128xf32, #tpu.memory_space<vmem>> -> memref<2x8x128xf32, #tpu.memory_space<vmem>>
      %dma_wait3A_2033 = arith.constant 2 : i32
      %dma_wait3A_2034 = arith.constant 0 : i32
      %dma_wait3A_2035 = tpu.memref_slice %arg4[%dma_wait3A_2033, %dma_wait3A_2034, %multiple_of3A_593] : memref<4x8x1000000xf32, #tpu.memory_space<hbm>> -> memref<2x8x128xf32, #tpu.memory_space<hbm>>
      %dma_wait3A_2036 = arith.constant 0 : i32
      %dma_wait3A_2037 = arith.constant 0 : i32
      %dma_wait3A_2038 = arith.constant 0 : i32
      %dma_wait3A_2039 = tpu.memref_slice %arg9[%dma_wait3A_2023, %dma_wait3A_2036, %dma_wait3A_2037, %dma_wait3A_2038] : memref<8x4x8x128xf32, #tpu.memory_space<vmem>> -> memref<1x4x8x128xf32, #tpu.memory_space<vmem>>
      %dma_wait3A_2040 = tpu.memref_squeeze %dma_wait3A_2039 : memref<1x4x8x128xf32, #tpu.memory_space<vmem>> -> memref<4x8x128xf32, #tpu.memory_space<vmem>>
      %dma_wait3A_2041 = arith.constant 2 : i32
      %dma_wait3A_2042 = arith.constant 0 : i32
      %dma_wait3A_2043 = arith.constant 0 : i32
      %dma_wait3A_2044 = tpu.memref_slice %dma_wait3A_2040[%dma_wait3A_2041, %dma_wait3A_2042, %dma_wait3A_2043] : memref<4x8x128xf32, #tpu.memory_space<vmem>> -> memref<2x8x128xf32, #tpu.memory_space<vmem>>
      %dma_wait3A_2045 = arith.constant 2 : i32
      %dma_wait3A_2046 = arith.constant 0 : i32
      %dma_wait3A_2047 = tpu.memref_slice %arg4[%dma_wait3A_2045, %dma_wait3A_2046, %multiple_of3A_593] : memref<4x8x1000000xf32, #tpu.memory_space<hbm>> -> memref<2x8x128xf32, #tpu.memory_space<hbm>>
      tpu.wait_dma2 semaphore(%arg13 : memref<!tpu.dma_semaphore, #tpu.memory_space<semaphore_mem>>) src(%dma_wait3A_2047 : memref<2x8x128xf32, #tpu.memory_space<hbm>>) dst(%dma_wait3A_2044 : memref<2x8x128xf32, #tpu.memory_space<vmem>>)
      %dma_wait3A_2048 = arith.constant 5 : i32
      %dma_wait3A_2049 = arith.constant 0 : i32
      %dma_wait3A_2050 = arith.constant 0 : i32
      %dma_wait3A_2051 = arith.constant 0 : i32
      %dma_wait3A_2052 = tpu.memref_slice %arg10[%dma_wait3A_2048, %dma_wait3A_2049, %dma_wait3A_2050, %dma_wait3A_2051] : memref<8x4x8x128xf32, #tpu.memory_space<vmem>> -> memref<1x4x8x128xf32, #tpu.memory_space<vmem>>
      %dma_wait3A_2053 = tpu.memref_squeeze %dma_wait3A_2052 : memref<1x4x8x128xf32, #tpu.memory_space<vmem>> -> memref<4x8x128xf32, #tpu.memory_space<vmem>>
      %dma_wait3A_2054 = arith.constant 2 : i32
      %dma_wait3A_2055 = arith.constant 0 : i32
      %dma_wait3A_2056 = arith.constant 0 : i32
      %dma_wait3A_2057 = tpu.memref_slice %dma_wait3A_2053[%dma_wait3A_2054, %dma_wait3A_2055, %dma_wait3A_2056] : memref<4x8x128xf32, #tpu.memory_space<vmem>> -> memref<2x8x128xf32, #tpu.memory_space<vmem>>
      %dma_wait3A_2058 = arith.constant 2 : i32
      %dma_wait3A_2059 = arith.constant 0 : i32
      %dma_wait3A_2060 = tpu.memref_slice %arg5[%dma_wait3A_2058, %dma_wait3A_2059, %multiple_of3A_600] : memref<4x8x1000000xf32, #tpu.memory_space<hbm>> -> memref<2x8x128xf32, #tpu.memory_space<hbm>>
      %dma_wait3A_2061 = arith.constant 0 : i32
      %dma_wait3A_2062 = arith.constant 0 : i32
      %dma_wait3A_2063 = arith.constant 0 : i32
      %dma_wait3A_2064 = tpu.memref_slice %arg10[%dma_wait3A_2048, %dma_wait3A_2061, %dma_wait3A_2062, %dma_wait3A_2063] : memref<8x4x8x128xf32, #tpu.memory_space<vmem>> -> memref<1x4x8x128xf32, #tpu.memory_space<vmem>>
      %dma_wait3A_2065 = tpu.memref_squeeze %dma_wait3A_2064 : memref<1x4x8x128xf32, #tpu.memory_space<vmem>> -> memref<4x8x128xf32, #tpu.memory_space<vmem>>
      %dma_wait3A_2066 = arith.constant 2 : i32
      %dma_wait3A_2067 = arith.constant 0 : i32
      %dma_wait3A_2068 = arith.constant 0 : i32
      %dma_wait3A_2069 = tpu.memref_slice %dma_wait3A_2065[%dma_wait3A_2066, %dma_wait3A_2067, %dma_wait3A_2068] : memref<4x8x128xf32, #tpu.memory_space<vmem>> -> memref<2x8x128xf32, #tpu.memory_space<vmem>>
      %dma_wait3A_2070 = arith.constant 2 : i32
      %dma_wait3A_2071 = arith.constant 0 : i32
      %dma_wait3A_2072 = tpu.memref_slice %arg5[%dma_wait3A_2070, %dma_wait3A_2071, %multiple_of3A_600] : memref<4x8x1000000xf32, #tpu.memory_space<hbm>> -> memref<2x8x128xf32, #tpu.memory_space<hbm>>
      tpu.wait_dma2 semaphore(%arg13 : memref<!tpu.dma_semaphore, #tpu.memory_space<semaphore_mem>>) src(%dma_wait3A_2072 : memref<2x8x128xf32, #tpu.memory_space<hbm>>) dst(%dma_wait3A_2069 : memref<2x8x128xf32, #tpu.memory_space<vmem>>)
      %dma_wait3A_2073 = arith.constant 6 : i32
      %dma_wait3A_2074 = arith.constant 0 : i32
      %dma_wait3A_2075 = arith.constant 0 : i32
      %dma_wait3A_2076 = arith.constant 0 : i32
      %dma_wait3A_2077 = tpu.memref_slice %arg9[%dma_wait3A_2073, %dma_wait3A_2074, %dma_wait3A_2075, %dma_wait3A_2076] : memref<8x4x8x128xf32, #tpu.memory_space<vmem>> -> memref<1x4x8x128xf32, #tpu.memory_space<vmem>>
      %dma_wait3A_2078 = tpu.memref_squeeze %dma_wait3A_2077 : memref<1x4x8x128xf32, #tpu.memory_space<vmem>> -> memref<4x8x128xf32, #tpu.memory_space<vmem>>
      %dma_wait3A_2079 = arith.constant 0 : i32
      %dma_wait3A_2080 = arith.constant 0 : i32
      %dma_wait3A_2081 = arith.constant 0 : i32
      %dma_wait3A_2082 = tpu.memref_slice %dma_wait3A_2078[%dma_wait3A_2079, %dma_wait3A_2080, %dma_wait3A_2081] : memref<4x8x128xf32, #tpu.memory_space<vmem>> -> memref<2x8x128xf32, #tpu.memory_space<vmem>>
      %dma_wait3A_2083 = arith.constant 0 : i32
      %dma_wait3A_2084 = arith.constant 0 : i32
      %dma_wait3A_2085 = tpu.memref_slice %arg4[%dma_wait3A_2083, %dma_wait3A_2084, %multiple_of3A_707] : memref<4x8x1000000xf32, #tpu.memory_space<hbm>> -> memref<2x8x128xf32, #tpu.memory_space<hbm>>
      %dma_wait3A_2086 = arith.constant 0 : i32
      %dma_wait3A_2087 = arith.constant 0 : i32
      %dma_wait3A_2088 = arith.constant 0 : i32
      %dma_wait3A_2089 = tpu.memref_slice %arg9[%dma_wait3A_2073, %dma_wait3A_2086, %dma_wait3A_2087, %dma_wait3A_2088] : memref<8x4x8x128xf32, #tpu.memory_space<vmem>> -> memref<1x4x8x128xf32, #tpu.memory_space<vmem>>
      %dma_wait3A_2090 = tpu.memref_squeeze %dma_wait3A_2089 : memref<1x4x8x128xf32, #tpu.memory_space<vmem>> -> memref<4x8x128xf32, #tpu.memory_space<vmem>>
      %dma_wait3A_2091 = arith.constant 0 : i32
      %dma_wait3A_2092 = arith.constant 0 : i32
      %dma_wait3A_2093 = arith.constant 0 : i32
      %dma_wait3A_2094 = tpu.memref_slice %dma_wait3A_2090[%dma_wait3A_2091, %dma_wait3A_2092, %dma_wait3A_2093] : memref<4x8x128xf32, #tpu.memory_space<vmem>> -> memref<2x8x128xf32, #tpu.memory_space<vmem>>
      %dma_wait3A_2095 = arith.constant 0 : i32
      %dma_wait3A_2096 = arith.constant 0 : i32
      %dma_wait3A_2097 = tpu.memref_slice %arg4[%dma_wait3A_2095, %dma_wait3A_2096, %multiple_of3A_707] : memref<4x8x1000000xf32, #tpu.memory_space<hbm>> -> memref<2x8x128xf32, #tpu.memory_space<hbm>>
      tpu.wait_dma2 semaphore(%arg13 : memref<!tpu.dma_semaphore, #tpu.memory_space<semaphore_mem>>) src(%dma_wait3A_2097 : memref<2x8x128xf32, #tpu.memory_space<hbm>>) dst(%dma_wait3A_2094 : memref<2x8x128xf32, #tpu.memory_space<vmem>>)
      %dma_wait3A_2098 = arith.constant 6 : i32
      %dma_wait3A_2099 = arith.constant 0 : i32
      %dma_wait3A_2100 = arith.constant 0 : i32
      %dma_wait3A_2101 = arith.constant 0 : i32
      %dma_wait3A_2102 = tpu.memref_slice %arg10[%dma_wait3A_2098, %dma_wait3A_2099, %dma_wait3A_2100, %dma_wait3A_2101] : memref<8x4x8x128xf32, #tpu.memory_space<vmem>> -> memref<1x4x8x128xf32, #tpu.memory_space<vmem>>
      %dma_wait3A_2103 = tpu.memref_squeeze %dma_wait3A_2102 : memref<1x4x8x128xf32, #tpu.memory_space<vmem>> -> memref<4x8x128xf32, #tpu.memory_space<vmem>>
      %dma_wait3A_2104 = arith.constant 0 : i32
      %dma_wait3A_2105 = arith.constant 0 : i32
      %dma_wait3A_2106 = arith.constant 0 : i32
      %dma_wait3A_2107 = tpu.memref_slice %dma_wait3A_2103[%dma_wait3A_2104, %dma_wait3A_2105, %dma_wait3A_2106] : memref<4x8x128xf32, #tpu.memory_space<vmem>> -> memref<2x8x128xf32, #tpu.memory_space<vmem>>
      %dma_wait3A_2108 = arith.constant 0 : i32
      %dma_wait3A_2109 = arith.constant 0 : i32
      %dma_wait3A_2110 = tpu.memref_slice %arg5[%dma_wait3A_2108, %dma_wait3A_2109, %multiple_of3A_714] : memref<4x8x1000000xf32, #tpu.memory_space<hbm>> -> memref<2x8x128xf32, #tpu.memory_space<hbm>>
      %dma_wait3A_2111 = arith.constant 0 : i32
      %dma_wait3A_2112 = arith.constant 0 : i32
      %dma_wait3A_2113 = arith.constant 0 : i32
      %dma_wait3A_2114 = tpu.memref_slice %arg10[%dma_wait3A_2098, %dma_wait3A_2111, %dma_wait3A_2112, %dma_wait3A_2113] : memref<8x4x8x128xf32, #tpu.memory_space<vmem>> -> memref<1x4x8x128xf32, #tpu.memory_space<vmem>>
      %dma_wait3A_2115 = tpu.memref_squeeze %dma_wait3A_2114 : memref<1x4x8x128xf32, #tpu.memory_space<vmem>> -> memref<4x8x128xf32, #tpu.memory_space<vmem>>
      %dma_wait3A_2116 = arith.constant 0 : i32
      %dma_wait3A_2117 = arith.constant 0 : i32
      %dma_wait3A_2118 = arith.constant 0 : i32
      %dma_wait3A_2119 = tpu.memref_slice %dma_wait3A_2115[%dma_wait3A_2116, %dma_wait3A_2117, %dma_wait3A_2118] : memref<4x8x128xf32, #tpu.memory_space<vmem>> -> memref<2x8x128xf32, #tpu.memory_space<vmem>>
      %dma_wait3A_2120 = arith.constant 0 : i32
      %dma_wait3A_2121 = arith.constant 0 : i32
      %dma_wait3A_2122 = tpu.memref_slice %arg5[%dma_wait3A_2120, %dma_wait3A_2121, %multiple_of3A_714] : memref<4x8x1000000xf32, #tpu.memory_space<hbm>> -> memref<2x8x128xf32, #tpu.memory_space<hbm>>
      tpu.wait_dma2 semaphore(%arg13 : memref<!tpu.dma_semaphore, #tpu.memory_space<semaphore_mem>>) src(%dma_wait3A_2122 : memref<2x8x128xf32, #tpu.memory_space<hbm>>) dst(%dma_wait3A_2119 : memref<2x8x128xf32, #tpu.memory_space<vmem>>)
      %dma_wait3A_2123 = arith.constant 6 : i32
      %dma_wait3A_2124 = arith.constant 0 : i32
      %dma_wait3A_2125 = arith.constant 0 : i32
      %dma_wait3A_2126 = arith.constant 0 : i32
      %dma_wait3A_2127 = tpu.memref_slice %arg9[%dma_wait3A_2123, %dma_wait3A_2124, %dma_wait3A_2125, %dma_wait3A_2126] : memref<8x4x8x128xf32, #tpu.memory_space<vmem>> -> memref<1x4x8x128xf32, #tpu.memory_space<vmem>>
      %dma_wait3A_2128 = tpu.memref_squeeze %dma_wait3A_2127 : memref<1x4x8x128xf32, #tpu.memory_space<vmem>> -> memref<4x8x128xf32, #tpu.memory_space<vmem>>
      %dma_wait3A_2129 = arith.constant 2 : i32
      %dma_wait3A_2130 = arith.constant 0 : i32
      %dma_wait3A_2131 = arith.constant 0 : i32
      %dma_wait3A_2132 = tpu.memref_slice %dma_wait3A_2128[%dma_wait3A_2129, %dma_wait3A_2130, %dma_wait3A_2131] : memref<4x8x128xf32, #tpu.memory_space<vmem>> -> memref<2x8x128xf32, #tpu.memory_space<vmem>>
      %dma_wait3A_2133 = arith.constant 2 : i32
      %dma_wait3A_2134 = arith.constant 0 : i32
      %dma_wait3A_2135 = tpu.memref_slice %arg4[%dma_wait3A_2133, %dma_wait3A_2134, %multiple_of3A_707] : memref<4x8x1000000xf32, #tpu.memory_space<hbm>> -> memref<2x8x128xf32, #tpu.memory_space<hbm>>
      %dma_wait3A_2136 = arith.constant 0 : i32
      %dma_wait3A_2137 = arith.constant 0 : i32
      %dma_wait3A_2138 = arith.constant 0 : i32
      %dma_wait3A_2139 = tpu.memref_slice %arg9[%dma_wait3A_2123, %dma_wait3A_2136, %dma_wait3A_2137, %dma_wait3A_2138] : memref<8x4x8x128xf32, #tpu.memory_space<vmem>> -> memref<1x4x8x128xf32, #tpu.memory_space<vmem>>
      %dma_wait3A_2140 = tpu.memref_squeeze %dma_wait3A_2139 : memref<1x4x8x128xf32, #tpu.memory_space<vmem>> -> memref<4x8x128xf32, #tpu.memory_space<vmem>>
      %dma_wait3A_2141 = arith.constant 2 : i32
      %dma_wait3A_2142 = arith.constant 0 : i32
      %dma_wait3A_2143 = arith.constant 0 : i32
      %dma_wait3A_2144 = tpu.memref_slice %dma_wait3A_2140[%dma_wait3A_2141, %dma_wait3A_2142, %dma_wait3A_2143] : memref<4x8x128xf32, #tpu.memory_space<vmem>> -> memref<2x8x128xf32, #tpu.memory_space<vmem>>
      %dma_wait3A_2145 = arith.constant 2 : i32
      %dma_wait3A_2146 = arith.constant 0 : i32
      %dma_wait3A_2147 = tpu.memref_slice %arg4[%dma_wait3A_2145, %dma_wait3A_2146, %multiple_of3A_707] : memref<4x8x1000000xf32, #tpu.memory_space<hbm>> -> memref<2x8x128xf32, #tpu.memory_space<hbm>>
      tpu.wait_dma2 semaphore(%arg13 : memref<!tpu.dma_semaphore, #tpu.memory_space<semaphore_mem>>) src(%dma_wait3A_2147 : memref<2x8x128xf32, #tpu.memory_space<hbm>>) dst(%dma_wait3A_2144 : memref<2x8x128xf32, #tpu.memory_space<vmem>>)
      %dma_wait3A_2148 = arith.constant 6 : i32
      %dma_wait3A_2149 = arith.constant 0 : i32
      %dma_wait3A_2150 = arith.constant 0 : i32
      %dma_wait3A_2151 = arith.constant 0 : i32
      %dma_wait3A_2152 = tpu.memref_slice %arg10[%dma_wait3A_2148, %dma_wait3A_2149, %dma_wait3A_2150, %dma_wait3A_2151] : memref<8x4x8x128xf32, #tpu.memory_space<vmem>> -> memref<1x4x8x128xf32, #tpu.memory_space<vmem>>
      %dma_wait3A_2153 = tpu.memref_squeeze %dma_wait3A_2152 : memref<1x4x8x128xf32, #tpu.memory_space<vmem>> -> memref<4x8x128xf32, #tpu.memory_space<vmem>>
      %dma_wait3A_2154 = arith.constant 2 : i32
      %dma_wait3A_2155 = arith.constant 0 : i32
      %dma_wait3A_2156 = arith.constant 0 : i32
      %dma_wait3A_2157 = tpu.memref_slice %dma_wait3A_2153[%dma_wait3A_2154, %dma_wait3A_2155, %dma_wait3A_2156] : memref<4x8x128xf32, #tpu.memory_space<vmem>> -> memref<2x8x128xf32, #tpu.memory_space<vmem>>
      %dma_wait3A_2158 = arith.constant 2 : i32
      %dma_wait3A_2159 = arith.constant 0 : i32
      %dma_wait3A_2160 = tpu.memref_slice %arg5[%dma_wait3A_2158, %dma_wait3A_2159, %multiple_of3A_714] : memref<4x8x1000000xf32, #tpu.memory_space<hbm>> -> memref<2x8x128xf32, #tpu.memory_space<hbm>>
      %dma_wait3A_2161 = arith.constant 0 : i32
      %dma_wait3A_2162 = arith.constant 0 : i32
      %dma_wait3A_2163 = arith.constant 0 : i32
      %dma_wait3A_2164 = tpu.memref_slice %arg10[%dma_wait3A_2148, %dma_wait3A_2161, %dma_wait3A_2162, %dma_wait3A_2163] : memref<8x4x8x128xf32, #tpu.memory_space<vmem>> -> memref<1x4x8x128xf32, #tpu.memory_space<vmem>>
      %dma_wait3A_2165 = tpu.memref_squeeze %dma_wait3A_2164 : memref<1x4x8x128xf32, #tpu.memory_space<vmem>> -> memref<4x8x128xf32, #tpu.memory_space<vmem>>
      %dma_wait3A_2166 = arith.constant 2 : i32
      %dma_wait3A_2167 = arith.constant 0 : i32
      %dma_wait3A_2168 = arith.constant 0 : i32
      %dma_wait3A_2169 = tpu.memref_slice %dma_wait3A_2165[%dma_wait3A_2166, %dma_wait3A_2167, %dma_wait3A_2168] : memref<4x8x128xf32, #tpu.memory_space<vmem>> -> memref<2x8x128xf32, #tpu.memory_space<vmem>>
      %dma_wait3A_2170 = arith.constant 2 : i32
      %dma_wait3A_2171 = arith.constant 0 : i32
      %dma_wait3A_2172 = tpu.memref_slice %arg5[%dma_wait3A_2170, %dma_wait3A_2171, %multiple_of3A_714] : memref<4x8x1000000xf32, #tpu.memory_space<hbm>> -> memref<2x8x128xf32, #tpu.memory_space<hbm>>
      tpu.wait_dma2 semaphore(%arg13 : memref<!tpu.dma_semaphore, #tpu.memory_space<semaphore_mem>>) src(%dma_wait3A_2172 : memref<2x8x128xf32, #tpu.memory_space<hbm>>) dst(%dma_wait3A_2169 : memref<2x8x128xf32, #tpu.memory_space<vmem>>)
      %dma_wait3A_2173 = arith.constant 7 : i32
      %dma_wait3A_2174 = arith.constant 0 : i32
      %dma_wait3A_2175 = arith.constant 0 : i32
      %dma_wait3A_2176 = arith.constant 0 : i32
      %dma_wait3A_2177 = tpu.memref_slice %arg9[%dma_wait3A_2173, %dma_wait3A_2174, %dma_wait3A_2175, %dma_wait3A_2176] : memref<8x4x8x128xf32, #tpu.memory_space<vmem>> -> memref<1x4x8x128xf32, #tpu.memory_space<vmem>>
      %dma_wait3A_2178 = tpu.memref_squeeze %dma_wait3A_2177 : memref<1x4x8x128xf32, #tpu.memory_space<vmem>> -> memref<4x8x128xf32, #tpu.memory_space<vmem>>
      %dma_wait3A_2179 = arith.constant 0 : i32
      %dma_wait3A_2180 = arith.constant 0 : i32
      %dma_wait3A_2181 = arith.constant 0 : i32
      %dma_wait3A_2182 = tpu.memref_slice %dma_wait3A_2178[%dma_wait3A_2179, %dma_wait3A_2180, %dma_wait3A_2181] : memref<4x8x128xf32, #tpu.memory_space<vmem>> -> memref<2x8x128xf32, #tpu.memory_space<vmem>>
      %dma_wait3A_2183 = arith.constant 0 : i32
      %dma_wait3A_2184 = arith.constant 0 : i32
      %dma_wait3A_2185 = tpu.memref_slice %arg4[%dma_wait3A_2183, %dma_wait3A_2184, %multiple_of3A_821] : memref<4x8x1000000xf32, #tpu.memory_space<hbm>> -> memref<2x8x128xf32, #tpu.memory_space<hbm>>
      %dma_wait3A_2186 = arith.constant 0 : i32
      %dma_wait3A_2187 = arith.constant 0 : i32
      %dma_wait3A_2188 = arith.constant 0 : i32
      %dma_wait3A_2189 = tpu.memref_slice %arg9[%dma_wait3A_2173, %dma_wait3A_2186, %dma_wait3A_2187, %dma_wait3A_2188] : memref<8x4x8x128xf32, #tpu.memory_space<vmem>> -> memref<1x4x8x128xf32, #tpu.memory_space<vmem>>
      %dma_wait3A_2190 = tpu.memref_squeeze %dma_wait3A_2189 : memref<1x4x8x128xf32, #tpu.memory_space<vmem>> -> memref<4x8x128xf32, #tpu.memory_space<vmem>>
      %dma_wait3A_2191 = arith.constant 0 : i32
      %dma_wait3A_2192 = arith.constant 0 : i32
      %dma_wait3A_2193 = arith.constant 0 : i32
      %dma_wait3A_2194 = tpu.memref_slice %dma_wait3A_2190[%dma_wait3A_2191, %dma_wait3A_2192, %dma_wait3A_2193] : memref<4x8x128xf32, #tpu.memory_space<vmem>> -> memref<2x8x128xf32, #tpu.memory_space<vmem>>
      %dma_wait3A_2195 = arith.constant 0 : i32
      %dma_wait3A_2196 = arith.constant 0 : i32
      %dma_wait3A_2197 = tpu.memref_slice %arg4[%dma_wait3A_2195, %dma_wait3A_2196, %multiple_of3A_821] : memref<4x8x1000000xf32, #tpu.memory_space<hbm>> -> memref<2x8x128xf32, #tpu.memory_space<hbm>>
      tpu.wait_dma2 semaphore(%arg13 : memref<!tpu.dma_semaphore, #tpu.memory_space<semaphore_mem>>) src(%dma_wait3A_2197 : memref<2x8x128xf32, #tpu.memory_space<hbm>>) dst(%dma_wait3A_2194 : memref<2x8x128xf32, #tpu.memory_space<vmem>>)
      %dma_wait3A_2198 = arith.constant 7 : i32
      %dma_wait3A_2199 = arith.constant 0 : i32
      %dma_wait3A_2200 = arith.constant 0 : i32
      %dma_wait3A_2201 = arith.constant 0 : i32
      %dma_wait3A_2202 = tpu.memref_slice %arg10[%dma_wait3A_2198, %dma_wait3A_2199, %dma_wait3A_2200, %dma_wait3A_2201] : memref<8x4x8x128xf32, #tpu.memory_space<vmem>> -> memref<1x4x8x128xf32, #tpu.memory_space<vmem>>
      %dma_wait3A_2203 = tpu.memref_squeeze %dma_wait3A_2202 : memref<1x4x8x128xf32, #tpu.memory_space<vmem>> -> memref<4x8x128xf32, #tpu.memory_space<vmem>>
      %dma_wait3A_2204 = arith.constant 0 : i32
      %dma_wait3A_2205 = arith.constant 0 : i32
      %dma_wait3A_2206 = arith.constant 0 : i32
      %dma_wait3A_2207 = tpu.memref_slice %dma_wait3A_2203[%dma_wait3A_2204, %dma_wait3A_2205, %dma_wait3A_2206] : memref<4x8x128xf32, #tpu.memory_space<vmem>> -> memref<2x8x128xf32, #tpu.memory_space<vmem>>
      %dma_wait3A_2208 = arith.constant 0 : i32
      %dma_wait3A_2209 = arith.constant 0 : i32
      %dma_wait3A_2210 = tpu.memref_slice %arg5[%dma_wait3A_2208, %dma_wait3A_2209, %multiple_of3A_828] : memref<4x8x1000000xf32, #tpu.memory_space<hbm>> -> memref<2x8x128xf32, #tpu.memory_space<hbm>>
      %dma_wait3A_2211 = arith.constant 0 : i32
      %dma_wait3A_2212 = arith.constant 0 : i32
      %dma_wait3A_2213 = arith.constant 0 : i32
      %dma_wait3A_2214 = tpu.memref_slice %arg10[%dma_wait3A_2198, %dma_wait3A_2211, %dma_wait3A_2212, %dma_wait3A_2213] : memref<8x4x8x128xf32, #tpu.memory_space<vmem>> -> memref<1x4x8x128xf32, #tpu.memory_space<vmem>>
      %dma_wait3A_2215 = tpu.memref_squeeze %dma_wait3A_2214 : memref<1x4x8x128xf32, #tpu.memory_space<vmem>> -> memref<4x8x128xf32, #tpu.memory_space<vmem>>
      %dma_wait3A_2216 = arith.constant 0 : i32
      %dma_wait3A_2217 = arith.constant 0 : i32
      %dma_wait3A_2218 = arith.constant 0 : i32
      %dma_wait3A_2219 = tpu.memref_slice %dma_wait3A_2215[%dma_wait3A_2216, %dma_wait3A_2217, %dma_wait3A_2218] : memref<4x8x128xf32, #tpu.memory_space<vmem>> -> memref<2x8x128xf32, #tpu.memory_space<vmem>>
      %dma_wait3A_2220 = arith.constant 0 : i32
      %dma_wait3A_2221 = arith.constant 0 : i32
      %dma_wait3A_2222 = tpu.memref_slice %arg5[%dma_wait3A_2220, %dma_wait3A_2221, %multiple_of3A_828] : memref<4x8x1000000xf32, #tpu.memory_space<hbm>> -> memref<2x8x128xf32, #tpu.memory_space<hbm>>
      tpu.wait_dma2 semaphore(%arg13 : memref<!tpu.dma_semaphore, #tpu.memory_space<semaphore_mem>>) src(%dma_wait3A_2222 : memref<2x8x128xf32, #tpu.memory_space<hbm>>) dst(%dma_wait3A_2219 : memref<2x8x128xf32, #tpu.memory_space<vmem>>)
      %dma_wait3A_2223 = arith.constant 7 : i32
      %dma_wait3A_2224 = arith.constant 0 : i32
      %dma_wait3A_2225 = arith.constant 0 : i32
      %dma_wait3A_2226 = arith.constant 0 : i32
      %dma_wait3A_2227 = tpu.memref_slice %arg9[%dma_wait3A_2223, %dma_wait3A_2224, %dma_wait3A_2225, %dma_wait3A_2226] : memref<8x4x8x128xf32, #tpu.memory_space<vmem>> -> memref<1x4x8x128xf32, #tpu.memory_space<vmem>>
      %dma_wait3A_2228 = tpu.memref_squeeze %dma_wait3A_2227 : memref<1x4x8x128xf32, #tpu.memory_space<vmem>> -> memref<4x8x128xf32, #tpu.memory_space<vmem>>
      %dma_wait3A_2229 = arith.constant 2 : i32
      %dma_wait3A_2230 = arith.constant 0 : i32
      %dma_wait3A_2231 = arith.constant 0 : i32
      %dma_wait3A_2232 = tpu.memref_slice %dma_wait3A_2228[%dma_wait3A_2229, %dma_wait3A_2230, %dma_wait3A_2231] : memref<4x8x128xf32, #tpu.memory_space<vmem>> -> memref<2x8x128xf32, #tpu.memory_space<vmem>>
      %dma_wait3A_2233 = arith.constant 2 : i32
      %dma_wait3A_2234 = arith.constant 0 : i32
      %dma_wait3A_2235 = tpu.memref_slice %arg4[%dma_wait3A_2233, %dma_wait3A_2234, %multiple_of3A_821] : memref<4x8x1000000xf32, #tpu.memory_space<hbm>> -> memref<2x8x128xf32, #tpu.memory_space<hbm>>
      %dma_wait3A_2236 = arith.constant 0 : i32
      %dma_wait3A_2237 = arith.constant 0 : i32
      %dma_wait3A_2238 = arith.constant 0 : i32
      %dma_wait3A_2239 = tpu.memref_slice %arg9[%dma_wait3A_2223, %dma_wait3A_2236, %dma_wait3A_2237, %dma_wait3A_2238] : memref<8x4x8x128xf32, #tpu.memory_space<vmem>> -> memref<1x4x8x128xf32, #tpu.memory_space<vmem>>
      %dma_wait3A_2240 = tpu.memref_squeeze %dma_wait3A_2239 : memref<1x4x8x128xf32, #tpu.memory_space<vmem>> -> memref<4x8x128xf32, #tpu.memory_space<vmem>>
      %dma_wait3A_2241 = arith.constant 2 : i32
      %dma_wait3A_2242 = arith.constant 0 : i32
      %dma_wait3A_2243 = arith.constant 0 : i32
      %dma_wait3A_2244 = tpu.memref_slice %dma_wait3A_2240[%dma_wait3A_2241, %dma_wait3A_2242, %dma_wait3A_2243] : memref<4x8x128xf32, #tpu.memory_space<vmem>> -> memref<2x8x128xf32, #tpu.memory_space<vmem>>
      %dma_wait3A_2245 = arith.constant 2 : i32
      %dma_wait3A_2246 = arith.constant 0 : i32
      %dma_wait3A_2247 = tpu.memref_slice %arg4[%dma_wait3A_2245, %dma_wait3A_2246, %multiple_of3A_821] : memref<4x8x1000000xf32, #tpu.memory_space<hbm>> -> memref<2x8x128xf32, #tpu.memory_space<hbm>>
      tpu.wait_dma2 semaphore(%arg13 : memref<!tpu.dma_semaphore, #tpu.memory_space<semaphore_mem>>) src(%dma_wait3A_2247 : memref<2x8x128xf32, #tpu.memory_space<hbm>>) dst(%dma_wait3A_2244 : memref<2x8x128xf32, #tpu.memory_space<vmem>>)
      %dma_wait3A_2248 = arith.constant 7 : i32
      %dma_wait3A_2249 = arith.constant 0 : i32
      %dma_wait3A_2250 = arith.constant 0 : i32
      %dma_wait3A_2251 = arith.constant 0 : i32
      %dma_wait3A_2252 = tpu.memref_slice %arg10[%dma_wait3A_2248, %dma_wait3A_2249, %dma_wait3A_2250, %dma_wait3A_2251] : memref<8x4x8x128xf32, #tpu.memory_space<vmem>> -> memref<1x4x8x128xf32, #tpu.memory_space<vmem>>
      %dma_wait3A_2253 = tpu.memref_squeeze %dma_wait3A_2252 : memref<1x4x8x128xf32, #tpu.memory_space<vmem>> -> memref<4x8x128xf32, #tpu.memory_space<vmem>>
      %dma_wait3A_2254 = arith.constant 2 : i32
      %dma_wait3A_2255 = arith.constant 0 : i32
      %dma_wait3A_2256 = arith.constant 0 : i32
      %dma_wait3A_2257 = tpu.memref_slice %dma_wait3A_2253[%dma_wait3A_2254, %dma_wait3A_2255, %dma_wait3A_2256] : memref<4x8x128xf32, #tpu.memory_space<vmem>> -> memref<2x8x128xf32, #tpu.memory_space<vmem>>
      %dma_wait3A_2258 = arith.constant 2 : i32
      %dma_wait3A_2259 = arith.constant 0 : i32
      %dma_wait3A_2260 = tpu.memref_slice %arg5[%dma_wait3A_2258, %dma_wait3A_2259, %multiple_of3A_828] : memref<4x8x1000000xf32, #tpu.memory_space<hbm>> -> memref<2x8x128xf32, #tpu.memory_space<hbm>>
      %dma_wait3A_2261 = arith.constant 0 : i32
      %dma_wait3A_2262 = arith.constant 0 : i32
      %dma_wait3A_2263 = arith.constant 0 : i32
      %dma_wait3A_2264 = tpu.memref_slice %arg10[%dma_wait3A_2248, %dma_wait3A_2261, %dma_wait3A_2262, %dma_wait3A_2263] : memref<8x4x8x128xf32, #tpu.memory_space<vmem>> -> memref<1x4x8x128xf32, #tpu.memory_space<vmem>>
      %dma_wait3A_2265 = tpu.memref_squeeze %dma_wait3A_2264 : memref<1x4x8x128xf32, #tpu.memory_space<vmem>> -> memref<4x8x128xf32, #tpu.memory_space<vmem>>
      %dma_wait3A_2266 = arith.constant 2 : i32
      %dma_wait3A_2267 = arith.constant 0 : i32
      %dma_wait3A_2268 = arith.constant 0 : i32
      %dma_wait3A_2269 = tpu.memref_slice %dma_wait3A_2265[%dma_wait3A_2266, %dma_wait3A_2267, %dma_wait3A_2268] : memref<4x8x128xf32, #tpu.memory_space<vmem>> -> memref<2x8x128xf32, #tpu.memory_space<vmem>>
      %dma_wait3A_2270 = arith.constant 2 : i32
      %dma_wait3A_2271 = arith.constant 0 : i32
      %dma_wait3A_2272 = tpu.memref_slice %arg5[%dma_wait3A_2270, %dma_wait3A_2271, %multiple_of3A_828] : memref<4x8x1000000xf32, #tpu.memory_space<hbm>> -> memref<2x8x128xf32, #tpu.memory_space<hbm>>
      tpu.wait_dma2 semaphore(%arg13 : memref<!tpu.dma_semaphore, #tpu.memory_space<semaphore_mem>>) src(%dma_wait3A_2272 : memref<2x8x128xf32, #tpu.memory_space<hbm>>) dst(%dma_wait3A_2269 : memref<2x8x128xf32, #tpu.memory_space<vmem>>)
      %slice3A_2273 = vector.extract_strided_slice %get3A_18 {offsets = [4], sizes = [1], strides = [1]} : vector<16xi32> to vector<1xi32>
      %squeeze3A_2274 = vector.extract %slice3A_2273[0] : i32 from vector<1xi32>
      %and3A_2275 = arith.constant 127 : i32
      %and3A_2276 = arith.andi %squeeze3A_2274, %and3A_2275 : i32
      %broadcast_in_dim3A_2277 = vector.broadcast %and3A_2276 : i32 to vector<16xi32>
      %slice3A_2278 = vector.extract_strided_slice %get3A_20 {offsets = [4], sizes = [1], strides = [1]} : vector<16xi32> to vector<1xi32>
      %squeeze3A_2279 = vector.extract %slice3A_2278[0] : i32 from vector<1xi32>
      %and3A_2280 = arith.constant 127 : i32
      %and3A_2281 = arith.andi %squeeze3A_2279, %and3A_2280 : i32
      %broadcast_in_dim3A_2282 = vector.broadcast %and3A_2281 : i32 to vector<16xi32>
      %broadcast_in_dim3A_2283 = arith.constant 4 : i32
      %broadcast_in_dim3A_2284 = vector.broadcast %broadcast_in_dim3A_2283 : i32 to vector<16xi32>
      %gather3A_2285 = tpu.vector_load_idx %arg9[%broadcast_in_dim3A_2284, %shift_right_logical3A_4, %and3A_9, %broadcast_in_dim3A_2277] : memref<8x4x8x128xf32, #tpu.memory_space<vmem>>[vector<16xi32>, vector<16xi32>, vector<16xi32>, vector<16xi32>], vector<16xf32>,
      %gather3A_2286 = tpu.vector_load_idx %arg9[%broadcast_in_dim3A_2284, %add3A_7, %and3A_9, %broadcast_in_dim3A_2277] : memref<8x4x8x128xf32, #tpu.memory_space<vmem>>[vector<16xi32>, vector<16xi32>, vector<16xi32>, vector<16xi32>], vector<16xf32>,
      %gather3A_2287 = tpu.vector_load_idx %arg10[%broadcast_in_dim3A_2284, %shift_right_logical3A_4, %and3A_9, %broadcast_in_dim3A_2282] : memref<8x4x8x128xf32, #tpu.memory_space<vmem>>[vector<16xi32>, vector<16xi32>, vector<16xi32>, vector<16xi32>], vector<16xf32>,
      %gather3A_2288 = tpu.vector_load_idx %arg10[%broadcast_in_dim3A_2284, %add3A_7, %and3A_9, %broadcast_in_dim3A_2282] : memref<8x4x8x128xf32, #tpu.memory_space<vmem>>[vector<16xi32>, vector<16xi32>, vector<16xi32>, vector<16xi32>], vector<16xf32>,
      %mul3A_2289 = arith.mulf %gather3A_2285, %gather3A_2287 : vector<16xf32>
      %mul3A_2290 = arith.mulf %gather3A_2286, %gather3A_2288 : vector<16xf32>
      %add3A_2291 = arith.addf %mul3A_2289, %mul3A_2290 : vector<16xf32>
      %swap3A_2292 = arith.constant 4 : i32
      %swap3A_2293 = arith.index_cast %swap3A_2292 : i32 to index
      %swap3A_2294 = arith.constant 0 : index
      %swap3A_2295 = tpu.vector_load %arg11[%swap3A_2293, %swap3A_2294] {strides = array<i32>} : memref<16x16xf32, #tpu.memory_space<vmem>>, vector<16xf32>,
      tpu.vector_store %arg11[%swap3A_2293, %swap3A_2294], %add3A_2291 {strides = array<i32>} : memref<16x16xf32, #tpu.memory_space<vmem>>, vector<16xf32>,
      %slice3A_2296 = vector.extract_strided_slice %get3A_18 {offsets = [5], sizes = [1], strides = [1]} : vector<16xi32> to vector<1xi32>
      %squeeze3A_2297 = vector.extract %slice3A_2296[0] : i32 from vector<1xi32>
      %and3A_2298 = arith.constant 127 : i32
      %and3A_2299 = arith.andi %squeeze3A_2297, %and3A_2298 : i32
      %broadcast_in_dim3A_2300 = vector.broadcast %and3A_2299 : i32 to vector<16xi32>
      %slice3A_2301 = vector.extract_strided_slice %get3A_20 {offsets = [5], sizes = [1], strides = [1]} : vector<16xi32> to vector<1xi32>
      %squeeze3A_2302 = vector.extract %slice3A_2301[0] : i32 from vector<1xi32>
      %and3A_2303 = arith.constant 127 : i32
      %and3A_2304 = arith.andi %squeeze3A_2302, %and3A_2303 : i32
      %broadcast_in_dim3A_2305 = vector.broadcast %and3A_2304 : i32 to vector<16xi32>
      %broadcast_in_dim3A_2306 = arith.constant 5 : i32
      %broadcast_in_dim3A_2307 = vector.broadcast %broadcast_in_dim3A_2306 : i32 to vector<16xi32>
      %gather3A_2308 = tpu.vector_load_idx %arg9[%broadcast_in_dim3A_2307, %shift_right_logical3A_4, %and3A_9, %broadcast_in_dim3A_2300] : memref<8x4x8x128xf32, #tpu.memory_space<vmem>>[vector<16xi32>, vector<16xi32>, vector<16xi32>, vector<16xi32>], vector<16xf32>,
      %gather3A_2309 = tpu.vector_load_idx %arg9[%broadcast_in_dim3A_2307, %add3A_7, %and3A_9, %broadcast_in_dim3A_2300] : memref<8x4x8x128xf32, #tpu.memory_space<vmem>>[vector<16xi32>, vector<16xi32>, vector<16xi32>, vector<16xi32>], vector<16xf32>,
      %gather3A_2310 = tpu.vector_load_idx %arg10[%broadcast_in_dim3A_2307, %shift_right_logical3A_4, %and3A_9, %broadcast_in_dim3A_2305] : memref<8x4x8x128xf32, #tpu.memory_space<vmem>>[vector<16xi32>, vector<16xi32>, vector<16xi32>, vector<16xi32>], vector<16xf32>,
      %gather3A_2311 = tpu.vector_load_idx %arg10[%broadcast_in_dim3A_2307, %add3A_7, %and3A_9, %broadcast_in_dim3A_2305] : memref<8x4x8x128xf32, #tpu.memory_space<vmem>>[vector<16xi32>, vector<16xi32>, vector<16xi32>, vector<16xi32>], vector<16xf32>,
      %mul3A_2312 = arith.mulf %gather3A_2308, %gather3A_2310 : vector<16xf32>
      %mul3A_2313 = arith.mulf %gather3A_2309, %gather3A_2311 : vector<16xf32>
      %add3A_2314 = arith.addf %mul3A_2312, %mul3A_2313 : vector<16xf32>
      %swap3A_2315 = arith.constant 5 : i32
      %swap3A_2316 = arith.index_cast %swap3A_2315 : i32 to index
      %swap3A_2317 = arith.constant 0 : index
      %swap3A_2318 = tpu.vector_load %arg11[%swap3A_2316, %swap3A_2317] {strides = array<i32>} : memref<16x16xf32, #tpu.memory_space<vmem>>, vector<16xf32>,
      tpu.vector_store %arg11[%swap3A_2316, %swap3A_2317], %add3A_2314 {strides = array<i32>} : memref<16x16xf32, #tpu.memory_space<vmem>>, vector<16xf32>,
      %slice3A_2319 = vector.extract_strided_slice %get3A_18 {offsets = [6], sizes = [1], strides = [1]} : vector<16xi32> to vector<1xi32>
      %squeeze3A_2320 = vector.extract %slice3A_2319[0] : i32 from vector<1xi32>
      %and3A_2321 = arith.constant 127 : i32
      %and3A_2322 = arith.andi %squeeze3A_2320, %and3A_2321 : i32
      %broadcast_in_dim3A_2323 = vector.broadcast %and3A_2322 : i32 to vector<16xi32>
      %slice3A_2324 = vector.extract_strided_slice %get3A_20 {offsets = [6], sizes = [1], strides = [1]} : vector<16xi32> to vector<1xi32>
      %squeeze3A_2325 = vector.extract %slice3A_2324[0] : i32 from vector<1xi32>
      %and3A_2326 = arith.constant 127 : i32
      %and3A_2327 = arith.andi %squeeze3A_2325, %and3A_2326 : i32
      %broadcast_in_dim3A_2328 = vector.broadcast %and3A_2327 : i32 to vector<16xi32>
      %broadcast_in_dim3A_2329 = arith.constant 6 : i32
      %broadcast_in_dim3A_2330 = vector.broadcast %broadcast_in_dim3A_2329 : i32 to vector<16xi32>
      %gather3A_2331 = tpu.vector_load_idx %arg9[%broadcast_in_dim3A_2330, %shift_right_logical3A_4, %and3A_9, %broadcast_in_dim3A_2323] : memref<8x4x8x128xf32, #tpu.memory_space<vmem>>[vector<16xi32>, vector<16xi32>, vector<16xi32>, vector<16xi32>], vector<16xf32>,
      %gather3A_2332 = tpu.vector_load_idx %arg9[%broadcast_in_dim3A_2330, %add3A_7, %and3A_9, %broadcast_in_dim3A_2323] : memref<8x4x8x128xf32, #tpu.memory_space<vmem>>[vector<16xi32>, vector<16xi32>, vector<16xi32>, vector<16xi32>], vector<16xf32>,
      %gather3A_2333 = tpu.vector_load_idx %arg10[%broadcast_in_dim3A_2330, %shift_right_logical3A_4, %and3A_9, %broadcast_in_dim3A_2328] : memref<8x4x8x128xf32, #tpu.memory_space<vmem>>[vector<16xi32>, vector<16xi32>, vector<16xi32>, vector<16xi32>], vector<16xf32>,
      %gather3A_2334 = tpu.vector_load_idx %arg10[%broadcast_in_dim3A_2330, %add3A_7, %and3A_9, %broadcast_in_dim3A_2328] : memref<8x4x8x128xf32, #tpu.memory_space<vmem>>[vector<16xi32>, vector<16xi32>, vector<16xi32>, vector<16xi32>], vector<16xf32>,
      %mul3A_2335 = arith.mulf %gather3A_2331, %gather3A_2333 : vector<16xf32>
      %mul3A_2336 = arith.mulf %gather3A_2332, %gather3A_2334 : vector<16xf32>
      %add3A_2337 = arith.addf %mul3A_2335, %mul3A_2336 : vector<16xf32>
      %swap3A_2338 = arith.constant 6 : i32
      %swap3A_2339 = arith.index_cast %swap3A_2338 : i32 to index
      %swap3A_2340 = arith.constant 0 : index
      %swap3A_2341 = tpu.vector_load %arg11[%swap3A_2339, %swap3A_2340] {strides = array<i32>} : memref<16x16xf32, #tpu.memory_space<vmem>>, vector<16xf32>,
      tpu.vector_store %arg11[%swap3A_2339, %swap3A_2340], %add3A_2337 {strides = array<i32>} : memref<16x16xf32, #tpu.memory_space<vmem>>, vector<16xf32>,
      %slice3A_2342 = vector.extract_strided_slice %get3A_18 {offsets = [7], sizes = [1], strides = [1]} : vector<16xi32> to vector<1xi32>
      %squeeze3A_2343 = vector.extract %slice3A_2342[0] : i32 from vector<1xi32>
      %and3A_2344 = arith.constant 127 : i32
      %and3A_2345 = arith.andi %squeeze3A_2343, %and3A_2344 : i32
      %broadcast_in_dim3A_2346 = vector.broadcast %and3A_2345 : i32 to vector<16xi32>
      %slice3A_2347 = vector.extract_strided_slice %get3A_20 {offsets = [7], sizes = [1], strides = [1]} : vector<16xi32> to vector<1xi32>
      %squeeze3A_2348 = vector.extract %slice3A_2347[0] : i32 from vector<1xi32>
      %and3A_2349 = arith.constant 127 : i32
      %and3A_2350 = arith.andi %squeeze3A_2348, %and3A_2349 : i32
      %broadcast_in_dim3A_2351 = vector.broadcast %and3A_2350 : i32 to vector<16xi32>
      %broadcast_in_dim3A_2352 = arith.constant 7 : i32
      %broadcast_in_dim3A_2353 = vector.broadcast %broadcast_in_dim3A_2352 : i32 to vector<16xi32>
      %gather3A_2354 = tpu.vector_load_idx %arg9[%broadcast_in_dim3A_2353, %shift_right_logical3A_4, %and3A_9, %broadcast_in_dim3A_2346] : memref<8x4x8x128xf32, #tpu.memory_space<vmem>>[vector<16xi32>, vector<16xi32>, vector<16xi32>, vector<16xi32>], vector<16xf32>,
      %gather3A_2355 = tpu.vector_load_idx %arg9[%broadcast_in_dim3A_2353, %add3A_7, %and3A_9, %broadcast_in_dim3A_2346] : memref<8x4x8x128xf32, #tpu.memory_space<vmem>>[vector<16xi32>, vector<16xi32>, vector<16xi32>, vector<16xi32>], vector<16xf32>,
      %gather3A_2356 = tpu.vector_load_idx %arg10[%broadcast_in_dim3A_2353, %shift_right_logical3A_4, %and3A_9, %broadcast_in_dim3A_2351] : memref<8x4x8x128xf32, #tpu.memory_space<vmem>>[vector<16xi32>, vector<16xi32>, vector<16xi32>, vector<16xi32>], vector<16xf32>,
      %gather3A_2357 = tpu.vector_load_idx %arg10[%broadcast_in_dim3A_2353, %add3A_7, %and3A_9, %broadcast_in_dim3A_2351] : memref<8x4x8x128xf32, #tpu.memory_space<vmem>>[vector<16xi32>, vector<16xi32>, vector<16xi32>, vector<16xi32>], vector<16xf32>,
      %mul3A_2358 = arith.mulf %gather3A_2354, %gather3A_2356 : vector<16xf32>
      %mul3A_2359 = arith.mulf %gather3A_2355, %gather3A_2357 : vector<16xf32>
      %add3A_2360 = arith.addf %mul3A_2358, %mul3A_2359 : vector<16xf32>
      %swap3A_2361 = arith.constant 7 : i32
      %swap3A_2362 = arith.index_cast %swap3A_2361 : i32 to index
      %swap3A_2363 = arith.constant 0 : index
      %swap3A_2364 = tpu.vector_load %arg11[%swap3A_2362, %swap3A_2363] {strides = array<i32>} : memref<16x16xf32, #tpu.memory_space<vmem>>, vector<16xf32>,
      tpu.vector_store %arg11[%swap3A_2362, %swap3A_2363], %add3A_2360 {strides = array<i32>} : memref<16x16xf32, #tpu.memory_space<vmem>>, vector<16xf32>,
      %slice3A_2365 = vector.extract_strided_slice %get3A_18 {offsets = [12], sizes = [1], strides = [1]} : vector<16xi32> to vector<1xi32>
      %squeeze3A_2366 = vector.extract %slice3A_2365[0] : i32 from vector<1xi32>
      %shift_right_logical3A_2367 = arith.constant 7 : i32
      %shift_right_logical3A_2368 = arith.shrui %squeeze3A_2366, %shift_right_logical3A_2367 : i32
      %mul3A_2369 = arith.constant 128 : i32
      %mul3A_2370 = arith.muli %shift_right_logical3A_2368, %mul3A_2369 : i32
      %multiple_of3A_2371 = tpu.assume_multiple %mul3A_2370, 128 : i32
      %slice3A_2372 = vector.extract_strided_slice %get3A_20 {offsets = [12], sizes = [1], strides = [1]} : vector<16xi32> to vector<1xi32>
      %squeeze3A_2373 = vector.extract %slice3A_2372[0] : i32 from vector<1xi32>
      %shift_right_logical3A_2374 = arith.constant 7 : i32
      %shift_right_logical3A_2375 = arith.shrui %squeeze3A_2373, %shift_right_logical3A_2374 : i32
      %mul3A_2376 = arith.constant 128 : i32
      %mul3A_2377 = arith.muli %shift_right_logical3A_2375, %mul3A_2376 : i32
      %multiple_of3A_2378 = tpu.assume_multiple %mul3A_2377, 128 : i32
      %dma_start3A_2379 = arith.constant 4 : i32
      %dma_start3A_2380 = arith.constant 0 : i32
      %dma_start3A_2381 = arith.constant 0 : i32
      %dma_start3A_2382 = arith.constant 0 : i32
      %dma_start3A_2383 = tpu.memref_slice %arg9[%dma_start3A_2379, %dma_start3A_2380, %dma_start3A_2381, %dma_start3A_2382] : memref<8x4x8x128xf32, #tpu.memory_space<vmem>> -> memref<1x4x8x128xf32, #tpu.memory_space<vmem>>
      %dma_start3A_2384 = tpu.memref_squeeze %dma_start3A_2383 : memref<1x4x8x128xf32, #tpu.memory_space<vmem>> -> memref<4x8x128xf32, #tpu.memory_space<vmem>>
      %dma_start3A_2385 = arith.constant 0 : i32
      %dma_start3A_2386 = arith.constant 0 : i32
      %dma_start3A_2387 = arith.constant 0 : i32
      %dma_start3A_2388 = tpu.memref_slice %dma_start3A_2384[%dma_start3A_2385, %dma_start3A_2386, %dma_start3A_2387] : memref<4x8x128xf32, #tpu.memory_space<vmem>> -> memref<2x8x128xf32, #tpu.memory_space<vmem>>
      %dma_start3A_2389 = arith.constant 0 : i32
      %dma_start3A_2390 = arith.constant 0 : i32
      %dma_start3A_2391 = tpu.memref_slice %arg4[%dma_start3A_2389, %dma_start3A_2390, %multiple_of3A_2371] : memref<4x8x1000000xf32, #tpu.memory_space<hbm>> -> memref<2x8x128xf32, #tpu.memory_space<hbm>>
      %dma_start3A_2392 = arith.constant 0 : i32
      %dma_start3A_2393 = arith.constant 0 : i32
      %dma_start3A_2394 = arith.constant 0 : i32
      %dma_start3A_2395 = tpu.memref_slice %arg9[%dma_start3A_2379, %dma_start3A_2392, %dma_start3A_2393, %dma_start3A_2394] : memref<8x4x8x128xf32, #tpu.memory_space<vmem>> -> memref<1x4x8x128xf32, #tpu.memory_space<vmem>>
      %dma_start3A_2396 = tpu.memref_squeeze %dma_start3A_2395 : memref<1x4x8x128xf32, #tpu.memory_space<vmem>> -> memref<4x8x128xf32, #tpu.memory_space<vmem>>
      %dma_start3A_2397 = arith.constant 0 : i32
      %dma_start3A_2398 = arith.constant 0 : i32
      %dma_start3A_2399 = arith.constant 0 : i32
      %dma_start3A_2400 = tpu.memref_slice %dma_start3A_2396[%dma_start3A_2397, %dma_start3A_2398, %dma_start3A_2399] : memref<4x8x128xf32, #tpu.memory_space<vmem>> -> memref<2x8x128xf32, #tpu.memory_space<vmem>>
      %dma_start3A_2401 = arith.constant 0 : i32
      %dma_start3A_2402 = arith.constant 0 : i32
      %dma_start3A_2403 = tpu.memref_slice %arg4[%dma_start3A_2401, %dma_start3A_2402, %multiple_of3A_2371] : memref<4x8x1000000xf32, #tpu.memory_space<hbm>> -> memref<2x8x128xf32, #tpu.memory_space<hbm>>
      tpu.enqueue_dma source(%dma_start3A_2403 : memref<2x8x128xf32, #tpu.memory_space<hbm>>) target(%dma_start3A_2400 : memref<2x8x128xf32, #tpu.memory_space<vmem>>) target_semaphore(%arg13 : memref<!tpu.dma_semaphore, #tpu.memory_space<semaphore_mem>>)
      %dma_start3A_2404 = arith.constant 4 : i32
      %dma_start3A_2405 = arith.constant 0 : i32
      %dma_start3A_2406 = arith.constant 0 : i32
      %dma_start3A_2407 = arith.constant 0 : i32
      %dma_start3A_2408 = tpu.memref_slice %arg10[%dma_start3A_2404, %dma_start3A_2405, %dma_start3A_2406, %dma_start3A_2407] : memref<8x4x8x128xf32, #tpu.memory_space<vmem>> -> memref<1x4x8x128xf32, #tpu.memory_space<vmem>>
      %dma_start3A_2409 = tpu.memref_squeeze %dma_start3A_2408 : memref<1x4x8x128xf32, #tpu.memory_space<vmem>> -> memref<4x8x128xf32, #tpu.memory_space<vmem>>
      %dma_start3A_2410 = arith.constant 0 : i32
      %dma_start3A_2411 = arith.constant 0 : i32
      %dma_start3A_2412 = arith.constant 0 : i32
      %dma_start3A_2413 = tpu.memref_slice %dma_start3A_2409[%dma_start3A_2410, %dma_start3A_2411, %dma_start3A_2412] : memref<4x8x128xf32, #tpu.memory_space<vmem>> -> memref<2x8x128xf32, #tpu.memory_space<vmem>>
      %dma_start3A_2414 = arith.constant 0 : i32
      %dma_start3A_2415 = arith.constant 0 : i32
      %dma_start3A_2416 = tpu.memref_slice %arg5[%dma_start3A_2414, %dma_start3A_2415, %multiple_of3A_2378] : memref<4x8x1000000xf32, #tpu.memory_space<hbm>> -> memref<2x8x128xf32, #tpu.memory_space<hbm>>
      %dma_start3A_2417 = arith.constant 0 : i32
      %dma_start3A_2418 = arith.constant 0 : i32
      %dma_start3A_2419 = arith.constant 0 : i32
      %dma_start3A_2420 = tpu.memref_slice %arg10[%dma_start3A_2404, %dma_start3A_2417, %dma_start3A_2418, %dma_start3A_2419] : memref<8x4x8x128xf32, #tpu.memory_space<vmem>> -> memref<1x4x8x128xf32, #tpu.memory_space<vmem>>
      %dma_start3A_2421 = tpu.memref_squeeze %dma_start3A_2420 : memref<1x4x8x128xf32, #tpu.memory_space<vmem>> -> memref<4x8x128xf32, #tpu.memory_space<vmem>>
      %dma_start3A_2422 = arith.constant 0 : i32
      %dma_start3A_2423 = arith.constant 0 : i32
      %dma_start3A_2424 = arith.constant 0 : i32
      %dma_start3A_2425 = tpu.memref_slice %dma_start3A_2421[%dma_start3A_2422, %dma_start3A_2423, %dma_start3A_2424] : memref<4x8x128xf32, #tpu.memory_space<vmem>> -> memref<2x8x128xf32, #tpu.memory_space<vmem>>
      %dma_start3A_2426 = arith.constant 0 : i32
      %dma_start3A_2427 = arith.constant 0 : i32
      %dma_start3A_2428 = tpu.memref_slice %arg5[%dma_start3A_2426, %dma_start3A_2427, %multiple_of3A_2378] : memref<4x8x1000000xf32, #tpu.memory_space<hbm>> -> memref<2x8x128xf32, #tpu.memory_space<hbm>>
      tpu.enqueue_dma source(%dma_start3A_2428 : memref<2x8x128xf32, #tpu.memory_space<hbm>>) target(%dma_start3A_2425 : memref<2x8x128xf32, #tpu.memory_space<vmem>>) target_semaphore(%arg13 : memref<!tpu.dma_semaphore, #tpu.memory_space<semaphore_mem>>)
      %dma_start3A_2429 = arith.constant 4 : i32
      %dma_start3A_2430 = arith.constant 0 : i32
      %dma_start3A_2431 = arith.constant 0 : i32
      %dma_start3A_2432 = arith.constant 0 : i32
      %dma_start3A_2433 = tpu.memref_slice %arg9[%dma_start3A_2429, %dma_start3A_2430, %dma_start3A_2431, %dma_start3A_2432] : memref<8x4x8x128xf32, #tpu.memory_space<vmem>> -> memref<1x4x8x128xf32, #tpu.memory_space<vmem>>
      %dma_start3A_2434 = tpu.memref_squeeze %dma_start3A_2433 : memref<1x4x8x128xf32, #tpu.memory_space<vmem>> -> memref<4x8x128xf32, #tpu.memory_space<vmem>>
      %dma_start3A_2435 = arith.constant 2 : i32
      %dma_start3A_2436 = arith.constant 0 : i32
      %dma_start3A_2437 = arith.constant 0 : i32
      %dma_start3A_2438 = tpu.memref_slice %dma_start3A_2434[%dma_start3A_2435, %dma_start3A_2436, %dma_start3A_2437] : memref<4x8x128xf32, #tpu.memory_space<vmem>> -> memref<2x8x128xf32, #tpu.memory_space<vmem>>
      %dma_start3A_2439 = arith.constant 2 : i32
      %dma_start3A_2440 = arith.constant 0 : i32
      %dma_start3A_2441 = tpu.memref_slice %arg4[%dma_start3A_2439, %dma_start3A_2440, %multiple_of3A_2371] : memref<4x8x1000000xf32, #tpu.memory_space<hbm>> -> memref<2x8x128xf32, #tpu.memory_space<hbm>>
      %dma_start3A_2442 = arith.constant 0 : i32
      %dma_start3A_2443 = arith.constant 0 : i32
      %dma_start3A_2444 = arith.constant 0 : i32
      %dma_start3A_2445 = tpu.memref_slice %arg9[%dma_start3A_2429, %dma_start3A_2442, %dma_start3A_2443, %dma_start3A_2444] : memref<8x4x8x128xf32, #tpu.memory_space<vmem>> -> memref<1x4x8x128xf32, #tpu.memory_space<vmem>>
      %dma_start3A_2446 = tpu.memref_squeeze %dma_start3A_2445 : memref<1x4x8x128xf32, #tpu.memory_space<vmem>> -> memref<4x8x128xf32, #tpu.memory_space<vmem>>
      %dma_start3A_2447 = arith.constant 2 : i32
      %dma_start3A_2448 = arith.constant 0 : i32
      %dma_start3A_2449 = arith.constant 0 : i32
      %dma_start3A_2450 = tpu.memref_slice %dma_start3A_2446[%dma_start3A_2447, %dma_start3A_2448, %dma_start3A_2449] : memref<4x8x128xf32, #tpu.memory_space<vmem>> -> memref<2x8x128xf32, #tpu.memory_space<vmem>>
      %dma_start3A_2451 = arith.constant 2 : i32
      %dma_start3A_2452 = arith.constant 0 : i32
      %dma_start3A_2453 = tpu.memref_slice %arg4[%dma_start3A_2451, %dma_start3A_2452, %multiple_of3A_2371] : memref<4x8x1000000xf32, #tpu.memory_space<hbm>> -> memref<2x8x128xf32, #tpu.memory_space<hbm>>
      tpu.enqueue_dma source(%dma_start3A_2453 : memref<2x8x128xf32, #tpu.memory_space<hbm>>) target(%dma_start3A_2450 : memref<2x8x128xf32, #tpu.memory_space<vmem>>) target_semaphore(%arg13 : memref<!tpu.dma_semaphore, #tpu.memory_space<semaphore_mem>>)
      %dma_start3A_2454 = arith.constant 4 : i32
      %dma_start3A_2455 = arith.constant 0 : i32
      %dma_start3A_2456 = arith.constant 0 : i32
      %dma_start3A_2457 = arith.constant 0 : i32
      %dma_start3A_2458 = tpu.memref_slice %arg10[%dma_start3A_2454, %dma_start3A_2455, %dma_start3A_2456, %dma_start3A_2457] : memref<8x4x8x128xf32, #tpu.memory_space<vmem>> -> memref<1x4x8x128xf32, #tpu.memory_space<vmem>>
      %dma_start3A_2459 = tpu.memref_squeeze %dma_start3A_2458 : memref<1x4x8x128xf32, #tpu.memory_space<vmem>> -> memref<4x8x128xf32, #tpu.memory_space<vmem>>
      %dma_start3A_2460 = arith.constant 2 : i32
      %dma_start3A_2461 = arith.constant 0 : i32
      %dma_start3A_2462 = arith.constant 0 : i32
      %dma_start3A_2463 = tpu.memref_slice %dma_start3A_2459[%dma_start3A_2460, %dma_start3A_2461, %dma_start3A_2462] : memref<4x8x128xf32, #tpu.memory_space<vmem>> -> memref<2x8x128xf32, #tpu.memory_space<vmem>>
      %dma_start3A_2464 = arith.constant 2 : i32
      %dma_start3A_2465 = arith.constant 0 : i32
      %dma_start3A_2466 = tpu.memref_slice %arg5[%dma_start3A_2464, %dma_start3A_2465, %multiple_of3A_2378] : memref<4x8x1000000xf32, #tpu.memory_space<hbm>> -> memref<2x8x128xf32, #tpu.memory_space<hbm>>
      %dma_start3A_2467 = arith.constant 0 : i32
      %dma_start3A_2468 = arith.constant 0 : i32
      %dma_start3A_2469 = arith.constant 0 : i32
      %dma_start3A_2470 = tpu.memref_slice %arg10[%dma_start3A_2454, %dma_start3A_2467, %dma_start3A_2468, %dma_start3A_2469] : memref<8x4x8x128xf32, #tpu.memory_space<vmem>> -> memref<1x4x8x128xf32, #tpu.memory_space<vmem>>
      %dma_start3A_2471 = tpu.memref_squeeze %dma_start3A_2470 : memref<1x4x8x128xf32, #tpu.memory_space<vmem>> -> memref<4x8x128xf32, #tpu.memory_space<vmem>>
      %dma_start3A_2472 = arith.constant 2 : i32
      %dma_start3A_2473 = arith.constant 0 : i32
      %dma_start3A_2474 = arith.constant 0 : i32
      %dma_start3A_2475 = tpu.memref_slice %dma_start3A_2471[%dma_start3A_2472, %dma_start3A_2473, %dma_start3A_2474] : memref<4x8x128xf32, #tpu.memory_space<vmem>> -> memref<2x8x128xf32, #tpu.memory_space<vmem>>
      %dma_start3A_2476 = arith.constant 2 : i32
      %dma_start3A_2477 = arith.constant 0 : i32
      %dma_start3A_2478 = tpu.memref_slice %arg5[%dma_start3A_2476, %dma_start3A_2477, %multiple_of3A_2378] : memref<4x8x1000000xf32, #tpu.memory_space<hbm>> -> memref<2x8x128xf32, #tpu.memory_space<hbm>>
      tpu.enqueue_dma source(%dma_start3A_2478 : memref<2x8x128xf32, #tpu.memory_space<hbm>>) target(%dma_start3A_2475 : memref<2x8x128xf32, #tpu.memory_space<vmem>>) target_semaphore(%arg13 : memref<!tpu.dma_semaphore, #tpu.memory_space<semaphore_mem>>)
      %slice3A_2479 = vector.extract_strided_slice %get3A_18 {offsets = [13], sizes = [1], strides = [1]} : vector<16xi32> to vector<1xi32>
      %squeeze3A_2480 = vector.extract %slice3A_2479[0] : i32 from vector<1xi32>
      %shift_right_logical3A_2481 = arith.constant 7 : i32
      %shift_right_logical3A_2482 = arith.shrui %squeeze3A_2480, %shift_right_logical3A_2481 : i32
      %mul3A_2483 = arith.constant 128 : i32
      %mul3A_2484 = arith.muli %shift_right_logical3A_2482, %mul3A_2483 : i32
      %multiple_of3A_2485 = tpu.assume_multiple %mul3A_2484, 128 : i32
      %slice3A_2486 = vector.extract_strided_slice %get3A_20 {offsets = [13], sizes = [1], strides = [1]} : vector<16xi32> to vector<1xi32>
      %squeeze3A_2487 = vector.extract %slice3A_2486[0] : i32 from vector<1xi32>
      %shift_right_logical3A_2488 = arith.constant 7 : i32
      %shift_right_logical3A_2489 = arith.shrui %squeeze3A_2487, %shift_right_logical3A_2488 : i32
      %mul3A_2490 = arith.constant 128 : i32
      %mul3A_2491 = arith.muli %shift_right_logical3A_2489, %mul3A_2490 : i32
      %multiple_of3A_2492 = tpu.assume_multiple %mul3A_2491, 128 : i32
      %dma_start3A_2493 = arith.constant 5 : i32
      %dma_start3A_2494 = arith.constant 0 : i32
      %dma_start3A_2495 = arith.constant 0 : i32
      %dma_start3A_2496 = arith.constant 0 : i32
      %dma_start3A_2497 = tpu.memref_slice %arg9[%dma_start3A_2493, %dma_start3A_2494, %dma_start3A_2495, %dma_start3A_2496] : memref<8x4x8x128xf32, #tpu.memory_space<vmem>> -> memref<1x4x8x128xf32, #tpu.memory_space<vmem>>
      %dma_start3A_2498 = tpu.memref_squeeze %dma_start3A_2497 : memref<1x4x8x128xf32, #tpu.memory_space<vmem>> -> memref<4x8x128xf32, #tpu.memory_space<vmem>>
      %dma_start3A_2499 = arith.constant 0 : i32
      %dma_start3A_2500 = arith.constant 0 : i32
      %dma_start3A_2501 = arith.constant 0 : i32
      %dma_start3A_2502 = tpu.memref_slice %dma_start3A_2498[%dma_start3A_2499, %dma_start3A_2500, %dma_start3A_2501] : memref<4x8x128xf32, #tpu.memory_space<vmem>> -> memref<2x8x128xf32, #tpu.memory_space<vmem>>
      %dma_start3A_2503 = arith.constant 0 : i32
      %dma_start3A_2504 = arith.constant 0 : i32
      %dma_start3A_2505 = tpu.memref_slice %arg4[%dma_start3A_2503, %dma_start3A_2504, %multiple_of3A_2485] : memref<4x8x1000000xf32, #tpu.memory_space<hbm>> -> memref<2x8x128xf32, #tpu.memory_space<hbm>>
      %dma_start3A_2506 = arith.constant 0 : i32
      %dma_start3A_2507 = arith.constant 0 : i32
      %dma_start3A_2508 = arith.constant 0 : i32
      %dma_start3A_2509 = tpu.memref_slice %arg9[%dma_start3A_2493, %dma_start3A_2506, %dma_start3A_2507, %dma_start3A_2508] : memref<8x4x8x128xf32, #tpu.memory_space<vmem>> -> memref<1x4x8x128xf32, #tpu.memory_space<vmem>>
      %dma_start3A_2510 = tpu.memref_squeeze %dma_start3A_2509 : memref<1x4x8x128xf32, #tpu.memory_space<vmem>> -> memref<4x8x128xf32, #tpu.memory_space<vmem>>
      %dma_start3A_2511 = arith.constant 0 : i32
      %dma_start3A_2512 = arith.constant 0 : i32
      %dma_start3A_2513 = arith.constant 0 : i32
      %dma_start3A_2514 = tpu.memref_slice %dma_start3A_2510[%dma_start3A_2511, %dma_start3A_2512, %dma_start3A_2513] : memref<4x8x128xf32, #tpu.memory_space<vmem>> -> memref<2x8x128xf32, #tpu.memory_space<vmem>>
      %dma_start3A_2515 = arith.constant 0 : i32
      %dma_start3A_2516 = arith.constant 0 : i32
      %dma_start3A_2517 = tpu.memref_slice %arg4[%dma_start3A_2515, %dma_start3A_2516, %multiple_of3A_2485] : memref<4x8x1000000xf32, #tpu.memory_space<hbm>> -> memref<2x8x128xf32, #tpu.memory_space<hbm>>
      tpu.enqueue_dma source(%dma_start3A_2517 : memref<2x8x128xf32, #tpu.memory_space<hbm>>) target(%dma_start3A_2514 : memref<2x8x128xf32, #tpu.memory_space<vmem>>) target_semaphore(%arg13 : memref<!tpu.dma_semaphore, #tpu.memory_space<semaphore_mem>>)
      %dma_start3A_2518 = arith.constant 5 : i32
      %dma_start3A_2519 = arith.constant 0 : i32
      %dma_start3A_2520 = arith.constant 0 : i32
      %dma_start3A_2521 = arith.constant 0 : i32
      %dma_start3A_2522 = tpu.memref_slice %arg10[%dma_start3A_2518, %dma_start3A_2519, %dma_start3A_2520, %dma_start3A_2521] : memref<8x4x8x128xf32, #tpu.memory_space<vmem>> -> memref<1x4x8x128xf32, #tpu.memory_space<vmem>>
      %dma_start3A_2523 = tpu.memref_squeeze %dma_start3A_2522 : memref<1x4x8x128xf32, #tpu.memory_space<vmem>> -> memref<4x8x128xf32, #tpu.memory_space<vmem>>
      %dma_start3A_2524 = arith.constant 0 : i32
      %dma_start3A_2525 = arith.constant 0 : i32
      %dma_start3A_2526 = arith.constant 0 : i32
      %dma_start3A_2527 = tpu.memref_slice %dma_start3A_2523[%dma_start3A_2524, %dma_start3A_2525, %dma_start3A_2526] : memref<4x8x128xf32, #tpu.memory_space<vmem>> -> memref<2x8x128xf32, #tpu.memory_space<vmem>>
      %dma_start3A_2528 = arith.constant 0 : i32
      %dma_start3A_2529 = arith.constant 0 : i32
      %dma_start3A_2530 = tpu.memref_slice %arg5[%dma_start3A_2528, %dma_start3A_2529, %multiple_of3A_2492] : memref<4x8x1000000xf32, #tpu.memory_space<hbm>> -> memref<2x8x128xf32, #tpu.memory_space<hbm>>
      %dma_start3A_2531 = arith.constant 0 : i32
      %dma_start3A_2532 = arith.constant 0 : i32
      %dma_start3A_2533 = arith.constant 0 : i32
      %dma_start3A_2534 = tpu.memref_slice %arg10[%dma_start3A_2518, %dma_start3A_2531, %dma_start3A_2532, %dma_start3A_2533] : memref<8x4x8x128xf32, #tpu.memory_space<vmem>> -> memref<1x4x8x128xf32, #tpu.memory_space<vmem>>
      %dma_start3A_2535 = tpu.memref_squeeze %dma_start3A_2534 : memref<1x4x8x128xf32, #tpu.memory_space<vmem>> -> memref<4x8x128xf32, #tpu.memory_space<vmem>>
      %dma_start3A_2536 = arith.constant 0 : i32
      %dma_start3A_2537 = arith.constant 0 : i32
      %dma_start3A_2538 = arith.constant 0 : i32
      %dma_start3A_2539 = tpu.memref_slice %dma_start3A_2535[%dma_start3A_2536, %dma_start3A_2537, %dma_start3A_2538] : memref<4x8x128xf32, #tpu.memory_space<vmem>> -> memref<2x8x128xf32, #tpu.memory_space<vmem>>
      %dma_start3A_2540 = arith.constant 0 : i32
      %dma_start3A_2541 = arith.constant 0 : i32
      %dma_start3A_2542 = tpu.memref_slice %arg5[%dma_start3A_2540, %dma_start3A_2541, %multiple_of3A_2492] : memref<4x8x1000000xf32, #tpu.memory_space<hbm>> -> memref<2x8x128xf32, #tpu.memory_space<hbm>>
      tpu.enqueue_dma source(%dma_start3A_2542 : memref<2x8x128xf32, #tpu.memory_space<hbm>>) target(%dma_start3A_2539 : memref<2x8x128xf32, #tpu.memory_space<vmem>>) target_semaphore(%arg13 : memref<!tpu.dma_semaphore, #tpu.memory_space<semaphore_mem>>)
      %dma_start3A_2543 = arith.constant 5 : i32
      %dma_start3A_2544 = arith.constant 0 : i32
      %dma_start3A_2545 = arith.constant 0 : i32
      %dma_start3A_2546 = arith.constant 0 : i32
      %dma_start3A_2547 = tpu.memref_slice %arg9[%dma_start3A_2543, %dma_start3A_2544, %dma_start3A_2545, %dma_start3A_2546] : memref<8x4x8x128xf32, #tpu.memory_space<vmem>> -> memref<1x4x8x128xf32, #tpu.memory_space<vmem>>
      %dma_start3A_2548 = tpu.memref_squeeze %dma_start3A_2547 : memref<1x4x8x128xf32, #tpu.memory_space<vmem>> -> memref<4x8x128xf32, #tpu.memory_space<vmem>>
      %dma_start3A_2549 = arith.constant 2 : i32
      %dma_start3A_2550 = arith.constant 0 : i32
      %dma_start3A_2551 = arith.constant 0 : i32
      %dma_start3A_2552 = tpu.memref_slice %dma_start3A_2548[%dma_start3A_2549, %dma_start3A_2550, %dma_start3A_2551] : memref<4x8x128xf32, #tpu.memory_space<vmem>> -> memref<2x8x128xf32, #tpu.memory_space<vmem>>
      %dma_start3A_2553 = arith.constant 2 : i32
      %dma_start3A_2554 = arith.constant 0 : i32
      %dma_start3A_2555 = tpu.memref_slice %arg4[%dma_start3A_2553, %dma_start3A_2554, %multiple_of3A_2485] : memref<4x8x1000000xf32, #tpu.memory_space<hbm>> -> memref<2x8x128xf32, #tpu.memory_space<hbm>>
      %dma_start3A_2556 = arith.constant 0 : i32
      %dma_start3A_2557 = arith.constant 0 : i32
      %dma_start3A_2558 = arith.constant 0 : i32
      %dma_start3A_2559 = tpu.memref_slice %arg9[%dma_start3A_2543, %dma_start3A_2556, %dma_start3A_2557, %dma_start3A_2558] : memref<8x4x8x128xf32, #tpu.memory_space<vmem>> -> memref<1x4x8x128xf32, #tpu.memory_space<vmem>>
      %dma_start3A_2560 = tpu.memref_squeeze %dma_start3A_2559 : memref<1x4x8x128xf32, #tpu.memory_space<vmem>> -> memref<4x8x128xf32, #tpu.memory_space<vmem>>
      %dma_start3A_2561 = arith.constant 2 : i32
      %dma_start3A_2562 = arith.constant 0 : i32
      %dma_start3A_2563 = arith.constant 0 : i32
      %dma_start3A_2564 = tpu.memref_slice %dma_start3A_2560[%dma_start3A_2561, %dma_start3A_2562, %dma_start3A_2563] : memref<4x8x128xf32, #tpu.memory_space<vmem>> -> memref<2x8x128xf32, #tpu.memory_space<vmem>>
      %dma_start3A_2565 = arith.constant 2 : i32
      %dma_start3A_2566 = arith.constant 0 : i32
      %dma_start3A_2567 = tpu.memref_slice %arg4[%dma_start3A_2565, %dma_start3A_2566, %multiple_of3A_2485] : memref<4x8x1000000xf32, #tpu.memory_space<hbm>> -> memref<2x8x128xf32, #tpu.memory_space<hbm>>
      tpu.enqueue_dma source(%dma_start3A_2567 : memref<2x8x128xf32, #tpu.memory_space<hbm>>) target(%dma_start3A_2564 : memref<2x8x128xf32, #tpu.memory_space<vmem>>) target_semaphore(%arg13 : memref<!tpu.dma_semaphore, #tpu.memory_space<semaphore_mem>>)
      %dma_start3A_2568 = arith.constant 5 : i32
      %dma_start3A_2569 = arith.constant 0 : i32
      %dma_start3A_2570 = arith.constant 0 : i32
      %dma_start3A_2571 = arith.constant 0 : i32
      %dma_start3A_2572 = tpu.memref_slice %arg10[%dma_start3A_2568, %dma_start3A_2569, %dma_start3A_2570, %dma_start3A_2571] : memref<8x4x8x128xf32, #tpu.memory_space<vmem>> -> memref<1x4x8x128xf32, #tpu.memory_space<vmem>>
      %dma_start3A_2573 = tpu.memref_squeeze %dma_start3A_2572 : memref<1x4x8x128xf32, #tpu.memory_space<vmem>> -> memref<4x8x128xf32, #tpu.memory_space<vmem>>
      %dma_start3A_2574 = arith.constant 2 : i32
      %dma_start3A_2575 = arith.constant 0 : i32
      %dma_start3A_2576 = arith.constant 0 : i32
      %dma_start3A_2577 = tpu.memref_slice %dma_start3A_2573[%dma_start3A_2574, %dma_start3A_2575, %dma_start3A_2576] : memref<4x8x128xf32, #tpu.memory_space<vmem>> -> memref<2x8x128xf32, #tpu.memory_space<vmem>>
      %dma_start3A_2578 = arith.constant 2 : i32
      %dma_start3A_2579 = arith.constant 0 : i32
      %dma_start3A_2580 = tpu.memref_slice %arg5[%dma_start3A_2578, %dma_start3A_2579, %multiple_of3A_2492] : memref<4x8x1000000xf32, #tpu.memory_space<hbm>> -> memref<2x8x128xf32, #tpu.memory_space<hbm>>
      %dma_start3A_2581 = arith.constant 0 : i32
      %dma_start3A_2582 = arith.constant 0 : i32
      %dma_start3A_2583 = arith.constant 0 : i32
      %dma_start3A_2584 = tpu.memref_slice %arg10[%dma_start3A_2568, %dma_start3A_2581, %dma_start3A_2582, %dma_start3A_2583] : memref<8x4x8x128xf32, #tpu.memory_space<vmem>> -> memref<1x4x8x128xf32, #tpu.memory_space<vmem>>
      %dma_start3A_2585 = tpu.memref_squeeze %dma_start3A_2584 : memref<1x4x8x128xf32, #tpu.memory_space<vmem>> -> memref<4x8x128xf32, #tpu.memory_space<vmem>>
      %dma_start3A_2586 = arith.constant 2 : i32
      %dma_start3A_2587 = arith.constant 0 : i32
      %dma_start3A_2588 = arith.constant 0 : i32
      %dma_start3A_2589 = tpu.memref_slice %dma_start3A_2585[%dma_start3A_2586, %dma_start3A_2587, %dma_start3A_2588] : memref<4x8x128xf32, #tpu.memory_space<vmem>> -> memref<2x8x128xf32, #tpu.memory_space<vmem>>
      %dma_start3A_2590 = arith.constant 2 : i32
      %dma_start3A_2591 = arith.constant 0 : i32
      %dma_start3A_2592 = tpu.memref_slice %arg5[%dma_start3A_2590, %dma_start3A_2591, %multiple_of3A_2492] : memref<4x8x1000000xf32, #tpu.memory_space<hbm>> -> memref<2x8x128xf32, #tpu.memory_space<hbm>>
      tpu.enqueue_dma source(%dma_start3A_2592 : memref<2x8x128xf32, #tpu.memory_space<hbm>>) target(%dma_start3A_2589 : memref<2x8x128xf32, #tpu.memory_space<vmem>>) target_semaphore(%arg13 : memref<!tpu.dma_semaphore, #tpu.memory_space<semaphore_mem>>)
      %slice3A_2593 = vector.extract_strided_slice %get3A_18 {offsets = [14], sizes = [1], strides = [1]} : vector<16xi32> to vector<1xi32>
      %squeeze3A_2594 = vector.extract %slice3A_2593[0] : i32 from vector<1xi32>
      %shift_right_logical3A_2595 = arith.constant 7 : i32
      %shift_right_logical3A_2596 = arith.shrui %squeeze3A_2594, %shift_right_logical3A_2595 : i32
      %mul3A_2597 = arith.constant 128 : i32
      %mul3A_2598 = arith.muli %shift_right_logical3A_2596, %mul3A_2597 : i32
      %multiple_of3A_2599 = tpu.assume_multiple %mul3A_2598, 128 : i32
      %slice3A_2600 = vector.extract_strided_slice %get3A_20 {offsets = [14], sizes = [1], strides = [1]} : vector<16xi32> to vector<1xi32>
      %squeeze3A_2601 = vector.extract %slice3A_2600[0] : i32 from vector<1xi32>
      %shift_right_logical3A_2602 = arith.constant 7 : i32
      %shift_right_logical3A_2603 = arith.shrui %squeeze3A_2601, %shift_right_logical3A_2602 : i32
      %mul3A_2604 = arith.constant 128 : i32
      %mul3A_2605 = arith.muli %shift_right_logical3A_2603, %mul3A_2604 : i32
      %multiple_of3A_2606 = tpu.assume_multiple %mul3A_2605, 128 : i32
      %dma_start3A_2607 = arith.constant 6 : i32
      %dma_start3A_2608 = arith.constant 0 : i32
      %dma_start3A_2609 = arith.constant 0 : i32
      %dma_start3A_2610 = arith.constant 0 : i32
      %dma_start3A_2611 = tpu.memref_slice %arg9[%dma_start3A_2607, %dma_start3A_2608, %dma_start3A_2609, %dma_start3A_2610] : memref<8x4x8x128xf32, #tpu.memory_space<vmem>> -> memref<1x4x8x128xf32, #tpu.memory_space<vmem>>
      %dma_start3A_2612 = tpu.memref_squeeze %dma_start3A_2611 : memref<1x4x8x128xf32, #tpu.memory_space<vmem>> -> memref<4x8x128xf32, #tpu.memory_space<vmem>>
      %dma_start3A_2613 = arith.constant 0 : i32
      %dma_start3A_2614 = arith.constant 0 : i32
      %dma_start3A_2615 = arith.constant 0 : i32
      %dma_start3A_2616 = tpu.memref_slice %dma_start3A_2612[%dma_start3A_2613, %dma_start3A_2614, %dma_start3A_2615] : memref<4x8x128xf32, #tpu.memory_space<vmem>> -> memref<2x8x128xf32, #tpu.memory_space<vmem>>
      %dma_start3A_2617 = arith.constant 0 : i32
      %dma_start3A_2618 = arith.constant 0 : i32
      %dma_start3A_2619 = tpu.memref_slice %arg4[%dma_start3A_2617, %dma_start3A_2618, %multiple_of3A_2599] : memref<4x8x1000000xf32, #tpu.memory_space<hbm>> -> memref<2x8x128xf32, #tpu.memory_space<hbm>>
      %dma_start3A_2620 = arith.constant 0 : i32
      %dma_start3A_2621 = arith.constant 0 : i32
      %dma_start3A_2622 = arith.constant 0 : i32
      %dma_start3A_2623 = tpu.memref_slice %arg9[%dma_start3A_2607, %dma_start3A_2620, %dma_start3A_2621, %dma_start3A_2622] : memref<8x4x8x128xf32, #tpu.memory_space<vmem>> -> memref<1x4x8x128xf32, #tpu.memory_space<vmem>>
      %dma_start3A_2624 = tpu.memref_squeeze %dma_start3A_2623 : memref<1x4x8x128xf32, #tpu.memory_space<vmem>> -> memref<4x8x128xf32, #tpu.memory_space<vmem>>
      %dma_start3A_2625 = arith.constant 0 : i32
      %dma_start3A_2626 = arith.constant 0 : i32
      %dma_start3A_2627 = arith.constant 0 : i32
      %dma_start3A_2628 = tpu.memref_slice %dma_start3A_2624[%dma_start3A_2625, %dma_start3A_2626, %dma_start3A_2627] : memref<4x8x128xf32, #tpu.memory_space<vmem>> -> memref<2x8x128xf32, #tpu.memory_space<vmem>>
      %dma_start3A_2629 = arith.constant 0 : i32
      %dma_start3A_2630 = arith.constant 0 : i32
      %dma_start3A_2631 = tpu.memref_slice %arg4[%dma_start3A_2629, %dma_start3A_2630, %multiple_of3A_2599] : memref<4x8x1000000xf32, #tpu.memory_space<hbm>> -> memref<2x8x128xf32, #tpu.memory_space<hbm>>
      tpu.enqueue_dma source(%dma_start3A_2631 : memref<2x8x128xf32, #tpu.memory_space<hbm>>) target(%dma_start3A_2628 : memref<2x8x128xf32, #tpu.memory_space<vmem>>) target_semaphore(%arg13 : memref<!tpu.dma_semaphore, #tpu.memory_space<semaphore_mem>>)
      %dma_start3A_2632 = arith.constant 6 : i32
      %dma_start3A_2633 = arith.constant 0 : i32
      %dma_start3A_2634 = arith.constant 0 : i32
      %dma_start3A_2635 = arith.constant 0 : i32
      %dma_start3A_2636 = tpu.memref_slice %arg10[%dma_start3A_2632, %dma_start3A_2633, %dma_start3A_2634, %dma_start3A_2635] : memref<8x4x8x128xf32, #tpu.memory_space<vmem>> -> memref<1x4x8x128xf32, #tpu.memory_space<vmem>>
      %dma_start3A_2637 = tpu.memref_squeeze %dma_start3A_2636 : memref<1x4x8x128xf32, #tpu.memory_space<vmem>> -> memref<4x8x128xf32, #tpu.memory_space<vmem>>
      %dma_start3A_2638 = arith.constant 0 : i32
      %dma_start3A_2639 = arith.constant 0 : i32
      %dma_start3A_2640 = arith.constant 0 : i32
      %dma_start3A_2641 = tpu.memref_slice %dma_start3A_2637[%dma_start3A_2638, %dma_start3A_2639, %dma_start3A_2640] : memref<4x8x128xf32, #tpu.memory_space<vmem>> -> memref<2x8x128xf32, #tpu.memory_space<vmem>>
      %dma_start3A_2642 = arith.constant 0 : i32
      %dma_start3A_2643 = arith.constant 0 : i32
      %dma_start3A_2644 = tpu.memref_slice %arg5[%dma_start3A_2642, %dma_start3A_2643, %multiple_of3A_2606] : memref<4x8x1000000xf32, #tpu.memory_space<hbm>> -> memref<2x8x128xf32, #tpu.memory_space<hbm>>
      %dma_start3A_2645 = arith.constant 0 : i32
      %dma_start3A_2646 = arith.constant 0 : i32
      %dma_start3A_2647 = arith.constant 0 : i32
      %dma_start3A_2648 = tpu.memref_slice %arg10[%dma_start3A_2632, %dma_start3A_2645, %dma_start3A_2646, %dma_start3A_2647] : memref<8x4x8x128xf32, #tpu.memory_space<vmem>> -> memref<1x4x8x128xf32, #tpu.memory_space<vmem>>
      %dma_start3A_2649 = tpu.memref_squeeze %dma_start3A_2648 : memref<1x4x8x128xf32, #tpu.memory_space<vmem>> -> memref<4x8x128xf32, #tpu.memory_space<vmem>>
      %dma_start3A_2650 = arith.constant 0 : i32
      %dma_start3A_2651 = arith.constant 0 : i32
      %dma_start3A_2652 = arith.constant 0 : i32
      %dma_start3A_2653 = tpu.memref_slice %dma_start3A_2649[%dma_start3A_2650, %dma_start3A_2651, %dma_start3A_2652] : memref<4x8x128xf32, #tpu.memory_space<vmem>> -> memref<2x8x128xf32, #tpu.memory_space<vmem>>
      %dma_start3A_2654 = arith.constant 0 : i32
      %dma_start3A_2655 = arith.constant 0 : i32
      %dma_start3A_2656 = tpu.memref_slice %arg5[%dma_start3A_2654, %dma_start3A_2655, %multiple_of3A_2606] : memref<4x8x1000000xf32, #tpu.memory_space<hbm>> -> memref<2x8x128xf32, #tpu.memory_space<hbm>>
      tpu.enqueue_dma source(%dma_start3A_2656 : memref<2x8x128xf32, #tpu.memory_space<hbm>>) target(%dma_start3A_2653 : memref<2x8x128xf32, #tpu.memory_space<vmem>>) target_semaphore(%arg13 : memref<!tpu.dma_semaphore, #tpu.memory_space<semaphore_mem>>)
      %dma_start3A_2657 = arith.constant 6 : i32
      %dma_start3A_2658 = arith.constant 0 : i32
      %dma_start3A_2659 = arith.constant 0 : i32
      %dma_start3A_2660 = arith.constant 0 : i32
      %dma_start3A_2661 = tpu.memref_slice %arg9[%dma_start3A_2657, %dma_start3A_2658, %dma_start3A_2659, %dma_start3A_2660] : memref<8x4x8x128xf32, #tpu.memory_space<vmem>> -> memref<1x4x8x128xf32, #tpu.memory_space<vmem>>
      %dma_start3A_2662 = tpu.memref_squeeze %dma_start3A_2661 : memref<1x4x8x128xf32, #tpu.memory_space<vmem>> -> memref<4x8x128xf32, #tpu.memory_space<vmem>>
      %dma_start3A_2663 = arith.constant 2 : i32
      %dma_start3A_2664 = arith.constant 0 : i32
      %dma_start3A_2665 = arith.constant 0 : i32
      %dma_start3A_2666 = tpu.memref_slice %dma_start3A_2662[%dma_start3A_2663, %dma_start3A_2664, %dma_start3A_2665] : memref<4x8x128xf32, #tpu.memory_space<vmem>> -> memref<2x8x128xf32, #tpu.memory_space<vmem>>
      %dma_start3A_2667 = arith.constant 2 : i32
      %dma_start3A_2668 = arith.constant 0 : i32
      %dma_start3A_2669 = tpu.memref_slice %arg4[%dma_start3A_2667, %dma_start3A_2668, %multiple_of3A_2599] : memref<4x8x1000000xf32, #tpu.memory_space<hbm>> -> memref<2x8x128xf32, #tpu.memory_space<hbm>>
      %dma_start3A_2670 = arith.constant 0 : i32
      %dma_start3A_2671 = arith.constant 0 : i32
      %dma_start3A_2672 = arith.constant 0 : i32
      %dma_start3A_2673 = tpu.memref_slice %arg9[%dma_start3A_2657, %dma_start3A_2670, %dma_start3A_2671, %dma_start3A_2672] : memref<8x4x8x128xf32, #tpu.memory_space<vmem>> -> memref<1x4x8x128xf32, #tpu.memory_space<vmem>>
      %dma_start3A_2674 = tpu.memref_squeeze %dma_start3A_2673 : memref<1x4x8x128xf32, #tpu.memory_space<vmem>> -> memref<4x8x128xf32, #tpu.memory_space<vmem>>
      %dma_start3A_2675 = arith.constant 2 : i32
      %dma_start3A_2676 = arith.constant 0 : i32
      %dma_start3A_2677 = arith.constant 0 : i32
      %dma_start3A_2678 = tpu.memref_slice %dma_start3A_2674[%dma_start3A_2675, %dma_start3A_2676, %dma_start3A_2677] : memref<4x8x128xf32, #tpu.memory_space<vmem>> -> memref<2x8x128xf32, #tpu.memory_space<vmem>>
      %dma_start3A_2679 = arith.constant 2 : i32
      %dma_start3A_2680 = arith.constant 0 : i32
      %dma_start3A_2681 = tpu.memref_slice %arg4[%dma_start3A_2679, %dma_start3A_2680, %multiple_of3A_2599] : memref<4x8x1000000xf32, #tpu.memory_space<hbm>> -> memref<2x8x128xf32, #tpu.memory_space<hbm>>
      tpu.enqueue_dma source(%dma_start3A_2681 : memref<2x8x128xf32, #tpu.memory_space<hbm>>) target(%dma_start3A_2678 : memref<2x8x128xf32, #tpu.memory_space<vmem>>) target_semaphore(%arg13 : memref<!tpu.dma_semaphore, #tpu.memory_space<semaphore_mem>>)
      %dma_start3A_2682 = arith.constant 6 : i32
      %dma_start3A_2683 = arith.constant 0 : i32
      %dma_start3A_2684 = arith.constant 0 : i32
      %dma_start3A_2685 = arith.constant 0 : i32
      %dma_start3A_2686 = tpu.memref_slice %arg10[%dma_start3A_2682, %dma_start3A_2683, %dma_start3A_2684, %dma_start3A_2685] : memref<8x4x8x128xf32, #tpu.memory_space<vmem>> -> memref<1x4x8x128xf32, #tpu.memory_space<vmem>>
      %dma_start3A_2687 = tpu.memref_squeeze %dma_start3A_2686 : memref<1x4x8x128xf32, #tpu.memory_space<vmem>> -> memref<4x8x128xf32, #tpu.memory_space<vmem>>
      %dma_start3A_2688 = arith.constant 2 : i32
      %dma_start3A_2689 = arith.constant 0 : i32
      %dma_start3A_2690 = arith.constant 0 : i32
      %dma_start3A_2691 = tpu.memref_slice %dma_start3A_2687[%dma_start3A_2688, %dma_start3A_2689, %dma_start3A_2690] : memref<4x8x128xf32, #tpu.memory_space<vmem>> -> memref<2x8x128xf32, #tpu.memory_space<vmem>>
      %dma_start3A_2692 = arith.constant 2 : i32
      %dma_start3A_2693 = arith.constant 0 : i32
      %dma_start3A_2694 = tpu.memref_slice %arg5[%dma_start3A_2692, %dma_start3A_2693, %multiple_of3A_2606] : memref<4x8x1000000xf32, #tpu.memory_space<hbm>> -> memref<2x8x128xf32, #tpu.memory_space<hbm>>
      %dma_start3A_2695 = arith.constant 0 : i32
      %dma_start3A_2696 = arith.constant 0 : i32
      %dma_start3A_2697 = arith.constant 0 : i32
      %dma_start3A_2698 = tpu.memref_slice %arg10[%dma_start3A_2682, %dma_start3A_2695, %dma_start3A_2696, %dma_start3A_2697] : memref<8x4x8x128xf32, #tpu.memory_space<vmem>> -> memref<1x4x8x128xf32, #tpu.memory_space<vmem>>
      %dma_start3A_2699 = tpu.memref_squeeze %dma_start3A_2698 : memref<1x4x8x128xf32, #tpu.memory_space<vmem>> -> memref<4x8x128xf32, #tpu.memory_space<vmem>>
      %dma_start3A_2700 = arith.constant 2 : i32
      %dma_start3A_2701 = arith.constant 0 : i32
      %dma_start3A_2702 = arith.constant 0 : i32
      %dma_start3A_2703 = tpu.memref_slice %dma_start3A_2699[%dma_start3A_2700, %dma_start3A_2701, %dma_start3A_2702] : memref<4x8x128xf32, #tpu.memory_space<vmem>> -> memref<2x8x128xf32, #tpu.memory_space<vmem>>
      %dma_start3A_2704 = arith.constant 2 : i32
      %dma_start3A_2705 = arith.constant 0 : i32
      %dma_start3A_2706 = tpu.memref_slice %arg5[%dma_start3A_2704, %dma_start3A_2705, %multiple_of3A_2606] : memref<4x8x1000000xf32, #tpu.memory_space<hbm>> -> memref<2x8x128xf32, #tpu.memory_space<hbm>>
      tpu.enqueue_dma source(%dma_start3A_2706 : memref<2x8x128xf32, #tpu.memory_space<hbm>>) target(%dma_start3A_2703 : memref<2x8x128xf32, #tpu.memory_space<vmem>>) target_semaphore(%arg13 : memref<!tpu.dma_semaphore, #tpu.memory_space<semaphore_mem>>)
      %slice3A_2707 = vector.extract_strided_slice %get3A_18 {offsets = [15], sizes = [1], strides = [1]} : vector<16xi32> to vector<1xi32>
      %squeeze3A_2708 = vector.extract %slice3A_2707[0] : i32 from vector<1xi32>
      %shift_right_logical3A_2709 = arith.constant 7 : i32
      %shift_right_logical3A_2710 = arith.shrui %squeeze3A_2708, %shift_right_logical3A_2709 : i32
      %mul3A_2711 = arith.constant 128 : i32
      %mul3A_2712 = arith.muli %shift_right_logical3A_2710, %mul3A_2711 : i32
      %multiple_of3A_2713 = tpu.assume_multiple %mul3A_2712, 128 : i32
      %slice3A_2714 = vector.extract_strided_slice %get3A_20 {offsets = [15], sizes = [1], strides = [1]} : vector<16xi32> to vector<1xi32>
      %squeeze3A_2715 = vector.extract %slice3A_2714[0] : i32 from vector<1xi32>
      %shift_right_logical3A_2716 = arith.constant 7 : i32
      %shift_right_logical3A_2717 = arith.shrui %squeeze3A_2715, %shift_right_logical3A_2716 : i32
      %mul3A_2718 = arith.constant 128 : i32
      %mul3A_2719 = arith.muli %shift_right_logical3A_2717, %mul3A_2718 : i32
      %multiple_of3A_2720 = tpu.assume_multiple %mul3A_2719, 128 : i32
      %dma_start3A_2721 = arith.constant 7 : i32
      %dma_start3A_2722 = arith.constant 0 : i32
      %dma_start3A_2723 = arith.constant 0 : i32
      %dma_start3A_2724 = arith.constant 0 : i32
      %dma_start3A_2725 = tpu.memref_slice %arg9[%dma_start3A_2721, %dma_start3A_2722, %dma_start3A_2723, %dma_start3A_2724] : memref<8x4x8x128xf32, #tpu.memory_space<vmem>> -> memref<1x4x8x128xf32, #tpu.memory_space<vmem>>
      %dma_start3A_2726 = tpu.memref_squeeze %dma_start3A_2725 : memref<1x4x8x128xf32, #tpu.memory_space<vmem>> -> memref<4x8x128xf32, #tpu.memory_space<vmem>>
      %dma_start3A_2727 = arith.constant 0 : i32
      %dma_start3A_2728 = arith.constant 0 : i32
      %dma_start3A_2729 = arith.constant 0 : i32
      %dma_start3A_2730 = tpu.memref_slice %dma_start3A_2726[%dma_start3A_2727, %dma_start3A_2728, %dma_start3A_2729] : memref<4x8x128xf32, #tpu.memory_space<vmem>> -> memref<2x8x128xf32, #tpu.memory_space<vmem>>
      %dma_start3A_2731 = arith.constant 0 : i32
      %dma_start3A_2732 = arith.constant 0 : i32
      %dma_start3A_2733 = tpu.memref_slice %arg4[%dma_start3A_2731, %dma_start3A_2732, %multiple_of3A_2713] : memref<4x8x1000000xf32, #tpu.memory_space<hbm>> -> memref<2x8x128xf32, #tpu.memory_space<hbm>>
      %dma_start3A_2734 = arith.constant 0 : i32
      %dma_start3A_2735 = arith.constant 0 : i32
      %dma_start3A_2736 = arith.constant 0 : i32
      %dma_start3A_2737 = tpu.memref_slice %arg9[%dma_start3A_2721, %dma_start3A_2734, %dma_start3A_2735, %dma_start3A_2736] : memref<8x4x8x128xf32, #tpu.memory_space<vmem>> -> memref<1x4x8x128xf32, #tpu.memory_space<vmem>>
      %dma_start3A_2738 = tpu.memref_squeeze %dma_start3A_2737 : memref<1x4x8x128xf32, #tpu.memory_space<vmem>> -> memref<4x8x128xf32, #tpu.memory_space<vmem>>
      %dma_start3A_2739 = arith.constant 0 : i32
      %dma_start3A_2740 = arith.constant 0 : i32
      %dma_start3A_2741 = arith.constant 0 : i32
      %dma_start3A_2742 = tpu.memref_slice %dma_start3A_2738[%dma_start3A_2739, %dma_start3A_2740, %dma_start3A_2741] : memref<4x8x128xf32, #tpu.memory_space<vmem>> -> memref<2x8x128xf32, #tpu.memory_space<vmem>>
      %dma_start3A_2743 = arith.constant 0 : i32
      %dma_start3A_2744 = arith.constant 0 : i32
      %dma_start3A_2745 = tpu.memref_slice %arg4[%dma_start3A_2743, %dma_start3A_2744, %multiple_of3A_2713] : memref<4x8x1000000xf32, #tpu.memory_space<hbm>> -> memref<2x8x128xf32, #tpu.memory_space<hbm>>
      tpu.enqueue_dma source(%dma_start3A_2745 : memref<2x8x128xf32, #tpu.memory_space<hbm>>) target(%dma_start3A_2742 : memref<2x8x128xf32, #tpu.memory_space<vmem>>) target_semaphore(%arg13 : memref<!tpu.dma_semaphore, #tpu.memory_space<semaphore_mem>>)
      %dma_start3A_2746 = arith.constant 7 : i32
      %dma_start3A_2747 = arith.constant 0 : i32
      %dma_start3A_2748 = arith.constant 0 : i32
      %dma_start3A_2749 = arith.constant 0 : i32
      %dma_start3A_2750 = tpu.memref_slice %arg10[%dma_start3A_2746, %dma_start3A_2747, %dma_start3A_2748, %dma_start3A_2749] : memref<8x4x8x128xf32, #tpu.memory_space<vmem>> -> memref<1x4x8x128xf32, #tpu.memory_space<vmem>>
      %dma_start3A_2751 = tpu.memref_squeeze %dma_start3A_2750 : memref<1x4x8x128xf32, #tpu.memory_space<vmem>> -> memref<4x8x128xf32, #tpu.memory_space<vmem>>
      %dma_start3A_2752 = arith.constant 0 : i32
      %dma_start3A_2753 = arith.constant 0 : i32
      %dma_start3A_2754 = arith.constant 0 : i32
      %dma_start3A_2755 = tpu.memref_slice %dma_start3A_2751[%dma_start3A_2752, %dma_start3A_2753, %dma_start3A_2754] : memref<4x8x128xf32, #tpu.memory_space<vmem>> -> memref<2x8x128xf32, #tpu.memory_space<vmem>>
      %dma_start3A_2756 = arith.constant 0 : i32
      %dma_start3A_2757 = arith.constant 0 : i32
      %dma_start3A_2758 = tpu.memref_slice %arg5[%dma_start3A_2756, %dma_start3A_2757, %multiple_of3A_2720] : memref<4x8x1000000xf32, #tpu.memory_space<hbm>> -> memref<2x8x128xf32, #tpu.memory_space<hbm>>
      %dma_start3A_2759 = arith.constant 0 : i32
      %dma_start3A_2760 = arith.constant 0 : i32
      %dma_start3A_2761 = arith.constant 0 : i32
      %dma_start3A_2762 = tpu.memref_slice %arg10[%dma_start3A_2746, %dma_start3A_2759, %dma_start3A_2760, %dma_start3A_2761] : memref<8x4x8x128xf32, #tpu.memory_space<vmem>> -> memref<1x4x8x128xf32, #tpu.memory_space<vmem>>
      %dma_start3A_2763 = tpu.memref_squeeze %dma_start3A_2762 : memref<1x4x8x128xf32, #tpu.memory_space<vmem>> -> memref<4x8x128xf32, #tpu.memory_space<vmem>>
      %dma_start3A_2764 = arith.constant 0 : i32
      %dma_start3A_2765 = arith.constant 0 : i32
      %dma_start3A_2766 = arith.constant 0 : i32
      %dma_start3A_2767 = tpu.memref_slice %dma_start3A_2763[%dma_start3A_2764, %dma_start3A_2765, %dma_start3A_2766] : memref<4x8x128xf32, #tpu.memory_space<vmem>> -> memref<2x8x128xf32, #tpu.memory_space<vmem>>
      %dma_start3A_2768 = arith.constant 0 : i32
      %dma_start3A_2769 = arith.constant 0 : i32
      %dma_start3A_2770 = tpu.memref_slice %arg5[%dma_start3A_2768, %dma_start3A_2769, %multiple_of3A_2720] : memref<4x8x1000000xf32, #tpu.memory_space<hbm>> -> memref<2x8x128xf32, #tpu.memory_space<hbm>>
      tpu.enqueue_dma source(%dma_start3A_2770 : memref<2x8x128xf32, #tpu.memory_space<hbm>>) target(%dma_start3A_2767 : memref<2x8x128xf32, #tpu.memory_space<vmem>>) target_semaphore(%arg13 : memref<!tpu.dma_semaphore, #tpu.memory_space<semaphore_mem>>)
      %dma_start3A_2771 = arith.constant 7 : i32
      %dma_start3A_2772 = arith.constant 0 : i32
      %dma_start3A_2773 = arith.constant 0 : i32
      %dma_start3A_2774 = arith.constant 0 : i32
      %dma_start3A_2775 = tpu.memref_slice %arg9[%dma_start3A_2771, %dma_start3A_2772, %dma_start3A_2773, %dma_start3A_2774] : memref<8x4x8x128xf32, #tpu.memory_space<vmem>> -> memref<1x4x8x128xf32, #tpu.memory_space<vmem>>
      %dma_start3A_2776 = tpu.memref_squeeze %dma_start3A_2775 : memref<1x4x8x128xf32, #tpu.memory_space<vmem>> -> memref<4x8x128xf32, #tpu.memory_space<vmem>>
      %dma_start3A_2777 = arith.constant 2 : i32
      %dma_start3A_2778 = arith.constant 0 : i32
      %dma_start3A_2779 = arith.constant 0 : i32
      %dma_start3A_2780 = tpu.memref_slice %dma_start3A_2776[%dma_start3A_2777, %dma_start3A_2778, %dma_start3A_2779] : memref<4x8x128xf32, #tpu.memory_space<vmem>> -> memref<2x8x128xf32, #tpu.memory_space<vmem>>
      %dma_start3A_2781 = arith.constant 2 : i32
      %dma_start3A_2782 = arith.constant 0 : i32
      %dma_start3A_2783 = tpu.memref_slice %arg4[%dma_start3A_2781, %dma_start3A_2782, %multiple_of3A_2713] : memref<4x8x1000000xf32, #tpu.memory_space<hbm>> -> memref<2x8x128xf32, #tpu.memory_space<hbm>>
      %dma_start3A_2784 = arith.constant 0 : i32
      %dma_start3A_2785 = arith.constant 0 : i32
      %dma_start3A_2786 = arith.constant 0 : i32
      %dma_start3A_2787 = tpu.memref_slice %arg9[%dma_start3A_2771, %dma_start3A_2784, %dma_start3A_2785, %dma_start3A_2786] : memref<8x4x8x128xf32, #tpu.memory_space<vmem>> -> memref<1x4x8x128xf32, #tpu.memory_space<vmem>>
      %dma_start3A_2788 = tpu.memref_squeeze %dma_start3A_2787 : memref<1x4x8x128xf32, #tpu.memory_space<vmem>> -> memref<4x8x128xf32, #tpu.memory_space<vmem>>
      %dma_start3A_2789 = arith.constant 2 : i32
      %dma_start3A_2790 = arith.constant 0 : i32
      %dma_start3A_2791 = arith.constant 0 : i32
      %dma_start3A_2792 = tpu.memref_slice %dma_start3A_2788[%dma_start3A_2789, %dma_start3A_2790, %dma_start3A_2791] : memref<4x8x128xf32, #tpu.memory_space<vmem>> -> memref<2x8x128xf32, #tpu.memory_space<vmem>>
      %dma_start3A_2793 = arith.constant 2 : i32
      %dma_start3A_2794 = arith.constant 0 : i32
      %dma_start3A_2795 = tpu.memref_slice %arg4[%dma_start3A_2793, %dma_start3A_2794, %multiple_of3A_2713] : memref<4x8x1000000xf32, #tpu.memory_space<hbm>> -> memref<2x8x128xf32, #tpu.memory_space<hbm>>
      tpu.enqueue_dma source(%dma_start3A_2795 : memref<2x8x128xf32, #tpu.memory_space<hbm>>) target(%dma_start3A_2792 : memref<2x8x128xf32, #tpu.memory_space<vmem>>) target_semaphore(%arg13 : memref<!tpu.dma_semaphore, #tpu.memory_space<semaphore_mem>>)
      %dma_start3A_2796 = arith.constant 7 : i32
      %dma_start3A_2797 = arith.constant 0 : i32
      %dma_start3A_2798 = arith.constant 0 : i32
      %dma_start3A_2799 = arith.constant 0 : i32
      %dma_start3A_2800 = tpu.memref_slice %arg10[%dma_start3A_2796, %dma_start3A_2797, %dma_start3A_2798, %dma_start3A_2799] : memref<8x4x8x128xf32, #tpu.memory_space<vmem>> -> memref<1x4x8x128xf32, #tpu.memory_space<vmem>>
      %dma_start3A_2801 = tpu.memref_squeeze %dma_start3A_2800 : memref<1x4x8x128xf32, #tpu.memory_space<vmem>> -> memref<4x8x128xf32, #tpu.memory_space<vmem>>
      %dma_start3A_2802 = arith.constant 2 : i32
      %dma_start3A_2803 = arith.constant 0 : i32
      %dma_start3A_2804 = arith.constant 0 : i32
      %dma_start3A_2805 = tpu.memref_slice %dma_start3A_2801[%dma_start3A_2802, %dma_start3A_2803, %dma_start3A_2804] : memref<4x8x128xf32, #tpu.memory_space<vmem>> -> memref<2x8x128xf32, #tpu.memory_space<vmem>>
      %dma_start3A_2806 = arith.constant 2 : i32
      %dma_start3A_2807 = arith.constant 0 : i32
      %dma_start3A_2808 = tpu.memref_slice %arg5[%dma_start3A_2806, %dma_start3A_2807, %multiple_of3A_2720] : memref<4x8x1000000xf32, #tpu.memory_space<hbm>> -> memref<2x8x128xf32, #tpu.memory_space<hbm>>
      %dma_start3A_2809 = arith.constant 0 : i32
      %dma_start3A_2810 = arith.constant 0 : i32
      %dma_start3A_2811 = arith.constant 0 : i32
      %dma_start3A_2812 = tpu.memref_slice %arg10[%dma_start3A_2796, %dma_start3A_2809, %dma_start3A_2810, %dma_start3A_2811] : memref<8x4x8x128xf32, #tpu.memory_space<vmem>> -> memref<1x4x8x128xf32, #tpu.memory_space<vmem>>
      %dma_start3A_2813 = tpu.memref_squeeze %dma_start3A_2812 : memref<1x4x8x128xf32, #tpu.memory_space<vmem>> -> memref<4x8x128xf32, #tpu.memory_space<vmem>>
      %dma_start3A_2814 = arith.constant 2 : i32
      %dma_start3A_2815 = arith.constant 0 : i32
      %dma_start3A_2816 = arith.constant 0 : i32
      %dma_start3A_2817 = tpu.memref_slice %dma_start3A_2813[%dma_start3A_2814, %dma_start3A_2815, %dma_start3A_2816] : memref<4x8x128xf32, #tpu.memory_space<vmem>> -> memref<2x8x128xf32, #tpu.memory_space<vmem>>
      %dma_start3A_2818 = arith.constant 2 : i32
      %dma_start3A_2819 = arith.constant 0 : i32
      %dma_start3A_2820 = tpu.memref_slice %arg5[%dma_start3A_2818, %dma_start3A_2819, %multiple_of3A_2720] : memref<4x8x1000000xf32, #tpu.memory_space<hbm>> -> memref<2x8x128xf32, #tpu.memory_space<hbm>>
      tpu.enqueue_dma source(%dma_start3A_2820 : memref<2x8x128xf32, #tpu.memory_space<hbm>>) target(%dma_start3A_2817 : memref<2x8x128xf32, #tpu.memory_space<vmem>>) target_semaphore(%arg13 : memref<!tpu.dma_semaphore, #tpu.memory_space<semaphore_mem>>)
      %dma_wait3A_2821 = arith.constant 0 : i32
      %dma_wait3A_2822 = arith.constant 0 : i32
      %dma_wait3A_2823 = arith.constant 0 : i32
      %dma_wait3A_2824 = arith.constant 0 : i32
      %dma_wait3A_2825 = tpu.memref_slice %arg9[%dma_wait3A_2821, %dma_wait3A_2822, %dma_wait3A_2823, %dma_wait3A_2824] : memref<8x4x8x128xf32, #tpu.memory_space<vmem>> -> memref<1x4x8x128xf32, #tpu.memory_space<vmem>>
      %dma_wait3A_2826 = tpu.memref_squeeze %dma_wait3A_2825 : memref<1x4x8x128xf32, #tpu.memory_space<vmem>> -> memref<4x8x128xf32, #tpu.memory_space<vmem>>
      %dma_wait3A_2827 = arith.constant 0 : i32
      %dma_wait3A_2828 = arith.constant 0 : i32
      %dma_wait3A_2829 = arith.constant 0 : i32
      %dma_wait3A_2830 = tpu.memref_slice %dma_wait3A_2826[%dma_wait3A_2827, %dma_wait3A_2828, %dma_wait3A_2829] : memref<4x8x128xf32, #tpu.memory_space<vmem>> -> memref<2x8x128xf32, #tpu.memory_space<vmem>>
      %dma_wait3A_2831 = arith.constant 0 : i32
      %dma_wait3A_2832 = arith.constant 0 : i32
      %dma_wait3A_2833 = tpu.memref_slice %arg4[%dma_wait3A_2831, %dma_wait3A_2832, %multiple_of3A_1423] : memref<4x8x1000000xf32, #tpu.memory_space<hbm>> -> memref<2x8x128xf32, #tpu.memory_space<hbm>>
      %dma_wait3A_2834 = arith.constant 0 : i32
      %dma_wait3A_2835 = arith.constant 0 : i32
      %dma_wait3A_2836 = arith.constant 0 : i32
      %dma_wait3A_2837 = tpu.memref_slice %arg9[%dma_wait3A_2821, %dma_wait3A_2834, %dma_wait3A_2835, %dma_wait3A_2836] : memref<8x4x8x128xf32, #tpu.memory_space<vmem>> -> memref<1x4x8x128xf32, #tpu.memory_space<vmem>>
      %dma_wait3A_2838 = tpu.memref_squeeze %dma_wait3A_2837 : memref<1x4x8x128xf32, #tpu.memory_space<vmem>> -> memref<4x8x128xf32, #tpu.memory_space<vmem>>
      %dma_wait3A_2839 = arith.constant 0 : i32
      %dma_wait3A_2840 = arith.constant 0 : i32
      %dma_wait3A_2841 = arith.constant 0 : i32
      %dma_wait3A_2842 = tpu.memref_slice %dma_wait3A_2838[%dma_wait3A_2839, %dma_wait3A_2840, %dma_wait3A_2841] : memref<4x8x128xf32, #tpu.memory_space<vmem>> -> memref<2x8x128xf32, #tpu.memory_space<vmem>>
      %dma_wait3A_2843 = arith.constant 0 : i32
      %dma_wait3A_2844 = arith.constant 0 : i32
      %dma_wait3A_2845 = tpu.memref_slice %arg4[%dma_wait3A_2843, %dma_wait3A_2844, %multiple_of3A_1423] : memref<4x8x1000000xf32, #tpu.memory_space<hbm>> -> memref<2x8x128xf32, #tpu.memory_space<hbm>>
      tpu.wait_dma2 semaphore(%arg13 : memref<!tpu.dma_semaphore, #tpu.memory_space<semaphore_mem>>) src(%dma_wait3A_2845 : memref<2x8x128xf32, #tpu.memory_space<hbm>>) dst(%dma_wait3A_2842 : memref<2x8x128xf32, #tpu.memory_space<vmem>>)
      %dma_wait3A_2846 = arith.constant 0 : i32
      %dma_wait3A_2847 = arith.constant 0 : i32
      %dma_wait3A_2848 = arith.constant 0 : i32
      %dma_wait3A_2849 = arith.constant 0 : i32
      %dma_wait3A_2850 = tpu.memref_slice %arg10[%dma_wait3A_2846, %dma_wait3A_2847, %dma_wait3A_2848, %dma_wait3A_2849] : memref<8x4x8x128xf32, #tpu.memory_space<vmem>> -> memref<1x4x8x128xf32, #tpu.memory_space<vmem>>
      %dma_wait3A_2851 = tpu.memref_squeeze %dma_wait3A_2850 : memref<1x4x8x128xf32, #tpu.memory_space<vmem>> -> memref<4x8x128xf32, #tpu.memory_space<vmem>>
      %dma_wait3A_2852 = arith.constant 0 : i32
      %dma_wait3A_2853 = arith.constant 0 : i32
      %dma_wait3A_2854 = arith.constant 0 : i32
      %dma_wait3A_2855 = tpu.memref_slice %dma_wait3A_2851[%dma_wait3A_2852, %dma_wait3A_2853, %dma_wait3A_2854] : memref<4x8x128xf32, #tpu.memory_space<vmem>> -> memref<2x8x128xf32, #tpu.memory_space<vmem>>
      %dma_wait3A_2856 = arith.constant 0 : i32
      %dma_wait3A_2857 = arith.constant 0 : i32
      %dma_wait3A_2858 = tpu.memref_slice %arg5[%dma_wait3A_2856, %dma_wait3A_2857, %multiple_of3A_1430] : memref<4x8x1000000xf32, #tpu.memory_space<hbm>> -> memref<2x8x128xf32, #tpu.memory_space<hbm>>
      %dma_wait3A_2859 = arith.constant 0 : i32
      %dma_wait3A_2860 = arith.constant 0 : i32
      %dma_wait3A_2861 = arith.constant 0 : i32
      %dma_wait3A_2862 = tpu.memref_slice %arg10[%dma_wait3A_2846, %dma_wait3A_2859, %dma_wait3A_2860, %dma_wait3A_2861] : memref<8x4x8x128xf32, #tpu.memory_space<vmem>> -> memref<1x4x8x128xf32, #tpu.memory_space<vmem>>
      %dma_wait3A_2863 = tpu.memref_squeeze %dma_wait3A_2862 : memref<1x4x8x128xf32, #tpu.memory_space<vmem>> -> memref<4x8x128xf32, #tpu.memory_space<vmem>>
      %dma_wait3A_2864 = arith.constant 0 : i32
      %dma_wait3A_2865 = arith.constant 0 : i32
      %dma_wait3A_2866 = arith.constant 0 : i32
      %dma_wait3A_2867 = tpu.memref_slice %dma_wait3A_2863[%dma_wait3A_2864, %dma_wait3A_2865, %dma_wait3A_2866] : memref<4x8x128xf32, #tpu.memory_space<vmem>> -> memref<2x8x128xf32, #tpu.memory_space<vmem>>
      %dma_wait3A_2868 = arith.constant 0 : i32
      %dma_wait3A_2869 = arith.constant 0 : i32
      %dma_wait3A_2870 = tpu.memref_slice %arg5[%dma_wait3A_2868, %dma_wait3A_2869, %multiple_of3A_1430] : memref<4x8x1000000xf32, #tpu.memory_space<hbm>> -> memref<2x8x128xf32, #tpu.memory_space<hbm>>
      tpu.wait_dma2 semaphore(%arg13 : memref<!tpu.dma_semaphore, #tpu.memory_space<semaphore_mem>>) src(%dma_wait3A_2870 : memref<2x8x128xf32, #tpu.memory_space<hbm>>) dst(%dma_wait3A_2867 : memref<2x8x128xf32, #tpu.memory_space<vmem>>)
      %dma_wait3A_2871 = arith.constant 0 : i32
      %dma_wait3A_2872 = arith.constant 0 : i32
      %dma_wait3A_2873 = arith.constant 0 : i32
      %dma_wait3A_2874 = arith.constant 0 : i32
      %dma_wait3A_2875 = tpu.memref_slice %arg9[%dma_wait3A_2871, %dma_wait3A_2872, %dma_wait3A_2873, %dma_wait3A_2874] : memref<8x4x8x128xf32, #tpu.memory_space<vmem>> -> memref<1x4x8x128xf32, #tpu.memory_space<vmem>>
      %dma_wait3A_2876 = tpu.memref_squeeze %dma_wait3A_2875 : memref<1x4x8x128xf32, #tpu.memory_space<vmem>> -> memref<4x8x128xf32, #tpu.memory_space<vmem>>
      %dma_wait3A_2877 = arith.constant 2 : i32
      %dma_wait3A_2878 = arith.constant 0 : i32
      %dma_wait3A_2879 = arith.constant 0 : i32
      %dma_wait3A_2880 = tpu.memref_slice %dma_wait3A_2876[%dma_wait3A_2877, %dma_wait3A_2878, %dma_wait3A_2879] : memref<4x8x128xf32, #tpu.memory_space<vmem>> -> memref<2x8x128xf32, #tpu.memory_space<vmem>>
      %dma_wait3A_2881 = arith.constant 2 : i32
      %dma_wait3A_2882 = arith.constant 0 : i32
      %dma_wait3A_2883 = tpu.memref_slice %arg4[%dma_wait3A_2881, %dma_wait3A_2882, %multiple_of3A_1423] : memref<4x8x1000000xf32, #tpu.memory_space<hbm>> -> memref<2x8x128xf32, #tpu.memory_space<hbm>>
      %dma_wait3A_2884 = arith.constant 0 : i32
      %dma_wait3A_2885 = arith.constant 0 : i32
      %dma_wait3A_2886 = arith.constant 0 : i32
      %dma_wait3A_2887 = tpu.memref_slice %arg9[%dma_wait3A_2871, %dma_wait3A_2884, %dma_wait3A_2885, %dma_wait3A_2886] : memref<8x4x8x128xf32, #tpu.memory_space<vmem>> -> memref<1x4x8x128xf32, #tpu.memory_space<vmem>>
      %dma_wait3A_2888 = tpu.memref_squeeze %dma_wait3A_2887 : memref<1x4x8x128xf32, #tpu.memory_space<vmem>> -> memref<4x8x128xf32, #tpu.memory_space<vmem>>
      %dma_wait3A_2889 = arith.constant 2 : i32
      %dma_wait3A_2890 = arith.constant 0 : i32
      %dma_wait3A_2891 = arith.constant 0 : i32
      %dma_wait3A_2892 = tpu.memref_slice %dma_wait3A_2888[%dma_wait3A_2889, %dma_wait3A_2890, %dma_wait3A_2891] : memref<4x8x128xf32, #tpu.memory_space<vmem>> -> memref<2x8x128xf32, #tpu.memory_space<vmem>>
      %dma_wait3A_2893 = arith.constant 2 : i32
      %dma_wait3A_2894 = arith.constant 0 : i32
      %dma_wait3A_2895 = tpu.memref_slice %arg4[%dma_wait3A_2893, %dma_wait3A_2894, %multiple_of3A_1423] : memref<4x8x1000000xf32, #tpu.memory_space<hbm>> -> memref<2x8x128xf32, #tpu.memory_space<hbm>>
      tpu.wait_dma2 semaphore(%arg13 : memref<!tpu.dma_semaphore, #tpu.memory_space<semaphore_mem>>) src(%dma_wait3A_2895 : memref<2x8x128xf32, #tpu.memory_space<hbm>>) dst(%dma_wait3A_2892 : memref<2x8x128xf32, #tpu.memory_space<vmem>>)
      %dma_wait3A_2896 = arith.constant 0 : i32
      %dma_wait3A_2897 = arith.constant 0 : i32
      %dma_wait3A_2898 = arith.constant 0 : i32
      %dma_wait3A_2899 = arith.constant 0 : i32
      %dma_wait3A_2900 = tpu.memref_slice %arg10[%dma_wait3A_2896, %dma_wait3A_2897, %dma_wait3A_2898, %dma_wait3A_2899] : memref<8x4x8x128xf32, #tpu.memory_space<vmem>> -> memref<1x4x8x128xf32, #tpu.memory_space<vmem>>
      %dma_wait3A_2901 = tpu.memref_squeeze %dma_wait3A_2900 : memref<1x4x8x128xf32, #tpu.memory_space<vmem>> -> memref<4x8x128xf32, #tpu.memory_space<vmem>>
      %dma_wait3A_2902 = arith.constant 2 : i32
      %dma_wait3A_2903 = arith.constant 0 : i32
      %dma_wait3A_2904 = arith.constant 0 : i32
      %dma_wait3A_2905 = tpu.memref_slice %dma_wait3A_2901[%dma_wait3A_2902, %dma_wait3A_2903, %dma_wait3A_2904] : memref<4x8x128xf32, #tpu.memory_space<vmem>> -> memref<2x8x128xf32, #tpu.memory_space<vmem>>
      %dma_wait3A_2906 = arith.constant 2 : i32
      %dma_wait3A_2907 = arith.constant 0 : i32
      %dma_wait3A_2908 = tpu.memref_slice %arg5[%dma_wait3A_2906, %dma_wait3A_2907, %multiple_of3A_1430] : memref<4x8x1000000xf32, #tpu.memory_space<hbm>> -> memref<2x8x128xf32, #tpu.memory_space<hbm>>
      %dma_wait3A_2909 = arith.constant 0 : i32
      %dma_wait3A_2910 = arith.constant 0 : i32
      %dma_wait3A_2911 = arith.constant 0 : i32
      %dma_wait3A_2912 = tpu.memref_slice %arg10[%dma_wait3A_2896, %dma_wait3A_2909, %dma_wait3A_2910, %dma_wait3A_2911] : memref<8x4x8x128xf32, #tpu.memory_space<vmem>> -> memref<1x4x8x128xf32, #tpu.memory_space<vmem>>
      %dma_wait3A_2913 = tpu.memref_squeeze %dma_wait3A_2912 : memref<1x4x8x128xf32, #tpu.memory_space<vmem>> -> memref<4x8x128xf32, #tpu.memory_space<vmem>>
      %dma_wait3A_2914 = arith.constant 2 : i32
      %dma_wait3A_2915 = arith.constant 0 : i32
      %dma_wait3A_2916 = arith.constant 0 : i32
      %dma_wait3A_2917 = tpu.memref_slice %dma_wait3A_2913[%dma_wait3A_2914, %dma_wait3A_2915, %dma_wait3A_2916] : memref<4x8x128xf32, #tpu.memory_space<vmem>> -> memref<2x8x128xf32, #tpu.memory_space<vmem>>
      %dma_wait3A_2918 = arith.constant 2 : i32
      %dma_wait3A_2919 = arith.constant 0 : i32
      %dma_wait3A_2920 = tpu.memref_slice %arg5[%dma_wait3A_2918, %dma_wait3A_2919, %multiple_of3A_1430] : memref<4x8x1000000xf32, #tpu.memory_space<hbm>> -> memref<2x8x128xf32, #tpu.memory_space<hbm>>
      tpu.wait_dma2 semaphore(%arg13 : memref<!tpu.dma_semaphore, #tpu.memory_space<semaphore_mem>>) src(%dma_wait3A_2920 : memref<2x8x128xf32, #tpu.memory_space<hbm>>) dst(%dma_wait3A_2917 : memref<2x8x128xf32, #tpu.memory_space<vmem>>)
      %dma_wait3A_2921 = arith.constant 1 : i32
      %dma_wait3A_2922 = arith.constant 0 : i32
      %dma_wait3A_2923 = arith.constant 0 : i32
      %dma_wait3A_2924 = arith.constant 0 : i32
      %dma_wait3A_2925 = tpu.memref_slice %arg9[%dma_wait3A_2921, %dma_wait3A_2922, %dma_wait3A_2923, %dma_wait3A_2924] : memref<8x4x8x128xf32, #tpu.memory_space<vmem>> -> memref<1x4x8x128xf32, #tpu.memory_space<vmem>>
      %dma_wait3A_2926 = tpu.memref_squeeze %dma_wait3A_2925 : memref<1x4x8x128xf32, #tpu.memory_space<vmem>> -> memref<4x8x128xf32, #tpu.memory_space<vmem>>
      %dma_wait3A_2927 = arith.constant 0 : i32
      %dma_wait3A_2928 = arith.constant 0 : i32
      %dma_wait3A_2929 = arith.constant 0 : i32
      %dma_wait3A_2930 = tpu.memref_slice %dma_wait3A_2926[%dma_wait3A_2927, %dma_wait3A_2928, %dma_wait3A_2929] : memref<4x8x128xf32, #tpu.memory_space<vmem>> -> memref<2x8x128xf32, #tpu.memory_space<vmem>>
      %dma_wait3A_2931 = arith.constant 0 : i32
      %dma_wait3A_2932 = arith.constant 0 : i32
      %dma_wait3A_2933 = tpu.memref_slice %arg4[%dma_wait3A_2931, %dma_wait3A_2932, %multiple_of3A_1537] : memref<4x8x1000000xf32, #tpu.memory_space<hbm>> -> memref<2x8x128xf32, #tpu.memory_space<hbm>>
      %dma_wait3A_2934 = arith.constant 0 : i32
      %dma_wait3A_2935 = arith.constant 0 : i32
      %dma_wait3A_2936 = arith.constant 0 : i32
      %dma_wait3A_2937 = tpu.memref_slice %arg9[%dma_wait3A_2921, %dma_wait3A_2934, %dma_wait3A_2935, %dma_wait3A_2936] : memref<8x4x8x128xf32, #tpu.memory_space<vmem>> -> memref<1x4x8x128xf32, #tpu.memory_space<vmem>>
      %dma_wait3A_2938 = tpu.memref_squeeze %dma_wait3A_2937 : memref<1x4x8x128xf32, #tpu.memory_space<vmem>> -> memref<4x8x128xf32, #tpu.memory_space<vmem>>
      %dma_wait3A_2939 = arith.constant 0 : i32
      %dma_wait3A_2940 = arith.constant 0 : i32
      %dma_wait3A_2941 = arith.constant 0 : i32
      %dma_wait3A_2942 = tpu.memref_slice %dma_wait3A_2938[%dma_wait3A_2939, %dma_wait3A_2940, %dma_wait3A_2941] : memref<4x8x128xf32, #tpu.memory_space<vmem>> -> memref<2x8x128xf32, #tpu.memory_space<vmem>>
      %dma_wait3A_2943 = arith.constant 0 : i32
      %dma_wait3A_2944 = arith.constant 0 : i32
      %dma_wait3A_2945 = tpu.memref_slice %arg4[%dma_wait3A_2943, %dma_wait3A_2944, %multiple_of3A_1537] : memref<4x8x1000000xf32, #tpu.memory_space<hbm>> -> memref<2x8x128xf32, #tpu.memory_space<hbm>>
      tpu.wait_dma2 semaphore(%arg13 : memref<!tpu.dma_semaphore, #tpu.memory_space<semaphore_mem>>) src(%dma_wait3A_2945 : memref<2x8x128xf32, #tpu.memory_space<hbm>>) dst(%dma_wait3A_2942 : memref<2x8x128xf32, #tpu.memory_space<vmem>>)
      %dma_wait3A_2946 = arith.constant 1 : i32
      %dma_wait3A_2947 = arith.constant 0 : i32
      %dma_wait3A_2948 = arith.constant 0 : i32
      %dma_wait3A_2949 = arith.constant 0 : i32
      %dma_wait3A_2950 = tpu.memref_slice %arg10[%dma_wait3A_2946, %dma_wait3A_2947, %dma_wait3A_2948, %dma_wait3A_2949] : memref<8x4x8x128xf32, #tpu.memory_space<vmem>> -> memref<1x4x8x128xf32, #tpu.memory_space<vmem>>
      %dma_wait3A_2951 = tpu.memref_squeeze %dma_wait3A_2950 : memref<1x4x8x128xf32, #tpu.memory_space<vmem>> -> memref<4x8x128xf32, #tpu.memory_space<vmem>>
      %dma_wait3A_2952 = arith.constant 0 : i32
      %dma_wait3A_2953 = arith.constant 0 : i32
      %dma_wait3A_2954 = arith.constant 0 : i32
      %dma_wait3A_2955 = tpu.memref_slice %dma_wait3A_2951[%dma_wait3A_2952, %dma_wait3A_2953, %dma_wait3A_2954] : memref<4x8x128xf32, #tpu.memory_space<vmem>> -> memref<2x8x128xf32, #tpu.memory_space<vmem>>
      %dma_wait3A_2956 = arith.constant 0 : i32
      %dma_wait3A_2957 = arith.constant 0 : i32
      %dma_wait3A_2958 = tpu.memref_slice %arg5[%dma_wait3A_2956, %dma_wait3A_2957, %multiple_of3A_1544] : memref<4x8x1000000xf32, #tpu.memory_space<hbm>> -> memref<2x8x128xf32, #tpu.memory_space<hbm>>
      %dma_wait3A_2959 = arith.constant 0 : i32
      %dma_wait3A_2960 = arith.constant 0 : i32
      %dma_wait3A_2961 = arith.constant 0 : i32
      %dma_wait3A_2962 = tpu.memref_slice %arg10[%dma_wait3A_2946, %dma_wait3A_2959, %dma_wait3A_2960, %dma_wait3A_2961] : memref<8x4x8x128xf32, #tpu.memory_space<vmem>> -> memref<1x4x8x128xf32, #tpu.memory_space<vmem>>
      %dma_wait3A_2963 = tpu.memref_squeeze %dma_wait3A_2962 : memref<1x4x8x128xf32, #tpu.memory_space<vmem>> -> memref<4x8x128xf32, #tpu.memory_space<vmem>>
      %dma_wait3A_2964 = arith.constant 0 : i32
      %dma_wait3A_2965 = arith.constant 0 : i32
      %dma_wait3A_2966 = arith.constant 0 : i32
      %dma_wait3A_2967 = tpu.memref_slice %dma_wait3A_2963[%dma_wait3A_2964, %dma_wait3A_2965, %dma_wait3A_2966] : memref<4x8x128xf32, #tpu.memory_space<vmem>> -> memref<2x8x128xf32, #tpu.memory_space<vmem>>
      %dma_wait3A_2968 = arith.constant 0 : i32
      %dma_wait3A_2969 = arith.constant 0 : i32
      %dma_wait3A_2970 = tpu.memref_slice %arg5[%dma_wait3A_2968, %dma_wait3A_2969, %multiple_of3A_1544] : memref<4x8x1000000xf32, #tpu.memory_space<hbm>> -> memref<2x8x128xf32, #tpu.memory_space<hbm>>
      tpu.wait_dma2 semaphore(%arg13 : memref<!tpu.dma_semaphore, #tpu.memory_space<semaphore_mem>>) src(%dma_wait3A_2970 : memref<2x8x128xf32, #tpu.memory_space<hbm>>) dst(%dma_wait3A_2967 : memref<2x8x128xf32, #tpu.memory_space<vmem>>)
      %dma_wait3A_2971 = arith.constant 1 : i32
      %dma_wait3A_2972 = arith.constant 0 : i32
      %dma_wait3A_2973 = arith.constant 0 : i32
      %dma_wait3A_2974 = arith.constant 0 : i32
      %dma_wait3A_2975 = tpu.memref_slice %arg9[%dma_wait3A_2971, %dma_wait3A_2972, %dma_wait3A_2973, %dma_wait3A_2974] : memref<8x4x8x128xf32, #tpu.memory_space<vmem>> -> memref<1x4x8x128xf32, #tpu.memory_space<vmem>>
      %dma_wait3A_2976 = tpu.memref_squeeze %dma_wait3A_2975 : memref<1x4x8x128xf32, #tpu.memory_space<vmem>> -> memref<4x8x128xf32, #tpu.memory_space<vmem>>
      %dma_wait3A_2977 = arith.constant 2 : i32
      %dma_wait3A_2978 = arith.constant 0 : i32
      %dma_wait3A_2979 = arith.constant 0 : i32
      %dma_wait3A_2980 = tpu.memref_slice %dma_wait3A_2976[%dma_wait3A_2977, %dma_wait3A_2978, %dma_wait3A_2979] : memref<4x8x128xf32, #tpu.memory_space<vmem>> -> memref<2x8x128xf32, #tpu.memory_space<vmem>>
      %dma_wait3A_2981 = arith.constant 2 : i32
      %dma_wait3A_2982 = arith.constant 0 : i32
      %dma_wait3A_2983 = tpu.memref_slice %arg4[%dma_wait3A_2981, %dma_wait3A_2982, %multiple_of3A_1537] : memref<4x8x1000000xf32, #tpu.memory_space<hbm>> -> memref<2x8x128xf32, #tpu.memory_space<hbm>>
      %dma_wait3A_2984 = arith.constant 0 : i32
      %dma_wait3A_2985 = arith.constant 0 : i32
      %dma_wait3A_2986 = arith.constant 0 : i32
      %dma_wait3A_2987 = tpu.memref_slice %arg9[%dma_wait3A_2971, %dma_wait3A_2984, %dma_wait3A_2985, %dma_wait3A_2986] : memref<8x4x8x128xf32, #tpu.memory_space<vmem>> -> memref<1x4x8x128xf32, #tpu.memory_space<vmem>>
      %dma_wait3A_2988 = tpu.memref_squeeze %dma_wait3A_2987 : memref<1x4x8x128xf32, #tpu.memory_space<vmem>> -> memref<4x8x128xf32, #tpu.memory_space<vmem>>
      %dma_wait3A_2989 = arith.constant 2 : i32
      %dma_wait3A_2990 = arith.constant 0 : i32
      %dma_wait3A_2991 = arith.constant 0 : i32
      %dma_wait3A_2992 = tpu.memref_slice %dma_wait3A_2988[%dma_wait3A_2989, %dma_wait3A_2990, %dma_wait3A_2991] : memref<4x8x128xf32, #tpu.memory_space<vmem>> -> memref<2x8x128xf32, #tpu.memory_space<vmem>>
      %dma_wait3A_2993 = arith.constant 2 : i32
      %dma_wait3A_2994 = arith.constant 0 : i32
      %dma_wait3A_2995 = tpu.memref_slice %arg4[%dma_wait3A_2993, %dma_wait3A_2994, %multiple_of3A_1537] : memref<4x8x1000000xf32, #tpu.memory_space<hbm>> -> memref<2x8x128xf32, #tpu.memory_space<hbm>>
      tpu.wait_dma2 semaphore(%arg13 : memref<!tpu.dma_semaphore, #tpu.memory_space<semaphore_mem>>) src(%dma_wait3A_2995 : memref<2x8x128xf32, #tpu.memory_space<hbm>>) dst(%dma_wait3A_2992 : memref<2x8x128xf32, #tpu.memory_space<vmem>>)
      %dma_wait3A_2996 = arith.constant 1 : i32
      %dma_wait3A_2997 = arith.constant 0 : i32
      %dma_wait3A_2998 = arith.constant 0 : i32
      %dma_wait3A_2999 = arith.constant 0 : i32
      %dma_wait3A_3000 = tpu.memref_slice %arg10[%dma_wait3A_2996, %dma_wait3A_2997, %dma_wait3A_2998, %dma_wait3A_2999] : memref<8x4x8x128xf32, #tpu.memory_space<vmem>> -> memref<1x4x8x128xf32, #tpu.memory_space<vmem>>
      %dma_wait3A_3001 = tpu.memref_squeeze %dma_wait3A_3000 : memref<1x4x8x128xf32, #tpu.memory_space<vmem>> -> memref<4x8x128xf32, #tpu.memory_space<vmem>>
      %dma_wait3A_3002 = arith.constant 2 : i32
      %dma_wait3A_3003 = arith.constant 0 : i32
      %dma_wait3A_3004 = arith.constant 0 : i32
      %dma_wait3A_3005 = tpu.memref_slice %dma_wait3A_3001[%dma_wait3A_3002, %dma_wait3A_3003, %dma_wait3A_3004] : memref<4x8x128xf32, #tpu.memory_space<vmem>> -> memref<2x8x128xf32, #tpu.memory_space<vmem>>
      %dma_wait3A_3006 = arith.constant 2 : i32
      %dma_wait3A_3007 = arith.constant 0 : i32
      %dma_wait3A_3008 = tpu.memref_slice %arg5[%dma_wait3A_3006, %dma_wait3A_3007, %multiple_of3A_1544] : memref<4x8x1000000xf32, #tpu.memory_space<hbm>> -> memref<2x8x128xf32, #tpu.memory_space<hbm>>
      %dma_wait3A_3009 = arith.constant 0 : i32
      %dma_wait3A_3010 = arith.constant 0 : i32
      %dma_wait3A_3011 = arith.constant 0 : i32
      %dma_wait3A_3012 = tpu.memref_slice %arg10[%dma_wait3A_2996, %dma_wait3A_3009, %dma_wait3A_3010, %dma_wait3A_3011] : memref<8x4x8x128xf32, #tpu.memory_space<vmem>> -> memref<1x4x8x128xf32, #tpu.memory_space<vmem>>
      %dma_wait3A_3013 = tpu.memref_squeeze %dma_wait3A_3012 : memref<1x4x8x128xf32, #tpu.memory_space<vmem>> -> memref<4x8x128xf32, #tpu.memory_space<vmem>>
      %dma_wait3A_3014 = arith.constant 2 : i32
      %dma_wait3A_3015 = arith.constant 0 : i32
      %dma_wait3A_3016 = arith.constant 0 : i32
      %dma_wait3A_3017 = tpu.memref_slice %dma_wait3A_3013[%dma_wait3A_3014, %dma_wait3A_3015, %dma_wait3A_3016] : memref<4x8x128xf32, #tpu.memory_space<vmem>> -> memref<2x8x128xf32, #tpu.memory_space<vmem>>
      %dma_wait3A_3018 = arith.constant 2 : i32
      %dma_wait3A_3019 = arith.constant 0 : i32
      %dma_wait3A_3020 = tpu.memref_slice %arg5[%dma_wait3A_3018, %dma_wait3A_3019, %multiple_of3A_1544] : memref<4x8x1000000xf32, #tpu.memory_space<hbm>> -> memref<2x8x128xf32, #tpu.memory_space<hbm>>
      tpu.wait_dma2 semaphore(%arg13 : memref<!tpu.dma_semaphore, #tpu.memory_space<semaphore_mem>>) src(%dma_wait3A_3020 : memref<2x8x128xf32, #tpu.memory_space<hbm>>) dst(%dma_wait3A_3017 : memref<2x8x128xf32, #tpu.memory_space<vmem>>)
      %dma_wait3A_3021 = arith.constant 2 : i32
      %dma_wait3A_3022 = arith.constant 0 : i32
      %dma_wait3A_3023 = arith.constant 0 : i32
      %dma_wait3A_3024 = arith.constant 0 : i32
      %dma_wait3A_3025 = tpu.memref_slice %arg9[%dma_wait3A_3021, %dma_wait3A_3022, %dma_wait3A_3023, %dma_wait3A_3024] : memref<8x4x8x128xf32, #tpu.memory_space<vmem>> -> memref<1x4x8x128xf32, #tpu.memory_space<vmem>>
      %dma_wait3A_3026 = tpu.memref_squeeze %dma_wait3A_3025 : memref<1x4x8x128xf32, #tpu.memory_space<vmem>> -> memref<4x8x128xf32, #tpu.memory_space<vmem>>
      %dma_wait3A_3027 = arith.constant 0 : i32
      %dma_wait3A_3028 = arith.constant 0 : i32
      %dma_wait3A_3029 = arith.constant 0 : i32
      %dma_wait3A_3030 = tpu.memref_slice %dma_wait3A_3026[%dma_wait3A_3027, %dma_wait3A_3028, %dma_wait3A_3029] : memref<4x8x128xf32, #tpu.memory_space<vmem>> -> memref<2x8x128xf32, #tpu.memory_space<vmem>>
      %dma_wait3A_3031 = arith.constant 0 : i32
      %dma_wait3A_3032 = arith.constant 0 : i32
      %dma_wait3A_3033 = tpu.memref_slice %arg4[%dma_wait3A_3031, %dma_wait3A_3032, %multiple_of3A_1651] : memref<4x8x1000000xf32, #tpu.memory_space<hbm>> -> memref<2x8x128xf32, #tpu.memory_space<hbm>>
      %dma_wait3A_3034 = arith.constant 0 : i32
      %dma_wait3A_3035 = arith.constant 0 : i32
      %dma_wait3A_3036 = arith.constant 0 : i32
      %dma_wait3A_3037 = tpu.memref_slice %arg9[%dma_wait3A_3021, %dma_wait3A_3034, %dma_wait3A_3035, %dma_wait3A_3036] : memref<8x4x8x128xf32, #tpu.memory_space<vmem>> -> memref<1x4x8x128xf32, #tpu.memory_space<vmem>>
      %dma_wait3A_3038 = tpu.memref_squeeze %dma_wait3A_3037 : memref<1x4x8x128xf32, #tpu.memory_space<vmem>> -> memref<4x8x128xf32, #tpu.memory_space<vmem>>
      %dma_wait3A_3039 = arith.constant 0 : i32
      %dma_wait3A_3040 = arith.constant 0 : i32
      %dma_wait3A_3041 = arith.constant 0 : i32
      %dma_wait3A_3042 = tpu.memref_slice %dma_wait3A_3038[%dma_wait3A_3039, %dma_wait3A_3040, %dma_wait3A_3041] : memref<4x8x128xf32, #tpu.memory_space<vmem>> -> memref<2x8x128xf32, #tpu.memory_space<vmem>>
      %dma_wait3A_3043 = arith.constant 0 : i32
      %dma_wait3A_3044 = arith.constant 0 : i32
      %dma_wait3A_3045 = tpu.memref_slice %arg4[%dma_wait3A_3043, %dma_wait3A_3044, %multiple_of3A_1651] : memref<4x8x1000000xf32, #tpu.memory_space<hbm>> -> memref<2x8x128xf32, #tpu.memory_space<hbm>>
      tpu.wait_dma2 semaphore(%arg13 : memref<!tpu.dma_semaphore, #tpu.memory_space<semaphore_mem>>) src(%dma_wait3A_3045 : memref<2x8x128xf32, #tpu.memory_space<hbm>>) dst(%dma_wait3A_3042 : memref<2x8x128xf32, #tpu.memory_space<vmem>>)
      %dma_wait3A_3046 = arith.constant 2 : i32
      %dma_wait3A_3047 = arith.constant 0 : i32
      %dma_wait3A_3048 = arith.constant 0 : i32
      %dma_wait3A_3049 = arith.constant 0 : i32
      %dma_wait3A_3050 = tpu.memref_slice %arg10[%dma_wait3A_3046, %dma_wait3A_3047, %dma_wait3A_3048, %dma_wait3A_3049] : memref<8x4x8x128xf32, #tpu.memory_space<vmem>> -> memref<1x4x8x128xf32, #tpu.memory_space<vmem>>
      %dma_wait3A_3051 = tpu.memref_squeeze %dma_wait3A_3050 : memref<1x4x8x128xf32, #tpu.memory_space<vmem>> -> memref<4x8x128xf32, #tpu.memory_space<vmem>>
      %dma_wait3A_3052 = arith.constant 0 : i32
      %dma_wait3A_3053 = arith.constant 0 : i32
      %dma_wait3A_3054 = arith.constant 0 : i32
      %dma_wait3A_3055 = tpu.memref_slice %dma_wait3A_3051[%dma_wait3A_3052, %dma_wait3A_3053, %dma_wait3A_3054] : memref<4x8x128xf32, #tpu.memory_space<vmem>> -> memref<2x8x128xf32, #tpu.memory_space<vmem>>
      %dma_wait3A_3056 = arith.constant 0 : i32
      %dma_wait3A_3057 = arith.constant 0 : i32
      %dma_wait3A_3058 = tpu.memref_slice %arg5[%dma_wait3A_3056, %dma_wait3A_3057, %multiple_of3A_1658] : memref<4x8x1000000xf32, #tpu.memory_space<hbm>> -> memref<2x8x128xf32, #tpu.memory_space<hbm>>
      %dma_wait3A_3059 = arith.constant 0 : i32
      %dma_wait3A_3060 = arith.constant 0 : i32
      %dma_wait3A_3061 = arith.constant 0 : i32
      %dma_wait3A_3062 = tpu.memref_slice %arg10[%dma_wait3A_3046, %dma_wait3A_3059, %dma_wait3A_3060, %dma_wait3A_3061] : memref<8x4x8x128xf32, #tpu.memory_space<vmem>> -> memref<1x4x8x128xf32, #tpu.memory_space<vmem>>
      %dma_wait3A_3063 = tpu.memref_squeeze %dma_wait3A_3062 : memref<1x4x8x128xf32, #tpu.memory_space<vmem>> -> memref<4x8x128xf32, #tpu.memory_space<vmem>>
      %dma_wait3A_3064 = arith.constant 0 : i32
      %dma_wait3A_3065 = arith.constant 0 : i32
      %dma_wait3A_3066 = arith.constant 0 : i32
      %dma_wait3A_3067 = tpu.memref_slice %dma_wait3A_3063[%dma_wait3A_3064, %dma_wait3A_3065, %dma_wait3A_3066] : memref<4x8x128xf32, #tpu.memory_space<vmem>> -> memref<2x8x128xf32, #tpu.memory_space<vmem>>
      %dma_wait3A_3068 = arith.constant 0 : i32
      %dma_wait3A_3069 = arith.constant 0 : i32
      %dma_wait3A_3070 = tpu.memref_slice %arg5[%dma_wait3A_3068, %dma_wait3A_3069, %multiple_of3A_1658] : memref<4x8x1000000xf32, #tpu.memory_space<hbm>> -> memref<2x8x128xf32, #tpu.memory_space<hbm>>
      tpu.wait_dma2 semaphore(%arg13 : memref<!tpu.dma_semaphore, #tpu.memory_space<semaphore_mem>>) src(%dma_wait3A_3070 : memref<2x8x128xf32, #tpu.memory_space<hbm>>) dst(%dma_wait3A_3067 : memref<2x8x128xf32, #tpu.memory_space<vmem>>)
      %dma_wait3A_3071 = arith.constant 2 : i32
      %dma_wait3A_3072 = arith.constant 0 : i32
      %dma_wait3A_3073 = arith.constant 0 : i32
      %dma_wait3A_3074 = arith.constant 0 : i32
      %dma_wait3A_3075 = tpu.memref_slice %arg9[%dma_wait3A_3071, %dma_wait3A_3072, %dma_wait3A_3073, %dma_wait3A_3074] : memref<8x4x8x128xf32, #tpu.memory_space<vmem>> -> memref<1x4x8x128xf32, #tpu.memory_space<vmem>>
      %dma_wait3A_3076 = tpu.memref_squeeze %dma_wait3A_3075 : memref<1x4x8x128xf32, #tpu.memory_space<vmem>> -> memref<4x8x128xf32, #tpu.memory_space<vmem>>
      %dma_wait3A_3077 = arith.constant 2 : i32
      %dma_wait3A_3078 = arith.constant 0 : i32
      %dma_wait3A_3079 = arith.constant 0 : i32
      %dma_wait3A_3080 = tpu.memref_slice %dma_wait3A_3076[%dma_wait3A_3077, %dma_wait3A_3078, %dma_wait3A_3079] : memref<4x8x128xf32, #tpu.memory_space<vmem>> -> memref<2x8x128xf32, #tpu.memory_space<vmem>>
      %dma_wait3A_3081 = arith.constant 2 : i32
      %dma_wait3A_3082 = arith.constant 0 : i32
      %dma_wait3A_3083 = tpu.memref_slice %arg4[%dma_wait3A_3081, %dma_wait3A_3082, %multiple_of3A_1651] : memref<4x8x1000000xf32, #tpu.memory_space<hbm>> -> memref<2x8x128xf32, #tpu.memory_space<hbm>>
      %dma_wait3A_3084 = arith.constant 0 : i32
      %dma_wait3A_3085 = arith.constant 0 : i32
      %dma_wait3A_3086 = arith.constant 0 : i32
      %dma_wait3A_3087 = tpu.memref_slice %arg9[%dma_wait3A_3071, %dma_wait3A_3084, %dma_wait3A_3085, %dma_wait3A_3086] : memref<8x4x8x128xf32, #tpu.memory_space<vmem>> -> memref<1x4x8x128xf32, #tpu.memory_space<vmem>>
      %dma_wait3A_3088 = tpu.memref_squeeze %dma_wait3A_3087 : memref<1x4x8x128xf32, #tpu.memory_space<vmem>> -> memref<4x8x128xf32, #tpu.memory_space<vmem>>
      %dma_wait3A_3089 = arith.constant 2 : i32
      %dma_wait3A_3090 = arith.constant 0 : i32
      %dma_wait3A_3091 = arith.constant 0 : i32
      %dma_wait3A_3092 = tpu.memref_slice %dma_wait3A_3088[%dma_wait3A_3089, %dma_wait3A_3090, %dma_wait3A_3091] : memref<4x8x128xf32, #tpu.memory_space<vmem>> -> memref<2x8x128xf32, #tpu.memory_space<vmem>>
      %dma_wait3A_3093 = arith.constant 2 : i32
      %dma_wait3A_3094 = arith.constant 0 : i32
      %dma_wait3A_3095 = tpu.memref_slice %arg4[%dma_wait3A_3093, %dma_wait3A_3094, %multiple_of3A_1651] : memref<4x8x1000000xf32, #tpu.memory_space<hbm>> -> memref<2x8x128xf32, #tpu.memory_space<hbm>>
      tpu.wait_dma2 semaphore(%arg13 : memref<!tpu.dma_semaphore, #tpu.memory_space<semaphore_mem>>) src(%dma_wait3A_3095 : memref<2x8x128xf32, #tpu.memory_space<hbm>>) dst(%dma_wait3A_3092 : memref<2x8x128xf32, #tpu.memory_space<vmem>>)
      %dma_wait3A_3096 = arith.constant 2 : i32
      %dma_wait3A_3097 = arith.constant 0 : i32
      %dma_wait3A_3098 = arith.constant 0 : i32
      %dma_wait3A_3099 = arith.constant 0 : i32
      %dma_wait3A_3100 = tpu.memref_slice %arg10[%dma_wait3A_3096, %dma_wait3A_3097, %dma_wait3A_3098, %dma_wait3A_3099] : memref<8x4x8x128xf32, #tpu.memory_space<vmem>> -> memref<1x4x8x128xf32, #tpu.memory_space<vmem>>
      %dma_wait3A_3101 = tpu.memref_squeeze %dma_wait3A_3100 : memref<1x4x8x128xf32, #tpu.memory_space<vmem>> -> memref<4x8x128xf32, #tpu.memory_space<vmem>>
      %dma_wait3A_3102 = arith.constant 2 : i32
      %dma_wait3A_3103 = arith.constant 0 : i32
      %dma_wait3A_3104 = arith.constant 0 : i32
      %dma_wait3A_3105 = tpu.memref_slice %dma_wait3A_3101[%dma_wait3A_3102, %dma_wait3A_3103, %dma_wait3A_3104] : memref<4x8x128xf32, #tpu.memory_space<vmem>> -> memref<2x8x128xf32, #tpu.memory_space<vmem>>
      %dma_wait3A_3106 = arith.constant 2 : i32
      %dma_wait3A_3107 = arith.constant 0 : i32
      %dma_wait3A_3108 = tpu.memref_slice %arg5[%dma_wait3A_3106, %dma_wait3A_3107, %multiple_of3A_1658] : memref<4x8x1000000xf32, #tpu.memory_space<hbm>> -> memref<2x8x128xf32, #tpu.memory_space<hbm>>
      %dma_wait3A_3109 = arith.constant 0 : i32
      %dma_wait3A_3110 = arith.constant 0 : i32
      %dma_wait3A_3111 = arith.constant 0 : i32
      %dma_wait3A_3112 = tpu.memref_slice %arg10[%dma_wait3A_3096, %dma_wait3A_3109, %dma_wait3A_3110, %dma_wait3A_3111] : memref<8x4x8x128xf32, #tpu.memory_space<vmem>> -> memref<1x4x8x128xf32, #tpu.memory_space<vmem>>
      %dma_wait3A_3113 = tpu.memref_squeeze %dma_wait3A_3112 : memref<1x4x8x128xf32, #tpu.memory_space<vmem>> -> memref<4x8x128xf32, #tpu.memory_space<vmem>>
      %dma_wait3A_3114 = arith.constant 2 : i32
      %dma_wait3A_3115 = arith.constant 0 : i32
      %dma_wait3A_3116 = arith.constant 0 : i32
      %dma_wait3A_3117 = tpu.memref_slice %dma_wait3A_3113[%dma_wait3A_3114, %dma_wait3A_3115, %dma_wait3A_3116] : memref<4x8x128xf32, #tpu.memory_space<vmem>> -> memref<2x8x128xf32, #tpu.memory_space<vmem>>
      %dma_wait3A_3118 = arith.constant 2 : i32
      %dma_wait3A_3119 = arith.constant 0 : i32
      %dma_wait3A_3120 = tpu.memref_slice %arg5[%dma_wait3A_3118, %dma_wait3A_3119, %multiple_of3A_1658] : memref<4x8x1000000xf32, #tpu.memory_space<hbm>> -> memref<2x8x128xf32, #tpu.memory_space<hbm>>
      tpu.wait_dma2 semaphore(%arg13 : memref<!tpu.dma_semaphore, #tpu.memory_space<semaphore_mem>>) src(%dma_wait3A_3120 : memref<2x8x128xf32, #tpu.memory_space<hbm>>) dst(%dma_wait3A_3117 : memref<2x8x128xf32, #tpu.memory_space<vmem>>)
      %dma_wait3A_3121 = arith.constant 3 : i32
      %dma_wait3A_3122 = arith.constant 0 : i32
      %dma_wait3A_3123 = arith.constant 0 : i32
      %dma_wait3A_3124 = arith.constant 0 : i32
      %dma_wait3A_3125 = tpu.memref_slice %arg9[%dma_wait3A_3121, %dma_wait3A_3122, %dma_wait3A_3123, %dma_wait3A_3124] : memref<8x4x8x128xf32, #tpu.memory_space<vmem>> -> memref<1x4x8x128xf32, #tpu.memory_space<vmem>>
      %dma_wait3A_3126 = tpu.memref_squeeze %dma_wait3A_3125 : memref<1x4x8x128xf32, #tpu.memory_space<vmem>> -> memref<4x8x128xf32, #tpu.memory_space<vmem>>
      %dma_wait3A_3127 = arith.constant 0 : i32
      %dma_wait3A_3128 = arith.constant 0 : i32
      %dma_wait3A_3129 = arith.constant 0 : i32
      %dma_wait3A_3130 = tpu.memref_slice %dma_wait3A_3126[%dma_wait3A_3127, %dma_wait3A_3128, %dma_wait3A_3129] : memref<4x8x128xf32, #tpu.memory_space<vmem>> -> memref<2x8x128xf32, #tpu.memory_space<vmem>>
      %dma_wait3A_3131 = arith.constant 0 : i32
      %dma_wait3A_3132 = arith.constant 0 : i32
      %dma_wait3A_3133 = tpu.memref_slice %arg4[%dma_wait3A_3131, %dma_wait3A_3132, %multiple_of3A_1765] : memref<4x8x1000000xf32, #tpu.memory_space<hbm>> -> memref<2x8x128xf32, #tpu.memory_space<hbm>>
      %dma_wait3A_3134 = arith.constant 0 : i32
      %dma_wait3A_3135 = arith.constant 0 : i32
      %dma_wait3A_3136 = arith.constant 0 : i32
      %dma_wait3A_3137 = tpu.memref_slice %arg9[%dma_wait3A_3121, %dma_wait3A_3134, %dma_wait3A_3135, %dma_wait3A_3136] : memref<8x4x8x128xf32, #tpu.memory_space<vmem>> -> memref<1x4x8x128xf32, #tpu.memory_space<vmem>>
      %dma_wait3A_3138 = tpu.memref_squeeze %dma_wait3A_3137 : memref<1x4x8x128xf32, #tpu.memory_space<vmem>> -> memref<4x8x128xf32, #tpu.memory_space<vmem>>
      %dma_wait3A_3139 = arith.constant 0 : i32
      %dma_wait3A_3140 = arith.constant 0 : i32
      %dma_wait3A_3141 = arith.constant 0 : i32
      %dma_wait3A_3142 = tpu.memref_slice %dma_wait3A_3138[%dma_wait3A_3139, %dma_wait3A_3140, %dma_wait3A_3141] : memref<4x8x128xf32, #tpu.memory_space<vmem>> -> memref<2x8x128xf32, #tpu.memory_space<vmem>>
      %dma_wait3A_3143 = arith.constant 0 : i32
      %dma_wait3A_3144 = arith.constant 0 : i32
      %dma_wait3A_3145 = tpu.memref_slice %arg4[%dma_wait3A_3143, %dma_wait3A_3144, %multiple_of3A_1765] : memref<4x8x1000000xf32, #tpu.memory_space<hbm>> -> memref<2x8x128xf32, #tpu.memory_space<hbm>>
      tpu.wait_dma2 semaphore(%arg13 : memref<!tpu.dma_semaphore, #tpu.memory_space<semaphore_mem>>) src(%dma_wait3A_3145 : memref<2x8x128xf32, #tpu.memory_space<hbm>>) dst(%dma_wait3A_3142 : memref<2x8x128xf32, #tpu.memory_space<vmem>>)
      %dma_wait3A_3146 = arith.constant 3 : i32
      %dma_wait3A_3147 = arith.constant 0 : i32
      %dma_wait3A_3148 = arith.constant 0 : i32
      %dma_wait3A_3149 = arith.constant 0 : i32
      %dma_wait3A_3150 = tpu.memref_slice %arg10[%dma_wait3A_3146, %dma_wait3A_3147, %dma_wait3A_3148, %dma_wait3A_3149] : memref<8x4x8x128xf32, #tpu.memory_space<vmem>> -> memref<1x4x8x128xf32, #tpu.memory_space<vmem>>
      %dma_wait3A_3151 = tpu.memref_squeeze %dma_wait3A_3150 : memref<1x4x8x128xf32, #tpu.memory_space<vmem>> -> memref<4x8x128xf32, #tpu.memory_space<vmem>>
      %dma_wait3A_3152 = arith.constant 0 : i32
      %dma_wait3A_3153 = arith.constant 0 : i32
      %dma_wait3A_3154 = arith.constant 0 : i32
      %dma_wait3A_3155 = tpu.memref_slice %dma_wait3A_3151[%dma_wait3A_3152, %dma_wait3A_3153, %dma_wait3A_3154] : memref<4x8x128xf32, #tpu.memory_space<vmem>> -> memref<2x8x128xf32, #tpu.memory_space<vmem>>
      %dma_wait3A_3156 = arith.constant 0 : i32
      %dma_wait3A_3157 = arith.constant 0 : i32
      %dma_wait3A_3158 = tpu.memref_slice %arg5[%dma_wait3A_3156, %dma_wait3A_3157, %multiple_of3A_1772] : memref<4x8x1000000xf32, #tpu.memory_space<hbm>> -> memref<2x8x128xf32, #tpu.memory_space<hbm>>
      %dma_wait3A_3159 = arith.constant 0 : i32
      %dma_wait3A_3160 = arith.constant 0 : i32
      %dma_wait3A_3161 = arith.constant 0 : i32
      %dma_wait3A_3162 = tpu.memref_slice %arg10[%dma_wait3A_3146, %dma_wait3A_3159, %dma_wait3A_3160, %dma_wait3A_3161] : memref<8x4x8x128xf32, #tpu.memory_space<vmem>> -> memref<1x4x8x128xf32, #tpu.memory_space<vmem>>
      %dma_wait3A_3163 = tpu.memref_squeeze %dma_wait3A_3162 : memref<1x4x8x128xf32, #tpu.memory_space<vmem>> -> memref<4x8x128xf32, #tpu.memory_space<vmem>>
      %dma_wait3A_3164 = arith.constant 0 : i32
      %dma_wait3A_3165 = arith.constant 0 : i32
      %dma_wait3A_3166 = arith.constant 0 : i32
      %dma_wait3A_3167 = tpu.memref_slice %dma_wait3A_3163[%dma_wait3A_3164, %dma_wait3A_3165, %dma_wait3A_3166] : memref<4x8x128xf32, #tpu.memory_space<vmem>> -> memref<2x8x128xf32, #tpu.memory_space<vmem>>
      %dma_wait3A_3168 = arith.constant 0 : i32
      %dma_wait3A_3169 = arith.constant 0 : i32
      %dma_wait3A_3170 = tpu.memref_slice %arg5[%dma_wait3A_3168, %dma_wait3A_3169, %multiple_of3A_1772] : memref<4x8x1000000xf32, #tpu.memory_space<hbm>> -> memref<2x8x128xf32, #tpu.memory_space<hbm>>
      tpu.wait_dma2 semaphore(%arg13 : memref<!tpu.dma_semaphore, #tpu.memory_space<semaphore_mem>>) src(%dma_wait3A_3170 : memref<2x8x128xf32, #tpu.memory_space<hbm>>) dst(%dma_wait3A_3167 : memref<2x8x128xf32, #tpu.memory_space<vmem>>)
      %dma_wait3A_3171 = arith.constant 3 : i32
      %dma_wait3A_3172 = arith.constant 0 : i32
      %dma_wait3A_3173 = arith.constant 0 : i32
      %dma_wait3A_3174 = arith.constant 0 : i32
      %dma_wait3A_3175 = tpu.memref_slice %arg9[%dma_wait3A_3171, %dma_wait3A_3172, %dma_wait3A_3173, %dma_wait3A_3174] : memref<8x4x8x128xf32, #tpu.memory_space<vmem>> -> memref<1x4x8x128xf32, #tpu.memory_space<vmem>>
      %dma_wait3A_3176 = tpu.memref_squeeze %dma_wait3A_3175 : memref<1x4x8x128xf32, #tpu.memory_space<vmem>> -> memref<4x8x128xf32, #tpu.memory_space<vmem>>
      %dma_wait3A_3177 = arith.constant 2 : i32
      %dma_wait3A_3178 = arith.constant 0 : i32
      %dma_wait3A_3179 = arith.constant 0 : i32
      %dma_wait3A_3180 = tpu.memref_slice %dma_wait3A_3176[%dma_wait3A_3177, %dma_wait3A_3178, %dma_wait3A_3179] : memref<4x8x128xf32, #tpu.memory_space<vmem>> -> memref<2x8x128xf32, #tpu.memory_space<vmem>>
      %dma_wait3A_3181 = arith.constant 2 : i32
      %dma_wait3A_3182 = arith.constant 0 : i32
      %dma_wait3A_3183 = tpu.memref_slice %arg4[%dma_wait3A_3181, %dma_wait3A_3182, %multiple_of3A_1765] : memref<4x8x1000000xf32, #tpu.memory_space<hbm>> -> memref<2x8x128xf32, #tpu.memory_space<hbm>>
      %dma_wait3A_3184 = arith.constant 0 : i32
      %dma_wait3A_3185 = arith.constant 0 : i32
      %dma_wait3A_3186 = arith.constant 0 : i32
      %dma_wait3A_3187 = tpu.memref_slice %arg9[%dma_wait3A_3171, %dma_wait3A_3184, %dma_wait3A_3185, %dma_wait3A_3186] : memref<8x4x8x128xf32, #tpu.memory_space<vmem>> -> memref<1x4x8x128xf32, #tpu.memory_space<vmem>>
      %dma_wait3A_3188 = tpu.memref_squeeze %dma_wait3A_3187 : memref<1x4x8x128xf32, #tpu.memory_space<vmem>> -> memref<4x8x128xf32, #tpu.memory_space<vmem>>
      %dma_wait3A_3189 = arith.constant 2 : i32
      %dma_wait3A_3190 = arith.constant 0 : i32
      %dma_wait3A_3191 = arith.constant 0 : i32
      %dma_wait3A_3192 = tpu.memref_slice %dma_wait3A_3188[%dma_wait3A_3189, %dma_wait3A_3190, %dma_wait3A_3191] : memref<4x8x128xf32, #tpu.memory_space<vmem>> -> memref<2x8x128xf32, #tpu.memory_space<vmem>>
      %dma_wait3A_3193 = arith.constant 2 : i32
      %dma_wait3A_3194 = arith.constant 0 : i32
      %dma_wait3A_3195 = tpu.memref_slice %arg4[%dma_wait3A_3193, %dma_wait3A_3194, %multiple_of3A_1765] : memref<4x8x1000000xf32, #tpu.memory_space<hbm>> -> memref<2x8x128xf32, #tpu.memory_space<hbm>>
      tpu.wait_dma2 semaphore(%arg13 : memref<!tpu.dma_semaphore, #tpu.memory_space<semaphore_mem>>) src(%dma_wait3A_3195 : memref<2x8x128xf32, #tpu.memory_space<hbm>>) dst(%dma_wait3A_3192 : memref<2x8x128xf32, #tpu.memory_space<vmem>>)
      %dma_wait3A_3196 = arith.constant 3 : i32
      %dma_wait3A_3197 = arith.constant 0 : i32
      %dma_wait3A_3198 = arith.constant 0 : i32
      %dma_wait3A_3199 = arith.constant 0 : i32
      %dma_wait3A_3200 = tpu.memref_slice %arg10[%dma_wait3A_3196, %dma_wait3A_3197, %dma_wait3A_3198, %dma_wait3A_3199] : memref<8x4x8x128xf32, #tpu.memory_space<vmem>> -> memref<1x4x8x128xf32, #tpu.memory_space<vmem>>
      %dma_wait3A_3201 = tpu.memref_squeeze %dma_wait3A_3200 : memref<1x4x8x128xf32, #tpu.memory_space<vmem>> -> memref<4x8x128xf32, #tpu.memory_space<vmem>>
      %dma_wait3A_3202 = arith.constant 2 : i32
      %dma_wait3A_3203 = arith.constant 0 : i32
      %dma_wait3A_3204 = arith.constant 0 : i32
      %dma_wait3A_3205 = tpu.memref_slice %dma_wait3A_3201[%dma_wait3A_3202, %dma_wait3A_3203, %dma_wait3A_3204] : memref<4x8x128xf32, #tpu.memory_space<vmem>> -> memref<2x8x128xf32, #tpu.memory_space<vmem>>
      %dma_wait3A_3206 = arith.constant 2 : i32
      %dma_wait3A_3207 = arith.constant 0 : i32
      %dma_wait3A_3208 = tpu.memref_slice %arg5[%dma_wait3A_3206, %dma_wait3A_3207, %multiple_of3A_1772] : memref<4x8x1000000xf32, #tpu.memory_space<hbm>> -> memref<2x8x128xf32, #tpu.memory_space<hbm>>
      %dma_wait3A_3209 = arith.constant 0 : i32
      %dma_wait3A_3210 = arith.constant 0 : i32
      %dma_wait3A_3211 = arith.constant 0 : i32
      %dma_wait3A_3212 = tpu.memref_slice %arg10[%dma_wait3A_3196, %dma_wait3A_3209, %dma_wait3A_3210, %dma_wait3A_3211] : memref<8x4x8x128xf32, #tpu.memory_space<vmem>> -> memref<1x4x8x128xf32, #tpu.memory_space<vmem>>
      %dma_wait3A_3213 = tpu.memref_squeeze %dma_wait3A_3212 : memref<1x4x8x128xf32, #tpu.memory_space<vmem>> -> memref<4x8x128xf32, #tpu.memory_space<vmem>>
      %dma_wait3A_3214 = arith.constant 2 : i32
      %dma_wait3A_3215 = arith.constant 0 : i32
      %dma_wait3A_3216 = arith.constant 0 : i32
      %dma_wait3A_3217 = tpu.memref_slice %dma_wait3A_3213[%dma_wait3A_3214, %dma_wait3A_3215, %dma_wait3A_3216] : memref<4x8x128xf32, #tpu.memory_space<vmem>> -> memref<2x8x128xf32, #tpu.memory_space<vmem>>
      %dma_wait3A_3218 = arith.constant 2 : i32
      %dma_wait3A_3219 = arith.constant 0 : i32
      %dma_wait3A_3220 = tpu.memref_slice %arg5[%dma_wait3A_3218, %dma_wait3A_3219, %multiple_of3A_1772] : memref<4x8x1000000xf32, #tpu.memory_space<hbm>> -> memref<2x8x128xf32, #tpu.memory_space<hbm>>
      tpu.wait_dma2 semaphore(%arg13 : memref<!tpu.dma_semaphore, #tpu.memory_space<semaphore_mem>>) src(%dma_wait3A_3220 : memref<2x8x128xf32, #tpu.memory_space<hbm>>) dst(%dma_wait3A_3217 : memref<2x8x128xf32, #tpu.memory_space<vmem>>)
      %slice3A_3221 = vector.extract_strided_slice %get3A_18 {offsets = [8], sizes = [1], strides = [1]} : vector<16xi32> to vector<1xi32>
      %squeeze3A_3222 = vector.extract %slice3A_3221[0] : i32 from vector<1xi32>
      %and3A_3223 = arith.constant 127 : i32
      %and3A_3224 = arith.andi %squeeze3A_3222, %and3A_3223 : i32
      %broadcast_in_dim3A_3225 = vector.broadcast %and3A_3224 : i32 to vector<16xi32>
      %slice3A_3226 = vector.extract_strided_slice %get3A_20 {offsets = [8], sizes = [1], strides = [1]} : vector<16xi32> to vector<1xi32>
      %squeeze3A_3227 = vector.extract %slice3A_3226[0] : i32 from vector<1xi32>
      %and3A_3228 = arith.constant 127 : i32
      %and3A_3229 = arith.andi %squeeze3A_3227, %and3A_3228 : i32
      %broadcast_in_dim3A_3230 = vector.broadcast %and3A_3229 : i32 to vector<16xi32>
      %broadcast_in_dim3A_3231 = arith.constant 0 : i32
      %broadcast_in_dim3A_3232 = vector.broadcast %broadcast_in_dim3A_3231 : i32 to vector<16xi32>
      %gather3A_3233 = tpu.vector_load_idx %arg9[%broadcast_in_dim3A_3232, %shift_right_logical3A_4, %and3A_9, %broadcast_in_dim3A_3225] : memref<8x4x8x128xf32, #tpu.memory_space<vmem>>[vector<16xi32>, vector<16xi32>, vector<16xi32>, vector<16xi32>], vector<16xf32>,
      %gather3A_3234 = tpu.vector_load_idx %arg9[%broadcast_in_dim3A_3232, %add3A_7, %and3A_9, %broadcast_in_dim3A_3225] : memref<8x4x8x128xf32, #tpu.memory_space<vmem>>[vector<16xi32>, vector<16xi32>, vector<16xi32>, vector<16xi32>], vector<16xf32>,
      %gather3A_3235 = tpu.vector_load_idx %arg10[%broadcast_in_dim3A_3232, %shift_right_logical3A_4, %and3A_9, %broadcast_in_dim3A_3230] : memref<8x4x8x128xf32, #tpu.memory_space<vmem>>[vector<16xi32>, vector<16xi32>, vector<16xi32>, vector<16xi32>], vector<16xf32>,
      %gather3A_3236 = tpu.vector_load_idx %arg10[%broadcast_in_dim3A_3232, %add3A_7, %and3A_9, %broadcast_in_dim3A_3230] : memref<8x4x8x128xf32, #tpu.memory_space<vmem>>[vector<16xi32>, vector<16xi32>, vector<16xi32>, vector<16xi32>], vector<16xf32>,
      %mul3A_3237 = arith.mulf %gather3A_3233, %gather3A_3235 : vector<16xf32>
      %mul3A_3238 = arith.mulf %gather3A_3234, %gather3A_3236 : vector<16xf32>
      %add3A_3239 = arith.addf %mul3A_3237, %mul3A_3238 : vector<16xf32>
      %swap3A_3240 = arith.constant 8 : i32
      %swap3A_3241 = arith.index_cast %swap3A_3240 : i32 to index
      %swap3A_3242 = arith.constant 0 : index
      %swap3A_3243 = tpu.vector_load %arg11[%swap3A_3241, %swap3A_3242] {strides = array<i32>} : memref<16x16xf32, #tpu.memory_space<vmem>>, vector<16xf32>,
      tpu.vector_store %arg11[%swap3A_3241, %swap3A_3242], %add3A_3239 {strides = array<i32>} : memref<16x16xf32, #tpu.memory_space<vmem>>, vector<16xf32>,
      %slice3A_3244 = vector.extract_strided_slice %get3A_18 {offsets = [9], sizes = [1], strides = [1]} : vector<16xi32> to vector<1xi32>
      %squeeze3A_3245 = vector.extract %slice3A_3244[0] : i32 from vector<1xi32>
      %and3A_3246 = arith.constant 127 : i32
      %and3A_3247 = arith.andi %squeeze3A_3245, %and3A_3246 : i32
      %broadcast_in_dim3A_3248 = vector.broadcast %and3A_3247 : i32 to vector<16xi32>
      %slice3A_3249 = vector.extract_strided_slice %get3A_20 {offsets = [9], sizes = [1], strides = [1]} : vector<16xi32> to vector<1xi32>
      %squeeze3A_3250 = vector.extract %slice3A_3249[0] : i32 from vector<1xi32>
      %and3A_3251 = arith.constant 127 : i32
      %and3A_3252 = arith.andi %squeeze3A_3250, %and3A_3251 : i32
      %broadcast_in_dim3A_3253 = vector.broadcast %and3A_3252 : i32 to vector<16xi32>
      %broadcast_in_dim3A_3254 = arith.constant 1 : i32
      %broadcast_in_dim3A_3255 = vector.broadcast %broadcast_in_dim3A_3254 : i32 to vector<16xi32>
      %gather3A_3256 = tpu.vector_load_idx %arg9[%broadcast_in_dim3A_3255, %shift_right_logical3A_4, %and3A_9, %broadcast_in_dim3A_3248] : memref<8x4x8x128xf32, #tpu.memory_space<vmem>>[vector<16xi32>, vector<16xi32>, vector<16xi32>, vector<16xi32>], vector<16xf32>,
      %gather3A_3257 = tpu.vector_load_idx %arg9[%broadcast_in_dim3A_3255, %add3A_7, %and3A_9, %broadcast_in_dim3A_3248] : memref<8x4x8x128xf32, #tpu.memory_space<vmem>>[vector<16xi32>, vector<16xi32>, vector<16xi32>, vector<16xi32>], vector<16xf32>,
      %gather3A_3258 = tpu.vector_load_idx %arg10[%broadcast_in_dim3A_3255, %shift_right_logical3A_4, %and3A_9, %broadcast_in_dim3A_3253] : memref<8x4x8x128xf32, #tpu.memory_space<vmem>>[vector<16xi32>, vector<16xi32>, vector<16xi32>, vector<16xi32>], vector<16xf32>,
      %gather3A_3259 = tpu.vector_load_idx %arg10[%broadcast_in_dim3A_3255, %add3A_7, %and3A_9, %broadcast_in_dim3A_3253] : memref<8x4x8x128xf32, #tpu.memory_space<vmem>>[vector<16xi32>, vector<16xi32>, vector<16xi32>, vector<16xi32>], vector<16xf32>,
      %mul3A_3260 = arith.mulf %gather3A_3256, %gather3A_3258 : vector<16xf32>
      %mul3A_3261 = arith.mulf %gather3A_3257, %gather3A_3259 : vector<16xf32>
      %add3A_3262 = arith.addf %mul3A_3260, %mul3A_3261 : vector<16xf32>
      %swap3A_3263 = arith.constant 9 : i32
      %swap3A_3264 = arith.index_cast %swap3A_3263 : i32 to index
      %swap3A_3265 = arith.constant 0 : index
      %swap3A_3266 = tpu.vector_load %arg11[%swap3A_3264, %swap3A_3265] {strides = array<i32>} : memref<16x16xf32, #tpu.memory_space<vmem>>, vector<16xf32>,
      tpu.vector_store %arg11[%swap3A_3264, %swap3A_3265], %add3A_3262 {strides = array<i32>} : memref<16x16xf32, #tpu.memory_space<vmem>>, vector<16xf32>,
      %slice3A_3267 = vector.extract_strided_slice %get3A_18 {offsets = [10], sizes = [1], strides = [1]} : vector<16xi32> to vector<1xi32>
      %squeeze3A_3268 = vector.extract %slice3A_3267[0] : i32 from vector<1xi32>
      %and3A_3269 = arith.constant 127 : i32
      %and3A_3270 = arith.andi %squeeze3A_3268, %and3A_3269 : i32
      %broadcast_in_dim3A_3271 = vector.broadcast %and3A_3270 : i32 to vector<16xi32>
      %slice3A_3272 = vector.extract_strided_slice %get3A_20 {offsets = [10], sizes = [1], strides = [1]} : vector<16xi32> to vector<1xi32>
      %squeeze3A_3273 = vector.extract %slice3A_3272[0] : i32 from vector<1xi32>
      %and3A_3274 = arith.constant 127 : i32
      %and3A_3275 = arith.andi %squeeze3A_3273, %and3A_3274 : i32
      %broadcast_in_dim3A_3276 = vector.broadcast %and3A_3275 : i32 to vector<16xi32>
      %broadcast_in_dim3A_3277 = arith.constant 2 : i32
      %broadcast_in_dim3A_3278 = vector.broadcast %broadcast_in_dim3A_3277 : i32 to vector<16xi32>
      %gather3A_3279 = tpu.vector_load_idx %arg9[%broadcast_in_dim3A_3278, %shift_right_logical3A_4, %and3A_9, %broadcast_in_dim3A_3271] : memref<8x4x8x128xf32, #tpu.memory_space<vmem>>[vector<16xi32>, vector<16xi32>, vector<16xi32>, vector<16xi32>], vector<16xf32>,
      %gather3A_3280 = tpu.vector_load_idx %arg9[%broadcast_in_dim3A_3278, %add3A_7, %and3A_9, %broadcast_in_dim3A_3271] : memref<8x4x8x128xf32, #tpu.memory_space<vmem>>[vector<16xi32>, vector<16xi32>, vector<16xi32>, vector<16xi32>], vector<16xf32>,
      %gather3A_3281 = tpu.vector_load_idx %arg10[%broadcast_in_dim3A_3278, %shift_right_logical3A_4, %and3A_9, %broadcast_in_dim3A_3276] : memref<8x4x8x128xf32, #tpu.memory_space<vmem>>[vector<16xi32>, vector<16xi32>, vector<16xi32>, vector<16xi32>], vector<16xf32>,
      %gather3A_3282 = tpu.vector_load_idx %arg10[%broadcast_in_dim3A_3278, %add3A_7, %and3A_9, %broadcast_in_dim3A_3276] : memref<8x4x8x128xf32, #tpu.memory_space<vmem>>[vector<16xi32>, vector<16xi32>, vector<16xi32>, vector<16xi32>], vector<16xf32>,
      %mul3A_3283 = arith.mulf %gather3A_3279, %gather3A_3281 : vector<16xf32>
      %mul3A_3284 = arith.mulf %gather3A_3280, %gather3A_3282 : vector<16xf32>
      %add3A_3285 = arith.addf %mul3A_3283, %mul3A_3284 : vector<16xf32>
      %swap3A_3286 = arith.constant 10 : i32
      %swap3A_3287 = arith.index_cast %swap3A_3286 : i32 to index
      %swap3A_3288 = arith.constant 0 : index
      %swap3A_3289 = tpu.vector_load %arg11[%swap3A_3287, %swap3A_3288] {strides = array<i32>} : memref<16x16xf32, #tpu.memory_space<vmem>>, vector<16xf32>,
      tpu.vector_store %arg11[%swap3A_3287, %swap3A_3288], %add3A_3285 {strides = array<i32>} : memref<16x16xf32, #tpu.memory_space<vmem>>, vector<16xf32>,
      %slice3A_3290 = vector.extract_strided_slice %get3A_18 {offsets = [11], sizes = [1], strides = [1]} : vector<16xi32> to vector<1xi32>
      %squeeze3A_3291 = vector.extract %slice3A_3290[0] : i32 from vector<1xi32>
      %and3A_3292 = arith.constant 127 : i32
      %and3A_3293 = arith.andi %squeeze3A_3291, %and3A_3292 : i32
      %broadcast_in_dim3A_3294 = vector.broadcast %and3A_3293 : i32 to vector<16xi32>
      %slice3A_3295 = vector.extract_strided_slice %get3A_20 {offsets = [11], sizes = [1], strides = [1]} : vector<16xi32> to vector<1xi32>
      %squeeze3A_3296 = vector.extract %slice3A_3295[0] : i32 from vector<1xi32>
      %and3A_3297 = arith.constant 127 : i32
      %and3A_3298 = arith.andi %squeeze3A_3296, %and3A_3297 : i32
      %broadcast_in_dim3A_3299 = vector.broadcast %and3A_3298 : i32 to vector<16xi32>
      %broadcast_in_dim3A_3300 = arith.constant 3 : i32
      %broadcast_in_dim3A_3301 = vector.broadcast %broadcast_in_dim3A_3300 : i32 to vector<16xi32>
      %gather3A_3302 = tpu.vector_load_idx %arg9[%broadcast_in_dim3A_3301, %shift_right_logical3A_4, %and3A_9, %broadcast_in_dim3A_3294] : memref<8x4x8x128xf32, #tpu.memory_space<vmem>>[vector<16xi32>, vector<16xi32>, vector<16xi32>, vector<16xi32>], vector<16xf32>,
      %gather3A_3303 = tpu.vector_load_idx %arg9[%broadcast_in_dim3A_3301, %add3A_7, %and3A_9, %broadcast_in_dim3A_3294] : memref<8x4x8x128xf32, #tpu.memory_space<vmem>>[vector<16xi32>, vector<16xi32>, vector<16xi32>, vector<16xi32>], vector<16xf32>,
      %gather3A_3304 = tpu.vector_load_idx %arg10[%broadcast_in_dim3A_3301, %shift_right_logical3A_4, %and3A_9, %broadcast_in_dim3A_3299] : memref<8x4x8x128xf32, #tpu.memory_space<vmem>>[vector<16xi32>, vector<16xi32>, vector<16xi32>, vector<16xi32>], vector<16xf32>,
      %gather3A_3305 = tpu.vector_load_idx %arg10[%broadcast_in_dim3A_3301, %add3A_7, %and3A_9, %broadcast_in_dim3A_3299] : memref<8x4x8x128xf32, #tpu.memory_space<vmem>>[vector<16xi32>, vector<16xi32>, vector<16xi32>, vector<16xi32>], vector<16xf32>,
      %mul3A_3306 = arith.mulf %gather3A_3302, %gather3A_3304 : vector<16xf32>
      %mul3A_3307 = arith.mulf %gather3A_3303, %gather3A_3305 : vector<16xf32>
      %add3A_3308 = arith.addf %mul3A_3306, %mul3A_3307 : vector<16xf32>
      %swap3A_3309 = arith.constant 11 : i32
      %swap3A_3310 = arith.index_cast %swap3A_3309 : i32 to index
      %swap3A_3311 = arith.constant 0 : index
      %swap3A_3312 = tpu.vector_load %arg11[%swap3A_3310, %swap3A_3311] {strides = array<i32>} : memref<16x16xf32, #tpu.memory_space<vmem>>, vector<16xf32>,
      tpu.vector_store %arg11[%swap3A_3310, %swap3A_3311], %add3A_3308 {strides = array<i32>} : memref<16x16xf32, #tpu.memory_space<vmem>>, vector<16xf32>,
      %dma_wait3A_3313 = arith.constant 4 : i32
      %dma_wait3A_3314 = arith.constant 0 : i32
      %dma_wait3A_3315 = arith.constant 0 : i32
      %dma_wait3A_3316 = arith.constant 0 : i32
      %dma_wait3A_3317 = tpu.memref_slice %arg9[%dma_wait3A_3313, %dma_wait3A_3314, %dma_wait3A_3315, %dma_wait3A_3316] : memref<8x4x8x128xf32, #tpu.memory_space<vmem>> -> memref<1x4x8x128xf32, #tpu.memory_space<vmem>>
      %dma_wait3A_3318 = tpu.memref_squeeze %dma_wait3A_3317 : memref<1x4x8x128xf32, #tpu.memory_space<vmem>> -> memref<4x8x128xf32, #tpu.memory_space<vmem>>
      %dma_wait3A_3319 = arith.constant 0 : i32
      %dma_wait3A_3320 = arith.constant 0 : i32
      %dma_wait3A_3321 = arith.constant 0 : i32
      %dma_wait3A_3322 = tpu.memref_slice %dma_wait3A_3318[%dma_wait3A_3319, %dma_wait3A_3320, %dma_wait3A_3321] : memref<4x8x128xf32, #tpu.memory_space<vmem>> -> memref<2x8x128xf32, #tpu.memory_space<vmem>>
      %dma_wait3A_3323 = arith.constant 0 : i32
      %dma_wait3A_3324 = arith.constant 0 : i32
      %dma_wait3A_3325 = tpu.memref_slice %arg4[%dma_wait3A_3323, %dma_wait3A_3324, %multiple_of3A_2371] : memref<4x8x1000000xf32, #tpu.memory_space<hbm>> -> memref<2x8x128xf32, #tpu.memory_space<hbm>>
      %dma_wait3A_3326 = arith.constant 0 : i32
      %dma_wait3A_3327 = arith.constant 0 : i32
      %dma_wait3A_3328 = arith.constant 0 : i32
      %dma_wait3A_3329 = tpu.memref_slice %arg9[%dma_wait3A_3313, %dma_wait3A_3326, %dma_wait3A_3327, %dma_wait3A_3328] : memref<8x4x8x128xf32, #tpu.memory_space<vmem>> -> memref<1x4x8x128xf32, #tpu.memory_space<vmem>>
      %dma_wait3A_3330 = tpu.memref_squeeze %dma_wait3A_3329 : memref<1x4x8x128xf32, #tpu.memory_space<vmem>> -> memref<4x8x128xf32, #tpu.memory_space<vmem>>
      %dma_wait3A_3331 = arith.constant 0 : i32
      %dma_wait3A_3332 = arith.constant 0 : i32
      %dma_wait3A_3333 = arith.constant 0 : i32
      %dma_wait3A_3334 = tpu.memref_slice %dma_wait3A_3330[%dma_wait3A_3331, %dma_wait3A_3332, %dma_wait3A_3333] : memref<4x8x128xf32, #tpu.memory_space<vmem>> -> memref<2x8x128xf32, #tpu.memory_space<vmem>>
      %dma_wait3A_3335 = arith.constant 0 : i32
      %dma_wait3A_3336 = arith.constant 0 : i32
      %dma_wait3A_3337 = tpu.memref_slice %arg4[%dma_wait3A_3335, %dma_wait3A_3336, %multiple_of3A_2371] : memref<4x8x1000000xf32, #tpu.memory_space<hbm>> -> memref<2x8x128xf32, #tpu.memory_space<hbm>>
      tpu.wait_dma2 semaphore(%arg13 : memref<!tpu.dma_semaphore, #tpu.memory_space<semaphore_mem>>) src(%dma_wait3A_3337 : memref<2x8x128xf32, #tpu.memory_space<hbm>>) dst(%dma_wait3A_3334 : memref<2x8x128xf32, #tpu.memory_space<vmem>>)
      %dma_wait3A_3338 = arith.constant 4 : i32
      %dma_wait3A_3339 = arith.constant 0 : i32
      %dma_wait3A_3340 = arith.constant 0 : i32
      %dma_wait3A_3341 = arith.constant 0 : i32
      %dma_wait3A_3342 = tpu.memref_slice %arg10[%dma_wait3A_3338, %dma_wait3A_3339, %dma_wait3A_3340, %dma_wait3A_3341] : memref<8x4x8x128xf32, #tpu.memory_space<vmem>> -> memref<1x4x8x128xf32, #tpu.memory_space<vmem>>
      %dma_wait3A_3343 = tpu.memref_squeeze %dma_wait3A_3342 : memref<1x4x8x128xf32, #tpu.memory_space<vmem>> -> memref<4x8x128xf32, #tpu.memory_space<vmem>>
      %dma_wait3A_3344 = arith.constant 0 : i32
      %dma_wait3A_3345 = arith.constant 0 : i32
      %dma_wait3A_3346 = arith.constant 0 : i32
      %dma_wait3A_3347 = tpu.memref_slice %dma_wait3A_3343[%dma_wait3A_3344, %dma_wait3A_3345, %dma_wait3A_3346] : memref<4x8x128xf32, #tpu.memory_space<vmem>> -> memref<2x8x128xf32, #tpu.memory_space<vmem>>
      %dma_wait3A_3348 = arith.constant 0 : i32
      %dma_wait3A_3349 = arith.constant 0 : i32
      %dma_wait3A_3350 = tpu.memref_slice %arg5[%dma_wait3A_3348, %dma_wait3A_3349, %multiple_of3A_2378] : memref<4x8x1000000xf32, #tpu.memory_space<hbm>> -> memref<2x8x128xf32, #tpu.memory_space<hbm>>
      %dma_wait3A_3351 = arith.constant 0 : i32
      %dma_wait3A_3352 = arith.constant 0 : i32
      %dma_wait3A_3353 = arith.constant 0 : i32
      %dma_wait3A_3354 = tpu.memref_slice %arg10[%dma_wait3A_3338, %dma_wait3A_3351, %dma_wait3A_3352, %dma_wait3A_3353] : memref<8x4x8x128xf32, #tpu.memory_space<vmem>> -> memref<1x4x8x128xf32, #tpu.memory_space<vmem>>
      %dma_wait3A_3355 = tpu.memref_squeeze %dma_wait3A_3354 : memref<1x4x8x128xf32, #tpu.memory_space<vmem>> -> memref<4x8x128xf32, #tpu.memory_space<vmem>>
      %dma_wait3A_3356 = arith.constant 0 : i32
      %dma_wait3A_3357 = arith.constant 0 : i32
      %dma_wait3A_3358 = arith.constant 0 : i32
      %dma_wait3A_3359 = tpu.memref_slice %dma_wait3A_3355[%dma_wait3A_3356, %dma_wait3A_3357, %dma_wait3A_3358] : memref<4x8x128xf32, #tpu.memory_space<vmem>> -> memref<2x8x128xf32, #tpu.memory_space<vmem>>
      %dma_wait3A_3360 = arith.constant 0 : i32
      %dma_wait3A_3361 = arith.constant 0 : i32
      %dma_wait3A_3362 = tpu.memref_slice %arg5[%dma_wait3A_3360, %dma_wait3A_3361, %multiple_of3A_2378] : memref<4x8x1000000xf32, #tpu.memory_space<hbm>> -> memref<2x8x128xf32, #tpu.memory_space<hbm>>
      tpu.wait_dma2 semaphore(%arg13 : memref<!tpu.dma_semaphore, #tpu.memory_space<semaphore_mem>>) src(%dma_wait3A_3362 : memref<2x8x128xf32, #tpu.memory_space<hbm>>) dst(%dma_wait3A_3359 : memref<2x8x128xf32, #tpu.memory_space<vmem>>)
      %dma_wait3A_3363 = arith.constant 4 : i32
      %dma_wait3A_3364 = arith.constant 0 : i32
      %dma_wait3A_3365 = arith.constant 0 : i32
      %dma_wait3A_3366 = arith.constant 0 : i32
      %dma_wait3A_3367 = tpu.memref_slice %arg9[%dma_wait3A_3363, %dma_wait3A_3364, %dma_wait3A_3365, %dma_wait3A_3366] : memref<8x4x8x128xf32, #tpu.memory_space<vmem>> -> memref<1x4x8x128xf32, #tpu.memory_space<vmem>>
      %dma_wait3A_3368 = tpu.memref_squeeze %dma_wait3A_3367 : memref<1x4x8x128xf32, #tpu.memory_space<vmem>> -> memref<4x8x128xf32, #tpu.memory_space<vmem>>
      %dma_wait3A_3369 = arith.constant 2 : i32
      %dma_wait3A_3370 = arith.constant 0 : i32
      %dma_wait3A_3371 = arith.constant 0 : i32
      %dma_wait3A_3372 = tpu.memref_slice %dma_wait3A_3368[%dma_wait3A_3369, %dma_wait3A_3370, %dma_wait3A_3371] : memref<4x8x128xf32, #tpu.memory_space<vmem>> -> memref<2x8x128xf32, #tpu.memory_space<vmem>>
      %dma_wait3A_3373 = arith.constant 2 : i32
      %dma_wait3A_3374 = arith.constant 0 : i32
      %dma_wait3A_3375 = tpu.memref_slice %arg4[%dma_wait3A_3373, %dma_wait3A_3374, %multiple_of3A_2371] : memref<4x8x1000000xf32, #tpu.memory_space<hbm>> -> memref<2x8x128xf32, #tpu.memory_space<hbm>>
      %dma_wait3A_3376 = arith.constant 0 : i32
      %dma_wait3A_3377 = arith.constant 0 : i32
      %dma_wait3A_3378 = arith.constant 0 : i32
      %dma_wait3A_3379 = tpu.memref_slice %arg9[%dma_wait3A_3363, %dma_wait3A_3376, %dma_wait3A_3377, %dma_wait3A_3378] : memref<8x4x8x128xf32, #tpu.memory_space<vmem>> -> memref<1x4x8x128xf32, #tpu.memory_space<vmem>>
      %dma_wait3A_3380 = tpu.memref_squeeze %dma_wait3A_3379 : memref<1x4x8x128xf32, #tpu.memory_space<vmem>> -> memref<4x8x128xf32, #tpu.memory_space<vmem>>
      %dma_wait3A_3381 = arith.constant 2 : i32
      %dma_wait3A_3382 = arith.constant 0 : i32
      %dma_wait3A_3383 = arith.constant 0 : i32
      %dma_wait3A_3384 = tpu.memref_slice %dma_wait3A_3380[%dma_wait3A_3381, %dma_wait3A_3382, %dma_wait3A_3383] : memref<4x8x128xf32, #tpu.memory_space<vmem>> -> memref<2x8x128xf32, #tpu.memory_space<vmem>>
      %dma_wait3A_3385 = arith.constant 2 : i32
      %dma_wait3A_3386 = arith.constant 0 : i32
      %dma_wait3A_3387 = tpu.memref_slice %arg4[%dma_wait3A_3385, %dma_wait3A_3386, %multiple_of3A_2371] : memref<4x8x1000000xf32, #tpu.memory_space<hbm>> -> memref<2x8x128xf32, #tpu.memory_space<hbm>>
      tpu.wait_dma2 semaphore(%arg13 : memref<!tpu.dma_semaphore, #tpu.memory_space<semaphore_mem>>) src(%dma_wait3A_3387 : memref<2x8x128xf32, #tpu.memory_space<hbm>>) dst(%dma_wait3A_3384 : memref<2x8x128xf32, #tpu.memory_space<vmem>>)
      %dma_wait3A_3388 = arith.constant 4 : i32
      %dma_wait3A_3389 = arith.constant 0 : i32
      %dma_wait3A_3390 = arith.constant 0 : i32
      %dma_wait3A_3391 = arith.constant 0 : i32
      %dma_wait3A_3392 = tpu.memref_slice %arg10[%dma_wait3A_3388, %dma_wait3A_3389, %dma_wait3A_3390, %dma_wait3A_3391] : memref<8x4x8x128xf32, #tpu.memory_space<vmem>> -> memref<1x4x8x128xf32, #tpu.memory_space<vmem>>
      %dma_wait3A_3393 = tpu.memref_squeeze %dma_wait3A_3392 : memref<1x4x8x128xf32, #tpu.memory_space<vmem>> -> memref<4x8x128xf32, #tpu.memory_space<vmem>>
      %dma_wait3A_3394 = arith.constant 2 : i32
      %dma_wait3A_3395 = arith.constant 0 : i32
      %dma_wait3A_3396 = arith.constant 0 : i32
      %dma_wait3A_3397 = tpu.memref_slice %dma_wait3A_3393[%dma_wait3A_3394, %dma_wait3A_3395, %dma_wait3A_3396] : memref<4x8x128xf32, #tpu.memory_space<vmem>> -> memref<2x8x128xf32, #tpu.memory_space<vmem>>
      %dma_wait3A_3398 = arith.constant 2 : i32
      %dma_wait3A_3399 = arith.constant 0 : i32
      %dma_wait3A_3400 = tpu.memref_slice %arg5[%dma_wait3A_3398, %dma_wait3A_3399, %multiple_of3A_2378] : memref<4x8x1000000xf32, #tpu.memory_space<hbm>> -> memref<2x8x128xf32, #tpu.memory_space<hbm>>
      %dma_wait3A_3401 = arith.constant 0 : i32
      %dma_wait3A_3402 = arith.constant 0 : i32
      %dma_wait3A_3403 = arith.constant 0 : i32
      %dma_wait3A_3404 = tpu.memref_slice %arg10[%dma_wait3A_3388, %dma_wait3A_3401, %dma_wait3A_3402, %dma_wait3A_3403] : memref<8x4x8x128xf32, #tpu.memory_space<vmem>> -> memref<1x4x8x128xf32, #tpu.memory_space<vmem>>
      %dma_wait3A_3405 = tpu.memref_squeeze %dma_wait3A_3404 : memref<1x4x8x128xf32, #tpu.memory_space<vmem>> -> memref<4x8x128xf32, #tpu.memory_space<vmem>>
      %dma_wait3A_3406 = arith.constant 2 : i32
      %dma_wait3A_3407 = arith.constant 0 : i32
      %dma_wait3A_3408 = arith.constant 0 : i32
      %dma_wait3A_3409 = tpu.memref_slice %dma_wait3A_3405[%dma_wait3A_3406, %dma_wait3A_3407, %dma_wait3A_3408] : memref<4x8x128xf32, #tpu.memory_space<vmem>> -> memref<2x8x128xf32, #tpu.memory_space<vmem>>
      %dma_wait3A_3410 = arith.constant 2 : i32
      %dma_wait3A_3411 = arith.constant 0 : i32
      %dma_wait3A_3412 = tpu.memref_slice %arg5[%dma_wait3A_3410, %dma_wait3A_3411, %multiple_of3A_2378] : memref<4x8x1000000xf32, #tpu.memory_space<hbm>> -> memref<2x8x128xf32, #tpu.memory_space<hbm>>
      tpu.wait_dma2 semaphore(%arg13 : memref<!tpu.dma_semaphore, #tpu.memory_space<semaphore_mem>>) src(%dma_wait3A_3412 : memref<2x8x128xf32, #tpu.memory_space<hbm>>) dst(%dma_wait3A_3409 : memref<2x8x128xf32, #tpu.memory_space<vmem>>)
      %dma_wait3A_3413 = arith.constant 5 : i32
      %dma_wait3A_3414 = arith.constant 0 : i32
      %dma_wait3A_3415 = arith.constant 0 : i32
      %dma_wait3A_3416 = arith.constant 0 : i32
      %dma_wait3A_3417 = tpu.memref_slice %arg9[%dma_wait3A_3413, %dma_wait3A_3414, %dma_wait3A_3415, %dma_wait3A_3416] : memref<8x4x8x128xf32, #tpu.memory_space<vmem>> -> memref<1x4x8x128xf32, #tpu.memory_space<vmem>>
      %dma_wait3A_3418 = tpu.memref_squeeze %dma_wait3A_3417 : memref<1x4x8x128xf32, #tpu.memory_space<vmem>> -> memref<4x8x128xf32, #tpu.memory_space<vmem>>
      %dma_wait3A_3419 = arith.constant 0 : i32
      %dma_wait3A_3420 = arith.constant 0 : i32
      %dma_wait3A_3421 = arith.constant 0 : i32
      %dma_wait3A_3422 = tpu.memref_slice %dma_wait3A_3418[%dma_wait3A_3419, %dma_wait3A_3420, %dma_wait3A_3421] : memref<4x8x128xf32, #tpu.memory_space<vmem>> -> memref<2x8x128xf32, #tpu.memory_space<vmem>>
      %dma_wait3A_3423 = arith.constant 0 : i32
      %dma_wait3A_3424 = arith.constant 0 : i32
      %dma_wait3A_3425 = tpu.memref_slice %arg4[%dma_wait3A_3423, %dma_wait3A_3424, %multiple_of3A_2485] : memref<4x8x1000000xf32, #tpu.memory_space<hbm>> -> memref<2x8x128xf32, #tpu.memory_space<hbm>>
      %dma_wait3A_3426 = arith.constant 0 : i32
      %dma_wait3A_3427 = arith.constant 0 : i32
      %dma_wait3A_3428 = arith.constant 0 : i32
      %dma_wait3A_3429 = tpu.memref_slice %arg9[%dma_wait3A_3413, %dma_wait3A_3426, %dma_wait3A_3427, %dma_wait3A_3428] : memref<8x4x8x128xf32, #tpu.memory_space<vmem>> -> memref<1x4x8x128xf32, #tpu.memory_space<vmem>>
      %dma_wait3A_3430 = tpu.memref_squeeze %dma_wait3A_3429 : memref<1x4x8x128xf32, #tpu.memory_space<vmem>> -> memref<4x8x128xf32, #tpu.memory_space<vmem>>
      %dma_wait3A_3431 = arith.constant 0 : i32
      %dma_wait3A_3432 = arith.constant 0 : i32
      %dma_wait3A_3433 = arith.constant 0 : i32
      %dma_wait3A_3434 = tpu.memref_slice %dma_wait3A_3430[%dma_wait3A_3431, %dma_wait3A_3432, %dma_wait3A_3433] : memref<4x8x128xf32, #tpu.memory_space<vmem>> -> memref<2x8x128xf32, #tpu.memory_space<vmem>>
      %dma_wait3A_3435 = arith.constant 0 : i32
      %dma_wait3A_3436 = arith.constant 0 : i32
      %dma_wait3A_3437 = tpu.memref_slice %arg4[%dma_wait3A_3435, %dma_wait3A_3436, %multiple_of3A_2485] : memref<4x8x1000000xf32, #tpu.memory_space<hbm>> -> memref<2x8x128xf32, #tpu.memory_space<hbm>>
      tpu.wait_dma2 semaphore(%arg13 : memref<!tpu.dma_semaphore, #tpu.memory_space<semaphore_mem>>) src(%dma_wait3A_3437 : memref<2x8x128xf32, #tpu.memory_space<hbm>>) dst(%dma_wait3A_3434 : memref<2x8x128xf32, #tpu.memory_space<vmem>>)
      %dma_wait3A_3438 = arith.constant 5 : i32
      %dma_wait3A_3439 = arith.constant 0 : i32
      %dma_wait3A_3440 = arith.constant 0 : i32
      %dma_wait3A_3441 = arith.constant 0 : i32
      %dma_wait3A_3442 = tpu.memref_slice %arg10[%dma_wait3A_3438, %dma_wait3A_3439, %dma_wait3A_3440, %dma_wait3A_3441] : memref<8x4x8x128xf32, #tpu.memory_space<vmem>> -> memref<1x4x8x128xf32, #tpu.memory_space<vmem>>
      %dma_wait3A_3443 = tpu.memref_squeeze %dma_wait3A_3442 : memref<1x4x8x128xf32, #tpu.memory_space<vmem>> -> memref<4x8x128xf32, #tpu.memory_space<vmem>>
      %dma_wait3A_3444 = arith.constant 0 : i32
      %dma_wait3A_3445 = arith.constant 0 : i32
      %dma_wait3A_3446 = arith.constant 0 : i32
      %dma_wait3A_3447 = tpu.memref_slice %dma_wait3A_3443[%dma_wait3A_3444, %dma_wait3A_3445, %dma_wait3A_3446] : memref<4x8x128xf32, #tpu.memory_space<vmem>> -> memref<2x8x128xf32, #tpu.memory_space<vmem>>
      %dma_wait3A_3448 = arith.constant 0 : i32
      %dma_wait3A_3449 = arith.constant 0 : i32
      %dma_wait3A_3450 = tpu.memref_slice %arg5[%dma_wait3A_3448, %dma_wait3A_3449, %multiple_of3A_2492] : memref<4x8x1000000xf32, #tpu.memory_space<hbm>> -> memref<2x8x128xf32, #tpu.memory_space<hbm>>
      %dma_wait3A_3451 = arith.constant 0 : i32
      %dma_wait3A_3452 = arith.constant 0 : i32
      %dma_wait3A_3453 = arith.constant 0 : i32
      %dma_wait3A_3454 = tpu.memref_slice %arg10[%dma_wait3A_3438, %dma_wait3A_3451, %dma_wait3A_3452, %dma_wait3A_3453] : memref<8x4x8x128xf32, #tpu.memory_space<vmem>> -> memref<1x4x8x128xf32, #tpu.memory_space<vmem>>
      %dma_wait3A_3455 = tpu.memref_squeeze %dma_wait3A_3454 : memref<1x4x8x128xf32, #tpu.memory_space<vmem>> -> memref<4x8x128xf32, #tpu.memory_space<vmem>>
      %dma_wait3A_3456 = arith.constant 0 : i32
      %dma_wait3A_3457 = arith.constant 0 : i32
      %dma_wait3A_3458 = arith.constant 0 : i32
      %dma_wait3A_3459 = tpu.memref_slice %dma_wait3A_3455[%dma_wait3A_3456, %dma_wait3A_3457, %dma_wait3A_3458] : memref<4x8x128xf32, #tpu.memory_space<vmem>> -> memref<2x8x128xf32, #tpu.memory_space<vmem>>
      %dma_wait3A_3460 = arith.constant 0 : i32
      %dma_wait3A_3461 = arith.constant 0 : i32
      %dma_wait3A_3462 = tpu.memref_slice %arg5[%dma_wait3A_3460, %dma_wait3A_3461, %multiple_of3A_2492] : memref<4x8x1000000xf32, #tpu.memory_space<hbm>> -> memref<2x8x128xf32, #tpu.memory_space<hbm>>
      tpu.wait_dma2 semaphore(%arg13 : memref<!tpu.dma_semaphore, #tpu.memory_space<semaphore_mem>>) src(%dma_wait3A_3462 : memref<2x8x128xf32, #tpu.memory_space<hbm>>) dst(%dma_wait3A_3459 : memref<2x8x128xf32, #tpu.memory_space<vmem>>)
      %dma_wait3A_3463 = arith.constant 5 : i32
      %dma_wait3A_3464 = arith.constant 0 : i32
      %dma_wait3A_3465 = arith.constant 0 : i32
      %dma_wait3A_3466 = arith.constant 0 : i32
      %dma_wait3A_3467 = tpu.memref_slice %arg9[%dma_wait3A_3463, %dma_wait3A_3464, %dma_wait3A_3465, %dma_wait3A_3466] : memref<8x4x8x128xf32, #tpu.memory_space<vmem>> -> memref<1x4x8x128xf32, #tpu.memory_space<vmem>>
      %dma_wait3A_3468 = tpu.memref_squeeze %dma_wait3A_3467 : memref<1x4x8x128xf32, #tpu.memory_space<vmem>> -> memref<4x8x128xf32, #tpu.memory_space<vmem>>
      %dma_wait3A_3469 = arith.constant 2 : i32
      %dma_wait3A_3470 = arith.constant 0 : i32
      %dma_wait3A_3471 = arith.constant 0 : i32
      %dma_wait3A_3472 = tpu.memref_slice %dma_wait3A_3468[%dma_wait3A_3469, %dma_wait3A_3470, %dma_wait3A_3471] : memref<4x8x128xf32, #tpu.memory_space<vmem>> -> memref<2x8x128xf32, #tpu.memory_space<vmem>>
      %dma_wait3A_3473 = arith.constant 2 : i32
      %dma_wait3A_3474 = arith.constant 0 : i32
      %dma_wait3A_3475 = tpu.memref_slice %arg4[%dma_wait3A_3473, %dma_wait3A_3474, %multiple_of3A_2485] : memref<4x8x1000000xf32, #tpu.memory_space<hbm>> -> memref<2x8x128xf32, #tpu.memory_space<hbm>>
      %dma_wait3A_3476 = arith.constant 0 : i32
      %dma_wait3A_3477 = arith.constant 0 : i32
      %dma_wait3A_3478 = arith.constant 0 : i32
      %dma_wait3A_3479 = tpu.memref_slice %arg9[%dma_wait3A_3463, %dma_wait3A_3476, %dma_wait3A_3477, %dma_wait3A_3478] : memref<8x4x8x128xf32, #tpu.memory_space<vmem>> -> memref<1x4x8x128xf32, #tpu.memory_space<vmem>>
      %dma_wait3A_3480 = tpu.memref_squeeze %dma_wait3A_3479 : memref<1x4x8x128xf32, #tpu.memory_space<vmem>> -> memref<4x8x128xf32, #tpu.memory_space<vmem>>
      %dma_wait3A_3481 = arith.constant 2 : i32
      %dma_wait3A_3482 = arith.constant 0 : i32
      %dma_wait3A_3483 = arith.constant 0 : i32
      %dma_wait3A_3484 = tpu.memref_slice %dma_wait3A_3480[%dma_wait3A_3481, %dma_wait3A_3482, %dma_wait3A_3483] : memref<4x8x128xf32, #tpu.memory_space<vmem>> -> memref<2x8x128xf32, #tpu.memory_space<vmem>>
      %dma_wait3A_3485 = arith.constant 2 : i32
      %dma_wait3A_3486 = arith.constant 0 : i32
      %dma_wait3A_3487 = tpu.memref_slice %arg4[%dma_wait3A_3485, %dma_wait3A_3486, %multiple_of3A_2485] : memref<4x8x1000000xf32, #tpu.memory_space<hbm>> -> memref<2x8x128xf32, #tpu.memory_space<hbm>>
      tpu.wait_dma2 semaphore(%arg13 : memref<!tpu.dma_semaphore, #tpu.memory_space<semaphore_mem>>) src(%dma_wait3A_3487 : memref<2x8x128xf32, #tpu.memory_space<hbm>>) dst(%dma_wait3A_3484 : memref<2x8x128xf32, #tpu.memory_space<vmem>>)
      %dma_wait3A_3488 = arith.constant 5 : i32
      %dma_wait3A_3489 = arith.constant 0 : i32
      %dma_wait3A_3490 = arith.constant 0 : i32
      %dma_wait3A_3491 = arith.constant 0 : i32
      %dma_wait3A_3492 = tpu.memref_slice %arg10[%dma_wait3A_3488, %dma_wait3A_3489, %dma_wait3A_3490, %dma_wait3A_3491] : memref<8x4x8x128xf32, #tpu.memory_space<vmem>> -> memref<1x4x8x128xf32, #tpu.memory_space<vmem>>
      %dma_wait3A_3493 = tpu.memref_squeeze %dma_wait3A_3492 : memref<1x4x8x128xf32, #tpu.memory_space<vmem>> -> memref<4x8x128xf32, #tpu.memory_space<vmem>>
      %dma_wait3A_3494 = arith.constant 2 : i32
      %dma_wait3A_3495 = arith.constant 0 : i32
      %dma_wait3A_3496 = arith.constant 0 : i32
      %dma_wait3A_3497 = tpu.memref_slice %dma_wait3A_3493[%dma_wait3A_3494, %dma_wait3A_3495, %dma_wait3A_3496] : memref<4x8x128xf32, #tpu.memory_space<vmem>> -> memref<2x8x128xf32, #tpu.memory_space<vmem>>
      %dma_wait3A_3498 = arith.constant 2 : i32
      %dma_wait3A_3499 = arith.constant 0 : i32
      %dma_wait3A_3500 = tpu.memref_slice %arg5[%dma_wait3A_3498, %dma_wait3A_3499, %multiple_of3A_2492] : memref<4x8x1000000xf32, #tpu.memory_space<hbm>> -> memref<2x8x128xf32, #tpu.memory_space<hbm>>
      %dma_wait3A_3501 = arith.constant 0 : i32
      %dma_wait3A_3502 = arith.constant 0 : i32
      %dma_wait3A_3503 = arith.constant 0 : i32
      %dma_wait3A_3504 = tpu.memref_slice %arg10[%dma_wait3A_3488, %dma_wait3A_3501, %dma_wait3A_3502, %dma_wait3A_3503] : memref<8x4x8x128xf32, #tpu.memory_space<vmem>> -> memref<1x4x8x128xf32, #tpu.memory_space<vmem>>
      %dma_wait3A_3505 = tpu.memref_squeeze %dma_wait3A_3504 : memref<1x4x8x128xf32, #tpu.memory_space<vmem>> -> memref<4x8x128xf32, #tpu.memory_space<vmem>>
      %dma_wait3A_3506 = arith.constant 2 : i32
      %dma_wait3A_3507 = arith.constant 0 : i32
      %dma_wait3A_3508 = arith.constant 0 : i32
      %dma_wait3A_3509 = tpu.memref_slice %dma_wait3A_3505[%dma_wait3A_3506, %dma_wait3A_3507, %dma_wait3A_3508] : memref<4x8x128xf32, #tpu.memory_space<vmem>> -> memref<2x8x128xf32, #tpu.memory_space<vmem>>
      %dma_wait3A_3510 = arith.constant 2 : i32
      %dma_wait3A_3511 = arith.constant 0 : i32
      %dma_wait3A_3512 = tpu.memref_slice %arg5[%dma_wait3A_3510, %dma_wait3A_3511, %multiple_of3A_2492] : memref<4x8x1000000xf32, #tpu.memory_space<hbm>> -> memref<2x8x128xf32, #tpu.memory_space<hbm>>
      tpu.wait_dma2 semaphore(%arg13 : memref<!tpu.dma_semaphore, #tpu.memory_space<semaphore_mem>>) src(%dma_wait3A_3512 : memref<2x8x128xf32, #tpu.memory_space<hbm>>) dst(%dma_wait3A_3509 : memref<2x8x128xf32, #tpu.memory_space<vmem>>)
      %dma_wait3A_3513 = arith.constant 6 : i32
      %dma_wait3A_3514 = arith.constant 0 : i32
      %dma_wait3A_3515 = arith.constant 0 : i32
      %dma_wait3A_3516 = arith.constant 0 : i32
      %dma_wait3A_3517 = tpu.memref_slice %arg9[%dma_wait3A_3513, %dma_wait3A_3514, %dma_wait3A_3515, %dma_wait3A_3516] : memref<8x4x8x128xf32, #tpu.memory_space<vmem>> -> memref<1x4x8x128xf32, #tpu.memory_space<vmem>>
      %dma_wait3A_3518 = tpu.memref_squeeze %dma_wait3A_3517 : memref<1x4x8x128xf32, #tpu.memory_space<vmem>> -> memref<4x8x128xf32, #tpu.memory_space<vmem>>
      %dma_wait3A_3519 = arith.constant 0 : i32
      %dma_wait3A_3520 = arith.constant 0 : i32
      %dma_wait3A_3521 = arith.constant 0 : i32
      %dma_wait3A_3522 = tpu.memref_slice %dma_wait3A_3518[%dma_wait3A_3519, %dma_wait3A_3520, %dma_wait3A_3521] : memref<4x8x128xf32, #tpu.memory_space<vmem>> -> memref<2x8x128xf32, #tpu.memory_space<vmem>>
      %dma_wait3A_3523 = arith.constant 0 : i32
      %dma_wait3A_3524 = arith.constant 0 : i32
      %dma_wait3A_3525 = tpu.memref_slice %arg4[%dma_wait3A_3523, %dma_wait3A_3524, %multiple_of3A_2599] : memref<4x8x1000000xf32, #tpu.memory_space<hbm>> -> memref<2x8x128xf32, #tpu.memory_space<hbm>>
      %dma_wait3A_3526 = arith.constant 0 : i32
      %dma_wait3A_3527 = arith.constant 0 : i32
      %dma_wait3A_3528 = arith.constant 0 : i32
      %dma_wait3A_3529 = tpu.memref_slice %arg9[%dma_wait3A_3513, %dma_wait3A_3526, %dma_wait3A_3527, %dma_wait3A_3528] : memref<8x4x8x128xf32, #tpu.memory_space<vmem>> -> memref<1x4x8x128xf32, #tpu.memory_space<vmem>>
      %dma_wait3A_3530 = tpu.memref_squeeze %dma_wait3A_3529 : memref<1x4x8x128xf32, #tpu.memory_space<vmem>> -> memref<4x8x128xf32, #tpu.memory_space<vmem>>
      %dma_wait3A_3531 = arith.constant 0 : i32
      %dma_wait3A_3532 = arith.constant 0 : i32
      %dma_wait3A_3533 = arith.constant 0 : i32
      %dma_wait3A_3534 = tpu.memref_slice %dma_wait3A_3530[%dma_wait3A_3531, %dma_wait3A_3532, %dma_wait3A_3533] : memref<4x8x128xf32, #tpu.memory_space<vmem>> -> memref<2x8x128xf32, #tpu.memory_space<vmem>>
      %dma_wait3A_3535 = arith.constant 0 : i32
      %dma_wait3A_3536 = arith.constant 0 : i32
      %dma_wait3A_3537 = tpu.memref_slice %arg4[%dma_wait3A_3535, %dma_wait3A_3536, %multiple_of3A_2599] : memref<4x8x1000000xf32, #tpu.memory_space<hbm>> -> memref<2x8x128xf32, #tpu.memory_space<hbm>>
      tpu.wait_dma2 semaphore(%arg13 : memref<!tpu.dma_semaphore, #tpu.memory_space<semaphore_mem>>) src(%dma_wait3A_3537 : memref<2x8x128xf32, #tpu.memory_space<hbm>>) dst(%dma_wait3A_3534 : memref<2x8x128xf32, #tpu.memory_space<vmem>>)
      %dma_wait3A_3538 = arith.constant 6 : i32
      %dma_wait3A_3539 = arith.constant 0 : i32
      %dma_wait3A_3540 = arith.constant 0 : i32
      %dma_wait3A_3541 = arith.constant 0 : i32
      %dma_wait3A_3542 = tpu.memref_slice %arg10[%dma_wait3A_3538, %dma_wait3A_3539, %dma_wait3A_3540, %dma_wait3A_3541] : memref<8x4x8x128xf32, #tpu.memory_space<vmem>> -> memref<1x4x8x128xf32, #tpu.memory_space<vmem>>
      %dma_wait3A_3543 = tpu.memref_squeeze %dma_wait3A_3542 : memref<1x4x8x128xf32, #tpu.memory_space<vmem>> -> memref<4x8x128xf32, #tpu.memory_space<vmem>>
      %dma_wait3A_3544 = arith.constant 0 : i32
      %dma_wait3A_3545 = arith.constant 0 : i32
      %dma_wait3A_3546 = arith.constant 0 : i32
      %dma_wait3A_3547 = tpu.memref_slice %dma_wait3A_3543[%dma_wait3A_3544, %dma_wait3A_3545, %dma_wait3A_3546] : memref<4x8x128xf32, #tpu.memory_space<vmem>> -> memref<2x8x128xf32, #tpu.memory_space<vmem>>
      %dma_wait3A_3548 = arith.constant 0 : i32
      %dma_wait3A_3549 = arith.constant 0 : i32
      %dma_wait3A_3550 = tpu.memref_slice %arg5[%dma_wait3A_3548, %dma_wait3A_3549, %multiple_of3A_2606] : memref<4x8x1000000xf32, #tpu.memory_space<hbm>> -> memref<2x8x128xf32, #tpu.memory_space<hbm>>
      %dma_wait3A_3551 = arith.constant 0 : i32
      %dma_wait3A_3552 = arith.constant 0 : i32
      %dma_wait3A_3553 = arith.constant 0 : i32
      %dma_wait3A_3554 = tpu.memref_slice %arg10[%dma_wait3A_3538, %dma_wait3A_3551, %dma_wait3A_3552, %dma_wait3A_3553] : memref<8x4x8x128xf32, #tpu.memory_space<vmem>> -> memref<1x4x8x128xf32, #tpu.memory_space<vmem>>
      %dma_wait3A_3555 = tpu.memref_squeeze %dma_wait3A_3554 : memref<1x4x8x128xf32, #tpu.memory_space<vmem>> -> memref<4x8x128xf32, #tpu.memory_space<vmem>>
      %dma_wait3A_3556 = arith.constant 0 : i32
      %dma_wait3A_3557 = arith.constant 0 : i32
      %dma_wait3A_3558 = arith.constant 0 : i32
      %dma_wait3A_3559 = tpu.memref_slice %dma_wait3A_3555[%dma_wait3A_3556, %dma_wait3A_3557, %dma_wait3A_3558] : memref<4x8x128xf32, #tpu.memory_space<vmem>> -> memref<2x8x128xf32, #tpu.memory_space<vmem>>
      %dma_wait3A_3560 = arith.constant 0 : i32
      %dma_wait3A_3561 = arith.constant 0 : i32
      %dma_wait3A_3562 = tpu.memref_slice %arg5[%dma_wait3A_3560, %dma_wait3A_3561, %multiple_of3A_2606] : memref<4x8x1000000xf32, #tpu.memory_space<hbm>> -> memref<2x8x128xf32, #tpu.memory_space<hbm>>
      tpu.wait_dma2 semaphore(%arg13 : memref<!tpu.dma_semaphore, #tpu.memory_space<semaphore_mem>>) src(%dma_wait3A_3562 : memref<2x8x128xf32, #tpu.memory_space<hbm>>) dst(%dma_wait3A_3559 : memref<2x8x128xf32, #tpu.memory_space<vmem>>)
      %dma_wait3A_3563 = arith.constant 6 : i32
      %dma_wait3A_3564 = arith.constant 0 : i32
      %dma_wait3A_3565 = arith.constant 0 : i32
      %dma_wait3A_3566 = arith.constant 0 : i32
      %dma_wait3A_3567 = tpu.memref_slice %arg9[%dma_wait3A_3563, %dma_wait3A_3564, %dma_wait3A_3565, %dma_wait3A_3566] : memref<8x4x8x128xf32, #tpu.memory_space<vmem>> -> memref<1x4x8x128xf32, #tpu.memory_space<vmem>>
      %dma_wait3A_3568 = tpu.memref_squeeze %dma_wait3A_3567 : memref<1x4x8x128xf32, #tpu.memory_space<vmem>> -> memref<4x8x128xf32, #tpu.memory_space<vmem>>
      %dma_wait3A_3569 = arith.constant 2 : i32
      %dma_wait3A_3570 = arith.constant 0 : i32
      %dma_wait3A_3571 = arith.constant 0 : i32
      %dma_wait3A_3572 = tpu.memref_slice %dma_wait3A_3568[%dma_wait3A_3569, %dma_wait3A_3570, %dma_wait3A_3571] : memref<4x8x128xf32, #tpu.memory_space<vmem>> -> memref<2x8x128xf32, #tpu.memory_space<vmem>>
      %dma_wait3A_3573 = arith.constant 2 : i32
      %dma_wait3A_3574 = arith.constant 0 : i32
      %dma_wait3A_3575 = tpu.memref_slice %arg4[%dma_wait3A_3573, %dma_wait3A_3574, %multiple_of3A_2599] : memref<4x8x1000000xf32, #tpu.memory_space<hbm>> -> memref<2x8x128xf32, #tpu.memory_space<hbm>>
      %dma_wait3A_3576 = arith.constant 0 : i32
      %dma_wait3A_3577 = arith.constant 0 : i32
      %dma_wait3A_3578 = arith.constant 0 : i32
      %dma_wait3A_3579 = tpu.memref_slice %arg9[%dma_wait3A_3563, %dma_wait3A_3576, %dma_wait3A_3577, %dma_wait3A_3578] : memref<8x4x8x128xf32, #tpu.memory_space<vmem>> -> memref<1x4x8x128xf32, #tpu.memory_space<vmem>>
      %dma_wait3A_3580 = tpu.memref_squeeze %dma_wait3A_3579 : memref<1x4x8x128xf32, #tpu.memory_space<vmem>> -> memref<4x8x128xf32, #tpu.memory_space<vmem>>
      %dma_wait3A_3581 = arith.constant 2 : i32
      %dma_wait3A_3582 = arith.constant 0 : i32
      %dma_wait3A_3583 = arith.constant 0 : i32
      %dma_wait3A_3584 = tpu.memref_slice %dma_wait3A_3580[%dma_wait3A_3581, %dma_wait3A_3582, %dma_wait3A_3583] : memref<4x8x128xf32, #tpu.memory_space<vmem>> -> memref<2x8x128xf32, #tpu.memory_space<vmem>>
      %dma_wait3A_3585 = arith.constant 2 : i32
      %dma_wait3A_3586 = arith.constant 0 : i32
      %dma_wait3A_3587 = tpu.memref_slice %arg4[%dma_wait3A_3585, %dma_wait3A_3586, %multiple_of3A_2599] : memref<4x8x1000000xf32, #tpu.memory_space<hbm>> -> memref<2x8x128xf32, #tpu.memory_space<hbm>>
      tpu.wait_dma2 semaphore(%arg13 : memref<!tpu.dma_semaphore, #tpu.memory_space<semaphore_mem>>) src(%dma_wait3A_3587 : memref<2x8x128xf32, #tpu.memory_space<hbm>>) dst(%dma_wait3A_3584 : memref<2x8x128xf32, #tpu.memory_space<vmem>>)
      %dma_wait3A_3588 = arith.constant 6 : i32
      %dma_wait3A_3589 = arith.constant 0 : i32
      %dma_wait3A_3590 = arith.constant 0 : i32
      %dma_wait3A_3591 = arith.constant 0 : i32
      %dma_wait3A_3592 = tpu.memref_slice %arg10[%dma_wait3A_3588, %dma_wait3A_3589, %dma_wait3A_3590, %dma_wait3A_3591] : memref<8x4x8x128xf32, #tpu.memory_space<vmem>> -> memref<1x4x8x128xf32, #tpu.memory_space<vmem>>
      %dma_wait3A_3593 = tpu.memref_squeeze %dma_wait3A_3592 : memref<1x4x8x128xf32, #tpu.memory_space<vmem>> -> memref<4x8x128xf32, #tpu.memory_space<vmem>>
      %dma_wait3A_3594 = arith.constant 2 : i32
      %dma_wait3A_3595 = arith.constant 0 : i32
      %dma_wait3A_3596 = arith.constant 0 : i32
      %dma_wait3A_3597 = tpu.memref_slice %dma_wait3A_3593[%dma_wait3A_3594, %dma_wait3A_3595, %dma_wait3A_3596] : memref<4x8x128xf32, #tpu.memory_space<vmem>> -> memref<2x8x128xf32, #tpu.memory_space<vmem>>
      %dma_wait3A_3598 = arith.constant 2 : i32
      %dma_wait3A_3599 = arith.constant 0 : i32
      %dma_wait3A_3600 = tpu.memref_slice %arg5[%dma_wait3A_3598, %dma_wait3A_3599, %multiple_of3A_2606] : memref<4x8x1000000xf32, #tpu.memory_space<hbm>> -> memref<2x8x128xf32, #tpu.memory_space<hbm>>
      %dma_wait3A_3601 = arith.constant 0 : i32
      %dma_wait3A_3602 = arith.constant 0 : i32
      %dma_wait3A_3603 = arith.constant 0 : i32
      %dma_wait3A_3604 = tpu.memref_slice %arg10[%dma_wait3A_3588, %dma_wait3A_3601, %dma_wait3A_3602, %dma_wait3A_3603] : memref<8x4x8x128xf32, #tpu.memory_space<vmem>> -> memref<1x4x8x128xf32, #tpu.memory_space<vmem>>
      %dma_wait3A_3605 = tpu.memref_squeeze %dma_wait3A_3604 : memref<1x4x8x128xf32, #tpu.memory_space<vmem>> -> memref<4x8x128xf32, #tpu.memory_space<vmem>>
      %dma_wait3A_3606 = arith.constant 2 : i32
      %dma_wait3A_3607 = arith.constant 0 : i32
      %dma_wait3A_3608 = arith.constant 0 : i32
      %dma_wait3A_3609 = tpu.memref_slice %dma_wait3A_3605[%dma_wait3A_3606, %dma_wait3A_3607, %dma_wait3A_3608] : memref<4x8x128xf32, #tpu.memory_space<vmem>> -> memref<2x8x128xf32, #tpu.memory_space<vmem>>
      %dma_wait3A_3610 = arith.constant 2 : i32
      %dma_wait3A_3611 = arith.constant 0 : i32
      %dma_wait3A_3612 = tpu.memref_slice %arg5[%dma_wait3A_3610, %dma_wait3A_3611, %multiple_of3A_2606] : memref<4x8x1000000xf32, #tpu.memory_space<hbm>> -> memref<2x8x128xf32, #tpu.memory_space<hbm>>
      tpu.wait_dma2 semaphore(%arg13 : memref<!tpu.dma_semaphore, #tpu.memory_space<semaphore_mem>>) src(%dma_wait3A_3612 : memref<2x8x128xf32, #tpu.memory_space<hbm>>) dst(%dma_wait3A_3609 : memref<2x8x128xf32, #tpu.memory_space<vmem>>)
      %dma_wait3A_3613 = arith.constant 7 : i32
      %dma_wait3A_3614 = arith.constant 0 : i32
      %dma_wait3A_3615 = arith.constant 0 : i32
      %dma_wait3A_3616 = arith.constant 0 : i32
      %dma_wait3A_3617 = tpu.memref_slice %arg9[%dma_wait3A_3613, %dma_wait3A_3614, %dma_wait3A_3615, %dma_wait3A_3616] : memref<8x4x8x128xf32, #tpu.memory_space<vmem>> -> memref<1x4x8x128xf32, #tpu.memory_space<vmem>>
      %dma_wait3A_3618 = tpu.memref_squeeze %dma_wait3A_3617 : memref<1x4x8x128xf32, #tpu.memory_space<vmem>> -> memref<4x8x128xf32, #tpu.memory_space<vmem>>
      %dma_wait3A_3619 = arith.constant 0 : i32
      %dma_wait3A_3620 = arith.constant 0 : i32
      %dma_wait3A_3621 = arith.constant 0 : i32
      %dma_wait3A_3622 = tpu.memref_slice %dma_wait3A_3618[%dma_wait3A_3619, %dma_wait3A_3620, %dma_wait3A_3621] : memref<4x8x128xf32, #tpu.memory_space<vmem>> -> memref<2x8x128xf32, #tpu.memory_space<vmem>>
      %dma_wait3A_3623 = arith.constant 0 : i32
      %dma_wait3A_3624 = arith.constant 0 : i32
      %dma_wait3A_3625 = tpu.memref_slice %arg4[%dma_wait3A_3623, %dma_wait3A_3624, %multiple_of3A_2713] : memref<4x8x1000000xf32, #tpu.memory_space<hbm>> -> memref<2x8x128xf32, #tpu.memory_space<hbm>>
      %dma_wait3A_3626 = arith.constant 0 : i32
      %dma_wait3A_3627 = arith.constant 0 : i32
      %dma_wait3A_3628 = arith.constant 0 : i32
      %dma_wait3A_3629 = tpu.memref_slice %arg9[%dma_wait3A_3613, %dma_wait3A_3626, %dma_wait3A_3627, %dma_wait3A_3628] : memref<8x4x8x128xf32, #tpu.memory_space<vmem>> -> memref<1x4x8x128xf32, #tpu.memory_space<vmem>>
      %dma_wait3A_3630 = tpu.memref_squeeze %dma_wait3A_3629 : memref<1x4x8x128xf32, #tpu.memory_space<vmem>> -> memref<4x8x128xf32, #tpu.memory_space<vmem>>
      %dma_wait3A_3631 = arith.constant 0 : i32
      %dma_wait3A_3632 = arith.constant 0 : i32
      %dma_wait3A_3633 = arith.constant 0 : i32
      %dma_wait3A_3634 = tpu.memref_slice %dma_wait3A_3630[%dma_wait3A_3631, %dma_wait3A_3632, %dma_wait3A_3633] : memref<4x8x128xf32, #tpu.memory_space<vmem>> -> memref<2x8x128xf32, #tpu.memory_space<vmem>>
      %dma_wait3A_3635 = arith.constant 0 : i32
      %dma_wait3A_3636 = arith.constant 0 : i32
      %dma_wait3A_3637 = tpu.memref_slice %arg4[%dma_wait3A_3635, %dma_wait3A_3636, %multiple_of3A_2713] : memref<4x8x1000000xf32, #tpu.memory_space<hbm>> -> memref<2x8x128xf32, #tpu.memory_space<hbm>>
      tpu.wait_dma2 semaphore(%arg13 : memref<!tpu.dma_semaphore, #tpu.memory_space<semaphore_mem>>) src(%dma_wait3A_3637 : memref<2x8x128xf32, #tpu.memory_space<hbm>>) dst(%dma_wait3A_3634 : memref<2x8x128xf32, #tpu.memory_space<vmem>>)
      %dma_wait3A_3638 = arith.constant 7 : i32
      %dma_wait3A_3639 = arith.constant 0 : i32
      %dma_wait3A_3640 = arith.constant 0 : i32
      %dma_wait3A_3641 = arith.constant 0 : i32
      %dma_wait3A_3642 = tpu.memref_slice %arg10[%dma_wait3A_3638, %dma_wait3A_3639, %dma_wait3A_3640, %dma_wait3A_3641] : memref<8x4x8x128xf32, #tpu.memory_space<vmem>> -> memref<1x4x8x128xf32, #tpu.memory_space<vmem>>
      %dma_wait3A_3643 = tpu.memref_squeeze %dma_wait3A_3642 : memref<1x4x8x128xf32, #tpu.memory_space<vmem>> -> memref<4x8x128xf32, #tpu.memory_space<vmem>>
      %dma_wait3A_3644 = arith.constant 0 : i32
      %dma_wait3A_3645 = arith.constant 0 : i32
      %dma_wait3A_3646 = arith.constant 0 : i32
      %dma_wait3A_3647 = tpu.memref_slice %dma_wait3A_3643[%dma_wait3A_3644, %dma_wait3A_3645, %dma_wait3A_3646] : memref<4x8x128xf32, #tpu.memory_space<vmem>> -> memref<2x8x128xf32, #tpu.memory_space<vmem>>
      %dma_wait3A_3648 = arith.constant 0 : i32
      %dma_wait3A_3649 = arith.constant 0 : i32
      %dma_wait3A_3650 = tpu.memref_slice %arg5[%dma_wait3A_3648, %dma_wait3A_3649, %multiple_of3A_2720] : memref<4x8x1000000xf32, #tpu.memory_space<hbm>> -> memref<2x8x128xf32, #tpu.memory_space<hbm>>
      %dma_wait3A_3651 = arith.constant 0 : i32
      %dma_wait3A_3652 = arith.constant 0 : i32
      %dma_wait3A_3653 = arith.constant 0 : i32
      %dma_wait3A_3654 = tpu.memref_slice %arg10[%dma_wait3A_3638, %dma_wait3A_3651, %dma_wait3A_3652, %dma_wait3A_3653] : memref<8x4x8x128xf32, #tpu.memory_space<vmem>> -> memref<1x4x8x128xf32, #tpu.memory_space<vmem>>
      %dma_wait3A_3655 = tpu.memref_squeeze %dma_wait3A_3654 : memref<1x4x8x128xf32, #tpu.memory_space<vmem>> -> memref<4x8x128xf32, #tpu.memory_space<vmem>>
      %dma_wait3A_3656 = arith.constant 0 : i32
      %dma_wait3A_3657 = arith.constant 0 : i32
      %dma_wait3A_3658 = arith.constant 0 : i32
      %dma_wait3A_3659 = tpu.memref_slice %dma_wait3A_3655[%dma_wait3A_3656, %dma_wait3A_3657, %dma_wait3A_3658] : memref<4x8x128xf32, #tpu.memory_space<vmem>> -> memref<2x8x128xf32, #tpu.memory_space<vmem>>
      %dma_wait3A_3660 = arith.constant 0 : i32
      %dma_wait3A_3661 = arith.constant 0 : i32
      %dma_wait3A_3662 = tpu.memref_slice %arg5[%dma_wait3A_3660, %dma_wait3A_3661, %multiple_of3A_2720] : memref<4x8x1000000xf32, #tpu.memory_space<hbm>> -> memref<2x8x128xf32, #tpu.memory_space<hbm>>
      tpu.wait_dma2 semaphore(%arg13 : memref<!tpu.dma_semaphore, #tpu.memory_space<semaphore_mem>>) src(%dma_wait3A_3662 : memref<2x8x128xf32, #tpu.memory_space<hbm>>) dst(%dma_wait3A_3659 : memref<2x8x128xf32, #tpu.memory_space<vmem>>)
      %dma_wait3A_3663 = arith.constant 7 : i32
      %dma_wait3A_3664 = arith.constant 0 : i32
      %dma_wait3A_3665 = arith.constant 0 : i32
      %dma_wait3A_3666 = arith.constant 0 : i32
      %dma_wait3A_3667 = tpu.memref_slice %arg9[%dma_wait3A_3663, %dma_wait3A_3664, %dma_wait3A_3665, %dma_wait3A_3666] : memref<8x4x8x128xf32, #tpu.memory_space<vmem>> -> memref<1x4x8x128xf32, #tpu.memory_space<vmem>>
      %dma_wait3A_3668 = tpu.memref_squeeze %dma_wait3A_3667 : memref<1x4x8x128xf32, #tpu.memory_space<vmem>> -> memref<4x8x128xf32, #tpu.memory_space<vmem>>
      %dma_wait3A_3669 = arith.constant 2 : i32
      %dma_wait3A_3670 = arith.constant 0 : i32
      %dma_wait3A_3671 = arith.constant 0 : i32
      %dma_wait3A_3672 = tpu.memref_slice %dma_wait3A_3668[%dma_wait3A_3669, %dma_wait3A_3670, %dma_wait3A_3671] : memref<4x8x128xf32, #tpu.memory_space<vmem>> -> memref<2x8x128xf32, #tpu.memory_space<vmem>>
      %dma_wait3A_3673 = arith.constant 2 : i32
      %dma_wait3A_3674 = arith.constant 0 : i32
      %dma_wait3A_3675 = tpu.memref_slice %arg4[%dma_wait3A_3673, %dma_wait3A_3674, %multiple_of3A_2713] : memref<4x8x1000000xf32, #tpu.memory_space<hbm>> -> memref<2x8x128xf32, #tpu.memory_space<hbm>>
      %dma_wait3A_3676 = arith.constant 0 : i32
      %dma_wait3A_3677 = arith.constant 0 : i32
      %dma_wait3A_3678 = arith.constant 0 : i32
      %dma_wait3A_3679 = tpu.memref_slice %arg9[%dma_wait3A_3663, %dma_wait3A_3676, %dma_wait3A_3677, %dma_wait3A_3678] : memref<8x4x8x128xf32, #tpu.memory_space<vmem>> -> memref<1x4x8x128xf32, #tpu.memory_space<vmem>>
      %dma_wait3A_3680 = tpu.memref_squeeze %dma_wait3A_3679 : memref<1x4x8x128xf32, #tpu.memory_space<vmem>> -> memref<4x8x128xf32, #tpu.memory_space<vmem>>
      %dma_wait3A_3681 = arith.constant 2 : i32
      %dma_wait3A_3682 = arith.constant 0 : i32
      %dma_wait3A_3683 = arith.constant 0 : i32
      %dma_wait3A_3684 = tpu.memref_slice %dma_wait3A_3680[%dma_wait3A_3681, %dma_wait3A_3682, %dma_wait3A_3683] : memref<4x8x128xf32, #tpu.memory_space<vmem>> -> memref<2x8x128xf32, #tpu.memory_space<vmem>>
      %dma_wait3A_3685 = arith.constant 2 : i32
      %dma_wait3A_3686 = arith.constant 0 : i32
      %dma_wait3A_3687 = tpu.memref_slice %arg4[%dma_wait3A_3685, %dma_wait3A_3686, %multiple_of3A_2713] : memref<4x8x1000000xf32, #tpu.memory_space<hbm>> -> memref<2x8x128xf32, #tpu.memory_space<hbm>>
      tpu.wait_dma2 semaphore(%arg13 : memref<!tpu.dma_semaphore, #tpu.memory_space<semaphore_mem>>) src(%dma_wait3A_3687 : memref<2x8x128xf32, #tpu.memory_space<hbm>>) dst(%dma_wait3A_3684 : memref<2x8x128xf32, #tpu.memory_space<vmem>>)
      %dma_wait3A_3688 = arith.constant 7 : i32
      %dma_wait3A_3689 = arith.constant 0 : i32
      %dma_wait3A_3690 = arith.constant 0 : i32
      %dma_wait3A_3691 = arith.constant 0 : i32
      %dma_wait3A_3692 = tpu.memref_slice %arg10[%dma_wait3A_3688, %dma_wait3A_3689, %dma_wait3A_3690, %dma_wait3A_3691] : memref<8x4x8x128xf32, #tpu.memory_space<vmem>> -> memref<1x4x8x128xf32, #tpu.memory_space<vmem>>
      %dma_wait3A_3693 = tpu.memref_squeeze %dma_wait3A_3692 : memref<1x4x8x128xf32, #tpu.memory_space<vmem>> -> memref<4x8x128xf32, #tpu.memory_space<vmem>>
      %dma_wait3A_3694 = arith.constant 2 : i32
      %dma_wait3A_3695 = arith.constant 0 : i32
      %dma_wait3A_3696 = arith.constant 0 : i32
      %dma_wait3A_3697 = tpu.memref_slice %dma_wait3A_3693[%dma_wait3A_3694, %dma_wait3A_3695, %dma_wait3A_3696] : memref<4x8x128xf32, #tpu.memory_space<vmem>> -> memref<2x8x128xf32, #tpu.memory_space<vmem>>
      %dma_wait3A_3698 = arith.constant 2 : i32
      %dma_wait3A_3699 = arith.constant 0 : i32
      %dma_wait3A_3700 = tpu.memref_slice %arg5[%dma_wait3A_3698, %dma_wait3A_3699, %multiple_of3A_2720] : memref<4x8x1000000xf32, #tpu.memory_space<hbm>> -> memref<2x8x128xf32, #tpu.memory_space<hbm>>
      %dma_wait3A_3701 = arith.constant 0 : i32
      %dma_wait3A_3702 = arith.constant 0 : i32
      %dma_wait3A_3703 = arith.constant 0 : i32
      %dma_wait3A_3704 = tpu.memref_slice %arg10[%dma_wait3A_3688, %dma_wait3A_3701, %dma_wait3A_3702, %dma_wait3A_3703] : memref<8x4x8x128xf32, #tpu.memory_space<vmem>> -> memref<1x4x8x128xf32, #tpu.memory_space<vmem>>
      %dma_wait3A_3705 = tpu.memref_squeeze %dma_wait3A_3704 : memref<1x4x8x128xf32, #tpu.memory_space<vmem>> -> memref<4x8x128xf32, #tpu.memory_space<vmem>>
      %dma_wait3A_3706 = arith.constant 2 : i32
      %dma_wait3A_3707 = arith.constant 0 : i32
      %dma_wait3A_3708 = arith.constant 0 : i32
      %dma_wait3A_3709 = tpu.memref_slice %dma_wait3A_3705[%dma_wait3A_3706, %dma_wait3A_3707, %dma_wait3A_3708] : memref<4x8x128xf32, #tpu.memory_space<vmem>> -> memref<2x8x128xf32, #tpu.memory_space<vmem>>
      %dma_wait3A_3710 = arith.constant 2 : i32
      %dma_wait3A_3711 = arith.constant 0 : i32
      %dma_wait3A_3712 = tpu.memref_slice %arg5[%dma_wait3A_3710, %dma_wait3A_3711, %multiple_of3A_2720] : memref<4x8x1000000xf32, #tpu.memory_space<hbm>> -> memref<2x8x128xf32, #tpu.memory_space<hbm>>
      tpu.wait_dma2 semaphore(%arg13 : memref<!tpu.dma_semaphore, #tpu.memory_space<semaphore_mem>>) src(%dma_wait3A_3712 : memref<2x8x128xf32, #tpu.memory_space<hbm>>) dst(%dma_wait3A_3709 : memref<2x8x128xf32, #tpu.memory_space<vmem>>)
      %slice3A_3713 = vector.extract_strided_slice %get3A_18 {offsets = [12], sizes = [1], strides = [1]} : vector<16xi32> to vector<1xi32>
      %squeeze3A_3714 = vector.extract %slice3A_3713[0] : i32 from vector<1xi32>
      %and3A_3715 = arith.constant 127 : i32
      %and3A_3716 = arith.andi %squeeze3A_3714, %and3A_3715 : i32
      %broadcast_in_dim3A_3717 = vector.broadcast %and3A_3716 : i32 to vector<16xi32>
      %slice3A_3718 = vector.extract_strided_slice %get3A_20 {offsets = [12], sizes = [1], strides = [1]} : vector<16xi32> to vector<1xi32>
      %squeeze3A_3719 = vector.extract %slice3A_3718[0] : i32 from vector<1xi32>
      %and3A_3720 = arith.constant 127 : i32
      %and3A_3721 = arith.andi %squeeze3A_3719, %and3A_3720 : i32
      %broadcast_in_dim3A_3722 = vector.broadcast %and3A_3721 : i32 to vector<16xi32>
      %broadcast_in_dim3A_3723 = arith.constant 4 : i32
      %broadcast_in_dim3A_3724 = vector.broadcast %broadcast_in_dim3A_3723 : i32 to vector<16xi32>
      %gather3A_3725 = tpu.vector_load_idx %arg9[%broadcast_in_dim3A_3724, %shift_right_logical3A_4, %and3A_9, %broadcast_in_dim3A_3717] : memref<8x4x8x128xf32, #tpu.memory_space<vmem>>[vector<16xi32>, vector<16xi32>, vector<16xi32>, vector<16xi32>], vector<16xf32>,
      %gather3A_3726 = tpu.vector_load_idx %arg9[%broadcast_in_dim3A_3724, %add3A_7, %and3A_9, %broadcast_in_dim3A_3717] : memref<8x4x8x128xf32, #tpu.memory_space<vmem>>[vector<16xi32>, vector<16xi32>, vector<16xi32>, vector<16xi32>], vector<16xf32>,
      %gather3A_3727 = tpu.vector_load_idx %arg10[%broadcast_in_dim3A_3724, %shift_right_logical3A_4, %and3A_9, %broadcast_in_dim3A_3722] : memref<8x4x8x128xf32, #tpu.memory_space<vmem>>[vector<16xi32>, vector<16xi32>, vector<16xi32>, vector<16xi32>], vector<16xf32>,
      %gather3A_3728 = tpu.vector_load_idx %arg10[%broadcast_in_dim3A_3724, %add3A_7, %and3A_9, %broadcast_in_dim3A_3722] : memref<8x4x8x128xf32, #tpu.memory_space<vmem>>[vector<16xi32>, vector<16xi32>, vector<16xi32>, vector<16xi32>], vector<16xf32>,
      %mul3A_3729 = arith.mulf %gather3A_3725, %gather3A_3727 : vector<16xf32>
      %mul3A_3730 = arith.mulf %gather3A_3726, %gather3A_3728 : vector<16xf32>
      %add3A_3731 = arith.addf %mul3A_3729, %mul3A_3730 : vector<16xf32>
      %swap3A_3732 = arith.constant 12 : i32
      %swap3A_3733 = arith.index_cast %swap3A_3732 : i32 to index
      %swap3A_3734 = arith.constant 0 : index
      %swap3A_3735 = tpu.vector_load %arg11[%swap3A_3733, %swap3A_3734] {strides = array<i32>} : memref<16x16xf32, #tpu.memory_space<vmem>>, vector<16xf32>,
      tpu.vector_store %arg11[%swap3A_3733, %swap3A_3734], %add3A_3731 {strides = array<i32>} : memref<16x16xf32, #tpu.memory_space<vmem>>, vector<16xf32>,
      %slice3A_3736 = vector.extract_strided_slice %get3A_18 {offsets = [13], sizes = [1], strides = [1]} : vector<16xi32> to vector<1xi32>
      %squeeze3A_3737 = vector.extract %slice3A_3736[0] : i32 from vector<1xi32>
      %and3A_3738 = arith.constant 127 : i32
      %and3A_3739 = arith.andi %squeeze3A_3737, %and3A_3738 : i32
      %broadcast_in_dim3A_3740 = vector.broadcast %and3A_3739 : i32 to vector<16xi32>
      %slice3A_3741 = vector.extract_strided_slice %get3A_20 {offsets = [13], sizes = [1], strides = [1]} : vector<16xi32> to vector<1xi32>
      %squeeze3A_3742 = vector.extract %slice3A_3741[0] : i32 from vector<1xi32>
      %and3A_3743 = arith.constant 127 : i32
      %and3A_3744 = arith.andi %squeeze3A_3742, %and3A_3743 : i32
      %broadcast_in_dim3A_3745 = vector.broadcast %and3A_3744 : i32 to vector<16xi32>
      %broadcast_in_dim3A_3746 = arith.constant 5 : i32
      %broadcast_in_dim3A_3747 = vector.broadcast %broadcast_in_dim3A_3746 : i32 to vector<16xi32>
      %gather3A_3748 = tpu.vector_load_idx %arg9[%broadcast_in_dim3A_3747, %shift_right_logical3A_4, %and3A_9, %broadcast_in_dim3A_3740] : memref<8x4x8x128xf32, #tpu.memory_space<vmem>>[vector<16xi32>, vector<16xi32>, vector<16xi32>, vector<16xi32>], vector<16xf32>,
      %gather3A_3749 = tpu.vector_load_idx %arg9[%broadcast_in_dim3A_3747, %add3A_7, %and3A_9, %broadcast_in_dim3A_3740] : memref<8x4x8x128xf32, #tpu.memory_space<vmem>>[vector<16xi32>, vector<16xi32>, vector<16xi32>, vector<16xi32>], vector<16xf32>,
      %gather3A_3750 = tpu.vector_load_idx %arg10[%broadcast_in_dim3A_3747, %shift_right_logical3A_4, %and3A_9, %broadcast_in_dim3A_3745] : memref<8x4x8x128xf32, #tpu.memory_space<vmem>>[vector<16xi32>, vector<16xi32>, vector<16xi32>, vector<16xi32>], vector<16xf32>,
      %gather3A_3751 = tpu.vector_load_idx %arg10[%broadcast_in_dim3A_3747, %add3A_7, %and3A_9, %broadcast_in_dim3A_3745] : memref<8x4x8x128xf32, #tpu.memory_space<vmem>>[vector<16xi32>, vector<16xi32>, vector<16xi32>, vector<16xi32>], vector<16xf32>,
      %mul3A_3752 = arith.mulf %gather3A_3748, %gather3A_3750 : vector<16xf32>
      %mul3A_3753 = arith.mulf %gather3A_3749, %gather3A_3751 : vector<16xf32>
      %add3A_3754 = arith.addf %mul3A_3752, %mul3A_3753 : vector<16xf32>
      %swap3A_3755 = arith.constant 13 : i32
      %swap3A_3756 = arith.index_cast %swap3A_3755 : i32 to index
      %swap3A_3757 = arith.constant 0 : index
      %swap3A_3758 = tpu.vector_load %arg11[%swap3A_3756, %swap3A_3757] {strides = array<i32>} : memref<16x16xf32, #tpu.memory_space<vmem>>, vector<16xf32>,
      tpu.vector_store %arg11[%swap3A_3756, %swap3A_3757], %add3A_3754 {strides = array<i32>} : memref<16x16xf32, #tpu.memory_space<vmem>>, vector<16xf32>,
      %slice3A_3759 = vector.extract_strided_slice %get3A_18 {offsets = [14], sizes = [1], strides = [1]} : vector<16xi32> to vector<1xi32>
      %squeeze3A_3760 = vector.extract %slice3A_3759[0] : i32 from vector<1xi32>
      %and3A_3761 = arith.constant 127 : i32
      %and3A_3762 = arith.andi %squeeze3A_3760, %and3A_3761 : i32
      %broadcast_in_dim3A_3763 = vector.broadcast %and3A_3762 : i32 to vector<16xi32>
      %slice3A_3764 = vector.extract_strided_slice %get3A_20 {offsets = [14], sizes = [1], strides = [1]} : vector<16xi32> to vector<1xi32>
      %squeeze3A_3765 = vector.extract %slice3A_3764[0] : i32 from vector<1xi32>
      %and3A_3766 = arith.constant 127 : i32
      %and3A_3767 = arith.andi %squeeze3A_3765, %and3A_3766 : i32
      %broadcast_in_dim3A_3768 = vector.broadcast %and3A_3767 : i32 to vector<16xi32>
      %broadcast_in_dim3A_3769 = arith.constant 6 : i32
      %broadcast_in_dim3A_3770 = vector.broadcast %broadcast_in_dim3A_3769 : i32 to vector<16xi32>
      %gather3A_3771 = tpu.vector_load_idx %arg9[%broadcast_in_dim3A_3770, %shift_right_logical3A_4, %and3A_9, %broadcast_in_dim3A_3763] : memref<8x4x8x128xf32, #tpu.memory_space<vmem>>[vector<16xi32>, vector<16xi32>, vector<16xi32>, vector<16xi32>], vector<16xf32>,
      %gather3A_3772 = tpu.vector_load_idx %arg9[%broadcast_in_dim3A_3770, %add3A_7, %and3A_9, %broadcast_in_dim3A_3763] : memref<8x4x8x128xf32, #tpu.memory_space<vmem>>[vector<16xi32>, vector<16xi32>, vector<16xi32>, vector<16xi32>], vector<16xf32>,
      %gather3A_3773 = tpu.vector_load_idx %arg10[%broadcast_in_dim3A_3770, %shift_right_logical3A_4, %and3A_9, %broadcast_in_dim3A_3768] : memref<8x4x8x128xf32, #tpu.memory_space<vmem>>[vector<16xi32>, vector<16xi32>, vector<16xi32>, vector<16xi32>], vector<16xf32>,
      %gather3A_3774 = tpu.vector_load_idx %arg10[%broadcast_in_dim3A_3770, %add3A_7, %and3A_9, %broadcast_in_dim3A_3768] : memref<8x4x8x128xf32, #tpu.memory_space<vmem>>[vector<16xi32>, vector<16xi32>, vector<16xi32>, vector<16xi32>], vector<16xf32>,
      %mul3A_3775 = arith.mulf %gather3A_3771, %gather3A_3773 : vector<16xf32>
      %mul3A_3776 = arith.mulf %gather3A_3772, %gather3A_3774 : vector<16xf32>
      %add3A_3777 = arith.addf %mul3A_3775, %mul3A_3776 : vector<16xf32>
      %swap3A_3778 = arith.constant 14 : i32
      %swap3A_3779 = arith.index_cast %swap3A_3778 : i32 to index
      %swap3A_3780 = arith.constant 0 : index
      %swap3A_3781 = tpu.vector_load %arg11[%swap3A_3779, %swap3A_3780] {strides = array<i32>} : memref<16x16xf32, #tpu.memory_space<vmem>>, vector<16xf32>,
      tpu.vector_store %arg11[%swap3A_3779, %swap3A_3780], %add3A_3777 {strides = array<i32>} : memref<16x16xf32, #tpu.memory_space<vmem>>, vector<16xf32>,
      %slice3A_3782 = vector.extract_strided_slice %get3A_18 {offsets = [15], sizes = [1], strides = [1]} : vector<16xi32> to vector<1xi32>
      %squeeze3A_3783 = vector.extract %slice3A_3782[0] : i32 from vector<1xi32>
      %and3A_3784 = arith.constant 127 : i32
      %and3A_3785 = arith.andi %squeeze3A_3783, %and3A_3784 : i32
      %broadcast_in_dim3A_3786 = vector.broadcast %and3A_3785 : i32 to vector<16xi32>
      %slice3A_3787 = vector.extract_strided_slice %get3A_20 {offsets = [15], sizes = [1], strides = [1]} : vector<16xi32> to vector<1xi32>
      %squeeze3A_3788 = vector.extract %slice3A_3787[0] : i32 from vector<1xi32>
      %and3A_3789 = arith.constant 127 : i32
      %and3A_3790 = arith.andi %squeeze3A_3788, %and3A_3789 : i32
      %broadcast_in_dim3A_3791 = vector.broadcast %and3A_3790 : i32 to vector<16xi32>
      %broadcast_in_dim3A_3792 = arith.constant 7 : i32
      %broadcast_in_dim3A_3793 = vector.broadcast %broadcast_in_dim3A_3792 : i32 to vector<16xi32>
      %gather3A_3794 = tpu.vector_load_idx %arg9[%broadcast_in_dim3A_3793, %shift_right_logical3A_4, %and3A_9, %broadcast_in_dim3A_3786] : memref<8x4x8x128xf32, #tpu.memory_space<vmem>>[vector<16xi32>, vector<16xi32>, vector<16xi32>, vector<16xi32>], vector<16xf32>,
      %gather3A_3795 = tpu.vector_load_idx %arg9[%broadcast_in_dim3A_3793, %add3A_7, %and3A_9, %broadcast_in_dim3A_3786] : memref<8x4x8x128xf32, #tpu.memory_space<vmem>>[vector<16xi32>, vector<16xi32>, vector<16xi32>, vector<16xi32>], vector<16xf32>,
      %gather3A_3796 = tpu.vector_load_idx %arg10[%broadcast_in_dim3A_3793, %shift_right_logical3A_4, %and3A_9, %broadcast_in_dim3A_3791] : memref<8x4x8x128xf32, #tpu.memory_space<vmem>>[vector<16xi32>, vector<16xi32>, vector<16xi32>, vector<16xi32>], vector<16xf32>,
      %gather3A_3797 = tpu.vector_load_idx %arg10[%broadcast_in_dim3A_3793, %add3A_7, %and3A_9, %broadcast_in_dim3A_3791] : memref<8x4x8x128xf32, #tpu.memory_space<vmem>>[vector<16xi32>, vector<16xi32>, vector<16xi32>, vector<16xi32>], vector<16xf32>,
      %mul3A_3798 = arith.mulf %gather3A_3794, %gather3A_3796 : vector<16xf32>
      %mul3A_3799 = arith.mulf %gather3A_3795, %gather3A_3797 : vector<16xf32>
      %add3A_3800 = arith.addf %mul3A_3798, %mul3A_3799 : vector<16xf32>
      %swap3A_3801 = arith.constant 15 : i32
      %swap3A_3802 = arith.index_cast %swap3A_3801 : i32 to index
      %swap3A_3803 = arith.constant 0 : index
      %swap3A_3804 = tpu.vector_load %arg11[%swap3A_3802, %swap3A_3803] {strides = array<i32>} : memref<16x16xf32, #tpu.memory_space<vmem>>, vector<16xf32>,
      tpu.vector_store %arg11[%swap3A_3802, %swap3A_3803], %add3A_3800 {strides = array<i32>} : memref<16x16xf32, #tpu.memory_space<vmem>>, vector<16xf32>,
      %broadcast_in_dim3A_3805 = arith.constant 0.000000e+00 : f32
      %broadcast_in_dim3A_3806 = vector.broadcast %broadcast_in_dim3A_3805 : f32 to vector<16xf32>
      %broadcast_in_dim3A_3807 = arith.constant 0 : i32
      %broadcast_in_dim3A_3808 = vector.broadcast %broadcast_in_dim3A_3807 : i32 to vector<16xi32>
      %gather3A_3809 = tpu.vector_load_idx %arg11[%iota3A, %broadcast_in_dim3A_3808] : memref<16x16xf32, #tpu.memory_space<vmem>>[vector<16xi32>, vector<16xi32>], vector<16xf32>,
      %add3A_3810 = arith.addf %broadcast_in_dim3A_3806, %gather3A_3809 : vector<16xf32>
      %broadcast_in_dim3A_3811 = arith.constant 1 : i32
      %broadcast_in_dim3A_3812 = vector.broadcast %broadcast_in_dim3A_3811 : i32 to vector<16xi32>
      %gather3A_3813 = tpu.vector_load_idx %arg11[%iota3A, %broadcast_in_dim3A_3812] : memref<16x16xf32, #tpu.memory_space<vmem>>[vector<16xi32>, vector<16xi32>], vector<16xf32>,
      %add3A_3814 = arith.addf %add3A_3810, %gather3A_3813 : vector<16xf32>
      %broadcast_in_dim3A_3815 = arith.constant 2 : i32
      %broadcast_in_dim3A_3816 = vector.broadcast %broadcast_in_dim3A_3815 : i32 to vector<16xi32>
      %gather3A_3817 = tpu.vector_load_idx %arg11[%iota3A, %broadcast_in_dim3A_3816] : memref<16x16xf32, #tpu.memory_space<vmem>>[vector<16xi32>, vector<16xi32>], vector<16xf32>,
      %add3A_3818 = arith.addf %add3A_3814, %gather3A_3817 : vector<16xf32>
      %broadcast_in_dim3A_3819 = arith.constant 3 : i32
      %broadcast_in_dim3A_3820 = vector.broadcast %broadcast_in_dim3A_3819 : i32 to vector<16xi32>
      %gather3A_3821 = tpu.vector_load_idx %arg11[%iota3A, %broadcast_in_dim3A_3820] : memref<16x16xf32, #tpu.memory_space<vmem>>[vector<16xi32>, vector<16xi32>], vector<16xf32>,
      %add3A_3822 = arith.addf %add3A_3818, %gather3A_3821 : vector<16xf32>
      %broadcast_in_dim3A_3823 = arith.constant 4 : i32
      %broadcast_in_dim3A_3824 = vector.broadcast %broadcast_in_dim3A_3823 : i32 to vector<16xi32>
      %gather3A_3825 = tpu.vector_load_idx %arg11[%iota3A, %broadcast_in_dim3A_3824] : memref<16x16xf32, #tpu.memory_space<vmem>>[vector<16xi32>, vector<16xi32>], vector<16xf32>,
      %add3A_3826 = arith.addf %add3A_3822, %gather3A_3825 : vector<16xf32>
      %broadcast_in_dim3A_3827 = arith.constant 5 : i32
      %broadcast_in_dim3A_3828 = vector.broadcast %broadcast_in_dim3A_3827 : i32 to vector<16xi32>
      %gather3A_3829 = tpu.vector_load_idx %arg11[%iota3A, %broadcast_in_dim3A_3828] : memref<16x16xf32, #tpu.memory_space<vmem>>[vector<16xi32>, vector<16xi32>], vector<16xf32>,
      %add3A_3830 = arith.addf %add3A_3826, %gather3A_3829 : vector<16xf32>
      %broadcast_in_dim3A_3831 = arith.constant 6 : i32
      %broadcast_in_dim3A_3832 = vector.broadcast %broadcast_in_dim3A_3831 : i32 to vector<16xi32>
      %gather3A_3833 = tpu.vector_load_idx %arg11[%iota3A, %broadcast_in_dim3A_3832] : memref<16x16xf32, #tpu.memory_space<vmem>>[vector<16xi32>, vector<16xi32>], vector<16xf32>,
      %add3A_3834 = arith.addf %add3A_3830, %gather3A_3833 : vector<16xf32>
      %broadcast_in_dim3A_3835 = arith.constant 7 : i32
      %broadcast_in_dim3A_3836 = vector.broadcast %broadcast_in_dim3A_3835 : i32 to vector<16xi32>
      %gather3A_3837 = tpu.vector_load_idx %arg11[%iota3A, %broadcast_in_dim3A_3836] : memref<16x16xf32, #tpu.memory_space<vmem>>[vector<16xi32>, vector<16xi32>], vector<16xf32>,
      %add3A_3838 = arith.addf %add3A_3834, %gather3A_3837 : vector<16xf32>
      %broadcast_in_dim3A_3839 = arith.constant 8 : i32
      %broadcast_in_dim3A_3840 = vector.broadcast %broadcast_in_dim3A_3839 : i32 to vector<16xi32>
      %gather3A_3841 = tpu.vector_load_idx %arg11[%iota3A, %broadcast_in_dim3A_3840] : memref<16x16xf32, #tpu.memory_space<vmem>>[vector<16xi32>, vector<16xi32>], vector<16xf32>,
      %add3A_3842 = arith.addf %add3A_3838, %gather3A_3841 : vector<16xf32>
      %broadcast_in_dim3A_3843 = arith.constant 9 : i32
      %broadcast_in_dim3A_3844 = vector.broadcast %broadcast_in_dim3A_3843 : i32 to vector<16xi32>
      %gather3A_3845 = tpu.vector_load_idx %arg11[%iota3A, %broadcast_in_dim3A_3844] : memref<16x16xf32, #tpu.memory_space<vmem>>[vector<16xi32>, vector<16xi32>], vector<16xf32>,
      %add3A_3846 = arith.addf %add3A_3842, %gather3A_3845 : vector<16xf32>
      %broadcast_in_dim3A_3847 = arith.constant 10 : i32
      %broadcast_in_dim3A_3848 = vector.broadcast %broadcast_in_dim3A_3847 : i32 to vector<16xi32>
      %gather3A_3849 = tpu.vector_load_idx %arg11[%iota3A, %broadcast_in_dim3A_3848] : memref<16x16xf32, #tpu.memory_space<vmem>>[vector<16xi32>, vector<16xi32>], vector<16xf32>,
      %add3A_3850 = arith.addf %add3A_3846, %gather3A_3849 : vector<16xf32>
      %broadcast_in_dim3A_3851 = arith.constant 11 : i32
      %broadcast_in_dim3A_3852 = vector.broadcast %broadcast_in_dim3A_3851 : i32 to vector<16xi32>
      %gather3A_3853 = tpu.vector_load_idx %arg11[%iota3A, %broadcast_in_dim3A_3852] : memref<16x16xf32, #tpu.memory_space<vmem>>[vector<16xi32>, vector<16xi32>], vector<16xf32>,
      %add3A_3854 = arith.addf %add3A_3850, %gather3A_3853 : vector<16xf32>
      %broadcast_in_dim3A_3855 = arith.constant 12 : i32
      %broadcast_in_dim3A_3856 = vector.broadcast %broadcast_in_dim3A_3855 : i32 to vector<16xi32>
      %gather3A_3857 = tpu.vector_load_idx %arg11[%iota3A, %broadcast_in_dim3A_3856] : memref<16x16xf32, #tpu.memory_space<vmem>>[vector<16xi32>, vector<16xi32>], vector<16xf32>,
      %add3A_3858 = arith.addf %add3A_3854, %gather3A_3857 : vector<16xf32>
      %broadcast_in_dim3A_3859 = arith.constant 13 : i32
      %broadcast_in_dim3A_3860 = vector.broadcast %broadcast_in_dim3A_3859 : i32 to vector<16xi32>
      %gather3A_3861 = tpu.vector_load_idx %arg11[%iota3A, %broadcast_in_dim3A_3860] : memref<16x16xf32, #tpu.memory_space<vmem>>[vector<16xi32>, vector<16xi32>], vector<16xf32>,
      %add3A_3862 = arith.addf %add3A_3858, %gather3A_3861 : vector<16xf32>
      %broadcast_in_dim3A_3863 = arith.constant 14 : i32
      %broadcast_in_dim3A_3864 = vector.broadcast %broadcast_in_dim3A_3863 : i32 to vector<16xi32>
      %gather3A_3865 = tpu.vector_load_idx %arg11[%iota3A, %broadcast_in_dim3A_3864] : memref<16x16xf32, #tpu.memory_space<vmem>>[vector<16xi32>, vector<16xi32>], vector<16xf32>,
      %add3A_3866 = arith.addf %add3A_3862, %gather3A_3865 : vector<16xf32>
      %broadcast_in_dim3A_3867 = arith.constant 15 : i32
      %broadcast_in_dim3A_3868 = vector.broadcast %broadcast_in_dim3A_3867 : i32 to vector<16xi32>
      %gather3A_3869 = tpu.vector_load_idx %arg11[%iota3A, %broadcast_in_dim3A_3868] : memref<16x16xf32, #tpu.memory_space<vmem>>[vector<16xi32>, vector<16xi32>], vector<16xf32>,
      %add3A_3870 = arith.addf %add3A_3866, %gather3A_3869 : vector<16xf32>
      %swap3A_3871 = arith.index_cast %mul3A_17 : i32 to index
      %swap3A_3872 = tpu.vector_load %arg12[%swap3A_3871] {strides = array<i32>} : memref<512xf32, #tpu.memory_space<vmem>>, vector<16xf32>,
      tpu.vector_store %arg12[%swap3A_3871], %add3A_3870 {strides = array<i32>} : memref<512xf32, #tpu.memory_space<vmem>>, vector<16xf32>,
    }
    %scan3A_14 = arith.constant 32 : i32
    "tpu.region"() ({
      %run_scoped3A = tpu.sem_alloc : memref<!tpu.dma_semaphore, #tpu.memory_space<semaphore_mem>>
      %dma_start3A = tpu.memref_slice %arg6[%mul3A_2] : memref<16384xf32, #tpu.memory_space<hbm>> -> memref<512xf32, #tpu.memory_space<hbm>>
      %dma_start3A_15 = tpu.memref_slice %arg6[%mul3A_2] : memref<16384xf32, #tpu.memory_space<hbm>> -> memref<512xf32, #tpu.memory_space<hbm>>
      tpu.enqueue_dma source(%arg12 : memref<512xf32, #tpu.memory_space<vmem>>) target(%dma_start3A_15 : memref<512xf32, #tpu.memory_space<hbm>>) target_semaphore(%run_scoped3A : memref<!tpu.dma_semaphore, #tpu.memory_space<semaphore_mem>>)
      %dma_wait3A = tpu.memref_slice %arg6[%mul3A_2] : memref<16384xf32, #tpu.memory_space<hbm>> -> memref<512xf32, #tpu.memory_space<hbm>>
      %dma_wait3A_16 = tpu.memref_slice %arg6[%mul3A_2] : memref<16384xf32, #tpu.memory_space<hbm>> -> memref<512xf32, #tpu.memory_space<hbm>>
      tpu.wait_dma2 semaphore(%run_scoped3A : memref<!tpu.dma_semaphore, #tpu.memory_space<semaphore_mem>>) src(%arg12 : memref<512xf32, #tpu.memory_space<vmem>>) dst(%dma_wait3A_16 : memref<512xf32, #tpu.memory_space<hbm>>)
      tpu.yield
    }) : () -> ()
    return
  }
}

</mosaic_0001>

<sc_bundles>
// kernel: kernel.3.cloned.1.call-start
scs
__scs_entry_jumppad:
0x0: {  	(pc) =	sbr.rel $0x88, $3  }
0x1: {  	(tag) =	ssettag $0x0;
	lr =	simm.s32 $0x1  }
0x2: {  	[smem:$0x3F9D] =	sst lr;
	_ =	strace $0xD0000000  }
0x3: {  	_ = 	snop  }
0x4: {  	_ = 	snop  }
0x5: {  	_ = 	snop  }
0x6: {  	_ = 	snop  }
0x7: {  	_ = 	snop  }
__scs_overlays_trampoline_lowered:
0x8: {  	[smem:$0x3FAC] =	sst s0  }
0x9: {  	[smem:$0x3FAD] =	sst s1  }
0xa: {  	[smem:$0x3FAE] =	sst s2  }
0xb: {  	[smem:$0x3FAF] =	sst s3  }
0xc: {  	[smem:$0x3FB0] =	sst s4  }
0xd: {  	[smem:$0x3FB1] =	sst s5  }
0xe: {  	[smem:$0x3FB2] =	sst s6  }
0xf: {  	[smem:$0x3FB3] =	sst s7  }
0x10: {  	[smem:$0x3FB4] =	sst s8  }
0x11: {  	[smem:$0x3FB5] =	sst s9;
	s0 =	simm.s32 @!p0 $0x0  }
0x12: {  	s1 =	sld [smem:$0x3F9B];
	s0 =	simm.s32 @p0 $0x1  }
0x13: {  	[smem:$0x3FB6] =	sst s0;
	s0 =	simm.s32 @!p1 $0x0  }
0x14: {  	s2 =	sld [smem:$0x3F9A];
	s0 =	simm.s32 @p1 $0x1  }
0x15: {  	[smem:$0x3FB7] =	sst s0;
	s0 =	simm.s32 @!p2 $0x0  }
0x16: {  	s3 =	sld [smem:$0x3FDB];
	s0 =	simm.s32 @p2 $0x1  }
0x17: {  	s4 =	simm.s32 $0x1BF5;
	[smem:$0x3FB9] =	sst s0  }
0x18: {  	s0 =	sld [smem:$0x3F9C];
	_ =	swait.ge [sflag:s4], $0x0  }
0x19: {  	s7 =	sld [smem:$0x3F9D]  }
0x1a: {  	s8 =	sadd.s32 $0xFFFFE003, lr  }
0x1b: {  	s9 =	sadd.s32 $0xFFFFFEF7, lr;
	s5 =	simm.s32 $0xFFFFFFFF;
	p2 =	slt.u32 s8, $0xFFFFF086  }
0x1c: {  	p1 =	slt.u32 s9, $0xF7A;
	s5 =	simm.s32 @!p2 $0x0  }
0x1d: {  	s5 =	simm.s32 @p1 $0x1;
	p0 =	seq.s32 s7, s2  }
0x1e: {  	s7 =	smul.u32 @!p0 $0xF7A, s2;
	p2 =	seq.s32 @!p0 s5, $0x0  }
0x1f: {  	s9 =	smul.u32 $0xF7A, s1;
	s8 =	simm.s32 @!p0 $0x1BF5;
	p2 =	por !p2, p0  }
0x20: {  	[sflag:s8] =	ssyncset.s32 @!p0 $0xFFFFF086;
	s6 =	sadd.s32 @!p0 s3, s7;
	s7 =	simm.s32 @!p0 $0x108  }
0x21: {  	s3 =	sadd.s32 s3, s9;
	s6 =	sadd.s32 @!p0 $0x88, s6;
	s7 =	simm.s32 @p2 $0x1082  }
0x22: {  	[simem:s7], [sflag:s8] =	dma.local @!p0 [hbm:s6], $0xF7A  }
0x23: {  	s9 =	sor.u32 $0xD0000000, s2;
	s6 =	simm.s32 $0x108;
	_ =	swait.ge @!p0 [sflag:s8], $0x0  }
0x24: {  	s3 =	sadd.s32 $0x88, s3;
	s6 =	simm.s32 @!p1 $0x1082;
	[sflag:s4] =	ssyncset.s32 $0xFFFFF086  }
0x25: {  	[simem:s6], [sflag:s4] =	dma.local [hbm:s3], $0xF7A  }
0x26: {  	[smem:$0x3F9D] =	sst s1;
	(tag) =	ssettag s2;
	_ =	strace s9  }
0x27: {  	s1 =	sld [smem:$0x3FAD]  }
0x28: {  	s2 =	sld [smem:$0x3FAE]  }
0x29: {  	s4 =	sld [smem:$0x3FB0]  }
0x2a: {  	p0 =	seq.s32 s5, $0x0;
	s5 =	sld [smem:$0x3FB1]  }
0x2b: {  	s6 =	sld [smem:$0x3FB2]  }
0x2c: {  	s7 =	sld [smem:$0x3FB3]  }
0x2d: {  	s3 =	simm.s32 $0x108;
	s8 =	sld [smem:$0x3FB4]  }
0x2e: {  	s3 =	simm.s32 @!p0 $0x1082;
	s9 =	sld [smem:$0x3FB5]  }
0x2f: {  	lr =	sadd.s32 s0, s3;
	s0 =	sld [smem:$0x3FAC]  }
0x30: {  	s3 =	sld [smem:$0x3FAF]  }
0x31: {  	[smem:$0x3FB8] =	sst s10  }
0x32: {  	s10 =	sld [smem:$0x3FB6];
	_ =	sdelay $0x3  }
0x33: {  	p0 =	seq.s32 s10, $0x1;
	s10 =	sld [smem:$0x3FB8];
	_ =	sdelay $0x3  }
0x34: {  	[smem:$0x3FB8] =	sst s10  }
0x35: {  	s10 =	sld [smem:$0x3FB7];
	_ =	sdelay $0x3  }
0x36: {  	p1 =	seq.s32 s10, $0x1;
	s10 =	sld [smem:$0x3FB8];
	_ =	sdelay $0x3  }
0x37: {  	[smem:$0x3FB8] =	sst s10  }
0x38: {  	s10 =	sld [smem:$0x3FB9]  }
0x39: {  	_ = 	snop;
	(pc) =	sbr.ind lr, $3  }
0x3a: {  	_ = 	snop  }
0x3b: {  	_ = 	snop  }
0x3c: {  	p2 =	seq.s32 s10, $0x1;
	s10 =	sld [smem:$0x3FB8]  }
0x3d: {  	_ =	shalt  }
0x3e: {  	_ =	shalt  }
0x3f: {  	_ =	shalt  }
0x40: {  	_ =	shalt  }
0x41: {  	_ =	shalt  }
0x42: {  	_ =	shalt  }
0x43: {  	_ =	shalt  }
0x44: {  	_ =	shalt  }
0x45: {  	_ =	shalt  }
0x46: {  	_ =	shalt  }
0x47: {  	_ =	shalt  }
0x48: {  	_ =	shalt  }
0x49: {  	_ =	shalt  }
0x4a: {  	_ =	shalt  }
0x4b: {  	_ =	shalt  }
0x4c: {  	_ =	shalt  }
0x4d: {  	_ =	shalt  }
0x4e: {  	_ =	shalt  }
0x4f: {  	_ =	shalt  }
0x50: {  	_ =	shalt  }
0x51: {  	_ =	shalt  }
0x52: {  	_ =	shalt  }
0x53: {  	_ =	shalt  }
0x54: {  	_ =	shalt  }
0x55: {  	_ =	shalt  }
0x56: {  	_ =	shalt  }
0x57: {  	_ =	shalt  }
0x58: {  	_ =	shalt  }
0x59: {  	_ =	shalt  }
0x5a: {  	_ =	shalt  }
0x5b: {  	_ =	shalt  }
0x5c: {  	_ =	shalt  }
0x5d: {  	_ =	shalt  }
0x5e: {  	_ =	shalt  }
0x5f: {  	_ =	shalt  }
0x60: {  	_ =	shalt  }
0x61: {  	_ =	shalt  }
0x62: {  	_ =	shalt  }
0x63: {  	_ =	shalt  }
0x64: {  	_ =	shalt  }
0x65: {  	_ =	shalt  }
0x66: {  	_ =	shalt  }
0x67: {  	_ =	shalt  }
0x68: {  	_ =	shalt  }
0x69: {  	_ =	shalt  }
0x6a: {  	_ =	shalt  }
0x6b: {  	_ =	shalt  }
0x6c: {  	_ =	shalt  }
0x6d: {  	_ =	shalt  }
0x6e: {  	_ =	shalt  }
0x6f: {  	_ =	shalt  }
0x70: {  	_ =	shalt  }
0x71: {  	_ =	shalt  }
0x72: {  	_ =	shalt  }
0x73: {  	_ =	shalt  }
0x74: {  	_ =	shalt  }
0x75: {  	_ =	shalt  }
0x76: {  	_ =	shalt  }
0x77: {  	_ =	shalt  }
0x78: {  	_ =	shalt  }
0x79: {  	_ =	shalt  }
0x7a: {  	_ =	shalt  }
0x7b: {  	_ =	shalt  }
0x7c: {  	_ =	shalt  }
0x7d: {  	_ =	shalt  }
0x7e: {  	_ =	shalt  }
0x7f: {  	_ =	shalt  }
0x80: {  	_ =	shalt  }
0x81: {  	_ =	shalt  }
0x82: {  	_ =	shalt  }
0x83: {  	_ =	shalt  }
0x84: {  	_ =	shalt  }
0x85: {  	_ =	shalt  }
0x86: {  	_ =	shalt  }
0x87: {  	_ =	shalt  }
.Lfunc_end0:
.L_simem_size_0:
called_computation_lowered:
.L_overlay_start_0:
0x88: {  	s2 =	sld [smem:$0x3FD9]  }
0x89: {  	s3 =	sld [smem:$0x3FFE];
	_ =	sdelay $0x1  }
0x8a: {  	s1 =	srdreg.scid  }
0x8b: {  	s0 =	sand.u32 $0x1, s1  }
0x8c: {  	s18 =	sshll.u32 s0, $0xA;
	s2 =	sadd.s32 s3, s2  }
0x8d: {  	s2 =	sadd.s32 s2, s18  }
0x8e: {  	[smem:$0x3FC4] =	sst s2  }
0x8f: {  	_ = 	snop  }
0x90: {  	s2 =	sld [smem:$0x3FC9]  }
0x91: {  	s19 =	sld [smem:$0x3FC8]  }
0x92: {  	s4 =	sld [smem:$0x3FC7]  }
0x93: {  	s5 =	sld [smem:$0x3FC6]  }
0x94: {  	s6 =	sld [smem:$0x3FD0];
	(tm) =	ssettm $0x1  }
0x95: {  	s7 =	sld [smem:$0x3FFB];
	_ =	sdelay $0x3  }
0x96: {  	_ =	strace s7  }
0x97: {  	s7 =	sld [smem:$0x3FFC];
	_ =	sdelay $0x3  }
0x98: {  	_ =	strace s7  }
0x99: {  	s7 =	sld [smem:$0x3FFD];
	_ =	sdelay $0x3  }
0x9a: {  	_ =	strace s7  }
0x9b: {  	_ =	strace $0x8FFFFFFF  }
0x9c: {  	s20 =	sld [smem:$0x3FDB];
	_ =	sdelay $0x1  }
0x9d: {  	s8 =	simm.s32 $_scs_section_size  }
0x9e: {  	s9 =	simm.s32 $_size__tile_overlayer_lowered;
	s10 =	simm.s32 $_tile_overlayer_lowered  }
0x9f: {  	s23 =	simm.s32 $0x1BFF;
	s22 =	sshll.u32 s10, $0x1;
	s7 =	sadd.s32 s8, s20  }
0xa0: {  	s11 =	simm.s32 $0x0;
	s21 =	sshll.u32 s9, $0x1;
	s9 =	sadd.s32 s22, s7  }
0xa1: {  	[timem:s11], [sflag:s23] =	dma.local [hbm:s9], s21  }
0xa2: {  	_ =	swait.ge [sflag:s23], s21  }
0xa3: {  	s8 =	ssub.s32 $0x0, s21;
	[sflag:s23] =	ssyncset.done $0x0  }
0xa4: {  	[sflag:s23] =	ssyncadd.s32 s8;
	_ =	sdelay $0x1  }
0xa5: {  	s24 =	simm.s32 $0x1B8B  }
0xa6: {  	_ =	swait.ge [sflag:s24], $0x1  }
0xa7: {  	[sflag:s24] =	ssyncset.done $0x0  }
0xa8: {  	s25 =	simm.s32 $0x1B8E;
	[sflag:s24] =	ssyncadd.s32 $0xFFFFFFFF  }
0xa9: {  	s26 =	simm.s32 $execute0_lowered;
	[smem:$0x3FD2] =	sst s25  }
0xaa: {  	s8 =	sshll.u32 s26, $0x1;
	_ =	strace $0x80000046;
	[dreg:$0x1] =	wrdreg $0xFFFFFFFF  }
0xab: {  	s28 =	simm.s32 $_size_execute0_lowered;
	s7 =	sadd.s32 s7, s8;
	[dreg:$0x0] =	wrdreg $0x0  }
0xac: {  	s8 =	sshll.u32 s28, $0x1;
	[dreg:$0x2] =	wrdreg s7  }
0xad: {  	[dreg:$0x3] =	wrdreg s8  }
0xae: {  	[dreg:$0x4] =	wrdreg $0xC0  }
0xaf: {  	_ =	task [dreg:s11], $0x5FFFF  }
0xb0: {  	[dreg:$0x1] =	wrdreg $0xFFFFFFFF  }
0xb1: {  	[dreg:$0x0] =	wrdreg $0x60  }
0xb2: {  	[dreg:$0x2] =	wrdreg s2  }
0xb3: {  	[dreg:$0x3] =	wrdreg s19  }
0xb4: {  	[dreg:$0x4] =	wrdreg s4  }
0xb5: {  	[dreg:$0x5] =	wrdreg s5  }
0xb6: {  	[dreg:$0x6] =	wrdreg s6  }
0xb7: {  	[dreg:$0x7] =	wrdreg $0x9  }
0xb8: {  	_ =	task.clear_ibuf [dreg:s11], $0x8FFFF;
	_ =	strace $0x90000046  }
0xb9: {  	s29 =	simm.s32 $0x9;
	_ =	strace $0x80000048  }
0xba: {  	_ =	swait.ge [sflag:s29], $0x1  }
0xbb: {  	[sflag:s29] =	ssyncadd.s32 $0xFFFFFFFF  }
0xbc: {  	_ =	strace $0x90000048  }
0xbd: {  	_ =	sfence  }
0xbe: {  	s30 =	sld [smem:$0x0];
	_ =	sdelay $0x2  }
0xbf: {  	s31 =	sshll.u32 s1, $0xD;
	s1 =	sshrl.u32 s1, $0x2  }
0xc0: {  	s3 =	sand.u32 $0x4000, s31;
	s1 =	sadd.s32 s1, s30  }
0xc1: {  	s0 =	sor.u32 s3, s0;
	s1 =	sshll.u32 s1, $0x11  }
0xc2: {  	s0 =	sor.u32 s1, s0  }
0xc3: {  	s0 =	sadd.s32 $0x8F2B, s0  }
0xc4: {  	[sflag:s0] =	ssyncadd.remote.s32 $0x1  }
0xc5: {  	_ =	sfence.sel $0xFFFF  }
0xc6: {  	[dreg:$0x0] =	wrdreg $0xFFFFFFFF;
	(pc) =	sbr.abs _section_cstart, $3  }
0xc7: {  	[dreg:$0x1] =	wrdreg $0xFFFFFFFF  }
0xc8: {  	_ =	task.clear_ibuf [dreg:s11], $0x2FFFF;
	_ =	strace $0x9FFFFFFF  }
0xc9: {  	(tm) =	ssettm $0x7FFFFFFF  }
tec
execute0_lowered:
.L_overlay_start_1:
0x0: {  	(tag) =	ssettag $0x1  }
0x1: {  	s0 =	rddreg [dreg:$0x0]  }
0x2: {  	s3 =	rddreg [dreg:$0x1]  }
0x3: {  	s1 =	rddreg [dreg:$0x2]  }
0x4: {  	s2 =	rddreg [dreg:$0x3]  }
0x5: {  	s4 =	rddreg [dreg:$0x4]  }
0x6: {  	s5 =	srdreg.scid;
	s9 =	simm.s32 $0x0;
	s7 =	stileid.u32;
	v0 =	vlaneseq.u32  }
0x7: {  	s11 =	simm.s32 $0x7A1400;
	s12 =	simm.s32 $0x400;
	s13 =	simm.s32 $0x8400;
	v0 =	vmul.u32 $0x80, v0  }
0x8: {  	s15 =	simm.s32 $0x9400;
	s16 =	simm.s32 $0x9C00;
	s10 =	simm.s32 $0x2400  }
0x9: {  	s17 =	simm.s32 $0xA400;
	s22 =	simm.s32 $0x2C00;
	s24 =	simm.s32 $0xAC00;
	v1 =	vor.u32 $0x800, v0;
	v2 =	vor.u32 $0x1000, v0;
	v3 =	vor.u32 $0x1800, v0  }
0xa: {  	s28 =	simm.s32 $0x3400;
	s29 =	simm.s32 $0xB400;
	s21 =	simm.s32 $0x3C00;
	v4 =	vor.u32 $0x2000, v0;
	v5 =	vor.u32 $0x2800, v0;
	v6 =	vor.u32 $0x3000, v0  }
0xb: {  	s18 =	simm.s32 $0x1;
	s5 =	sand.u32 $0x1, s5;
	s7 =	sshll.u32 s7, $0x7;
	v7 =	vor.u32 $0x3800, v0;
	v8 =	vor.u32 $0x4000, v0;
	v9 =	vor.u32 $0x4800, v0  }
0xc: {  	[smem:$0x7FF] =	sst s9;
	s6 =	ssub.s32 $0x2, s5;
	s5 =	sshll.u32 s5, $0x6;
	v10 =	vor.u32 $0x5000, v0;
	v11 =	vor.u32 $0x5800, v0;
	v12 =	vor.u32 $0x6000, v0  }
0xd: {  	s19 =	simm.s32 $0x10400;
	_ =	strace $0x80000047;
	s5 =	sor.u32 s5, s7;
	v13 =	vor.u32 $0x6800, v0;
	v14 =	vor.u32 $0x7000, v0;
	v15 =	vor.u32 $0x7800, v0  }
0xe: {  	s8 =	sshrl.u32 s6, $0x1;
	s7 =	simm.s32 $0x1400;
	v16 =	vor.u32 $0x1, v0;
	v17 =	vor.u32 $0x2, v0;
	v18 =	vor.u32 $0x3, v0;
	s0 =	sadd.s32 s0, s5  }
0xf: {  	v19 =	vor.u32 $0x4, v0;
	v20 =	vor.u32 $0x5, v0;
	v21 =	vor.u32 $0x6, v0;
	s6 =	ssub.s32 s6, s8;
	s26 =	sadd.s32 s3, s5;
	[dreg:$0x6] =	wrdreg s0  }
0x10: {  	v22 =	vor.u32 $0x7, v0;
	v23 =	vor.u32 $0x8, v0;
	v24 =	vor.u32 $0x9, v0;
	s30 =	sadd.s32 s4, s5;
	s3 =	simm.s32 $0x2;
	[dreg:$0x7] =	wrdreg s26  }
0x11: {  	v25 =	vor.u32 $0xA, v0;
	v26 =	vor.u32 $0xB, v0;
	v27 =	vor.u32 $0xC, v0;
	s5 =	simm.s32 $0xC00;
	[dreg:$0x8] =	wrdreg s30;
	s31 =	smax.u32 s6, $0x1  }
0x12: {  	v28 =	vor.u32 $0xD, v0;
	v29 =	vor.u32 $0xE, v0;
	v30 =	vor.u32 $0xF, v0;
	s8 =	simm.s32 $0x1C00;
	s4 =	simm.s32 $0x0;
	[dreg:$0x9] =	wrdreg s31  }
.LBB2_1:
0x13: {  	[dreg:$0xa] =	wrdreg s4  }
0x14: {  	s0 =	rddreg [dreg:$0x6]  }
0x15: {  	[tilespmem:s9], [sflag:$0x2] =	stream.linear.gather [hbm4b:s0+s9], $0x200, $0x38;
	[tilespmem:$0x10E00] =	vst v63  }
0x16: {  	_ =	swait.ge [sflag:s3], $0x200  }
0x17: {  	[sflag:s3] =	ssyncset.done $0x0  }
0x18: {  	s31 =	simm.s32 $0x200;
	s30 =	rddreg [dreg:$0x7];
	[sflag:s3] =	ssyncadd.s32 $0xFFFFFE00  }
0x19: {  	[tilespmem:s31], [sflag:$0x2] =	stream.linear.gather [hbm4b:s30+s9], $0x200, $0x38;
	[tilespmem:$0x10E00] =	vst v63  }
0x1a: {  	_ =	swait.ge [sflag:s3], $0x200  }
0x1b: {  	[sflag:s3] =	ssyncset.done $0x0  }
0x1c: {  	s20 =	simm.s32 $0x0;
	[sflag:s3] =	ssyncadd.s32 $0xFFFFFE00  }
.LBB2_2:
0x1d: {  	s0 =	sshra.s32 s20, $0x2  }
0x1e: {  	v32 =	vld [tilespmem:s0+$0x0]  }
0x1f: {  	v31 =	vld [tilespmem:s0+$0x200];
	_ =	sdelay $0x3  }
0x20: {  	(v2sf) =	vpush v32, $0x0  }
0x21: {  	(v2sf) =	vpush v31, $0x0;
	_ =	sdelay $0x4  }
0x22: {  	(v2sf) =	vpush v32, $0x1;
	_ =	sdelay $0x1  }
0x23: {  	(v2sf) =	vpush v31, $0x1;
	_ =	sdelay $0x6  }
0x24: {  	s31 =	spop (v2sf)  }
0x25: {  	(v2sf) =	vpush v32, $0x2;
	s6 =	sand.u32 $0xFFFFF80, s31;
	s23 =	spop (v2sf)  }
0x26: {  	[dreg:$0xb] =	wrdreg s0;
	(v2sf) =	vpush v31, $0x2;
	s0 =	sadd.s32 s1, s6;
	s3 =	sand.u32 $0xFFFFF80, s23  }
0x27: {  	[tilespmem:s12], [sflag:$0x1] =	stream.strided.gather [hbm4b:s0+s12], $0x800, s11, s12, $0x38;
	[tilespmem:$0x10E00] =	vst v63  }
0x28: {  	s3 =	sadd.s32 s2, s3  }
0x29: {  	[tilespmem:s13], [sflag:$0x1] =	stream.strided.gather [hbm4b:s3+s12], $0x800, s11, s12, $0x38;
	[tilespmem:$0x10E00] =	vst v63  }
0x2a: {  	s14 =	simm.s32 $0x8C00;
	s26 =	spop (v2sf);
	s0 =	sadd.s32 $0x1E8500, s0  }
0x2b: {  	[tilespmem:s5], [sflag:$0x1] =	stream.strided.gather [hbm4b:s0+s12], $0x800, s11, s12, $0x38;
	[tilespmem:$0x10E00] =	vst v63  }
0x2c: {  	(v2sf) =	vpush v32, $0x3;
	s25 =	sand.u32 $0xFFFFF80, s26;
	s6 =	spop (v2sf);
	s9 =	sadd.s32 $0x1E8500, s3  }
0x2d: {  	[tilespmem:s14], [sflag:$0x1] =	stream.strided.gather [hbm4b:s9+s12], $0x800, s11, s12, $0x38;
	[tilespmem:$0x10E00] =	vst v63  }
0x2e: {  	(v2sf) =	vpush v31, $0x3;
	s30 =	sand.u32 $0xFFFFF80, s6;
	s0 =	sadd.s32 s1, s25  }
0x2f: {  	[tilespmem:s7], [sflag:$0x1] =	stream.strided.gather [hbm4b:s0+s12], $0x800, s11, s12, $0x38;
	[tilespmem:$0x10E00] =	vst v63  }
0x30: {  	s3 =	sadd.s32 s2, s30  }
0x31: {  	[tilespmem:s15], [sflag:$0x1] =	stream.strided.gather [hbm4b:s3+s12], $0x800, s11, s12, $0x38;
	[tilespmem:$0x10E00] =	vst v63  }
0x32: {  	s0 =	sadd.s32 $0x1E8500, s0  }
0x33: {  	[tilespmem:s8], [sflag:$0x1] =	stream.strided.gather [hbm4b:s0+s12], $0x800, s11, s12, $0x38;
	[tilespmem:$0x10E00] =	vst v63  }
0x34: {  	s30 =	spop (v2sf);
	(v2sf) =	vpush v32, $0x4  }
0x35: {  	s3 =	sadd.s32 $0x1E8500, s3;
	s4 =	sand.u32 $0xFFFFF80, s30;
	s7 =	spop (v2sf)  }
0x36: {  	(v2sf) =	vpush v31, $0x4;
	[tilespmem:s16], [sflag:$0x1] =	stream.strided.gather [hbm4b:s3+s12], $0x800, s11, s12, $0x38;
	[tilespmem:$0x10E00] =	vst v63  }
0x37: {  	s0 =	sadd.s32 s1, s4;
	s5 =	sand.u32 $0xFFFFF80, s7  }
0x38: {  	[tilespmem:s10], [sflag:$0x1] =	stream.strided.gather [hbm4b:s0+s12], $0x800, s11, s12, $0x38;
	[tilespmem:$0x10E00] =	vst v63  }
0x39: {  	s3 =	sadd.s32 s2, s5  }
0x3a: {  	[tilespmem:s17], [sflag:$0x1] =	stream.strided.gather [hbm4b:s3+s12], $0x800, s11, s12, $0x38;
	[tilespmem:$0x10E00] =	vst v63  }
0x3b: {  	s25 =	spop (v2sf);
	s0 =	sadd.s32 $0x1E8500, s0  }
0x3c: {  	[tilespmem:s22], [sflag:$0x1] =	stream.strided.gather [hbm4b:s0+s12], $0x800, s11, s12, $0x38;
	[tilespmem:$0x10E00] =	vst v63  }
0x3d: {  	s9 =	sand.u32 $0xFFFFF80, s25;
	s5 =	spop (v2sf);
	s8 =	sadd.s32 $0x1E8500, s3  }
0x3e: {  	(v2sf) =	vpush v32, $0x5;
	[tilespmem:s24], [sflag:$0x1] =	stream.strided.gather [hbm4b:s8+s12], $0x800, s11, s12, $0x38;
	[tilespmem:$0x10E00] =	vst v63  }
0x3f: {  	(v2sf) =	vpush v31, $0x5;
	s10 =	sand.u32 $0xFFFFF80, s5;
	s0 =	sadd.s32 s1, s9  }
0x40: {  	[tilespmem:s28], [sflag:$0x1] =	stream.strided.gather [hbm4b:s0+s12], $0x800, s11, s12, $0x38;
	[tilespmem:$0x10E00] =	vst v63  }
0x41: {  	s3 =	sadd.s32 s2, s10  }
0x42: {  	[tilespmem:s29], [sflag:$0x1] =	stream.strided.gather [hbm4b:s3+s12], $0x800, s11, s12, $0x38;
	[tilespmem:$0x10E00] =	vst v63  }
0x43: {  	s17 =	simm.s32 $0xBC00;
	s0 =	sadd.s32 $0x1E8500, s0;
	s8 =	spop (v2sf)  }
0x44: {  	[tilespmem:s21], [sflag:$0x1] =	stream.strided.gather [hbm4b:s0+s12], $0x800, s11, s12, $0x38;
	[tilespmem:$0x10E00] =	vst v63  }
0x45: {  	s16 =	sadd.s32 $0x1E8500, s3;
	s21 =	sand.u32 $0xFFFFF80, s8;
	s0 =	spop (v2sf)  }
0x46: {  	[tilespmem:s17], [sflag:$0x1] =	stream.strided.gather [hbm4b:s16+s12], $0x800, s11, s12, $0x38;
	[tilespmem:$0x10E00] =	vst v63  }
0x47: {  	s4 =	simm.s32 $0x4400;
	(v2sf) =	vpush v32, $0x6;
	s3 =	sadd.s32 s1, s21;
	s22 =	sand.u32 $0xFFFFF80, s0  }
0x48: {  	(v2sf) =	vpush v31, $0x6;
	[tilespmem:s4], [sflag:$0x1] =	stream.strided.gather [hbm4b:s3+s12], $0x800, s11, s12, $0x38;
	[tilespmem:$0x10E00] =	vst v63  }
0x49: {  	s24 =	simm.s32 $0xC400;
	s10 =	sadd.s32 s2, s22  }
0x4a: {  	[tilespmem:s24], [sflag:$0x1] =	stream.strided.gather [hbm4b:s10+s12], $0x800, s11, s12, $0x38;
	[tilespmem:$0x10E00] =	vst v63  }
0x4b: {  	s9 =	simm.s32 $0x4C00;
	s3 =	sadd.s32 $0x1E8500, s3  }
0x4c: {  	[tilespmem:s9], [sflag:$0x1] =	stream.strided.gather [hbm4b:s3+s12], $0x800, s11, s12, $0x38;
	[tilespmem:$0x10E00] =	vst v63  }
0x4d: {  	s21 =	simm.s32 $0xCC00;
	s3 =	spop (v2sf)  }
0x4e: {  	s10 =	sadd.s32 $0x1E8500, s10;
	s22 =	sand.u32 $0xFFFFF80, s3;
	s28 =	spop (v2sf)  }
0x4f: {  	[tilespmem:s21], [sflag:$0x1] =	stream.strided.gather [hbm4b:s10+s12], $0x800, s11, s12, $0x38;
	[tilespmem:$0x10E00] =	vst v63  }
0x50: {  	s24 =	simm.s32 $0x5400;
	s10 =	sadd.s32 s1, s22;
	s9 =	sand.u32 $0xFFFFF80, s28  }
0x51: {  	[tilespmem:s24], [sflag:$0x1] =	stream.strided.gather [hbm4b:s10+s12], $0x800, s11, s12, $0x38;
	[tilespmem:$0x10E00] =	vst v63  }
0x52: {  	(v2sf) =	vpush v32, $0x7;
	s21 =	simm.s32 $0xD400;
	s22 =	sadd.s32 s2, s9  }
0x53: {  	(v2sf) =	vpush v31, $0x7;
	[tilespmem:s21], [sflag:$0x1] =	stream.strided.gather [hbm4b:s22+s12], $0x800, s11, s12, $0x38;
	[tilespmem:$0x10E00] =	vst v63  }
0x54: {  	s10 =	sadd.s32 $0x1E8500, s10;
	s24 =	simm.s32 $0x5C00  }
0x55: {  	[tilespmem:s24], [sflag:$0x1] =	stream.strided.gather [hbm4b:s10+s12], $0x800, s11, s12, $0x38;
	[tilespmem:$0x10E00] =	vst v63  }
0x56: {  	s9 =	simm.s32 $0xDC00;
	s10 =	spop (v2sf)  }
0x57: {  	s4 =	sadd.s32 $0x1E8500, s22;
	s21 =	sand.u32 $0xFFFFF80, s10;
	s29 =	spop (v2sf)  }
0x58: {  	[tilespmem:s9], [sflag:$0x1] =	stream.strided.gather [hbm4b:s4+s12], $0x800, s11, s12, $0x38;
	[tilespmem:$0x10E00] =	vst v63  }
0x59: {  	s24 =	simm.s32 $0x6400;
	s22 =	sadd.s32 s1, s21;
	s9 =	sand.u32 $0xFFFFF80, s29  }
0x5a: {  	[tilespmem:s24], [sflag:$0x1] =	stream.strided.gather [hbm4b:s22+s12], $0x800, s11, s12, $0x38;
	[tilespmem:$0x10E00] =	vst v63  }
0x5b: {  	s21 =	simm.s32 $0xE400;
	s24 =	sadd.s32 s2, s9  }
0x5c: {  	[tilespmem:s21], [sflag:$0x1] =	stream.strided.gather [hbm4b:s24+s12], $0x800, s11, s12, $0x38;
	[tilespmem:$0x10E00] =	vst v63  }
0x5d: {  	s22 =	sadd.s32 $0x1E8500, s22;
	s9 =	simm.s32 $0x6C00  }
0x5e: {  	[tilespmem:s9], [sflag:$0x1] =	stream.strided.gather [hbm4b:s22+s12], $0x800, s11, s12, $0x38;
	[tilespmem:$0x10E00] =	vst v63  }
0x5f: {  	s21 =	sadd.s32 $0x1E8500, s24;
	s24 =	simm.s32 $0xEC00  }
0x60: {  	[tilespmem:s24], [sflag:$0x1] =	stream.strided.gather [hbm4b:s21+s12], $0x800, s11, s12, $0x38;
	[tilespmem:$0x10E00] =	vst v63  }
0x61: {  	s24 =	spop (v2sf)  }
0x62: {  	s9 =	sand.u32 $0xFFFFF80, s24;
	s22 =	spop (v2sf)  }
0x63: {  	s4 =	sadd.s32 s1, s9;
	s9 =	simm.s32 $0x7400;
	s21 =	sand.u32 $0xFFFFF80, s22  }
0x64: {  	[tilespmem:s9], [sflag:$0x1] =	stream.strided.gather [hbm4b:s4+s12], $0x800, s11, s12, $0x38;
	[tilespmem:$0x10E00] =	vst v63  }
0x65: {  	s9 =	sadd.s32 s2, s21;
	s21 =	simm.s32 $0xF400  }
0x66: {  	[tilespmem:s21], [sflag:$0x1] =	stream.strided.gather [hbm4b:s9+s12], $0x800, s11, s12, $0x38;
	[tilespmem:$0x10E00] =	vst v63  }
0x67: {  	s4 =	sadd.s32 $0x1E8500, s4;
	s21 =	simm.s32 $0x7C00  }
0x68: {  	[tilespmem:s21], [sflag:$0x1] =	stream.strided.gather [hbm4b:s4+s12], $0x800, s11, s12, $0x38;
	[tilespmem:$0x10E00] =	vst v63  }
0x69: {  	s9 =	sadd.s32 $0x1E8500, s9;
	s21 =	simm.s32 $0xFC00  }
0x6a: {  	[tilespmem:s21], [sflag:$0x1] =	stream.strided.gather [hbm4b:s9+s12], $0x800, s11, s12, $0x38;
	[tilespmem:$0x10E00] =	vst v63  }
0x6b: {  	_ =	swait.ge [sflag:s18], $0x800  }
0x6c: {  	[sflag:s18] =	ssyncset.done $0x0  }
0x6d: {  	[sflag:s18] =	ssyncadd.s32 $0xFFFFF800  }
0x6e: {  	_ =	swait.ge [sflag:s18], $0x800  }
0x6f: {  	[sflag:s18] =	ssyncset.done $0x0  }
0x70: {  	[sflag:s18] =	ssyncadd.s32 $0xFFFFF800  }
0x71: {  	_ =	swait.ge [sflag:s18], $0x800  }
0x72: {  	[sflag:s18] =	ssyncset.done $0x0  }
0x73: {  	[sflag:s18] =	ssyncadd.s32 $0xFFFFF800  }
0x74: {  	_ =	swait.ge [sflag:s18], $0x800  }
0x75: {  	[sflag:s18] =	ssyncset.done $0x0  }
0x76: {  	[sflag:s18] =	ssyncadd.s32 $0xFFFFF800  }
0x77: {  	_ =	swait.ge [sflag:s18], $0x800  }
0x78: {  	[sflag:s18] =	ssyncset.done $0x0  }
0x79: {  	[sflag:s18] =	ssyncadd.s32 $0xFFFFF800  }
0x7a: {  	_ =	swait.ge [sflag:s18], $0x800  }
0x7b: {  	[sflag:s18] =	ssyncset.done $0x0  }
0x7c: {  	[sflag:s18] =	ssyncadd.s32 $0xFFFFF800  }
0x7d: {  	_ =	swait.ge [sflag:s18], $0x800  }
0x7e: {  	[sflag:s18] =	ssyncset.done $0x0  }
0x7f: {  	[sflag:s18] =	ssyncadd.s32 $0xFFFFF800  }
0x80: {  	_ =	swait.ge [sflag:s18], $0x800  }
0x81: {  	[sflag:s18] =	ssyncset.done $0x0  }
0x82: {  	[sflag:s18] =	ssyncadd.s32 $0xFFFFF800  }
0x83: {  	_ =	swait.ge [sflag:s18], $0x800  }
0x84: {  	[sflag:s18] =	ssyncset.done $0x0  }
0x85: {  	[sflag:s18] =	ssyncadd.s32 $0xFFFFF800  }
0x86: {  	_ =	swait.ge [sflag:s18], $0x800  }
0x87: {  	[sflag:s18] =	ssyncset.done $0x0  }
0x88: {  	[sflag:s18] =	ssyncadd.s32 $0xFFFFF800  }
0x89: {  	_ =	swait.ge [sflag:s18], $0x800  }
0x8a: {  	[sflag:s18] =	ssyncset.done $0x0  }
0x8b: {  	[sflag:s18] =	ssyncadd.s32 $0xFFFFF800  }
0x8c: {  	_ =	swait.ge [sflag:s18], $0x800  }
0x8d: {  	[sflag:s18] =	ssyncset.done $0x0  }
0x8e: {  	[sflag:s18] =	ssyncadd.s32 $0xFFFFF800  }
0x8f: {  	_ =	swait.ge [sflag:s18], $0x800  }
0x90: {  	[sflag:s18] =	ssyncset.done $0x0  }
0x91: {  	[sflag:s18] =	ssyncadd.s32 $0xFFFFF800  }
0x92: {  	_ =	swait.ge [sflag:s18], $0x800  }
0x93: {  	[sflag:s18] =	ssyncset.done $0x0  }
0x94: {  	[sflag:s18] =	ssyncadd.s32 $0xFFFFF800  }
0x95: {  	s21 =	sand.u32 $0x7F, s31;
	_ =	swait.ge [sflag:s18], $0x800  }
0x96: {  	v33 =	vor.u32 s21, v0;
	[sflag:s18] =	ssyncset.done $0x0  }
0x97: {  	s23 =	sand.u32 $0x7F, s23;
	v34 =	vor.u32 s21, v1;
	[sflag:s18] =	ssyncadd.s32 $0xFFFFF800  }
0x98: {  	v35 =	vor.u32 s23, v0;
	_ =	swait.ge [sflag:s18], $0x800  }
0x99: {  	v36 =	vor.u32 s23, v1;
	[sflag:s18] =	ssyncset.done $0x0  }
0x9a: {  	[sflag:s18] =	ssyncadd.s32 $0xFFFFF800  }
0x9b: {  	v33 =	vld.idx.msk [tilespmem:v33+s12+$0x0], $0xffff  }
0x9c: {  	v34 =	vld.idx.msk [tilespmem:v34+s12+$0x0], $0xffff  }
0x9d: {  	v35 =	vld.idx.msk [tilespmem:v35+s13+$0x0], $0xffff  }
0x9e: {  	v36 =	vld.idx.msk [tilespmem:v36+s13+$0x0], $0xffff;
	_ =	sdelay $0x3  }
0x9f: {  	s26 =	sand.u32 $0x7F, s26  }
0xa0: {  	v60 =	vor.u32 s26, v2;
	v33 =	vmul.f32 v35, v33;
	v34 =	vmul.f32 v36, v34  }
0xa1: {  	s6 =	sand.u32 $0x7F, s6;
	v61 =	vor.u32 s26, v3  }
0xa2: {  	v62 =	vor.u32 s6, v2;
	v33 =	vadd.f32 v34, v33  }
0xa3: {  	v37 =	vor.u32 s6, v3  }
0xa4: {  	[tilespmem:$0x10400] =	vst v33  }
0xa5: {  	v33 =	vld.idx.msk [tilespmem:v60+s12+$0x0], $0xffff  }
0xa6: {  	v63 =	vld.idx.msk [tilespmem:v61+s12+$0x0], $0xffff  }
0xa7: {  	v34 =	vld.idx.msk [tilespmem:v62+s13+$0x0], $0xffff  }
0xa8: {  	v40 =	vld.idx.msk [tilespmem:v37+s13+$0x0], $0xffff;
	_ =	sdelay $0x3  }
0xa9: {  	s30 =	sand.u32 $0x7F, s30  }
0xaa: {  	v42 =	vor.u32 s30, v4;
	v33 =	vmul.f32 v34, v33;
	v41 =	vmul.f32 v40, v63  }
0xab: {  	v43 =	vor.u32 s30, v5;
	s31 =	sand.u32 $0x7F, s7  }
0xac: {  	v44 =	vor.u32 s31, v4;
	v33 =	vadd.f32 v41, v33  }
0xad: {  	v45 =	vor.u32 s31, v5  }
0xae: {  	[tilespmem:$0x10480] =	vst v33  }
0xaf: {  	v33 =	vld.idx.msk [tilespmem:v42+s12+$0x0], $0xffff  }
0xb0: {  	v46 =	vld.idx.msk [tilespmem:v43+s12+$0x0], $0xffff  }
0xb1: {  	v34 =	vld.idx.msk [tilespmem:v44+s13+$0x0], $0xffff  }
0xb2: {  	v47 =	vld.idx.msk [tilespmem:v45+s13+$0x0], $0xffff;
	_ =	sdelay $0x2  }
0xb3: {  	s7 =	sand.u32 $0x7F, s25  }
0xb4: {  	v49 =	vor.u32 s7, v6  }
0xb5: {  	(v2sf) =	vpush v32, $0x8;
	v33 =	vmul.f32 v34, v33;
	v48 =	vmul.f32 v47, v46  }
0xb6: {  	s5 =	sand.u32 $0x7F, s5;
	v50 =	vor.u32 s7, v7;
	(v2sf) =	vpush v31, $0x8  }
0xb7: {  	v51 =	vor.u32 s5, v6;
	v33 =	vadd.f32 v48, v33  }
0xb8: {  	v52 =	vor.u32 s5, v7  }
0xb9: {  	[tilespmem:$0x10500] =	vst v33  }
0xba: {  	v33 =	vld.idx.msk [tilespmem:v49+s12+$0x0], $0xffff  }
0xbb: {  	v53 =	vld.idx.msk [tilespmem:v50+s12+$0x0], $0xffff  }
0xbc: {  	v34 =	vld.idx.msk [tilespmem:v51+s13+$0x0], $0xffff  }
0xbd: {  	(v2sf) =	vpush v32, $0x9;
	v54 =	vld.idx.msk [tilespmem:v52+s13+$0x0], $0xffff;
	_ =	sdelay $0x1  }
0xbe: {  	(v2sf) =	vpush v31, $0x9;
	_ =	sdelay $0x2  }
0xbf: {  	v33 =	vmul.f32 v34, v33;
	v55 =	vmul.f32 v54, v53;
	_ =	sdelay $0x1  }
0xc0: {  	s5 =	spop (v2sf);
	v33 =	vadd.f32 v55, v33  }
0xc1: {  	s9 =	sand.u32 $0xFFFFF80, s5;
	s30 =	spop (v2sf)  }
0xc2: {  	s4 =	sadd.s32 s1, s9;
	s21 =	sand.u32 $0xFFFFF80, s30;
	[tilespmem:$0x10580] =	vst v33  }
0xc3: {  	[tilespmem:s12], [sflag:$0x1] =	stream.strided.gather [hbm4b:s4+s12], $0x800, s11, s12, $0x38;
	[tilespmem:$0x10E00] =	vst v63  }
0xc4: {  	(v2sf) =	vpush v32, $0xA;
	s6 =	sadd.s32 s2, s21  }
0xc5: {  	(v2sf) =	vpush v31, $0xA;
	[tilespmem:s13], [sflag:$0x1] =	stream.strided.gather [hbm4b:s6+s12], $0x800, s11, s12, $0x38;
	[tilespmem:$0x10E00] =	vst v63  }
0xc6: {  	s14 =	simm.s32 $0xC00;
	s4 =	sadd.s32 $0x1E8500, s4  }
0xc7: {  	[tilespmem:s14], [sflag:$0x1] =	stream.strided.gather [hbm4b:s4+s12], $0x800, s11, s12, $0x38;
	[tilespmem:$0x10E00] =	vst v63  }
0xc8: {  	s23 =	simm.s32 $0x8C00;
	s25 =	sadd.s32 $0x1E8500, s6;
	s6 =	spop (v2sf)  }
0xc9: {  	[tilespmem:s23], [sflag:$0x1] =	stream.strided.gather [hbm4b:s25+s12], $0x800, s11, s12, $0x38;
	[tilespmem:$0x10E00] =	vst v63  }
0xca: {  	s26 =	sand.u32 $0xFFFFF80, s6;
	s25 =	spop (v2sf)  }
0xcb: {  	s15 =	simm.s32 $0x1400;
	s4 =	sadd.s32 s1, s26;
	s31 =	sand.u32 $0xFFFFF80, s25  }
0xcc: {  	[tilespmem:s15], [sflag:$0x1] =	stream.strided.gather [hbm4b:s4+s12], $0x800, s11, s12, $0x38;
	[tilespmem:$0x10E00] =	vst v63  }
0xcd: {  	s15 =	simm.s32 $0x9400;
	s7 =	sadd.s32 s2, s31  }
0xce: {  	(v2sf) =	vpush v32, $0xB;
	[tilespmem:s15], [sflag:$0x1] =	stream.strided.gather [hbm4b:s7+s12], $0x800, s11, s12, $0x38;
	[tilespmem:$0x10E00] =	vst v63  }
0xcf: {  	s16 =	simm.s32 $0x1C00;
	(v2sf) =	vpush v31, $0xB;
	s4 =	sadd.s32 $0x1E8500, s4  }
0xd0: {  	[tilespmem:s16], [sflag:$0x1] =	stream.strided.gather [hbm4b:s4+s12], $0x800, s11, s12, $0x38;
	[tilespmem:$0x10E00] =	vst v63  }
0xd1: {  	s7 =	sadd.s32 $0x1E8500, s7;
	s16 =	simm.s32 $0x9C00  }
0xd2: {  	[tilespmem:s16], [sflag:$0x1] =	stream.strided.gather [hbm4b:s7+s12], $0x800, s11, s12, $0x38;
	[tilespmem:$0x10E00] =	vst v63  }
0xd3: {  	s7 =	spop (v2sf)  }
0xd4: {  	s9 =	sand.u32 $0xFFFFF80, s7;
	s26 =	spop (v2sf)  }
0xd5: {  	s17 =	simm.s32 $0x2400;
	s4 =	sadd.s32 s1, s9;
	s14 =	sand.u32 $0xFFFFF80, s26  }
0xd6: {  	[tilespmem:s17], [sflag:$0x1] =	stream.strided.gather [hbm4b:s4+s12], $0x800, s11, s12, $0x38;
	[tilespmem:$0x10E00] =	vst v63  }
0xd7: {  	s17 =	simm.s32 $0xA400;
	s9 =	sadd.s32 s2, s14  }
0xd8: {  	[tilespmem:s17], [sflag:$0x1] =	stream.strided.gather [hbm4b:s9+s12], $0x800, s11, s12, $0x38;
	[tilespmem:$0x10E00] =	vst v63  }
0xd9: {  	s21 =	simm.s32 $0x2C00;
	s4 =	sadd.s32 $0x1E8500, s4  }
0xda: {  	[tilespmem:s21], [sflag:$0x1] =	stream.strided.gather [hbm4b:s4+s12], $0x800, s11, s12, $0x38;
	[tilespmem:$0x10E00] =	vst v63  }
0xdb: {  	s31 =	simm.s32 $0xAC00;
	s23 =	sadd.s32 $0x1E8500, s9  }
0xdc: {  	[tilespmem:s31], [sflag:$0x1] =	stream.strided.gather [hbm4b:s23+s12], $0x800, s11, s12, $0x38;
	[tilespmem:$0x10E00] =	vst v63  }
0xdd: {  	s31 =	spop (v2sf)  }
0xde: {  	s9 =	sand.u32 $0xFFFFF80, s31;
	s23 =	spop (v2sf)  }
0xdf: {  	s14 =	simm.s32 $0x3400;
	s4 =	sadd.s32 s1, s9;
	s21 =	sand.u32 $0xFFFFF80, s23  }
0xe0: {  	[tilespmem:s14], [sflag:$0x1] =	stream.strided.gather [hbm4b:s4+s12], $0x800, s11, s12, $0x38;
	[tilespmem:$0x10E00] =	vst v63  }
0xe1: {  	s9 =	sadd.s32 s2, s21;
	s14 =	simm.s32 $0xB400  }
0xe2: {  	[tilespmem:s14], [sflag:$0x1] =	stream.strided.gather [hbm4b:s9+s12], $0x800, s11, s12, $0x38;
	[tilespmem:$0x10E00] =	vst v63  }
0xe3: {  	s21 =	simm.s32 $0x3C00;
	s4 =	sadd.s32 $0x1E8500, s4  }
0xe4: {  	[tilespmem:s21], [sflag:$0x1] =	stream.strided.gather [hbm4b:s4+s12], $0x800, s11, s12, $0x38;
	[tilespmem:$0x10E00] =	vst v63  }
0xe5: {  	s9 =	sadd.s32 $0x1E8500, s9;
	s14 =	simm.s32 $0xBC00  }
0xe6: {  	[tilespmem:s14], [sflag:$0x1] =	stream.strided.gather [hbm4b:s9+s12], $0x800, s11, s12, $0x38;
	[tilespmem:$0x10E00] =	vst v63  }
0xe7: {  	_ =	swait.ge [sflag:s18], $0x800  }
0xe8: {  	[sflag:s18] =	ssyncset.done $0x0  }
0xe9: {  	[sflag:s18] =	ssyncadd.s32 $0xFFFFF800  }
0xea: {  	_ =	swait.ge [sflag:s18], $0x800  }
0xeb: {  	[sflag:s18] =	ssyncset.done $0x0  }
0xec: {  	[sflag:s18] =	ssyncadd.s32 $0xFFFFF800  }
0xed: {  	_ =	swait.ge [sflag:s18], $0x800  }
0xee: {  	[sflag:s18] =	ssyncset.done $0x0  }
0xef: {  	[sflag:s18] =	ssyncadd.s32 $0xFFFFF800  }
0xf0: {  	_ =	swait.ge [sflag:s18], $0x800  }
0xf1: {  	[sflag:s18] =	ssyncset.done $0x0  }
0xf2: {  	[sflag:s18] =	ssyncadd.s32 $0xFFFFF800  }
0xf3: {  	_ =	swait.ge [sflag:s18], $0x800  }
0xf4: {  	[sflag:s18] =	ssyncset.done $0x0  }
0xf5: {  	[sflag:s18] =	ssyncadd.s32 $0xFFFFF800  }
0xf6: {  	_ =	swait.ge [sflag:s18], $0x800  }
0xf7: {  	[sflag:s18] =	ssyncset.done $0x0  }
0xf8: {  	[sflag:s18] =	ssyncadd.s32 $0xFFFFF800  }
0xf9: {  	_ =	swait.ge [sflag:s18], $0x800  }
0xfa: {  	[sflag:s18] =	ssyncset.done $0x0  }
0xfb: {  	[sflag:s18] =	ssyncadd.s32 $0xFFFFF800  }
0xfc: {  	_ =	swait.ge [sflag:s18], $0x800  }
0xfd: {  	[sflag:s18] =	ssyncset.done $0x0  }
0xfe: {  	[sflag:s18] =	ssyncadd.s32 $0xFFFFF800  }
0xff: {  	_ =	swait.ge [sflag:s18], $0x800  }
0x100: {  	[sflag:s18] =	ssyncset.done $0x0  }
0x101: {  	[sflag:s18] =	ssyncadd.s32 $0xFFFFF800  }
0x102: {  	_ =	swait.ge [sflag:s18], $0x800  }
0x103: {  	[sflag:s18] =	ssyncset.done $0x0  }
0x104: {  	[sflag:s18] =	ssyncadd.s32 $0xFFFFF800  }
0x105: {  	_ =	swait.ge [sflag:s18], $0x800  }
0x106: {  	[sflag:s18] =	ssyncset.done $0x0  }
0x107: {  	[sflag:s18] =	ssyncadd.s32 $0xFFFFF800  }
0x108: {  	_ =	swait.ge [sflag:s18], $0x800  }
0x109: {  	[sflag:s18] =	ssyncset.done $0x0  }
0x10a: {  	[sflag:s18] =	ssyncadd.s32 $0xFFFFF800  }
0x10b: {  	_ =	swait.ge [sflag:s18], $0x800  }
0x10c: {  	[sflag:s18] =	ssyncset.done $0x0  }
0x10d: {  	[sflag:s18] =	ssyncadd.s32 $0xFFFFF800  }
0x10e: {  	_ =	swait.ge [sflag:s18], $0x800  }
0x10f: {  	[sflag:s18] =	ssyncset.done $0x0  }
0x110: {  	[sflag:s18] =	ssyncadd.s32 $0xFFFFF800  }
0x111: {  	s14 =	sand.u32 $0x7F, s8;
	_ =	swait.ge [sflag:s18], $0x800  }
0x112: {  	v56 =	vor.u32 s14, v8;
	[sflag:s18] =	ssyncset.done $0x0  }
0x113: {  	s0 =	sand.u32 $0x7F, s0;
	v57 =	vor.u32 s14, v9;
	[sflag:s18] =	ssyncadd.s32 $0xFFFFF800  }
0x114: {  	v58 =	vor.u32 s0, v8;
	_ =	swait.ge [sflag:s18], $0x800  }
0x115: {  	v59 =	vor.u32 s0, v9;
	[sflag:s18] =	ssyncset.done $0x0  }
0x116: {  	[sflag:s18] =	ssyncadd.s32 $0xFFFFF800  }
0x117: {  	v33 =	vld.idx.msk [tilespmem:v56+s12+$0x0], $0xffff  }
0x118: {  	v34 =	vld.idx.msk [tilespmem:v57+s12+$0x0], $0xffff  }
0x119: {  	v35 =	vld.idx.msk [tilespmem:v58+s13+$0x0], $0xffff  }
0x11a: {  	v36 =	vld.idx.msk [tilespmem:v59+s13+$0x0], $0xffff;
	_ =	sdelay $0x3  }
0x11b: {  	s4 =	sand.u32 $0x7F, s3  }
0x11c: {  	v60 =	vor.u32 s4, v10;
	v33 =	vmul.f32 v35, v33;
	v34 =	vmul.f32 v36, v34  }
0x11d: {  	v61 =	vor.u32 s4, v11;
	s8 =	sand.u32 $0x7F, s28  }
0x11e: {  	v62 =	vor.u32 s8, v10;
	v33 =	vadd.f32 v34, v33  }
0x11f: {  	v63 =	vor.u32 s8, v11  }
0x120: {  	[tilespmem:$0x10600] =	vst v33  }
0x121: {  	v33 =	vld.idx.msk [tilespmem:v60+s12+$0x0], $0xffff  }
0x122: {  	v40 =	vld.idx.msk [tilespmem:v61+s12+$0x0], $0xffff  }
0x123: {  	v34 =	vld.idx.msk [tilespmem:v62+s13+$0x0], $0xffff  }
0x124: {  	v41 =	vld.idx.msk [tilespmem:v63+s13+$0x0], $0xffff;
	_ =	sdelay $0x3  }
0x125: {  	s9 =	sand.u32 $0x7F, s10  }
0x126: {  	v43 =	vor.u32 s9, v12;
	v33 =	vmul.f32 v34, v33;
	v42 =	vmul.f32 v41, v40  }
0x127: {  	s10 =	sand.u32 $0x7F, s29;
	v44 =	vor.u32 s9, v13  }
0x128: {  	v45 =	vor.u32 s10, v12;
	v33 =	vadd.f32 v42, v33  }
0x129: {  	v46 =	vor.u32 s10, v13  }
0x12a: {  	[tilespmem:$0x10680] =	vst v33  }
0x12b: {  	v33 =	vld.idx.msk [tilespmem:v43+s12+$0x0], $0xffff  }
0x12c: {  	v47 =	vld.idx.msk [tilespmem:v44+s12+$0x0], $0xffff  }
0x12d: {  	v34 =	vld.idx.msk [tilespmem:v45+s13+$0x0], $0xffff  }
0x12e: {  	v48 =	vld.idx.msk [tilespmem:v46+s13+$0x0], $0xffff;
	_ =	sdelay $0x2  }
0x12f: {  	s14 =	sand.u32 $0x7F, s24  }
0x130: {  	v50 =	vor.u32 s14, v14  }
0x131: {  	(v2sf) =	vpush v32, $0xC;
	v33 =	vmul.f32 v34, v33;
	v49 =	vmul.f32 v48, v47  }
0x132: {  	s24 =	sand.u32 $0x7F, s22;
	v51 =	vor.u32 s14, v15;
	(v2sf) =	vpush v31, $0xC  }
0x133: {  	v52 =	vor.u32 s24, v14;
	v33 =	vadd.f32 v49, v33  }
0x134: {  	v53 =	vor.u32 s24, v15  }
0x135: {  	[tilespmem:$0x10700] =	vst v33  }
0x136: {  	v33 =	vld.idx.msk [tilespmem:v50+s12+$0x0], $0xffff  }
0x137: {  	(v2sf) =	vpush v32, $0xD;
	v54 =	vld.idx.msk [tilespmem:v51+s12+$0x0], $0xffff  }
0x138: {  	v34 =	vld.idx.msk [tilespmem:v52+s13+$0x0], $0xffff  }
0x139: {  	(v2sf) =	vpush v31, $0xD;
	v55 =	vld.idx.msk [tilespmem:v53+s13+$0x0], $0xffff;
	_ =	sdelay $0x4  }
0x13a: {  	v33 =	vmul.f32 v34, v33;
	v56 =	vmul.f32 v55, v54;
	_ =	sdelay $0x1  }
0x13b: {  	s28 =	spop (v2sf);
	v33 =	vadd.f32 v56, v33  }
0x13c: {  	(v2sf) =	vpush v32, $0xE;
	s3 =	sand.u32 $0xFFFFF80, s28;
	s22 =	spop (v2sf)  }
0x13d: {  	s4 =	simm.s32 $0x4400;
	(v2sf) =	vpush v31, $0xE;
	s0 =	sadd.s32 s1, s3;
	s8 =	sand.u32 $0xFFFFF80, s22;
	[tilespmem:$0x10780] =	vst v33  }
0x13e: {  	[tilespmem:s4], [sflag:$0x1] =	stream.strided.gather [hbm4b:s0+s12], $0x800, s11, s12, $0x38;
	[tilespmem:$0x10E00] =	vst v63  }
0x13f: {  	s9 =	simm.s32 $0xC400;
	s10 =	simm.s32 $0x4C00;
	s3 =	sadd.s32 s2, s8  }
0x140: {  	[tilespmem:s9], [sflag:$0x1] =	stream.strided.gather [hbm4b:s3+s12], $0x800, s11, s12, $0x38;
	[tilespmem:$0x10E00] =	vst v63  }
0x141: {  	s24 =	simm.s32 $0xCC00;
	s29 =	spop (v2sf);
	s0 =	sadd.s32 $0x1E8500, s0  }
0x142: {  	[tilespmem:s10], [sflag:$0x1] =	stream.strided.gather [hbm4b:s0+s12], $0x800, s11, s12, $0x38;
	[tilespmem:$0x10E00] =	vst v63  }
0x143: {  	s8 =	spop (v2sf);
	s14 =	sadd.s32 $0x1E8500, s3;
	s4 =	sand.u32 $0xFFFFF80, s29  }
0x144: {  	[tilespmem:s24], [sflag:$0x1] =	stream.strided.gather [hbm4b:s14+s12], $0x800, s11, s12, $0x38;
	[tilespmem:$0x10E00] =	vst v63  }
0x145: {  	(v2sf) =	vpush v32, $0xF;
	s9 =	simm.s32 $0x5400;
	s0 =	sadd.s32 s1, s4;
	s10 =	sand.u32 $0xFFFFF80, s8  }
0x146: {  	[tilespmem:s9], [sflag:$0x1] =	stream.strided.gather [hbm4b:s0+s12], $0x800, s11, s12, $0x38;
	[tilespmem:$0x10E00] =	vst v63  }
0x147: {  	s3 =	sadd.s32 s2, s10;
	s14 =	simm.s32 $0xD400  }
0x148: {  	(v2sf) =	vpush v31, $0xF;
	[tilespmem:s14], [sflag:$0x1] =	stream.strided.gather [hbm4b:s3+s12], $0x800, s11, s12, $0x38;
	[tilespmem:$0x10E00] =	vst v63  }
0x149: {  	s24 =	simm.s32 $0x5C00;
	s0 =	sadd.s32 $0x1E8500, s0  }
0x14a: {  	[tilespmem:s24], [sflag:$0x1] =	stream.strided.gather [hbm4b:s0+s12], $0x800, s11, s12, $0x38;
	[tilespmem:$0x10E00] =	vst v63  }
0x14b: {  	s4 =	simm.s32 $0xDC00;
	s24 =	spop (v2sf)  }
0x14c: {  	s3 =	sadd.s32 $0x1E8500, s3;
	s9 =	sand.u32 $0xFFFFF80, s24;
	s10 =	spop (v2sf)  }
0x14d: {  	[tilespmem:s4], [sflag:$0x1] =	stream.strided.gather [hbm4b:s3+s12], $0x800, s11, s12, $0x38;
	[tilespmem:$0x10E00] =	vst v63  }
0x14e: {  	s14 =	simm.s32 $0x6400;
	s0 =	sadd.s32 s1, s9;
	s4 =	sand.u32 $0xFFFFF80, s10  }
0x14f: {  	[tilespmem:s14], [sflag:$0x1] =	stream.strided.gather [hbm4b:s0+s12], $0x800, s11, s12, $0x38;
	[tilespmem:$0x10E00] =	vst v63  }
0x150: {  	s9 =	simm.s32 $0xE400;
	s4 =	sadd.s32 s2, s4  }
0x151: {  	[tilespmem:s9], [sflag:$0x1] =	stream.strided.gather [hbm4b:s4+s12], $0x800, s11, s12, $0x38;
	[tilespmem:$0x10E00] =	vst v63  }
0x152: {  	s0 =	sadd.s32 $0x1E8500, s0;
	s14 =	simm.s32 $0x6C00  }
0x153: {  	[tilespmem:s14], [sflag:$0x1] =	stream.strided.gather [hbm4b:s0+s12], $0x800, s11, s12, $0x38;
	[tilespmem:$0x10E00] =	vst v63  }
0x154: {  	s3 =	spop (v2sf);
	s9 =	sadd.s32 $0x1E8500, s4;
	s14 =	simm.s32 $0xEC00  }
0x155: {  	[tilespmem:s14], [sflag:$0x1] =	stream.strided.gather [hbm4b:s9+s12], $0x800, s11, s12, $0x38;
	[tilespmem:$0x10E00] =	vst v63  }
0x156: {  	s9 =	sand.u32 $0xFFFFF80, s3  }
0x157: {  	s0 =	spop (v2sf);
	s14 =	simm.s32 $0x7400;
	s4 =	sadd.s32 s1, s9  }
0x158: {  	[tilespmem:s14], [sflag:$0x1] =	stream.strided.gather [hbm4b:s4+s12], $0x800, s11, s12, $0x38;
	[tilespmem:$0x10E00] =	vst v63  }
0x159: {  	s14 =	sand.u32 $0xFFFFF80, s0  }
0x15a: {  	s9 =	sadd.s32 s2, s14;
	s14 =	simm.s32 $0xF400  }
0x15b: {  	[tilespmem:s14], [sflag:$0x1] =	stream.strided.gather [hbm4b:s9+s12], $0x800, s11, s12, $0x38;
	[tilespmem:$0x10E00] =	vst v63  }
0x15c: {  	s4 =	sadd.s32 $0x1E8500, s4;
	s14 =	simm.s32 $0x7C00  }
0x15d: {  	[tilespmem:s14], [sflag:$0x1] =	stream.strided.gather [hbm4b:s4+s12], $0x800, s11, s12, $0x38;
	[tilespmem:$0x10E00] =	vst v63  }
0x15e: {  	s9 =	sadd.s32 $0x1E8500, s9;
	s14 =	simm.s32 $0xFC00  }
0x15f: {  	[tilespmem:s14], [sflag:$0x1] =	stream.strided.gather [hbm4b:s9+s12], $0x800, s11, s12, $0x38;
	[tilespmem:$0x10E00] =	vst v63  }
0x160: {  	_ =	swait.ge [sflag:s18], $0x800  }
0x161: {  	[sflag:s18] =	ssyncset.done $0x0  }
0x162: {  	[sflag:s18] =	ssyncadd.s32 $0xFFFFF800  }
0x163: {  	_ =	swait.ge [sflag:s18], $0x800  }
0x164: {  	[sflag:s18] =	ssyncset.done $0x0  }
0x165: {  	[sflag:s18] =	ssyncadd.s32 $0xFFFFF800  }
0x166: {  	_ =	swait.ge [sflag:s18], $0x800  }
0x167: {  	[sflag:s18] =	ssyncset.done $0x0  }
0x168: {  	[sflag:s18] =	ssyncadd.s32 $0xFFFFF800  }
0x169: {  	_ =	swait.ge [sflag:s18], $0x800  }
0x16a: {  	[sflag:s18] =	ssyncset.done $0x0  }
0x16b: {  	[sflag:s18] =	ssyncadd.s32 $0xFFFFF800  }
0x16c: {  	_ =	swait.ge [sflag:s18], $0x800  }
0x16d: {  	[sflag:s18] =	ssyncset.done $0x0  }
0x16e: {  	[sflag:s18] =	ssyncadd.s32 $0xFFFFF800  }
0x16f: {  	_ =	swait.ge [sflag:s18], $0x800  }
0x170: {  	[sflag:s18] =	ssyncset.done $0x0  }
0x171: {  	[sflag:s18] =	ssyncadd.s32 $0xFFFFF800  }
0x172: {  	_ =	swait.ge [sflag:s18], $0x800  }
0x173: {  	[sflag:s18] =	ssyncset.done $0x0  }
0x174: {  	[sflag:s18] =	ssyncadd.s32 $0xFFFFF800  }
0x175: {  	_ =	swait.ge [sflag:s18], $0x800  }
0x176: {  	[sflag:s18] =	ssyncset.done $0x0  }
0x177: {  	[sflag:s18] =	ssyncadd.s32 $0xFFFFF800  }
0x178: {  	_ =	swait.ge [sflag:s18], $0x800  }
0x179: {  	[sflag:s18] =	ssyncset.done $0x0  }
0x17a: {  	[sflag:s18] =	ssyncadd.s32 $0xFFFFF800  }
0x17b: {  	_ =	swait.ge [sflag:s18], $0x800  }
0x17c: {  	[sflag:s18] =	ssyncset.done $0x0  }
0x17d: {  	[sflag:s18] =	ssyncadd.s32 $0xFFFFF800  }
0x17e: {  	_ =	swait.ge [sflag:s18], $0x800  }
0x17f: {  	[sflag:s18] =	ssyncset.done $0x0  }
0x180: {  	[sflag:s18] =	ssyncadd.s32 $0xFFFFF800  }
0x181: {  	_ =	swait.ge [sflag:s18], $0x800  }
0x182: {  	[sflag:s18] =	ssyncset.done $0x0  }
0x183: {  	[sflag:s18] =	ssyncadd.s32 $0xFFFFF800  }
0x184: {  	_ =	swait.ge [sflag:s18], $0x800  }
0x185: {  	[sflag:s18] =	ssyncset.done $0x0  }
0x186: {  	[sflag:s18] =	ssyncadd.s32 $0xFFFFF800  }
0x187: {  	_ =	swait.ge [sflag:s18], $0x800  }
0x188: {  	[sflag:s18] =	ssyncset.done $0x0  }
0x189: {  	[sflag:s18] =	ssyncadd.s32 $0xFFFFF800  }
0x18a: {  	s14 =	sand.u32 $0x7F, s5;
	_ =	swait.ge [sflag:s18], $0x800  }
0x18b: {  	v31 =	vor.u32 s14, v0;
	[sflag:s18] =	ssyncset.done $0x0  }
0x18c: {  	s30 =	sand.u32 $0x7F, s30;
	v57 =	vor.u32 s14, v1;
	[sflag:s18] =	ssyncadd.s32 $0xFFFFF800  }
0x18d: {  	v58 =	vor.u32 s30, v0;
	_ =	swait.ge [sflag:s18], $0x800  }
0x18e: {  	v59 =	vor.u32 s30, v1;
	[sflag:s18] =	ssyncset.done $0x0  }
0x18f: {  	[sflag:s18] =	ssyncadd.s32 $0xFFFFF800  }
0x190: {  	v31 =	vld.idx.msk [tilespmem:v31+s12+$0x0], $0xffff  }
0x191: {  	v32 =	vld.idx.msk [tilespmem:v57+s12+$0x0], $0xffff  }
0x192: {  	v33 =	vld.idx.msk [tilespmem:v58+s13+$0x0], $0xffff  }
0x193: {  	v34 =	vld.idx.msk [tilespmem:v59+s13+$0x0], $0xffff;
	_ =	sdelay $0x3  }
0x194: {  	s9 =	sand.u32 $0x7F, s6  }
0x195: {  	v60 =	vor.u32 s9, v2;
	v31 =	vmul.f32 v33, v31;
	v32 =	vmul.f32 v34, v32  }
0x196: {  	v61 =	vor.u32 s9, v3;
	s14 =	sand.u32 $0x7F, s25  }
0x197: {  	v62 =	vor.u32 s14, v2;
	v31 =	vadd.f32 v32, v31  }
0x198: {  	v63 =	vor.u32 s14, v3  }
0x199: {  	[tilespmem:$0x10800] =	vst v31  }
0x19a: {  	v31 =	vld.idx.msk [tilespmem:v60+s12+$0x0], $0xffff  }
0x19b: {  	v36 =	vld.idx.msk [tilespmem:v61+s12+$0x0], $0xffff  }
0x19c: {  	v32 =	vld.idx.msk [tilespmem:v62+s13+$0x0], $0xffff  }
0x19d: {  	v37 =	vld.idx.msk [tilespmem:v63+s13+$0x0], $0xffff;
	_ =	sdelay $0x3  }
0x19e: {  	s25 =	sand.u32 $0x7F, s7  }
0x19f: {  	v39 =	vor.u32 s25, v4;
	v31 =	vmul.f32 v32, v31;
	v38 =	vmul.f32 v37, v36  }
0x1a0: {  	s30 =	sand.u32 $0x7F, s26;
	v40 =	vor.u32 s25, v5  }
0x1a1: {  	v41 =	vor.u32 s30, v4;
	v31 =	vadd.f32 v38, v31  }
0x1a2: {  	v42 =	vor.u32 s30, v5  }
0x1a3: {  	[tilespmem:$0x10880] =	vst v31  }
0x1a4: {  	v31 =	vld.idx.msk [tilespmem:v39+s12+$0x0], $0xffff  }
0x1a5: {  	v43 =	vld.idx.msk [tilespmem:v40+s12+$0x0], $0xffff  }
0x1a6: {  	v32 =	vld.idx.msk [tilespmem:v41+s13+$0x0], $0xffff  }
0x1a7: {  	v44 =	vld.idx.msk [tilespmem:v42+s13+$0x0], $0xffff;
	_ =	sdelay $0x3  }
0x1a8: {  	s31 =	sand.u32 $0x7F, s31  }
0x1a9: {  	v46 =	vor.u32 s31, v6;
	v31 =	vmul.f32 v32, v31;
	v45 =	vmul.f32 v44, v43  }
0x1aa: {  	v47 =	vor.u32 s31, v7;
	s6 =	sand.u32 $0x7F, s23  }
0x1ab: {  	v48 =	vor.u32 s6, v6;
	v31 =	vadd.f32 v45, v31  }
0x1ac: {  	v49 =	vor.u32 s6, v7  }
0x1ad: {  	[tilespmem:$0x10900] =	vst v31  }
0x1ae: {  	v31 =	vld.idx.msk [tilespmem:v46+s12+$0x0], $0xffff  }
0x1af: {  	v50 =	vld.idx.msk [tilespmem:v47+s12+$0x0], $0xffff  }
0x1b0: {  	v32 =	vld.idx.msk [tilespmem:v48+s13+$0x0], $0xffff  }
0x1b1: {  	v51 =	vld.idx.msk [tilespmem:v49+s13+$0x0], $0xffff;
	_ =	sdelay $0x4  }
0x1b2: {  	v31 =	vmul.f32 v32, v31;
	v52 =	vmul.f32 v51, v50;
	_ =	sdelay $0x1  }
0x1b3: {  	v31 =	vadd.f32 v52, v31;
	_ =	sdelay $0x1  }
0x1b4: {  	[tilespmem:$0x10980] =	vst v31  }
0x1b5: {  	_ =	swait.ge [sflag:s18], $0x800  }
0x1b6: {  	[sflag:s18] =	ssyncset.done $0x0  }
0x1b7: {  	[sflag:s18] =	ssyncadd.s32 $0xFFFFF800  }
0x1b8: {  	_ =	swait.ge [sflag:s18], $0x800  }
0x1b9: {  	[sflag:s18] =	ssyncset.done $0x0  }
0x1ba: {  	[sflag:s18] =	ssyncadd.s32 $0xFFFFF800  }
0x1bb: {  	_ =	swait.ge [sflag:s18], $0x800  }
0x1bc: {  	[sflag:s18] =	ssyncset.done $0x0  }
0x1bd: {  	[sflag:s18] =	ssyncadd.s32 $0xFFFFF800  }
0x1be: {  	_ =	swait.ge [sflag:s18], $0x800  }
0x1bf: {  	[sflag:s18] =	ssyncset.done $0x0  }
0x1c0: {  	[sflag:s18] =	ssyncadd.s32 $0xFFFFF800  }
0x1c1: {  	_ =	swait.ge [sflag:s18], $0x800  }
0x1c2: {  	[sflag:s18] =	ssyncset.done $0x0  }
0x1c3: {  	[sflag:s18] =	ssyncadd.s32 $0xFFFFF800  }
0x1c4: {  	_ =	swait.ge [sflag:s18], $0x800  }
0x1c5: {  	[sflag:s18] =	ssyncset.done $0x0  }
0x1c6: {  	[sflag:s18] =	ssyncadd.s32 $0xFFFFF800  }
0x1c7: {  	_ =	swait.ge [sflag:s18], $0x800  }
0x1c8: {  	[sflag:s18] =	ssyncset.done $0x0  }
0x1c9: {  	[sflag:s18] =	ssyncadd.s32 $0xFFFFF800  }
0x1ca: {  	_ =	swait.ge [sflag:s18], $0x800  }
0x1cb: {  	[sflag:s18] =	ssyncset.done $0x0  }
0x1cc: {  	[sflag:s18] =	ssyncadd.s32 $0xFFFFF800  }
0x1cd: {  	_ =	swait.ge [sflag:s18], $0x800  }
0x1ce: {  	[sflag:s18] =	ssyncset.done $0x0  }
0x1cf: {  	[sflag:s18] =	ssyncadd.s32 $0xFFFFF800  }
0x1d0: {  	_ =	swait.ge [sflag:s18], $0x800  }
0x1d1: {  	[sflag:s18] =	ssyncset.done $0x0  }
0x1d2: {  	[sflag:s18] =	ssyncadd.s32 $0xFFFFF800  }
0x1d3: {  	_ =	swait.ge [sflag:s18], $0x800  }
0x1d4: {  	[sflag:s18] =	ssyncset.done $0x0  }
0x1d5: {  	[sflag:s18] =	ssyncadd.s32 $0xFFFFF800  }
0x1d6: {  	_ =	swait.ge [sflag:s18], $0x800  }
0x1d7: {  	[sflag:s18] =	ssyncset.done $0x0  }
0x1d8: {  	[sflag:s18] =	ssyncadd.s32 $0xFFFFF800  }
0x1d9: {  	_ =	swait.ge [sflag:s18], $0x800  }
0x1da: {  	[sflag:s18] =	ssyncset.done $0x0  }
0x1db: {  	[sflag:s18] =	ssyncadd.s32 $0xFFFFF800  }
0x1dc: {  	_ =	swait.ge [sflag:s18], $0x800  }
0x1dd: {  	[sflag:s18] =	ssyncset.done $0x0  }
0x1de: {  	[sflag:s18] =	ssyncadd.s32 $0xFFFFF800  }
0x1df: {  	s9 =	sand.u32 $0x7F, s28;
	_ =	swait.ge [sflag:s18], $0x800  }
0x1e0: {  	v31 =	vor.u32 s9, v8;
	[sflag:s18] =	ssyncset.done $0x0  }
0x1e1: {  	v53 =	vor.u32 s9, v9;
	s14 =	sand.u32 $0x7F, s22;
	[sflag:s18] =	ssyncadd.s32 $0xFFFFF800  }
0x1e2: {  	v54 =	vor.u32 s14, v8;
	_ =	swait.ge [sflag:s18], $0x800  }
0x1e3: {  	v55 =	vor.u32 s14, v9;
	[sflag:s18] =	ssyncset.done $0x0  }
0x1e4: {  	[sflag:s18] =	ssyncadd.s32 $0xFFFFF800  }
0x1e5: {  	v31 =	vld.idx.msk [tilespmem:v31+s12+$0x0], $0xffff  }
0x1e6: {  	v32 =	vld.idx.msk [tilespmem:v53+s12+$0x0], $0xffff  }
0x1e7: {  	v33 =	vld.idx.msk [tilespmem:v54+s13+$0x0], $0xffff  }
0x1e8: {  	v34 =	vld.idx.msk [tilespmem:v55+s13+$0x0], $0xffff;
	_ =	sdelay $0x3  }
0x1e9: {  	s23 =	sand.u32 $0x7F, s29  }
0x1ea: {  	v56 =	vor.u32 s23, v10;
	v31 =	vmul.f32 v33, v31;
	v32 =	vmul.f32 v34, v32  }
0x1eb: {  	s25 =	sand.u32 $0x7F, s8;
	v57 =	vor.u32 s23, v11  }
0x1ec: {  	v58 =	vor.u32 s25, v10;
	v31 =	vadd.f32 v32, v31  }
0x1ed: {  	v59 =	vor.u32 s25, v11  }
0x1ee: {  	[tilespmem:$0x10A00] =	vst v31  }
0x1ef: {  	v31 =	vld.idx.msk [tilespmem:v56+s12+$0x0], $0xffff  }
0x1f0: {  	v60 =	vld.idx.msk [tilespmem:v57+s12+$0x0], $0xffff  }
0x1f1: {  	v32 =	vld.idx.msk [tilespmem:v58+s13+$0x0], $0xffff  }
0x1f2: {  	v61 =	vld.idx.msk [tilespmem:v59+s13+$0x0], $0xffff;
	_ =	sdelay $0x3  }
0x1f3: {  	s26 =	sand.u32 $0x7F, s24  }
0x1f4: {  	v63 =	vor.u32 s26, v12;
	v31 =	vmul.f32 v32, v31;
	v62 =	vmul.f32 v61, v60  }
0x1f5: {  	s30 =	sand.u32 $0x7F, s10;
	v36 =	vor.u32 s26, v13  }
0x1f6: {  	v37 =	vor.u32 s30, v12;
	v31 =	vadd.f32 v62, v31  }
0x1f7: {  	v38 =	vor.u32 s30, v13  }
0x1f8: {  	[tilespmem:$0x10A80] =	vst v31  }
0x1f9: {  	v31 =	vld.idx.msk [tilespmem:v63+s12+$0x0], $0xffff  }
0x1fa: {  	v39 =	vld.idx.msk [tilespmem:v36+s12+$0x0], $0xffff  }
0x1fb: {  	v32 =	vld.idx.msk [tilespmem:v37+s13+$0x0], $0xffff  }
0x1fc: {  	v40 =	vld.idx.msk [tilespmem:v38+s13+$0x0], $0xffff;
	_ =	sdelay $0x3  }
0x1fd: {  	s3 =	sand.u32 $0x7F, s3  }
0x1fe: {  	v42 =	vor.u32 s3, v14;
	v31 =	vmul.f32 v32, v31;
	v41 =	vmul.f32 v40, v39  }
0x1ff: {  	s0 =	sand.u32 $0x7F, s0;
	v43 =	vor.u32 s3, v15  }
0x200: {  	v44 =	vor.u32 s0, v14;
	v31 =	vadd.f32 v41, v31  }
0x201: {  	v45 =	vor.u32 s0, v15  }
0x202: {  	[tilespmem:$0x10B00] =	vst v31  }
0x203: {  	v31 =	vld.idx.msk [tilespmem:v42+s12+$0x0], $0xffff  }
0x204: {  	v46 =	vld.idx.msk [tilespmem:v43+s12+$0x0], $0xffff  }
0x205: {  	v32 =	vld.idx.msk [tilespmem:v44+s13+$0x0], $0xffff  }
0x206: {  	v47 =	vld.idx.msk [tilespmem:v45+s13+$0x0], $0xffff;
	_ =	sdelay $0x4  }
0x207: {  	v31 =	vmul.f32 v32, v31;
	v48 =	vmul.f32 v47, v46;
	_ =	sdelay $0x1  }
0x208: {  	v31 =	vadd.f32 v48, v31;
	_ =	sdelay $0x1  }
0x209: {  	[tilespmem:$0x10B80] =	vst v31  }
0x20a: {  	v31 =	vld.idx.msk [tilespmem:v0+s19+$0x0], $0xffff;
	_ =	sdelay $0x1  }
0x20b: {  	v49 =	vld.idx.msk [tilespmem:v16+s19+$0x0], $0xffff;
	_ =	sdelay $0x1  }
0x20c: {  	v50 =	vld.idx.msk [tilespmem:v17+s19+$0x0], $0xffff  }
0x20d: {  	v31 =	vadd.f32 $0.0e+00, v31  }
0x20e: {  	v51 =	vld.idx.msk [tilespmem:v18+s19+$0x0], $0xffff  }
0x20f: {  	v31 =	vadd.f32 v49, v31  }
0x210: {  	v52 =	vld.idx.msk [tilespmem:v19+s19+$0x0], $0xffff  }
0x211: {  	v31 =	vadd.f32 v50, v31  }
0x212: {  	v53 =	vld.idx.msk [tilespmem:v20+s19+$0x0], $0xffff  }
0x213: {  	v31 =	vadd.f32 v51, v31  }
0x214: {  	v54 =	vld.idx.msk [tilespmem:v21+s19+$0x0], $0xffff  }
0x215: {  	v31 =	vadd.f32 v52, v31  }
0x216: {  	v55 =	vld.idx.msk [tilespmem:v22+s19+$0x0], $0xffff  }
0x217: {  	v31 =	vadd.f32 v53, v31  }
0x218: {  	v56 =	vld.idx.msk [tilespmem:v23+s19+$0x0], $0xffff  }
0x219: {  	v31 =	vadd.f32 v54, v31  }
0x21a: {  	v57 =	vld.idx.msk [tilespmem:v24+s19+$0x0], $0xffff  }
0x21b: {  	v31 =	vadd.f32 v55, v31  }
0x21c: {  	v58 =	vld.idx.msk [tilespmem:v25+s19+$0x0], $0xffff  }
0x21d: {  	v31 =	vadd.f32 v56, v31  }
0x21e: {  	v59 =	vld.idx.msk [tilespmem:v26+s19+$0x0], $0xffff  }
0x21f: {  	v31 =	vadd.f32 v57, v31  }
0x220: {  	v60 =	vld.idx.msk [tilespmem:v27+s19+$0x0], $0xffff  }
0x221: {  	v31 =	vadd.f32 v58, v31  }
0x222: {  	v61 =	vld.idx.msk [tilespmem:v28+s19+$0x0], $0xffff  }
0x223: {  	v31 =	vadd.f32 v59, v31  }
0x224: {  	v62 =	vld.idx.msk [tilespmem:v29+s19+$0x0], $0xffff  }
0x225: {  	v31 =	vadd.f32 v60, v31  }
0x226: {  	v63 =	vld.idx.msk [tilespmem:v30+s19+$0x0], $0xffff  }
0x227: {  	v31 =	vadd.f32 v61, v31  }
0x228: {  	p0 =	sne.s32 s20, $0x7C0  }
.Ltmp0:
0x229: {  	v31 =	vadd.f32 v62, v31;
	(pc) =	sbr.rel @p0 .LBB2_2-.Ltmp0, $4  }
0x22a: {  	s20 =	sadd.s32 $0x40, s20  }
0x22b: {  	s24 =	simm.s32 $0xAC00;
	s10 =	simm.s32 $0x2400;
	s5 =	simm.s32 $0xC00;
	v31 =	vadd.f32 v63, v31  }
0x22c: {  	s29 =	simm.s32 $0xB400;
	s7 =	simm.s32 $0x1400;
	s31 =	rddreg [dreg:$0xb]  }
0x22d: {  	s28 =	simm.s32 $0x3400;
	s22 =	simm.s32 $0x2C00;
	s8 =	simm.s32 $0x1C00;
	[tilespmem:s31+$0x10C00] =	vst v31  }
0x22e: {  	s9 =	simm.s32 $0x0;
	s0 =	rddreg [dreg:$0x8];
	s3 =	simm.s32 $0x10C00  }
0x22f: {  	[hbm4b:s0+s9] =	stream.linear.scatter [tilespmem:s3], [sflag:$0x2], $0x200, $0x38;
	[tilespmem:$0x10E00] =	vst v63  }
0x230: {  	s3 =	simm.s32 $0x2  }
0x231: {  	_ =	swait.ge [sflag:s3], $0x200  }
0x232: {  	s4 =	rddreg [dreg:$0xa]  }
0x233: {  	s31 =	rddreg [dreg:$0x9];
	s4 =	sadd.s32 $0x1, s4  }
0x234: {  	p0 =	sne.s32 s4, s31  }
.Ltmp1:
0x235: {  	_ = 	snop;
	(pc) =	sbr.rel @p0 .LBB2_1-.Ltmp1, $3  }
0x236: {  	_ =	sdelay $0x1  }
0x237: {  	[sflag:s3] =	ssyncset.done $0x0  }
0x238: {  	[sflag:s3] =	ssyncadd.s32 $0xFFFFFE00  }
0x239: {  	_ =	sfence.sel $0x180000  }
0x23a: {  	[bflag:$0x0] =	sbarrier.arrive $0xFFFF  }
0x23b: {  	_ =	strace $0x90000047  }
0x23c: {  	s0 =	stileid.u32;
	[bflag:$0x2] =	sbarrier.arrive $0xFFFF  }
0x23d: {  	p0 =	sne.s32 s0, $0x0;
	s0 =	rddreg [dreg:$0x5]  }
0x23e: {  	s0 =	sadd.s32 @!p0 $0x100000, s0  }
0x23f: {  	[sflag:s0] =	ssyncadd.tile.s32 @!p0 $0x1;
	_ =	shalt  }
.Lfunc_end2:
_tile_overlayer_lowered:
.L_overlay_start_2:
0x240: {  	(tag) =	ssettag $0x2  }
0x241: {  	s0 =	rddreg [dreg:$0x0];
	s2 =	stileid.u32  }
0x242: {  	s1 =	rddreg [dreg:$0x1];
	p0 =	sne.s32 s2, $0x0  }
0x243: {  	s3 =	rddreg [dreg:$0x2];
	[bflag:$0x3] =	sbarrier.arrive $0xFFFF;
	s2 =	simm.s32 @!p0 $0x1C02  }
0x244: {  	[timem:s3], [sflag:s2] =	dma.local @!p0 [hbm:s0], s1  }
0x245: {  	s0 =	simm.s32 @!p0 $0x2  }
0x246: {  	_ =	swait.ge @!p0 [sflag:s0], s1  }
0x247: {  	s1 =	ssub.s32 @!p0 $0x0, s1;
	[sflag:s0] =	ssyncset.done @!p0 $0x0  }
0x248: {  	[sflag:s0] =	ssyncadd.s32 @!p0 s1  }
0x249: {  	[bflag:$0x3] =	sbarrier.arrive $0xFFFF  }
0x24a: {  	_ =	shalt  }

</sc_bundles>
